<compile_context>
chip_gen: v7x
topology: tpu7x:2x2x1
jax: 0.10.2.dev20260603
libtpu: 0.0.44.dev20260713+nightly
codegen_flags: <defaults>
</compile_context>

<pallas_src>
import functools

import jax
import jax.numpy as jnp
from jax import lax
from jax.experimental import pallas as pl
from jax.experimental.pallas import tpu as pltpu
from jax.experimental.pallas import tpu_sc as plsc

VOCAB = 1000000
EMB = 64
B = 4096
T = 200
BTOT = B * T

_info = plsc.get_sparse_core_info()
NC, NS = _info.num_cores, _info.num_subcores
NW = NC * NS

BBLK = B // NW


def _k2():
    mesh = plsc.VectorSubcoreMesh(core_axis_name="c", subcore_axis_name="s")

    @functools.partial(
        pl.kernel,
        out_type=jax.ShapeDtypeStruct((T * 8 * 32 * 8, 128), jnp.float32),
        mesh=mesh,
        scratch_types=(
            [pltpu.VMEM((T, BBLK), jnp.int32)]
            + [pltpu.VMEM((BBLK, EMB), jnp.float32) for _ in range(4)]
            + [pltpu.VMEM((EMB, 129), jnp.float32) for _ in range(4)]
            + [pltpu.SemaphoreType.DMA for _ in range(8)]
        ),
        compiler_params=pltpu.CompilerParams(
            use_tc_tiling_on_sc=False, needs_layout_passes=False
        ),
    )
    def body(xflat, tab, outf, idxall, *refs):
        gbufs = refs[0:4]
        stags = refs[4:8]
        gsems = refs[8:12]
        osems = refs[12:16]
        c = lax.axis_index("c")
        s = lax.axis_index("s")
        wid = s * NC + c
        iota = lax.iota(jnp.int32, 16)

        pltpu.sync_copy(xflat.at[:, pl.ds(wid * BBLK, BBLK)], idxall)

        consts = [e0 + iota for e0 in range(0, EMB, 16)]

        def guard(t):
            return (t >= 0) & (t < T)

        def tsafe(t):
            return jnp.clip(t, 0, T - 1)

        def issue_gather(t, buf):
            @pl.when(guard(t))
            def _():
                pltpu.async_copy(
                    tab.at[idxall.at[tsafe(t)]], gbufs[buf], gsems[buf]
                )

        def drain_gather(t, buf):
            @pl.when(guard(t))
            def _():
                pltpu.make_async_copy(
                    tab.at[idxall.at[tsafe(t)]], gbufs[buf], gsems[buf]
                ).wait()

        def orow(t, et):
            return (tsafe(t) * 8 + et) * 256 + wid * 8

        def issue_out(t, buf):
            @pl.when(guard(t))
            def _():
                for et in range(8):
                    pltpu.async_copy(
                        stags[buf].at[pl.ds(et * 8, 8), pl.ds(0, 128)],
                        outf.at[pl.ds(orow(t, et), 8), :],
                        osems[buf],
                    )

        def drain_out(t, buf):
            @pl.when(guard(t))
            def _():
                for et in range(8):
                    pltpu.make_async_copy(
                        stags[buf].at[pl.ds(et * 8, 8), pl.ds(0, 128)],
                        outf.at[pl.ds(orow(t, et), 8), :],
                        osems[buf],
                    ).wait()

        def transpose(buf):
            gbuf = gbufs[buf]
            stag = stags[buf]

            @plsc.parallel_loop(0, BBLK, step=1, unroll=8)
            def _(b1):
                vcol = iota * 0 + b1
                for j, e0 in enumerate(range(0, EMB, 16)):
                    vals = gbuf[b1, pl.ds(e0, 16)]
                    plsc.store_scatter(stag, [consts[j], vcol], vals)

        DEPTH = 4
        for d in range(DEPTH - 1):
            issue_gather(d, d)

        def step(k4, _):
            for b in range(DEPTH):
                t = DEPTH * k4 + b
                drain_gather(t, b)
                issue_gather(t + DEPTH - 1, (b + DEPTH - 1) % DEPTH)
                drain_out(t - DEPTH, b)

                @pl.when(guard(t))
                def _():
                    transpose(b)
                issue_out(t, b)
            return 0

        lax.fori_loop(0, T // DEPTH, step, 0, unroll=False)
        for d in range(DEPTH):
            drain_out(T - DEPTH + d, d)

    return body


_gather_blocks = _k2()


@jax.jit
def kernel(x, table):
    xflat = jnp.transpose(x)
    outf = _gather_blocks(xflat, table)
    out5 = outf.reshape(T, 8, B // 128, 8, 128)
    return jnp.transpose(out5, (2, 4, 0, 1, 3)).reshape(B, T, EMB)

# --- scband reference (transcript-rebuilt; emitter-appended) ---
"""Pipeline reference for scband-backpack-lm-17454747091471 (READ-ONLY COPY).

The authoritative reference and input builder live on the scoring server;
editing this copy changes nothing except your own understanding.
"""

import jax, jax.numpy as jnp
import numpy as np

VOCAB = 1000000
EMB = 64
B = 4096
T = 200

def setup_inputs(seed: int = 0) -> dict:
    key = jax.random.key(seed)
    k1, k2 = jax.random.split(key)
    x = jax.random.randint(k1, (B, T), 0, VOCAB, dtype=jnp.int64) if jax.config.jax_enable_x64 else jax.random.randint(k1, (B, T), 0, VOCAB, dtype=jnp.int32)
    table = jax.random.normal(k2, (VOCAB, EMB), dtype=jnp.float32) * 0.02
    return {"x": x, "table": table}

def reference(x, table):
    # BackpackLM.forward: embedding lookup over token indices [B, T] -> [B, T, EMB]
    out = jnp.take(table, x, axis=0)
    return out

if __name__ == "__main__":
    import jax
    _d = setup_inputs()
    print(jax.jit(kernel)(*tuple(_d.values())))

</pallas_src>

<mosaic_0001>
#map = affine_map<(d0, d1) -> (0, 0)>
module attributes {stable_mosaic.version = 14 : i64} {
  func.func @body(%arg0: i32, %arg1: i32, %arg2: memref<200x4096xi32, #tpu.memory_space<hbm>>, %arg3: memref<1000000x64xf32, #tpu.memory_space<hbm>>, %arg4: memref<409600x128xf32, #tpu.memory_space<hbm>>, %arg5: memref<200x128xi32, #tpu.memory_space<vmem>>, %arg6: memref<128x64xf32, #tpu.memory_space<vmem>>, %arg7: memref<128x64xf32, #tpu.memory_space<vmem>>, %arg8: memref<128x64xf32, #tpu.memory_space<vmem>>, %arg9: memref<128x64xf32, #tpu.memory_space<vmem>>, %arg10: memref<64x129xf32, #tpu.memory_space<vmem>>, %arg11: memref<64x129xf32, #tpu.memory_space<vmem>>, %arg12: memref<64x129xf32, #tpu.memory_space<vmem>>, %arg13: memref<64x129xf32, #tpu.memory_space<vmem>>, %arg14: memref<!tpu.dma_semaphore, #tpu.memory_space<semaphore_mem>>, %arg15: memref<!tpu.dma_semaphore, #tpu.memory_space<semaphore_mem>>, %arg16: memref<!tpu.dma_semaphore, #tpu.memory_space<semaphore_mem>>, %arg17: memref<!tpu.dma_semaphore, #tpu.memory_space<semaphore_mem>>, %arg18: memref<!tpu.dma_semaphore, #tpu.memory_space<semaphore_mem>>, %arg19: memref<!tpu.dma_semaphore, #tpu.memory_space<semaphore_mem>>, %arg20: memref<!tpu.dma_semaphore, #tpu.memory_space<semaphore_mem>>, %arg21: memref<!tpu.dma_semaphore, #tpu.memory_space<semaphore_mem>>) attributes {dimension_semantics = [#tpu.dimension_semantics<core_parallel>, #tpu.dimension_semantics<subcore_parallel>], iteration_bounds = array<i64: 2, 16>, scalar_prefetch = 0 : i64, scratch_operands = 17 : i64, tpu.core_type = #tpu.core_type<sc_vector_subcore>, window_params = [{transform_indices = #map}, {transform_indices = #map}, {transform_indices = #map}]} {
    %mul3A = arith.constant 2 : i32
    %mul3A_0 = arith.muli %arg1, %mul3A : i32
    %add3A = arith.addi %mul3A_0, %arg0 : i32
    %iota3A = tpu.iota {dimensions = array<i32: 0>} : vector<16xi32>
    %mul3A_1 = arith.constant 128 : i32
    %mul3A_2 = arith.muli %add3A, %mul3A_1 : i32
    "tpu.region"() ({
      %run_scoped3A = tpu.sem_alloc : memref<!tpu.dma_semaphore, #tpu.memory_space<semaphore_mem>>
      %dma_start3A_817 = arith.constant 0 : i32
      %dma_start3A_818 = tpu.memref_slice %arg2[%dma_start3A_817, %mul3A_2] : memref<200x4096xi32, #tpu.memory_space<hbm>> -> memref<200x128xi32, #tpu.memory_space<hbm>>
      %dma_start3A_819 = arith.constant 0 : i32
      %dma_start3A_820 = tpu.memref_slice %arg2[%dma_start3A_819, %mul3A_2] : memref<200x4096xi32, #tpu.memory_space<hbm>> -> memref<200x128xi32, #tpu.memory_space<hbm>>
      tpu.enqueue_dma source(%dma_start3A_820 : memref<200x128xi32, #tpu.memory_space<hbm>>) target(%arg5 : memref<200x128xi32, #tpu.memory_space<vmem>>) target_semaphore(%run_scoped3A : memref<!tpu.dma_semaphore, #tpu.memory_space<semaphore_mem>>)
      %dma_wait3A_821 = arith.constant 0 : i32
      %dma_wait3A_822 = tpu.memref_slice %arg2[%dma_wait3A_821, %mul3A_2] : memref<200x4096xi32, #tpu.memory_space<hbm>> -> memref<200x128xi32, #tpu.memory_space<hbm>>
      %dma_wait3A_823 = arith.constant 0 : i32
      %dma_wait3A_824 = tpu.memref_slice %arg2[%dma_wait3A_823, %mul3A_2] : memref<200x4096xi32, #tpu.memory_space<hbm>> -> memref<200x128xi32, #tpu.memory_space<hbm>>
      tpu.wait_dma2 semaphore(%run_scoped3A : memref<!tpu.dma_semaphore, #tpu.memory_space<semaphore_mem>>) src(%dma_wait3A_824 : memref<200x128xi32, #tpu.memory_space<hbm>>) dst(%arg5 : memref<200x128xi32, #tpu.memory_space<vmem>>)
      tpu.yield
    }) : () -> ()
    %add3A_3 = arith.constant 0 : i32
    %add3A_4 = vector.broadcast %add3A_3 : i32 to vector<16xi32>
    %add3A_5 = arith.addi %add3A_4, %iota3A : vector<16xi32>
    %add3A_6 = arith.constant 16 : i32
    %add3A_7 = vector.broadcast %add3A_6 : i32 to vector<16xi32>
    %add3A_8 = arith.addi %add3A_7, %iota3A : vector<16xi32>
    %add3A_9 = arith.constant 32 : i32
    %add3A_10 = vector.broadcast %add3A_9 : i32 to vector<16xi32>
    %add3A_11 = arith.addi %add3A_10, %iota3A : vector<16xi32>
    %add3A_12 = arith.constant 48 : i32
    %add3A_13 = vector.broadcast %add3A_12 : i32 to vector<16xi32>
    %add3A_14 = arith.addi %add3A_13, %iota3A : vector<16xi32>
    %jit3A = arith.constant 0 : i32
    %jit3A_15 = arith.constant 0 : i32
    %jit3A_16 = arith.constant 199 : i32
    %max3A = arith.maxsi %jit3A_15, %jit3A : i32
    %min3A = arith.minsi %jit3A_16, %max3A : i32
    %dma_start3A = arith.constant 0 : i32
    %dma_start3A_17 = tpu.memref_slice %arg5[%min3A, %dma_start3A] : memref<200x128xi32, #tpu.memory_space<vmem>> -> memref<1x128xi32, #tpu.memory_space<vmem>>
    %dma_start3A_18 = tpu.memref_squeeze %dma_start3A_17 : memref<1x128xi32, #tpu.memory_space<vmem>> -> memref<128xi32, #tpu.memory_space<vmem>>
    %dma_start3A_19 = arith.constant 0 : i32
    %dma_start3A_20 = arith.constant 0 : i32
    %dma_start3A_21 = tpu.memref_slice %arg3[%dma_start3A_19, %dma_start3A_20] : memref<1000000x64xf32, #tpu.memory_space<hbm>> -> memref<1000000x64xf32, #tpu.memory_space<hbm>>
    tpu.enqueue_indirect_dma source(%dma_start3A_21 : memref<1000000x64xf32, #tpu.memory_space<hbm>>) target(%arg6 : memref<128x64xf32, #tpu.memory_space<vmem>>) offsets(%dma_start3A_18 : memref<128xi32, #tpu.memory_space<vmem>>) semaphore(%arg14 : memref<!tpu.dma_semaphore, #tpu.memory_space<semaphore_mem>>)
    %jit3A_22 = arith.constant 1 : i32
    %jit3A_23 = arith.constant 0 : i32
    %jit3A_24 = arith.constant 199 : i32
    %max3A_25 = arith.maxsi %jit3A_23, %jit3A_22 : i32
    %min3A_26 = arith.minsi %jit3A_24, %max3A_25 : i32
    %dma_start3A_27 = arith.constant 0 : i32
    %dma_start3A_28 = tpu.memref_slice %arg5[%min3A_26, %dma_start3A_27] : memref<200x128xi32, #tpu.memory_space<vmem>> -> memref<1x128xi32, #tpu.memory_space<vmem>>
    %dma_start3A_29 = tpu.memref_squeeze %dma_start3A_28 : memref<1x128xi32, #tpu.memory_space<vmem>> -> memref<128xi32, #tpu.memory_space<vmem>>
    %dma_start3A_30 = arith.constant 0 : i32
    %dma_start3A_31 = arith.constant 0 : i32
    %dma_start3A_32 = tpu.memref_slice %arg3[%dma_start3A_30, %dma_start3A_31] : memref<1000000x64xf32, #tpu.memory_space<hbm>> -> memref<1000000x64xf32, #tpu.memory_space<hbm>>
    tpu.enqueue_indirect_dma source(%dma_start3A_32 : memref<1000000x64xf32, #tpu.memory_space<hbm>>) target(%arg7 : memref<128x64xf32, #tpu.memory_space<vmem>>) offsets(%dma_start3A_29 : memref<128xi32, #tpu.memory_space<vmem>>) semaphore(%arg15 : memref<!tpu.dma_semaphore, #tpu.memory_space<semaphore_mem>>)
    %jit3A_33 = arith.constant 2 : i32
    %jit3A_34 = arith.constant 0 : i32
    %jit3A_35 = arith.constant 199 : i32
    %max3A_36 = arith.maxsi %jit3A_34, %jit3A_33 : i32
    %min3A_37 = arith.minsi %jit3A_35, %max3A_36 : i32
    %dma_start3A_38 = arith.constant 0 : i32
    %dma_start3A_39 = tpu.memref_slice %arg5[%min3A_37, %dma_start3A_38] : memref<200x128xi32, #tpu.memory_space<vmem>> -> memref<1x128xi32, #tpu.memory_space<vmem>>
    %dma_start3A_40 = tpu.memref_squeeze %dma_start3A_39 : memref<1x128xi32, #tpu.memory_space<vmem>> -> memref<128xi32, #tpu.memory_space<vmem>>
    %dma_start3A_41 = arith.constant 0 : i32
    %dma_start3A_42 = arith.constant 0 : i32
    %dma_start3A_43 = tpu.memref_slice %arg3[%dma_start3A_41, %dma_start3A_42] : memref<1000000x64xf32, #tpu.memory_space<hbm>> -> memref<1000000x64xf32, #tpu.memory_space<hbm>>
    tpu.enqueue_indirect_dma source(%dma_start3A_43 : memref<1000000x64xf32, #tpu.memory_space<hbm>>) target(%arg8 : memref<128x64xf32, #tpu.memory_space<vmem>>) offsets(%dma_start3A_40 : memref<128xi32, #tpu.memory_space<vmem>>) semaphore(%arg16 : memref<!tpu.dma_semaphore, #tpu.memory_space<semaphore_mem>>)
    %scan3A = arith.constant 0 : i32
    %scan3A_44 = arith.constant 0 : i32
    %scan3A_45 = arith.constant 50 : i32
    %scan3A_46 = arith.addi %scan3A_44, %scan3A_45 : i32
    %scan3A_47 = arith.constant 1 : i32
    %scan3A_48 = scf.for %scan3A_817 = %scan3A_44 to %scan3A_46 step %scan3A_47 iter_args(%scan3A_818 = %scan3A) -> (i32)  : i32 {
      %mul3A_819 = arith.constant 4 : i32
      %mul3A_820 = arith.muli %mul3A_819, %scan3A_817 : i32
      %add3A_821 = arith.constant 0 : i32
      %add3A_822 = arith.addi %mul3A_820, %add3A_821 : i32
      %ge3A = arith.constant 0 : i32
      %ge3A_823 = arith.cmpi sge, %add3A_822, %ge3A : i32
      %lt3A = arith.constant 200 : i32
      %lt3A_824 = arith.cmpi slt, %add3A_822, %lt3A : i32
      %and3A = arith.andi %ge3A_823, %lt3A_824 : i1
      %convert_element_type3A = arith.extui %and3A : i1 to i32
      %cond3A = arith.constant 0 : i32
      %cond3A_825 = arith.cmpi ne, %convert_element_type3A, %cond3A : i32
      scf.if %cond3A_825 {
        %jit3A_1014 = arith.constant 0 : i32
        %jit3A_1015 = arith.constant 199 : i32
        %max3A_1016 = arith.maxsi %jit3A_1014, %add3A_822 : i32
        %min3A_1017 = arith.minsi %jit3A_1015, %max3A_1016 : i32
        %dma_wait3A_1018 = arith.constant 0 : i32
        %dma_wait3A_1019 = tpu.memref_slice %arg5[%min3A_1017, %dma_wait3A_1018] : memref<200x128xi32, #tpu.memory_space<vmem>> -> memref<1x128xi32, #tpu.memory_space<vmem>>
        %dma_wait3A_1020 = tpu.memref_squeeze %dma_wait3A_1019 : memref<1x128xi32, #tpu.memory_space<vmem>> -> memref<128xi32, #tpu.memory_space<vmem>>
        %dma_wait3A_1021 = arith.constant 0 : i32
        %dma_wait3A_1022 = arith.constant 0 : i32
        %dma_wait3A_1023 = tpu.memref_slice %arg3[%dma_wait3A_1021, %dma_wait3A_1022] : memref<1000000x64xf32, #tpu.memory_space<hbm>> -> memref<1000000x64xf32, #tpu.memory_space<hbm>>
        tpu.wait_indirect_dma semaphore(%arg14 : memref<!tpu.dma_semaphore, #tpu.memory_space<semaphore_mem>>) src(%dma_wait3A_1023 : memref<1000000x64xf32, #tpu.memory_space<hbm>>) dst(%arg6 : memref<128x64xf32, #tpu.memory_space<vmem>>)
      } else {
      }
      %add3A_826 = arith.constant 4 : i32
      %add3A_827 = arith.addi %add3A_822, %add3A_826 : i32
      %sub3A = arith.constant 1 : i32
      %sub3A_828 = arith.subi %add3A_827, %sub3A : i32
      %ge3A_829 = arith.constant 0 : i32
      %ge3A_830 = arith.cmpi sge, %sub3A_828, %ge3A_829 : i32
      %lt3A_831 = arith.constant 200 : i32
      %lt3A_832 = arith.cmpi slt, %sub3A_828, %lt3A_831 : i32
      %and3A_833 = arith.andi %ge3A_830, %lt3A_832 : i1
      %convert_element_type3A_834 = arith.extui %and3A_833 : i1 to i32
      %cond3A_835 = arith.constant 0 : i32
      %cond3A_836 = arith.cmpi ne, %convert_element_type3A_834, %cond3A_835 : i32
      scf.if %cond3A_836 {
        %jit3A_1014 = arith.constant 0 : i32
        %jit3A_1015 = arith.constant 199 : i32
        %max3A_1016 = arith.maxsi %jit3A_1014, %sub3A_828 : i32
        %min3A_1017 = arith.minsi %jit3A_1015, %max3A_1016 : i32
        %dma_start3A_1018 = arith.constant 0 : i32
        %dma_start3A_1019 = tpu.memref_slice %arg5[%min3A_1017, %dma_start3A_1018] : memref<200x128xi32, #tpu.memory_space<vmem>> -> memref<1x128xi32, #tpu.memory_space<vmem>>
        %dma_start3A_1020 = tpu.memref_squeeze %dma_start3A_1019 : memref<1x128xi32, #tpu.memory_space<vmem>> -> memref<128xi32, #tpu.memory_space<vmem>>
        %dma_start3A_1021 = arith.constant 0 : i32
        %dma_start3A_1022 = arith.constant 0 : i32
        %dma_start3A_1023 = tpu.memref_slice %arg3[%dma_start3A_1021, %dma_start3A_1022] : memref<1000000x64xf32, #tpu.memory_space<hbm>> -> memref<1000000x64xf32, #tpu.memory_space<hbm>>
        tpu.enqueue_indirect_dma source(%dma_start3A_1023 : memref<1000000x64xf32, #tpu.memory_space<hbm>>) target(%arg9 : memref<128x64xf32, #tpu.memory_space<vmem>>) offsets(%dma_start3A_1020 : memref<128xi32, #tpu.memory_space<vmem>>) semaphore(%arg17 : memref<!tpu.dma_semaphore, #tpu.memory_space<semaphore_mem>>)
      } else {
      }
      %sub3A_837 = arith.constant 4 : i32
      %sub3A_838 = arith.subi %add3A_822, %sub3A_837 : i32
      %ge3A_839 = arith.constant 0 : i32
      %ge3A_840 = arith.cmpi sge, %sub3A_838, %ge3A_839 : i32
      %lt3A_841 = arith.constant 200 : i32
      %lt3A_842 = arith.cmpi slt, %sub3A_838, %lt3A_841 : i32
      %and3A_843 = arith.andi %ge3A_840, %lt3A_842 : i1
      %convert_element_type3A_844 = arith.extui %and3A_843 : i1 to i32
      %cond3A_845 = arith.constant 0 : i32
      %cond3A_846 = arith.cmpi ne, %convert_element_type3A_844, %cond3A_845 : i32
      scf.if %cond3A_846 {
        %jit3A_1014 = arith.constant 0 : i32
        %jit3A_1015 = arith.constant 199 : i32
        %max3A_1016 = arith.maxsi %jit3A_1014, %sub3A_838 : i32
        %min3A_1017 = arith.minsi %jit3A_1015, %max3A_1016 : i32
        %mul3A_1018 = arith.constant 8 : i32
        %mul3A_1019 = arith.muli %min3A_1017, %mul3A_1018 : i32
        %add3A_1020 = arith.constant 0 : i32
        %add3A_1021 = arith.addi %mul3A_1019, %add3A_1020 : i32
        %mul3A_1022 = arith.constant 256 : i32
        %mul3A_1023 = arith.muli %add3A_1021, %mul3A_1022 : i32
        %mul3A_1024 = arith.constant 8 : i32
        %mul3A_1025 = arith.muli %add3A, %mul3A_1024 : i32
        %add3A_1026 = arith.addi %mul3A_1023, %mul3A_1025 : i32
        %dma_wait3A_1027 = arith.constant 0 : i32
        %dma_wait3A_1028 = arith.constant 0 : i32
        %dma_wait3A_1029 = tpu.memref_slice %arg10[%dma_wait3A_1027, %dma_wait3A_1028] : memref<64x129xf32, #tpu.memory_space<vmem>> -> memref<8x128xf32, #tpu.memory_space<vmem>>
        %dma_wait3A_1030 = arith.constant 0 : i32
        %dma_wait3A_1031 = tpu.memref_slice %arg4[%add3A_1026, %dma_wait3A_1030] : memref<409600x128xf32, #tpu.memory_space<hbm>> -> memref<8x128xf32, #tpu.memory_space<hbm>>
        %dma_wait3A_1032 = arith.constant 0 : i32
        %dma_wait3A_1033 = tpu.memref_slice %arg4[%add3A_1026, %dma_wait3A_1032] : memref<409600x128xf32, #tpu.memory_space<hbm>> -> memref<8x128xf32, #tpu.memory_space<hbm>>
        %dma_wait3A_1034 = arith.constant 0 : i32
        %dma_wait3A_1035 = arith.constant 0 : i32
        %dma_wait3A_1036 = tpu.memref_slice %arg10[%dma_wait3A_1034, %dma_wait3A_1035] : memref<64x129xf32, #tpu.memory_space<vmem>> -> memref<8x128xf32, #tpu.memory_space<vmem>>
        tpu.wait_dma2 semaphore(%arg18 : memref<!tpu.dma_semaphore, #tpu.memory_space<semaphore_mem>>) src(%dma_wait3A_1036 : memref<8x128xf32, #tpu.memory_space<vmem>>) dst(%dma_wait3A_1033 : memref<8x128xf32, #tpu.memory_space<hbm>>)
        %jit3A_1037 = arith.constant 0 : i32
        %jit3A_1038 = arith.constant 199 : i32
        %max3A_1039 = arith.maxsi %jit3A_1037, %sub3A_838 : i32
        %min3A_1040 = arith.minsi %jit3A_1038, %max3A_1039 : i32
        %mul3A_1041 = arith.constant 8 : i32
        %mul3A_1042 = arith.muli %min3A_1040, %mul3A_1041 : i32
        %add3A_1043 = arith.constant 1 : i32
        %add3A_1044 = arith.addi %mul3A_1042, %add3A_1043 : i32
        %mul3A_1045 = arith.constant 256 : i32
        %mul3A_1046 = arith.muli %add3A_1044, %mul3A_1045 : i32
        %mul3A_1047 = arith.constant 8 : i32
        %mul3A_1048 = arith.muli %add3A, %mul3A_1047 : i32
        %add3A_1049 = arith.addi %mul3A_1046, %mul3A_1048 : i32
        %dma_wait3A_1050 = arith.constant 8 : i32
        %dma_wait3A_1051 = arith.constant 0 : i32
        %dma_wait3A_1052 = tpu.memref_slice %arg10[%dma_wait3A_1050, %dma_wait3A_1051] : memref<64x129xf32, #tpu.memory_space<vmem>> -> memref<8x128xf32, #tpu.memory_space<vmem>>
        %dma_wait3A_1053 = arith.constant 0 : i32
        %dma_wait3A_1054 = tpu.memref_slice %arg4[%add3A_1049, %dma_wait3A_1053] : memref<409600x128xf32, #tpu.memory_space<hbm>> -> memref<8x128xf32, #tpu.memory_space<hbm>>
        %dma_wait3A_1055 = arith.constant 0 : i32
        %dma_wait3A_1056 = tpu.memref_slice %arg4[%add3A_1049, %dma_wait3A_1055] : memref<409600x128xf32, #tpu.memory_space<hbm>> -> memref<8x128xf32, #tpu.memory_space<hbm>>
        %dma_wait3A_1057 = arith.constant 8 : i32
        %dma_wait3A_1058 = arith.constant 0 : i32
        %dma_wait3A_1059 = tpu.memref_slice %arg10[%dma_wait3A_1057, %dma_wait3A_1058] : memref<64x129xf32, #tpu.memory_space<vmem>> -> memref<8x128xf32, #tpu.memory_space<vmem>>
        tpu.wait_dma2 semaphore(%arg18 : memref<!tpu.dma_semaphore, #tpu.memory_space<semaphore_mem>>) src(%dma_wait3A_1059 : memref<8x128xf32, #tpu.memory_space<vmem>>) dst(%dma_wait3A_1056 : memref<8x128xf32, #tpu.memory_space<hbm>>)
        %jit3A_1060 = arith.constant 0 : i32
        %jit3A_1061 = arith.constant 199 : i32
        %max3A_1062 = arith.maxsi %jit3A_1060, %sub3A_838 : i32
        %min3A_1063 = arith.minsi %jit3A_1061, %max3A_1062 : i32
        %mul3A_1064 = arith.constant 8 : i32
        %mul3A_1065 = arith.muli %min3A_1063, %mul3A_1064 : i32
        %add3A_1066 = arith.constant 2 : i32
        %add3A_1067 = arith.addi %mul3A_1065, %add3A_1066 : i32
        %mul3A_1068 = arith.constant 256 : i32
        %mul3A_1069 = arith.muli %add3A_1067, %mul3A_1068 : i32
        %mul3A_1070 = arith.constant 8 : i32
        %mul3A_1071 = arith.muli %add3A, %mul3A_1070 : i32
        %add3A_1072 = arith.addi %mul3A_1069, %mul3A_1071 : i32
        %dma_wait3A_1073 = arith.constant 16 : i32
        %dma_wait3A_1074 = arith.constant 0 : i32
        %dma_wait3A_1075 = tpu.memref_slice %arg10[%dma_wait3A_1073, %dma_wait3A_1074] : memref<64x129xf32, #tpu.memory_space<vmem>> -> memref<8x128xf32, #tpu.memory_space<vmem>>
        %dma_wait3A_1076 = arith.constant 0 : i32
        %dma_wait3A_1077 = tpu.memref_slice %arg4[%add3A_1072, %dma_wait3A_1076] : memref<409600x128xf32, #tpu.memory_space<hbm>> -> memref<8x128xf32, #tpu.memory_space<hbm>>
        %dma_wait3A_1078 = arith.constant 0 : i32
        %dma_wait3A_1079 = tpu.memref_slice %arg4[%add3A_1072, %dma_wait3A_1078] : memref<409600x128xf32, #tpu.memory_space<hbm>> -> memref<8x128xf32, #tpu.memory_space<hbm>>
        %dma_wait3A_1080 = arith.constant 16 : i32
        %dma_wait3A_1081 = arith.constant 0 : i32
        %dma_wait3A_1082 = tpu.memref_slice %arg10[%dma_wait3A_1080, %dma_wait3A_1081] : memref<64x129xf32, #tpu.memory_space<vmem>> -> memref<8x128xf32, #tpu.memory_space<vmem>>
        tpu.wait_dma2 semaphore(%arg18 : memref<!tpu.dma_semaphore, #tpu.memory_space<semaphore_mem>>) src(%dma_wait3A_1082 : memref<8x128xf32, #tpu.memory_space<vmem>>) dst(%dma_wait3A_1079 : memref<8x128xf32, #tpu.memory_space<hbm>>)
        %jit3A_1083 = arith.constant 0 : i32
        %jit3A_1084 = arith.constant 199 : i32
        %max3A_1085 = arith.maxsi %jit3A_1083, %sub3A_838 : i32
        %min3A_1086 = arith.minsi %jit3A_1084, %max3A_1085 : i32
        %mul3A_1087 = arith.constant 8 : i32
        %mul3A_1088 = arith.muli %min3A_1086, %mul3A_1087 : i32
        %add3A_1089 = arith.constant 3 : i32
        %add3A_1090 = arith.addi %mul3A_1088, %add3A_1089 : i32
        %mul3A_1091 = arith.constant 256 : i32
        %mul3A_1092 = arith.muli %add3A_1090, %mul3A_1091 : i32
        %mul3A_1093 = arith.constant 8 : i32
        %mul3A_1094 = arith.muli %add3A, %mul3A_1093 : i32
        %add3A_1095 = arith.addi %mul3A_1092, %mul3A_1094 : i32
        %dma_wait3A_1096 = arith.constant 24 : i32
        %dma_wait3A_1097 = arith.constant 0 : i32
        %dma_wait3A_1098 = tpu.memref_slice %arg10[%dma_wait3A_1096, %dma_wait3A_1097] : memref<64x129xf32, #tpu.memory_space<vmem>> -> memref<8x128xf32, #tpu.memory_space<vmem>>
        %dma_wait3A_1099 = arith.constant 0 : i32
        %dma_wait3A_1100 = tpu.memref_slice %arg4[%add3A_1095, %dma_wait3A_1099] : memref<409600x128xf32, #tpu.memory_space<hbm>> -> memref<8x128xf32, #tpu.memory_space<hbm>>
        %dma_wait3A_1101 = arith.constant 0 : i32
        %dma_wait3A_1102 = tpu.memref_slice %arg4[%add3A_1095, %dma_wait3A_1101] : memref<409600x128xf32, #tpu.memory_space<hbm>> -> memref<8x128xf32, #tpu.memory_space<hbm>>
        %dma_wait3A_1103 = arith.constant 24 : i32
        %dma_wait3A_1104 = arith.constant 0 : i32
        %dma_wait3A_1105 = tpu.memref_slice %arg10[%dma_wait3A_1103, %dma_wait3A_1104] : memref<64x129xf32, #tpu.memory_space<vmem>> -> memref<8x128xf32, #tpu.memory_space<vmem>>
        tpu.wait_dma2 semaphore(%arg18 : memref<!tpu.dma_semaphore, #tpu.memory_space<semaphore_mem>>) src(%dma_wait3A_1105 : memref<8x128xf32, #tpu.memory_space<vmem>>) dst(%dma_wait3A_1102 : memref<8x128xf32, #tpu.memory_space<hbm>>)
        %jit3A_1106 = arith.constant 0 : i32
        %jit3A_1107 = arith.constant 199 : i32
        %max3A_1108 = arith.maxsi %jit3A_1106, %sub3A_838 : i32
        %min3A_1109 = arith.minsi %jit3A_1107, %max3A_1108 : i32
        %mul3A_1110 = arith.constant 8 : i32
        %mul3A_1111 = arith.muli %min3A_1109, %mul3A_1110 : i32
        %add3A_1112 = arith.constant 4 : i32
        %add3A_1113 = arith.addi %mul3A_1111, %add3A_1112 : i32
        %mul3A_1114 = arith.constant 256 : i32
        %mul3A_1115 = arith.muli %add3A_1113, %mul3A_1114 : i32
        %mul3A_1116 = arith.constant 8 : i32
        %mul3A_1117 = arith.muli %add3A, %mul3A_1116 : i32
        %add3A_1118 = arith.addi %mul3A_1115, %mul3A_1117 : i32
        %dma_wait3A_1119 = arith.constant 32 : i32
        %dma_wait3A_1120 = arith.constant 0 : i32
        %dma_wait3A_1121 = tpu.memref_slice %arg10[%dma_wait3A_1119, %dma_wait3A_1120] : memref<64x129xf32, #tpu.memory_space<vmem>> -> memref<8x128xf32, #tpu.memory_space<vmem>>
        %dma_wait3A_1122 = arith.constant 0 : i32
        %dma_wait3A_1123 = tpu.memref_slice %arg4[%add3A_1118, %dma_wait3A_1122] : memref<409600x128xf32, #tpu.memory_space<hbm>> -> memref<8x128xf32, #tpu.memory_space<hbm>>
        %dma_wait3A_1124 = arith.constant 0 : i32
        %dma_wait3A_1125 = tpu.memref_slice %arg4[%add3A_1118, %dma_wait3A_1124] : memref<409600x128xf32, #tpu.memory_space<hbm>> -> memref<8x128xf32, #tpu.memory_space<hbm>>
        %dma_wait3A_1126 = arith.constant 32 : i32
        %dma_wait3A_1127 = arith.constant 0 : i32
        %dma_wait3A_1128 = tpu.memref_slice %arg10[%dma_wait3A_1126, %dma_wait3A_1127] : memref<64x129xf32, #tpu.memory_space<vmem>> -> memref<8x128xf32, #tpu.memory_space<vmem>>
        tpu.wait_dma2 semaphore(%arg18 : memref<!tpu.dma_semaphore, #tpu.memory_space<semaphore_mem>>) src(%dma_wait3A_1128 : memref<8x128xf32, #tpu.memory_space<vmem>>) dst(%dma_wait3A_1125 : memref<8x128xf32, #tpu.memory_space<hbm>>)
        %jit3A_1129 = arith.constant 0 : i32
        %jit3A_1130 = arith.constant 199 : i32
        %max3A_1131 = arith.maxsi %jit3A_1129, %sub3A_838 : i32
        %min3A_1132 = arith.minsi %jit3A_1130, %max3A_1131 : i32
        %mul3A_1133 = arith.constant 8 : i32
        %mul3A_1134 = arith.muli %min3A_1132, %mul3A_1133 : i32
        %add3A_1135 = arith.constant 5 : i32
        %add3A_1136 = arith.addi %mul3A_1134, %add3A_1135 : i32
        %mul3A_1137 = arith.constant 256 : i32
        %mul3A_1138 = arith.muli %add3A_1136, %mul3A_1137 : i32
        %mul3A_1139 = arith.constant 8 : i32
        %mul3A_1140 = arith.muli %add3A, %mul3A_1139 : i32
        %add3A_1141 = arith.addi %mul3A_1138, %mul3A_1140 : i32
        %dma_wait3A_1142 = arith.constant 40 : i32
        %dma_wait3A_1143 = arith.constant 0 : i32
        %dma_wait3A_1144 = tpu.memref_slice %arg10[%dma_wait3A_1142, %dma_wait3A_1143] : memref<64x129xf32, #tpu.memory_space<vmem>> -> memref<8x128xf32, #tpu.memory_space<vmem>>
        %dma_wait3A_1145 = arith.constant 0 : i32
        %dma_wait3A_1146 = tpu.memref_slice %arg4[%add3A_1141, %dma_wait3A_1145] : memref<409600x128xf32, #tpu.memory_space<hbm>> -> memref<8x128xf32, #tpu.memory_space<hbm>>
        %dma_wait3A_1147 = arith.constant 0 : i32
        %dma_wait3A_1148 = tpu.memref_slice %arg4[%add3A_1141, %dma_wait3A_1147] : memref<409600x128xf32, #tpu.memory_space<hbm>> -> memref<8x128xf32, #tpu.memory_space<hbm>>
        %dma_wait3A_1149 = arith.constant 40 : i32
        %dma_wait3A_1150 = arith.constant 0 : i32
        %dma_wait3A_1151 = tpu.memref_slice %arg10[%dma_wait3A_1149, %dma_wait3A_1150] : memref<64x129xf32, #tpu.memory_space<vmem>> -> memref<8x128xf32, #tpu.memory_space<vmem>>
        tpu.wait_dma2 semaphore(%arg18 : memref<!tpu.dma_semaphore, #tpu.memory_space<semaphore_mem>>) src(%dma_wait3A_1151 : memref<8x128xf32, #tpu.memory_space<vmem>>) dst(%dma_wait3A_1148 : memref<8x128xf32, #tpu.memory_space<hbm>>)
        %jit3A_1152 = arith.constant 0 : i32
        %jit3A_1153 = arith.constant 199 : i32
        %max3A_1154 = arith.maxsi %jit3A_1152, %sub3A_838 : i32
        %min3A_1155 = arith.minsi %jit3A_1153, %max3A_1154 : i32
        %mul3A_1156 = arith.constant 8 : i32
        %mul3A_1157 = arith.muli %min3A_1155, %mul3A_1156 : i32
        %add3A_1158 = arith.constant 6 : i32
        %add3A_1159 = arith.addi %mul3A_1157, %add3A_1158 : i32
        %mul3A_1160 = arith.constant 256 : i32
        %mul3A_1161 = arith.muli %add3A_1159, %mul3A_1160 : i32
        %mul3A_1162 = arith.constant 8 : i32
        %mul3A_1163 = arith.muli %add3A, %mul3A_1162 : i32
        %add3A_1164 = arith.addi %mul3A_1161, %mul3A_1163 : i32
        %dma_wait3A_1165 = arith.constant 48 : i32
        %dma_wait3A_1166 = arith.constant 0 : i32
        %dma_wait3A_1167 = tpu.memref_slice %arg10[%dma_wait3A_1165, %dma_wait3A_1166] : memref<64x129xf32, #tpu.memory_space<vmem>> -> memref<8x128xf32, #tpu.memory_space<vmem>>
        %dma_wait3A_1168 = arith.constant 0 : i32
        %dma_wait3A_1169 = tpu.memref_slice %arg4[%add3A_1164, %dma_wait3A_1168] : memref<409600x128xf32, #tpu.memory_space<hbm>> -> memref<8x128xf32, #tpu.memory_space<hbm>>
        %dma_wait3A_1170 = arith.constant 0 : i32
        %dma_wait3A_1171 = tpu.memref_slice %arg4[%add3A_1164, %dma_wait3A_1170] : memref<409600x128xf32, #tpu.memory_space<hbm>> -> memref<8x128xf32, #tpu.memory_space<hbm>>
        %dma_wait3A_1172 = arith.constant 48 : i32
        %dma_wait3A_1173 = arith.constant 0 : i32
        %dma_wait3A_1174 = tpu.memref_slice %arg10[%dma_wait3A_1172, %dma_wait3A_1173] : memref<64x129xf32, #tpu.memory_space<vmem>> -> memref<8x128xf32, #tpu.memory_space<vmem>>
        tpu.wait_dma2 semaphore(%arg18 : memref<!tpu.dma_semaphore, #tpu.memory_space<semaphore_mem>>) src(%dma_wait3A_1174 : memref<8x128xf32, #tpu.memory_space<vmem>>) dst(%dma_wait3A_1171 : memref<8x128xf32, #tpu.memory_space<hbm>>)
        %jit3A_1175 = arith.constant 0 : i32
        %jit3A_1176 = arith.constant 199 : i32
        %max3A_1177 = arith.maxsi %jit3A_1175, %sub3A_838 : i32
        %min3A_1178 = arith.minsi %jit3A_1176, %max3A_1177 : i32
        %mul3A_1179 = arith.constant 8 : i32
        %mul3A_1180 = arith.muli %min3A_1178, %mul3A_1179 : i32
        %add3A_1181 = arith.constant 7 : i32
        %add3A_1182 = arith.addi %mul3A_1180, %add3A_1181 : i32
        %mul3A_1183 = arith.constant 256 : i32
        %mul3A_1184 = arith.muli %add3A_1182, %mul3A_1183 : i32
        %mul3A_1185 = arith.constant 8 : i32
        %mul3A_1186 = arith.muli %add3A, %mul3A_1185 : i32
        %add3A_1187 = arith.addi %mul3A_1184, %mul3A_1186 : i32
        %dma_wait3A_1188 = arith.constant 56 : i32
        %dma_wait3A_1189 = arith.constant 0 : i32
        %dma_wait3A_1190 = tpu.memref_slice %arg10[%dma_wait3A_1188, %dma_wait3A_1189] : memref<64x129xf32, #tpu.memory_space<vmem>> -> memref<8x128xf32, #tpu.memory_space<vmem>>
        %dma_wait3A_1191 = arith.constant 0 : i32
        %dma_wait3A_1192 = tpu.memref_slice %arg4[%add3A_1187, %dma_wait3A_1191] : memref<409600x128xf32, #tpu.memory_space<hbm>> -> memref<8x128xf32, #tpu.memory_space<hbm>>
        %dma_wait3A_1193 = arith.constant 0 : i32
        %dma_wait3A_1194 = tpu.memref_slice %arg4[%add3A_1187, %dma_wait3A_1193] : memref<409600x128xf32, #tpu.memory_space<hbm>> -> memref<8x128xf32, #tpu.memory_space<hbm>>
        %dma_wait3A_1195 = arith.constant 56 : i32
        %dma_wait3A_1196 = arith.constant 0 : i32
        %dma_wait3A_1197 = tpu.memref_slice %arg10[%dma_wait3A_1195, %dma_wait3A_1196] : memref<64x129xf32, #tpu.memory_space<vmem>> -> memref<8x128xf32, #tpu.memory_space<vmem>>
        tpu.wait_dma2 semaphore(%arg18 : memref<!tpu.dma_semaphore, #tpu.memory_space<semaphore_mem>>) src(%dma_wait3A_1197 : memref<8x128xf32, #tpu.memory_space<vmem>>) dst(%dma_wait3A_1194 : memref<8x128xf32, #tpu.memory_space<hbm>>)
      } else {
      }
      %ge3A_847 = arith.constant 0 : i32
      %ge3A_848 = arith.cmpi sge, %add3A_822, %ge3A_847 : i32
      %lt3A_849 = arith.constant 200 : i32
      %lt3A_850 = arith.cmpi slt, %add3A_822, %lt3A_849 : i32
      %and3A_851 = arith.andi %ge3A_848, %lt3A_850 : i1
      %convert_element_type3A_852 = arith.extui %and3A_851 : i1 to i32
      %cond3A_853 = arith.constant 0 : i32
      %cond3A_854 = arith.cmpi ne, %convert_element_type3A_852, %cond3A_853 : i32
      scf.if %cond3A_854 {
        %parallel_loop3A = arith.constant 0 : i32
        %parallel_loop3A_1014 = arith.constant 128 : i32
        %parallel_loop3A_1015 = arith.constant 1 : i32
        scf.for %parallel_loop3A_1016 = %parallel_loop3A to %parallel_loop3A_1014 step %parallel_loop3A_1015  : i32 {
          %parallel_loop3A_1017 = arith.constant 0 : i32
          %parallel_loop3A_1018 = vector.broadcast %parallel_loop3A_1017 : i32 to vector<16xi32>
          %parallel_loop3A_1019 = arith.muli %iota3A, %parallel_loop3A_1018 : vector<16xi32>
          %parallel_loop3A_1020 = vector.broadcast %parallel_loop3A_1016 : i32 to vector<16xi32>
          %parallel_loop3A_1021 = arith.addi %parallel_loop3A_1019, %parallel_loop3A_1020 : vector<16xi32>
          %parallel_loop3A_1022 = arith.index_cast %parallel_loop3A_1016 : i32 to index
          %parallel_loop3A_1023 = arith.constant 0 : index
          %parallel_loop3A_1024 = tpu.vector_load %arg6[%parallel_loop3A_1022, %parallel_loop3A_1023] {strides = array<i32>} : memref<128x64xf32, #tpu.memory_space<vmem>>, vector<16xf32>,
          tpu.vector_store_idx %arg10[%add3A_5, %parallel_loop3A_1021], %parallel_loop3A_1024 : memref<64x129xf32, #tpu.memory_space<vmem>>[vector<16xi32>, vector<16xi32>], vector<16xf32>,
          %parallel_loop3A_1025 = arith.index_cast %parallel_loop3A_1016 : i32 to index
          %parallel_loop3A_1026 = arith.constant 16 : index
          %parallel_loop3A_1027 = tpu.vector_load %arg6[%parallel_loop3A_1025, %parallel_loop3A_1026] {strides = array<i32>} : memref<128x64xf32, #tpu.memory_space<vmem>>, vector<16xf32>,
          tpu.vector_store_idx %arg10[%add3A_8, %parallel_loop3A_1021], %parallel_loop3A_1027 : memref<64x129xf32, #tpu.memory_space<vmem>>[vector<16xi32>, vector<16xi32>], vector<16xf32>,
          %parallel_loop3A_1028 = arith.index_cast %parallel_loop3A_1016 : i32 to index
          %parallel_loop3A_1029 = arith.constant 32 : index
          %parallel_loop3A_1030 = tpu.vector_load %arg6[%parallel_loop3A_1028, %parallel_loop3A_1029] {strides = array<i32>} : memref<128x64xf32, #tpu.memory_space<vmem>>, vector<16xf32>,
          tpu.vector_store_idx %arg10[%add3A_11, %parallel_loop3A_1021], %parallel_loop3A_1030 : memref<64x129xf32, #tpu.memory_space<vmem>>[vector<16xi32>, vector<16xi32>], vector<16xf32>,
          %parallel_loop3A_1031 = arith.index_cast %parallel_loop3A_1016 : i32 to index
          %parallel_loop3A_1032 = arith.constant 48 : index
          %parallel_loop3A_1033 = tpu.vector_load %arg6[%parallel_loop3A_1031, %parallel_loop3A_1032] {strides = array<i32>} : memref<128x64xf32, #tpu.memory_space<vmem>>, vector<16xf32>,
          tpu.vector_store_idx %arg10[%add3A_14, %parallel_loop3A_1021], %parallel_loop3A_1033 : memref<64x129xf32, #tpu.memory_space<vmem>>[vector<16xi32>, vector<16xi32>], vector<16xf32>,
        } {sc.loop_unroll_factor = 8 : i64, sc.parallel_access}
      } else {
      }
      %ge3A_855 = arith.constant 0 : i32
      %ge3A_856 = arith.cmpi sge, %add3A_822, %ge3A_855 : i32
      %lt3A_857 = arith.constant 200 : i32
      %lt3A_858 = arith.cmpi slt, %add3A_822, %lt3A_857 : i32
      %and3A_859 = arith.andi %ge3A_856, %lt3A_858 : i1
      %convert_element_type3A_860 = arith.extui %and3A_859 : i1 to i32
      %cond3A_861 = arith.constant 0 : i32
      %cond3A_862 = arith.cmpi ne, %convert_element_type3A_860, %cond3A_861 : i32
      scf.if %cond3A_862 {
        %jit3A_1014 = arith.constant 0 : i32
        %jit3A_1015 = arith.constant 199 : i32
        %max3A_1016 = arith.maxsi %jit3A_1014, %add3A_822 : i32
        %min3A_1017 = arith.minsi %jit3A_1015, %max3A_1016 : i32
        %mul3A_1018 = arith.constant 8 : i32
        %mul3A_1019 = arith.muli %min3A_1017, %mul3A_1018 : i32
        %add3A_1020 = arith.constant 0 : i32
        %add3A_1021 = arith.addi %mul3A_1019, %add3A_1020 : i32
        %mul3A_1022 = arith.constant 256 : i32
        %mul3A_1023 = arith.muli %add3A_1021, %mul3A_1022 : i32
        %mul3A_1024 = arith.constant 8 : i32
        %mul3A_1025 = arith.muli %add3A, %mul3A_1024 : i32
        %add3A_1026 = arith.addi %mul3A_1023, %mul3A_1025 : i32
        %dma_start3A_1027 = arith.constant 0 : i32
        %dma_start3A_1028 = arith.constant 0 : i32
        %dma_start3A_1029 = tpu.memref_slice %arg10[%dma_start3A_1027, %dma_start3A_1028] : memref<64x129xf32, #tpu.memory_space<vmem>> -> memref<8x128xf32, #tpu.memory_space<vmem>>
        %dma_start3A_1030 = arith.constant 0 : i32
        %dma_start3A_1031 = tpu.memref_slice %arg4[%add3A_1026, %dma_start3A_1030] : memref<409600x128xf32, #tpu.memory_space<hbm>> -> memref<8x128xf32, #tpu.memory_space<hbm>>
        %dma_start3A_1032 = arith.constant 0 : i32
        %dma_start3A_1033 = tpu.memref_slice %arg4[%add3A_1026, %dma_start3A_1032] : memref<409600x128xf32, #tpu.memory_space<hbm>> -> memref<8x128xf32, #tpu.memory_space<hbm>>
        %dma_start3A_1034 = arith.constant 0 : i32
        %dma_start3A_1035 = arith.constant 0 : i32
        %dma_start3A_1036 = tpu.memref_slice %arg10[%dma_start3A_1034, %dma_start3A_1035] : memref<64x129xf32, #tpu.memory_space<vmem>> -> memref<8x128xf32, #tpu.memory_space<vmem>>
        tpu.enqueue_dma source(%dma_start3A_1036 : memref<8x128xf32, #tpu.memory_space<vmem>>) target(%dma_start3A_1033 : memref<8x128xf32, #tpu.memory_space<hbm>>) target_semaphore(%arg18 : memref<!tpu.dma_semaphore, #tpu.memory_space<semaphore_mem>>)
        %jit3A_1037 = arith.constant 0 : i32
        %jit3A_1038 = arith.constant 199 : i32
        %max3A_1039 = arith.maxsi %jit3A_1037, %add3A_822 : i32
        %min3A_1040 = arith.minsi %jit3A_1038, %max3A_1039 : i32
        %mul3A_1041 = arith.constant 8 : i32
        %mul3A_1042 = arith.muli %min3A_1040, %mul3A_1041 : i32
        %add3A_1043 = arith.constant 1 : i32
        %add3A_1044 = arith.addi %mul3A_1042, %add3A_1043 : i32
        %mul3A_1045 = arith.constant 256 : i32
        %mul3A_1046 = arith.muli %add3A_1044, %mul3A_1045 : i32
        %mul3A_1047 = arith.constant 8 : i32
        %mul3A_1048 = arith.muli %add3A, %mul3A_1047 : i32
        %add3A_1049 = arith.addi %mul3A_1046, %mul3A_1048 : i32
        %dma_start3A_1050 = arith.constant 8 : i32
        %dma_start3A_1051 = arith.constant 0 : i32
        %dma_start3A_1052 = tpu.memref_slice %arg10[%dma_start3A_1050, %dma_start3A_1051] : memref<64x129xf32, #tpu.memory_space<vmem>> -> memref<8x128xf32, #tpu.memory_space<vmem>>
        %dma_start3A_1053 = arith.constant 0 : i32
        %dma_start3A_1054 = tpu.memref_slice %arg4[%add3A_1049, %dma_start3A_1053] : memref<409600x128xf32, #tpu.memory_space<hbm>> -> memref<8x128xf32, #tpu.memory_space<hbm>>
        %dma_start3A_1055 = arith.constant 0 : i32
        %dma_start3A_1056 = tpu.memref_slice %arg4[%add3A_1049, %dma_start3A_1055] : memref<409600x128xf32, #tpu.memory_space<hbm>> -> memref<8x128xf32, #tpu.memory_space<hbm>>
        %dma_start3A_1057 = arith.constant 8 : i32
        %dma_start3A_1058 = arith.constant 0 : i32
        %dma_start3A_1059 = tpu.memref_slice %arg10[%dma_start3A_1057, %dma_start3A_1058] : memref<64x129xf32, #tpu.memory_space<vmem>> -> memref<8x128xf32, #tpu.memory_space<vmem>>
        tpu.enqueue_dma source(%dma_start3A_1059 : memref<8x128xf32, #tpu.memory_space<vmem>>) target(%dma_start3A_1056 : memref<8x128xf32, #tpu.memory_space<hbm>>) target_semaphore(%arg18 : memref<!tpu.dma_semaphore, #tpu.memory_space<semaphore_mem>>)
        %jit3A_1060 = arith.constant 0 : i32
        %jit3A_1061 = arith.constant 199 : i32
        %max3A_1062 = arith.maxsi %jit3A_1060, %add3A_822 : i32
        %min3A_1063 = arith.minsi %jit3A_1061, %max3A_1062 : i32
        %mul3A_1064 = arith.constant 8 : i32
        %mul3A_1065 = arith.muli %min3A_1063, %mul3A_1064 : i32
        %add3A_1066 = arith.constant 2 : i32
        %add3A_1067 = arith.addi %mul3A_1065, %add3A_1066 : i32
        %mul3A_1068 = arith.constant 256 : i32
        %mul3A_1069 = arith.muli %add3A_1067, %mul3A_1068 : i32
        %mul3A_1070 = arith.constant 8 : i32
        %mul3A_1071 = arith.muli %add3A, %mul3A_1070 : i32
        %add3A_1072 = arith.addi %mul3A_1069, %mul3A_1071 : i32
        %dma_start3A_1073 = arith.constant 16 : i32
        %dma_start3A_1074 = arith.constant 0 : i32
        %dma_start3A_1075 = tpu.memref_slice %arg10[%dma_start3A_1073, %dma_start3A_1074] : memref<64x129xf32, #tpu.memory_space<vmem>> -> memref<8x128xf32, #tpu.memory_space<vmem>>
        %dma_start3A_1076 = arith.constant 0 : i32
        %dma_start3A_1077 = tpu.memref_slice %arg4[%add3A_1072, %dma_start3A_1076] : memref<409600x128xf32, #tpu.memory_space<hbm>> -> memref<8x128xf32, #tpu.memory_space<hbm>>
        %dma_start3A_1078 = arith.constant 0 : i32
        %dma_start3A_1079 = tpu.memref_slice %arg4[%add3A_1072, %dma_start3A_1078] : memref<409600x128xf32, #tpu.memory_space<hbm>> -> memref<8x128xf32, #tpu.memory_space<hbm>>
        %dma_start3A_1080 = arith.constant 16 : i32
        %dma_start3A_1081 = arith.constant 0 : i32
        %dma_start3A_1082 = tpu.memref_slice %arg10[%dma_start3A_1080, %dma_start3A_1081] : memref<64x129xf32, #tpu.memory_space<vmem>> -> memref<8x128xf32, #tpu.memory_space<vmem>>
        tpu.enqueue_dma source(%dma_start3A_1082 : memref<8x128xf32, #tpu.memory_space<vmem>>) target(%dma_start3A_1079 : memref<8x128xf32, #tpu.memory_space<hbm>>) target_semaphore(%arg18 : memref<!tpu.dma_semaphore, #tpu.memory_space<semaphore_mem>>)
        %jit3A_1083 = arith.constant 0 : i32
        %jit3A_1084 = arith.constant 199 : i32
        %max3A_1085 = arith.maxsi %jit3A_1083, %add3A_822 : i32
        %min3A_1086 = arith.minsi %jit3A_1084, %max3A_1085 : i32
        %mul3A_1087 = arith.constant 8 : i32
        %mul3A_1088 = arith.muli %min3A_1086, %mul3A_1087 : i32
        %add3A_1089 = arith.constant 3 : i32
        %add3A_1090 = arith.addi %mul3A_1088, %add3A_1089 : i32
        %mul3A_1091 = arith.constant 256 : i32
        %mul3A_1092 = arith.muli %add3A_1090, %mul3A_1091 : i32
        %mul3A_1093 = arith.constant 8 : i32
        %mul3A_1094 = arith.muli %add3A, %mul3A_1093 : i32
        %add3A_1095 = arith.addi %mul3A_1092, %mul3A_1094 : i32
        %dma_start3A_1096 = arith.constant 24 : i32
        %dma_start3A_1097 = arith.constant 0 : i32
        %dma_start3A_1098 = tpu.memref_slice %arg10[%dma_start3A_1096, %dma_start3A_1097] : memref<64x129xf32, #tpu.memory_space<vmem>> -> memref<8x128xf32, #tpu.memory_space<vmem>>
        %dma_start3A_1099 = arith.constant 0 : i32
        %dma_start3A_1100 = tpu.memref_slice %arg4[%add3A_1095, %dma_start3A_1099] : memref<409600x128xf32, #tpu.memory_space<hbm>> -> memref<8x128xf32, #tpu.memory_space<hbm>>
        %dma_start3A_1101 = arith.constant 0 : i32
        %dma_start3A_1102 = tpu.memref_slice %arg4[%add3A_1095, %dma_start3A_1101] : memref<409600x128xf32, #tpu.memory_space<hbm>> -> memref<8x128xf32, #tpu.memory_space<hbm>>
        %dma_start3A_1103 = arith.constant 24 : i32
        %dma_start3A_1104 = arith.constant 0 : i32
        %dma_start3A_1105 = tpu.memref_slice %arg10[%dma_start3A_1103, %dma_start3A_1104] : memref<64x129xf32, #tpu.memory_space<vmem>> -> memref<8x128xf32, #tpu.memory_space<vmem>>
        tpu.enqueue_dma source(%dma_start3A_1105 : memref<8x128xf32, #tpu.memory_space<vmem>>) target(%dma_start3A_1102 : memref<8x128xf32, #tpu.memory_space<hbm>>) target_semaphore(%arg18 : memref<!tpu.dma_semaphore, #tpu.memory_space<semaphore_mem>>)
        %jit3A_1106 = arith.constant 0 : i32
        %jit3A_1107 = arith.constant 199 : i32
        %max3A_1108 = arith.maxsi %jit3A_1106, %add3A_822 : i32
        %min3A_1109 = arith.minsi %jit3A_1107, %max3A_1108 : i32
        %mul3A_1110 = arith.constant 8 : i32
        %mul3A_1111 = arith.muli %min3A_1109, %mul3A_1110 : i32
        %add3A_1112 = arith.constant 4 : i32
        %add3A_1113 = arith.addi %mul3A_1111, %add3A_1112 : i32
        %mul3A_1114 = arith.constant 256 : i32
        %mul3A_1115 = arith.muli %add3A_1113, %mul3A_1114 : i32
        %mul3A_1116 = arith.constant 8 : i32
        %mul3A_1117 = arith.muli %add3A, %mul3A_1116 : i32
        %add3A_1118 = arith.addi %mul3A_1115, %mul3A_1117 : i32
        %dma_start3A_1119 = arith.constant 32 : i32
        %dma_start3A_1120 = arith.constant 0 : i32
        %dma_start3A_1121 = tpu.memref_slice %arg10[%dma_start3A_1119, %dma_start3A_1120] : memref<64x129xf32, #tpu.memory_space<vmem>> -> memref<8x128xf32, #tpu.memory_space<vmem>>
        %dma_start3A_1122 = arith.constant 0 : i32
        %dma_start3A_1123 = tpu.memref_slice %arg4[%add3A_1118, %dma_start3A_1122] : memref<409600x128xf32, #tpu.memory_space<hbm>> -> memref<8x128xf32, #tpu.memory_space<hbm>>
        %dma_start3A_1124 = arith.constant 0 : i32
        %dma_start3A_1125 = tpu.memref_slice %arg4[%add3A_1118, %dma_start3A_1124] : memref<409600x128xf32, #tpu.memory_space<hbm>> -> memref<8x128xf32, #tpu.memory_space<hbm>>
        %dma_start3A_1126 = arith.constant 32 : i32
        %dma_start3A_1127 = arith.constant 0 : i32
        %dma_start3A_1128 = tpu.memref_slice %arg10[%dma_start3A_1126, %dma_start3A_1127] : memref<64x129xf32, #tpu.memory_space<vmem>> -> memref<8x128xf32, #tpu.memory_space<vmem>>
        tpu.enqueue_dma source(%dma_start3A_1128 : memref<8x128xf32, #tpu.memory_space<vmem>>) target(%dma_start3A_1125 : memref<8x128xf32, #tpu.memory_space<hbm>>) target_semaphore(%arg18 : memref<!tpu.dma_semaphore, #tpu.memory_space<semaphore_mem>>)
        %jit3A_1129 = arith.constant 0 : i32
        %jit3A_1130 = arith.constant 199 : i32
        %max3A_1131 = arith.maxsi %jit3A_1129, %add3A_822 : i32
        %min3A_1132 = arith.minsi %jit3A_1130, %max3A_1131 : i32
        %mul3A_1133 = arith.constant 8 : i32
        %mul3A_1134 = arith.muli %min3A_1132, %mul3A_1133 : i32
        %add3A_1135 = arith.constant 5 : i32
        %add3A_1136 = arith.addi %mul3A_1134, %add3A_1135 : i32
        %mul3A_1137 = arith.constant 256 : i32
        %mul3A_1138 = arith.muli %add3A_1136, %mul3A_1137 : i32
        %mul3A_1139 = arith.constant 8 : i32
        %mul3A_1140 = arith.muli %add3A, %mul3A_1139 : i32
        %add3A_1141 = arith.addi %mul3A_1138, %mul3A_1140 : i32
        %dma_start3A_1142 = arith.constant 40 : i32
        %dma_start3A_1143 = arith.constant 0 : i32
        %dma_start3A_1144 = tpu.memref_slice %arg10[%dma_start3A_1142, %dma_start3A_1143] : memref<64x129xf32, #tpu.memory_space<vmem>> -> memref<8x128xf32, #tpu.memory_space<vmem>>
        %dma_start3A_1145 = arith.constant 0 : i32
        %dma_start3A_1146 = tpu.memref_slice %arg4[%add3A_1141, %dma_start3A_1145] : memref<409600x128xf32, #tpu.memory_space<hbm>> -> memref<8x128xf32, #tpu.memory_space<hbm>>
        %dma_start3A_1147 = arith.constant 0 : i32
        %dma_start3A_1148 = tpu.memref_slice %arg4[%add3A_1141, %dma_start3A_1147] : memref<409600x128xf32, #tpu.memory_space<hbm>> -> memref<8x128xf32, #tpu.memory_space<hbm>>
        %dma_start3A_1149 = arith.constant 40 : i32
        %dma_start3A_1150 = arith.constant 0 : i32
        %dma_start3A_1151 = tpu.memref_slice %arg10[%dma_start3A_1149, %dma_start3A_1150] : memref<64x129xf32, #tpu.memory_space<vmem>> -> memref<8x128xf32, #tpu.memory_space<vmem>>
        tpu.enqueue_dma source(%dma_start3A_1151 : memref<8x128xf32, #tpu.memory_space<vmem>>) target(%dma_start3A_1148 : memref<8x128xf32, #tpu.memory_space<hbm>>) target_semaphore(%arg18 : memref<!tpu.dma_semaphore, #tpu.memory_space<semaphore_mem>>)
        %jit3A_1152 = arith.constant 0 : i32
        %jit3A_1153 = arith.constant 199 : i32
        %max3A_1154 = arith.maxsi %jit3A_1152, %add3A_822 : i32
        %min3A_1155 = arith.minsi %jit3A_1153, %max3A_1154 : i32
        %mul3A_1156 = arith.constant 8 : i32
        %mul3A_1157 = arith.muli %min3A_1155, %mul3A_1156 : i32
        %add3A_1158 = arith.constant 6 : i32
        %add3A_1159 = arith.addi %mul3A_1157, %add3A_1158 : i32
        %mul3A_1160 = arith.constant 256 : i32
        %mul3A_1161 = arith.muli %add3A_1159, %mul3A_1160 : i32
        %mul3A_1162 = arith.constant 8 : i32
        %mul3A_1163 = arith.muli %add3A, %mul3A_1162 : i32
        %add3A_1164 = arith.addi %mul3A_1161, %mul3A_1163 : i32
        %dma_start3A_1165 = arith.constant 48 : i32
        %dma_start3A_1166 = arith.constant 0 : i32
        %dma_start3A_1167 = tpu.memref_slice %arg10[%dma_start3A_1165, %dma_start3A_1166] : memref<64x129xf32, #tpu.memory_space<vmem>> -> memref<8x128xf32, #tpu.memory_space<vmem>>
        %dma_start3A_1168 = arith.constant 0 : i32
        %dma_start3A_1169 = tpu.memref_slice %arg4[%add3A_1164, %dma_start3A_1168] : memref<409600x128xf32, #tpu.memory_space<hbm>> -> memref<8x128xf32, #tpu.memory_space<hbm>>
        %dma_start3A_1170 = arith.constant 0 : i32
        %dma_start3A_1171 = tpu.memref_slice %arg4[%add3A_1164, %dma_start3A_1170] : memref<409600x128xf32, #tpu.memory_space<hbm>> -> memref<8x128xf32, #tpu.memory_space<hbm>>
        %dma_start3A_1172 = arith.constant 48 : i32
        %dma_start3A_1173 = arith.constant 0 : i32
        %dma_start3A_1174 = tpu.memref_slice %arg10[%dma_start3A_1172, %dma_start3A_1173] : memref<64x129xf32, #tpu.memory_space<vmem>> -> memref<8x128xf32, #tpu.memory_space<vmem>>
        tpu.enqueue_dma source(%dma_start3A_1174 : memref<8x128xf32, #tpu.memory_space<vmem>>) target(%dma_start3A_1171 : memref<8x128xf32, #tpu.memory_space<hbm>>) target_semaphore(%arg18 : memref<!tpu.dma_semaphore, #tpu.memory_space<semaphore_mem>>)
        %jit3A_1175 = arith.constant 0 : i32
        %jit3A_1176 = arith.constant 199 : i32
        %max3A_1177 = arith.maxsi %jit3A_1175, %add3A_822 : i32
        %min3A_1178 = arith.minsi %jit3A_1176, %max3A_1177 : i32
        %mul3A_1179 = arith.constant 8 : i32
        %mul3A_1180 = arith.muli %min3A_1178, %mul3A_1179 : i32
        %add3A_1181 = arith.constant 7 : i32
        %add3A_1182 = arith.addi %mul3A_1180, %add3A_1181 : i32
        %mul3A_1183 = arith.constant 256 : i32
        %mul3A_1184 = arith.muli %add3A_1182, %mul3A_1183 : i32
        %mul3A_1185 = arith.constant 8 : i32
        %mul3A_1186 = arith.muli %add3A, %mul3A_1185 : i32
        %add3A_1187 = arith.addi %mul3A_1184, %mul3A_1186 : i32
        %dma_start3A_1188 = arith.constant 56 : i32
        %dma_start3A_1189 = arith.constant 0 : i32
        %dma_start3A_1190 = tpu.memref_slice %arg10[%dma_start3A_1188, %dma_start3A_1189] : memref<64x129xf32, #tpu.memory_space<vmem>> -> memref<8x128xf32, #tpu.memory_space<vmem>>
        %dma_start3A_1191 = arith.constant 0 : i32
        %dma_start3A_1192 = tpu.memref_slice %arg4[%add3A_1187, %dma_start3A_1191] : memref<409600x128xf32, #tpu.memory_space<hbm>> -> memref<8x128xf32, #tpu.memory_space<hbm>>
        %dma_start3A_1193 = arith.constant 0 : i32
        %dma_start3A_1194 = tpu.memref_slice %arg4[%add3A_1187, %dma_start3A_1193] : memref<409600x128xf32, #tpu.memory_space<hbm>> -> memref<8x128xf32, #tpu.memory_space<hbm>>
        %dma_start3A_1195 = arith.constant 56 : i32
        %dma_start3A_1196 = arith.constant 0 : i32
        %dma_start3A_1197 = tpu.memref_slice %arg10[%dma_start3A_1195, %dma_start3A_1196] : memref<64x129xf32, #tpu.memory_space<vmem>> -> memref<8x128xf32, #tpu.memory_space<vmem>>
        tpu.enqueue_dma source(%dma_start3A_1197 : memref<8x128xf32, #tpu.memory_space<vmem>>) target(%dma_start3A_1194 : memref<8x128xf32, #tpu.memory_space<hbm>>) target_semaphore(%arg18 : memref<!tpu.dma_semaphore, #tpu.memory_space<semaphore_mem>>)
      } else {
      }
      %mul3A_863 = arith.constant 4 : i32
      %mul3A_864 = arith.muli %mul3A_863, %scan3A_817 : i32
      %add3A_865 = arith.constant 1 : i32
      %add3A_866 = arith.addi %mul3A_864, %add3A_865 : i32
      %ge3A_867 = arith.constant 0 : i32
      %ge3A_868 = arith.cmpi sge, %add3A_866, %ge3A_867 : i32
      %lt3A_869 = arith.constant 200 : i32
      %lt3A_870 = arith.cmpi slt, %add3A_866, %lt3A_869 : i32
      %and3A_871 = arith.andi %ge3A_868, %lt3A_870 : i1
      %convert_element_type3A_872 = arith.extui %and3A_871 : i1 to i32
      %cond3A_873 = arith.constant 0 : i32
      %cond3A_874 = arith.cmpi ne, %convert_element_type3A_872, %cond3A_873 : i32
      scf.if %cond3A_874 {
        %jit3A_1014 = arith.constant 0 : i32
        %jit3A_1015 = arith.constant 199 : i32
        %max3A_1016 = arith.maxsi %jit3A_1014, %add3A_866 : i32
        %min3A_1017 = arith.minsi %jit3A_1015, %max3A_1016 : i32
        %dma_wait3A_1018 = arith.constant 0 : i32
        %dma_wait3A_1019 = tpu.memref_slice %arg5[%min3A_1017, %dma_wait3A_1018] : memref<200x128xi32, #tpu.memory_space<vmem>> -> memref<1x128xi32, #tpu.memory_space<vmem>>
        %dma_wait3A_1020 = tpu.memref_squeeze %dma_wait3A_1019 : memref<1x128xi32, #tpu.memory_space<vmem>> -> memref<128xi32, #tpu.memory_space<vmem>>
        %dma_wait3A_1021 = arith.constant 0 : i32
        %dma_wait3A_1022 = arith.constant 0 : i32
        %dma_wait3A_1023 = tpu.memref_slice %arg3[%dma_wait3A_1021, %dma_wait3A_1022] : memref<1000000x64xf32, #tpu.memory_space<hbm>> -> memref<1000000x64xf32, #tpu.memory_space<hbm>>
        tpu.wait_indirect_dma semaphore(%arg15 : memref<!tpu.dma_semaphore, #tpu.memory_space<semaphore_mem>>) src(%dma_wait3A_1023 : memref<1000000x64xf32, #tpu.memory_space<hbm>>) dst(%arg7 : memref<128x64xf32, #tpu.memory_space<vmem>>)
      } else {
      }
      %add3A_875 = arith.constant 4 : i32
      %add3A_876 = arith.addi %add3A_866, %add3A_875 : i32
      %sub3A_877 = arith.constant 1 : i32
      %sub3A_878 = arith.subi %add3A_876, %sub3A_877 : i32
      %ge3A_879 = arith.constant 0 : i32
      %ge3A_880 = arith.cmpi sge, %sub3A_878, %ge3A_879 : i32
      %lt3A_881 = arith.constant 200 : i32
      %lt3A_882 = arith.cmpi slt, %sub3A_878, %lt3A_881 : i32
      %and3A_883 = arith.andi %ge3A_880, %lt3A_882 : i1
      %convert_element_type3A_884 = arith.extui %and3A_883 : i1 to i32
      %cond3A_885 = arith.constant 0 : i32
      %cond3A_886 = arith.cmpi ne, %convert_element_type3A_884, %cond3A_885 : i32
      scf.if %cond3A_886 {
        %jit3A_1014 = arith.constant 0 : i32
        %jit3A_1015 = arith.constant 199 : i32
        %max3A_1016 = arith.maxsi %jit3A_1014, %sub3A_878 : i32
        %min3A_1017 = arith.minsi %jit3A_1015, %max3A_1016 : i32
        %dma_start3A_1018 = arith.constant 0 : i32
        %dma_start3A_1019 = tpu.memref_slice %arg5[%min3A_1017, %dma_start3A_1018] : memref<200x128xi32, #tpu.memory_space<vmem>> -> memref<1x128xi32, #tpu.memory_space<vmem>>
        %dma_start3A_1020 = tpu.memref_squeeze %dma_start3A_1019 : memref<1x128xi32, #tpu.memory_space<vmem>> -> memref<128xi32, #tpu.memory_space<vmem>>
        %dma_start3A_1021 = arith.constant 0 : i32
        %dma_start3A_1022 = arith.constant 0 : i32
        %dma_start3A_1023 = tpu.memref_slice %arg3[%dma_start3A_1021, %dma_start3A_1022] : memref<1000000x64xf32, #tpu.memory_space<hbm>> -> memref<1000000x64xf32, #tpu.memory_space<hbm>>
        tpu.enqueue_indirect_dma source(%dma_start3A_1023 : memref<1000000x64xf32, #tpu.memory_space<hbm>>) target(%arg6 : memref<128x64xf32, #tpu.memory_space<vmem>>) offsets(%dma_start3A_1020 : memref<128xi32, #tpu.memory_space<vmem>>) semaphore(%arg14 : memref<!tpu.dma_semaphore, #tpu.memory_space<semaphore_mem>>)
      } else {
      }
      %sub3A_887 = arith.constant 4 : i32
      %sub3A_888 = arith.subi %add3A_866, %sub3A_887 : i32
      %ge3A_889 = arith.constant 0 : i32
      %ge3A_890 = arith.cmpi sge, %sub3A_888, %ge3A_889 : i32
      %lt3A_891 = arith.constant 200 : i32
      %lt3A_892 = arith.cmpi slt, %sub3A_888, %lt3A_891 : i32
      %and3A_893 = arith.andi %ge3A_890, %lt3A_892 : i1
      %convert_element_type3A_894 = arith.extui %and3A_893 : i1 to i32
      %cond3A_895 = arith.constant 0 : i32
      %cond3A_896 = arith.cmpi ne, %convert_element_type3A_894, %cond3A_895 : i32
      scf.if %cond3A_896 {
        %jit3A_1014 = arith.constant 0 : i32
        %jit3A_1015 = arith.constant 199 : i32
        %max3A_1016 = arith.maxsi %jit3A_1014, %sub3A_888 : i32
        %min3A_1017 = arith.minsi %jit3A_1015, %max3A_1016 : i32
        %mul3A_1018 = arith.constant 8 : i32
        %mul3A_1019 = arith.muli %min3A_1017, %mul3A_1018 : i32
        %add3A_1020 = arith.constant 0 : i32
        %add3A_1021 = arith.addi %mul3A_1019, %add3A_1020 : i32
        %mul3A_1022 = arith.constant 256 : i32
        %mul3A_1023 = arith.muli %add3A_1021, %mul3A_1022 : i32
        %mul3A_1024 = arith.constant 8 : i32
        %mul3A_1025 = arith.muli %add3A, %mul3A_1024 : i32
        %add3A_1026 = arith.addi %mul3A_1023, %mul3A_1025 : i32
        %dma_wait3A_1027 = arith.constant 0 : i32
        %dma_wait3A_1028 = arith.constant 0 : i32
        %dma_wait3A_1029 = tpu.memref_slice %arg11[%dma_wait3A_1027, %dma_wait3A_1028] : memref<64x129xf32, #tpu.memory_space<vmem>> -> memref<8x128xf32, #tpu.memory_space<vmem>>
        %dma_wait3A_1030 = arith.constant 0 : i32
        %dma_wait3A_1031 = tpu.memref_slice %arg4[%add3A_1026, %dma_wait3A_1030] : memref<409600x128xf32, #tpu.memory_space<hbm>> -> memref<8x128xf32, #tpu.memory_space<hbm>>
        %dma_wait3A_1032 = arith.constant 0 : i32
        %dma_wait3A_1033 = tpu.memref_slice %arg4[%add3A_1026, %dma_wait3A_1032] : memref<409600x128xf32, #tpu.memory_space<hbm>> -> memref<8x128xf32, #tpu.memory_space<hbm>>
        %dma_wait3A_1034 = arith.constant 0 : i32
        %dma_wait3A_1035 = arith.constant 0 : i32
        %dma_wait3A_1036 = tpu.memref_slice %arg11[%dma_wait3A_1034, %dma_wait3A_1035] : memref<64x129xf32, #tpu.memory_space<vmem>> -> memref<8x128xf32, #tpu.memory_space<vmem>>
        tpu.wait_dma2 semaphore(%arg19 : memref<!tpu.dma_semaphore, #tpu.memory_space<semaphore_mem>>) src(%dma_wait3A_1036 : memref<8x128xf32, #tpu.memory_space<vmem>>) dst(%dma_wait3A_1033 : memref<8x128xf32, #tpu.memory_space<hbm>>)
        %jit3A_1037 = arith.constant 0 : i32
        %jit3A_1038 = arith.constant 199 : i32
        %max3A_1039 = arith.maxsi %jit3A_1037, %sub3A_888 : i32
        %min3A_1040 = arith.minsi %jit3A_1038, %max3A_1039 : i32
        %mul3A_1041 = arith.constant 8 : i32
        %mul3A_1042 = arith.muli %min3A_1040, %mul3A_1041 : i32
        %add3A_1043 = arith.constant 1 : i32
        %add3A_1044 = arith.addi %mul3A_1042, %add3A_1043 : i32
        %mul3A_1045 = arith.constant 256 : i32
        %mul3A_1046 = arith.muli %add3A_1044, %mul3A_1045 : i32
        %mul3A_1047 = arith.constant 8 : i32
        %mul3A_1048 = arith.muli %add3A, %mul3A_1047 : i32
        %add3A_1049 = arith.addi %mul3A_1046, %mul3A_1048 : i32
        %dma_wait3A_1050 = arith.constant 8 : i32
        %dma_wait3A_1051 = arith.constant 0 : i32
        %dma_wait3A_1052 = tpu.memref_slice %arg11[%dma_wait3A_1050, %dma_wait3A_1051] : memref<64x129xf32, #tpu.memory_space<vmem>> -> memref<8x128xf32, #tpu.memory_space<vmem>>
        %dma_wait3A_1053 = arith.constant 0 : i32
        %dma_wait3A_1054 = tpu.memref_slice %arg4[%add3A_1049, %dma_wait3A_1053] : memref<409600x128xf32, #tpu.memory_space<hbm>> -> memref<8x128xf32, #tpu.memory_space<hbm>>
        %dma_wait3A_1055 = arith.constant 0 : i32
        %dma_wait3A_1056 = tpu.memref_slice %arg4[%add3A_1049, %dma_wait3A_1055] : memref<409600x128xf32, #tpu.memory_space<hbm>> -> memref<8x128xf32, #tpu.memory_space<hbm>>
        %dma_wait3A_1057 = arith.constant 8 : i32
        %dma_wait3A_1058 = arith.constant 0 : i32
        %dma_wait3A_1059 = tpu.memref_slice %arg11[%dma_wait3A_1057, %dma_wait3A_1058] : memref<64x129xf32, #tpu.memory_space<vmem>> -> memref<8x128xf32, #tpu.memory_space<vmem>>
        tpu.wait_dma2 semaphore(%arg19 : memref<!tpu.dma_semaphore, #tpu.memory_space<semaphore_mem>>) src(%dma_wait3A_1059 : memref<8x128xf32, #tpu.memory_space<vmem>>) dst(%dma_wait3A_1056 : memref<8x128xf32, #tpu.memory_space<hbm>>)
        %jit3A_1060 = arith.constant 0 : i32
        %jit3A_1061 = arith.constant 199 : i32
        %max3A_1062 = arith.maxsi %jit3A_1060, %sub3A_888 : i32
        %min3A_1063 = arith.minsi %jit3A_1061, %max3A_1062 : i32
        %mul3A_1064 = arith.constant 8 : i32
        %mul3A_1065 = arith.muli %min3A_1063, %mul3A_1064 : i32
        %add3A_1066 = arith.constant 2 : i32
        %add3A_1067 = arith.addi %mul3A_1065, %add3A_1066 : i32
        %mul3A_1068 = arith.constant 256 : i32
        %mul3A_1069 = arith.muli %add3A_1067, %mul3A_1068 : i32
        %mul3A_1070 = arith.constant 8 : i32
        %mul3A_1071 = arith.muli %add3A, %mul3A_1070 : i32
        %add3A_1072 = arith.addi %mul3A_1069, %mul3A_1071 : i32
        %dma_wait3A_1073 = arith.constant 16 : i32
        %dma_wait3A_1074 = arith.constant 0 : i32
        %dma_wait3A_1075 = tpu.memref_slice %arg11[%dma_wait3A_1073, %dma_wait3A_1074] : memref<64x129xf32, #tpu.memory_space<vmem>> -> memref<8x128xf32, #tpu.memory_space<vmem>>
        %dma_wait3A_1076 = arith.constant 0 : i32
        %dma_wait3A_1077 = tpu.memref_slice %arg4[%add3A_1072, %dma_wait3A_1076] : memref<409600x128xf32, #tpu.memory_space<hbm>> -> memref<8x128xf32, #tpu.memory_space<hbm>>
        %dma_wait3A_1078 = arith.constant 0 : i32
        %dma_wait3A_1079 = tpu.memref_slice %arg4[%add3A_1072, %dma_wait3A_1078] : memref<409600x128xf32, #tpu.memory_space<hbm>> -> memref<8x128xf32, #tpu.memory_space<hbm>>
        %dma_wait3A_1080 = arith.constant 16 : i32
        %dma_wait3A_1081 = arith.constant 0 : i32
        %dma_wait3A_1082 = tpu.memref_slice %arg11[%dma_wait3A_1080, %dma_wait3A_1081] : memref<64x129xf32, #tpu.memory_space<vmem>> -> memref<8x128xf32, #tpu.memory_space<vmem>>
        tpu.wait_dma2 semaphore(%arg19 : memref<!tpu.dma_semaphore, #tpu.memory_space<semaphore_mem>>) src(%dma_wait3A_1082 : memref<8x128xf32, #tpu.memory_space<vmem>>) dst(%dma_wait3A_1079 : memref<8x128xf32, #tpu.memory_space<hbm>>)
        %jit3A_1083 = arith.constant 0 : i32
        %jit3A_1084 = arith.constant 199 : i32
        %max3A_1085 = arith.maxsi %jit3A_1083, %sub3A_888 : i32
        %min3A_1086 = arith.minsi %jit3A_1084, %max3A_1085 : i32
        %mul3A_1087 = arith.constant 8 : i32
        %mul3A_1088 = arith.muli %min3A_1086, %mul3A_1087 : i32
        %add3A_1089 = arith.constant 3 : i32
        %add3A_1090 = arith.addi %mul3A_1088, %add3A_1089 : i32
        %mul3A_1091 = arith.constant 256 : i32
        %mul3A_1092 = arith.muli %add3A_1090, %mul3A_1091 : i32
        %mul3A_1093 = arith.constant 8 : i32
        %mul3A_1094 = arith.muli %add3A, %mul3A_1093 : i32
        %add3A_1095 = arith.addi %mul3A_1092, %mul3A_1094 : i32
        %dma_wait3A_1096 = arith.constant 24 : i32
        %dma_wait3A_1097 = arith.constant 0 : i32
        %dma_wait3A_1098 = tpu.memref_slice %arg11[%dma_wait3A_1096, %dma_wait3A_1097] : memref<64x129xf32, #tpu.memory_space<vmem>> -> memref<8x128xf32, #tpu.memory_space<vmem>>
        %dma_wait3A_1099 = arith.constant 0 : i32
        %dma_wait3A_1100 = tpu.memref_slice %arg4[%add3A_1095, %dma_wait3A_1099] : memref<409600x128xf32, #tpu.memory_space<hbm>> -> memref<8x128xf32, #tpu.memory_space<hbm>>
        %dma_wait3A_1101 = arith.constant 0 : i32
        %dma_wait3A_1102 = tpu.memref_slice %arg4[%add3A_1095, %dma_wait3A_1101] : memref<409600x128xf32, #tpu.memory_space<hbm>> -> memref<8x128xf32, #tpu.memory_space<hbm>>
        %dma_wait3A_1103 = arith.constant 24 : i32
        %dma_wait3A_1104 = arith.constant 0 : i32
        %dma_wait3A_1105 = tpu.memref_slice %arg11[%dma_wait3A_1103, %dma_wait3A_1104] : memref<64x129xf32, #tpu.memory_space<vmem>> -> memref<8x128xf32, #tpu.memory_space<vmem>>
        tpu.wait_dma2 semaphore(%arg19 : memref<!tpu.dma_semaphore, #tpu.memory_space<semaphore_mem>>) src(%dma_wait3A_1105 : memref<8x128xf32, #tpu.memory_space<vmem>>) dst(%dma_wait3A_1102 : memref<8x128xf32, #tpu.memory_space<hbm>>)
        %jit3A_1106 = arith.constant 0 : i32
        %jit3A_1107 = arith.constant 199 : i32
        %max3A_1108 = arith.maxsi %jit3A_1106, %sub3A_888 : i32
        %min3A_1109 = arith.minsi %jit3A_1107, %max3A_1108 : i32
        %mul3A_1110 = arith.constant 8 : i32
        %mul3A_1111 = arith.muli %min3A_1109, %mul3A_1110 : i32
        %add3A_1112 = arith.constant 4 : i32
        %add3A_1113 = arith.addi %mul3A_1111, %add3A_1112 : i32
        %mul3A_1114 = arith.constant 256 : i32
        %mul3A_1115 = arith.muli %add3A_1113, %mul3A_1114 : i32
        %mul3A_1116 = arith.constant 8 : i32
        %mul3A_1117 = arith.muli %add3A, %mul3A_1116 : i32
        %add3A_1118 = arith.addi %mul3A_1115, %mul3A_1117 : i32
        %dma_wait3A_1119 = arith.constant 32 : i32
        %dma_wait3A_1120 = arith.constant 0 : i32
        %dma_wait3A_1121 = tpu.memref_slice %arg11[%dma_wait3A_1119, %dma_wait3A_1120] : memref<64x129xf32, #tpu.memory_space<vmem>> -> memref<8x128xf32, #tpu.memory_space<vmem>>
        %dma_wait3A_1122 = arith.constant 0 : i32
        %dma_wait3A_1123 = tpu.memref_slice %arg4[%add3A_1118, %dma_wait3A_1122] : memref<409600x128xf32, #tpu.memory_space<hbm>> -> memref<8x128xf32, #tpu.memory_space<hbm>>
        %dma_wait3A_1124 = arith.constant 0 : i32
        %dma_wait3A_1125 = tpu.memref_slice %arg4[%add3A_1118, %dma_wait3A_1124] : memref<409600x128xf32, #tpu.memory_space<hbm>> -> memref<8x128xf32, #tpu.memory_space<hbm>>
        %dma_wait3A_1126 = arith.constant 32 : i32
        %dma_wait3A_1127 = arith.constant 0 : i32
        %dma_wait3A_1128 = tpu.memref_slice %arg11[%dma_wait3A_1126, %dma_wait3A_1127] : memref<64x129xf32, #tpu.memory_space<vmem>> -> memref<8x128xf32, #tpu.memory_space<vmem>>
        tpu.wait_dma2 semaphore(%arg19 : memref<!tpu.dma_semaphore, #tpu.memory_space<semaphore_mem>>) src(%dma_wait3A_1128 : memref<8x128xf32, #tpu.memory_space<vmem>>) dst(%dma_wait3A_1125 : memref<8x128xf32, #tpu.memory_space<hbm>>)
        %jit3A_1129 = arith.constant 0 : i32
        %jit3A_1130 = arith.constant 199 : i32
        %max3A_1131 = arith.maxsi %jit3A_1129, %sub3A_888 : i32
        %min3A_1132 = arith.minsi %jit3A_1130, %max3A_1131 : i32
        %mul3A_1133 = arith.constant 8 : i32
        %mul3A_1134 = arith.muli %min3A_1132, %mul3A_1133 : i32
        %add3A_1135 = arith.constant 5 : i32
        %add3A_1136 = arith.addi %mul3A_1134, %add3A_1135 : i32
        %mul3A_1137 = arith.constant 256 : i32
        %mul3A_1138 = arith.muli %add3A_1136, %mul3A_1137 : i32
        %mul3A_1139 = arith.constant 8 : i32
        %mul3A_1140 = arith.muli %add3A, %mul3A_1139 : i32
        %add3A_1141 = arith.addi %mul3A_1138, %mul3A_1140 : i32
        %dma_wait3A_1142 = arith.constant 40 : i32
        %dma_wait3A_1143 = arith.constant 0 : i32
        %dma_wait3A_1144 = tpu.memref_slice %arg11[%dma_wait3A_1142, %dma_wait3A_1143] : memref<64x129xf32, #tpu.memory_space<vmem>> -> memref<8x128xf32, #tpu.memory_space<vmem>>
        %dma_wait3A_1145 = arith.constant 0 : i32
        %dma_wait3A_1146 = tpu.memref_slice %arg4[%add3A_1141, %dma_wait3A_1145] : memref<409600x128xf32, #tpu.memory_space<hbm>> -> memref<8x128xf32, #tpu.memory_space<hbm>>
        %dma_wait3A_1147 = arith.constant 0 : i32
        %dma_wait3A_1148 = tpu.memref_slice %arg4[%add3A_1141, %dma_wait3A_1147] : memref<409600x128xf32, #tpu.memory_space<hbm>> -> memref<8x128xf32, #tpu.memory_space<hbm>>
        %dma_wait3A_1149 = arith.constant 40 : i32
        %dma_wait3A_1150 = arith.constant 0 : i32
        %dma_wait3A_1151 = tpu.memref_slice %arg11[%dma_wait3A_1149, %dma_wait3A_1150] : memref<64x129xf32, #tpu.memory_space<vmem>> -> memref<8x128xf32, #tpu.memory_space<vmem>>
        tpu.wait_dma2 semaphore(%arg19 : memref<!tpu.dma_semaphore, #tpu.memory_space<semaphore_mem>>) src(%dma_wait3A_1151 : memref<8x128xf32, #tpu.memory_space<vmem>>) dst(%dma_wait3A_1148 : memref<8x128xf32, #tpu.memory_space<hbm>>)
        %jit3A_1152 = arith.constant 0 : i32
        %jit3A_1153 = arith.constant 199 : i32
        %max3A_1154 = arith.maxsi %jit3A_1152, %sub3A_888 : i32
        %min3A_1155 = arith.minsi %jit3A_1153, %max3A_1154 : i32
        %mul3A_1156 = arith.constant 8 : i32
        %mul3A_1157 = arith.muli %min3A_1155, %mul3A_1156 : i32
        %add3A_1158 = arith.constant 6 : i32
        %add3A_1159 = arith.addi %mul3A_1157, %add3A_1158 : i32
        %mul3A_1160 = arith.constant 256 : i32
        %mul3A_1161 = arith.muli %add3A_1159, %mul3A_1160 : i32
        %mul3A_1162 = arith.constant 8 : i32
        %mul3A_1163 = arith.muli %add3A, %mul3A_1162 : i32
        %add3A_1164 = arith.addi %mul3A_1161, %mul3A_1163 : i32
        %dma_wait3A_1165 = arith.constant 48 : i32
        %dma_wait3A_1166 = arith.constant 0 : i32
        %dma_wait3A_1167 = tpu.memref_slice %arg11[%dma_wait3A_1165, %dma_wait3A_1166] : memref<64x129xf32, #tpu.memory_space<vmem>> -> memref<8x128xf32, #tpu.memory_space<vmem>>
        %dma_wait3A_1168 = arith.constant 0 : i32
        %dma_wait3A_1169 = tpu.memref_slice %arg4[%add3A_1164, %dma_wait3A_1168] : memref<409600x128xf32, #tpu.memory_space<hbm>> -> memref<8x128xf32, #tpu.memory_space<hbm>>
        %dma_wait3A_1170 = arith.constant 0 : i32
        %dma_wait3A_1171 = tpu.memref_slice %arg4[%add3A_1164, %dma_wait3A_1170] : memref<409600x128xf32, #tpu.memory_space<hbm>> -> memref<8x128xf32, #tpu.memory_space<hbm>>
        %dma_wait3A_1172 = arith.constant 48 : i32
        %dma_wait3A_1173 = arith.constant 0 : i32
        %dma_wait3A_1174 = tpu.memref_slice %arg11[%dma_wait3A_1172, %dma_wait3A_1173] : memref<64x129xf32, #tpu.memory_space<vmem>> -> memref<8x128xf32, #tpu.memory_space<vmem>>
        tpu.wait_dma2 semaphore(%arg19 : memref<!tpu.dma_semaphore, #tpu.memory_space<semaphore_mem>>) src(%dma_wait3A_1174 : memref<8x128xf32, #tpu.memory_space<vmem>>) dst(%dma_wait3A_1171 : memref<8x128xf32, #tpu.memory_space<hbm>>)
        %jit3A_1175 = arith.constant 0 : i32
        %jit3A_1176 = arith.constant 199 : i32
        %max3A_1177 = arith.maxsi %jit3A_1175, %sub3A_888 : i32
        %min3A_1178 = arith.minsi %jit3A_1176, %max3A_1177 : i32
        %mul3A_1179 = arith.constant 8 : i32
        %mul3A_1180 = arith.muli %min3A_1178, %mul3A_1179 : i32
        %add3A_1181 = arith.constant 7 : i32
        %add3A_1182 = arith.addi %mul3A_1180, %add3A_1181 : i32
        %mul3A_1183 = arith.constant 256 : i32
        %mul3A_1184 = arith.muli %add3A_1182, %mul3A_1183 : i32
        %mul3A_1185 = arith.constant 8 : i32
        %mul3A_1186 = arith.muli %add3A, %mul3A_1185 : i32
        %add3A_1187 = arith.addi %mul3A_1184, %mul3A_1186 : i32
        %dma_wait3A_1188 = arith.constant 56 : i32
        %dma_wait3A_1189 = arith.constant 0 : i32
        %dma_wait3A_1190 = tpu.memref_slice %arg11[%dma_wait3A_1188, %dma_wait3A_1189] : memref<64x129xf32, #tpu.memory_space<vmem>> -> memref<8x128xf32, #tpu.memory_space<vmem>>
        %dma_wait3A_1191 = arith.constant 0 : i32
        %dma_wait3A_1192 = tpu.memref_slice %arg4[%add3A_1187, %dma_wait3A_1191] : memref<409600x128xf32, #tpu.memory_space<hbm>> -> memref<8x128xf32, #tpu.memory_space<hbm>>
        %dma_wait3A_1193 = arith.constant 0 : i32
        %dma_wait3A_1194 = tpu.memref_slice %arg4[%add3A_1187, %dma_wait3A_1193] : memref<409600x128xf32, #tpu.memory_space<hbm>> -> memref<8x128xf32, #tpu.memory_space<hbm>>
        %dma_wait3A_1195 = arith.constant 56 : i32
        %dma_wait3A_1196 = arith.constant 0 : i32
        %dma_wait3A_1197 = tpu.memref_slice %arg11[%dma_wait3A_1195, %dma_wait3A_1196] : memref<64x129xf32, #tpu.memory_space<vmem>> -> memref<8x128xf32, #tpu.memory_space<vmem>>
        tpu.wait_dma2 semaphore(%arg19 : memref<!tpu.dma_semaphore, #tpu.memory_space<semaphore_mem>>) src(%dma_wait3A_1197 : memref<8x128xf32, #tpu.memory_space<vmem>>) dst(%dma_wait3A_1194 : memref<8x128xf32, #tpu.memory_space<hbm>>)
      } else {
      }
      %ge3A_897 = arith.constant 0 : i32
      %ge3A_898 = arith.cmpi sge, %add3A_866, %ge3A_897 : i32
      %lt3A_899 = arith.constant 200 : i32
      %lt3A_900 = arith.cmpi slt, %add3A_866, %lt3A_899 : i32
      %and3A_901 = arith.andi %ge3A_898, %lt3A_900 : i1
      %convert_element_type3A_902 = arith.extui %and3A_901 : i1 to i32
      %cond3A_903 = arith.constant 0 : i32
      %cond3A_904 = arith.cmpi ne, %convert_element_type3A_902, %cond3A_903 : i32
      scf.if %cond3A_904 {
        %parallel_loop3A = arith.constant 0 : i32
        %parallel_loop3A_1014 = arith.constant 128 : i32
        %parallel_loop3A_1015 = arith.constant 1 : i32
        scf.for %parallel_loop3A_1016 = %parallel_loop3A to %parallel_loop3A_1014 step %parallel_loop3A_1015  : i32 {
          %parallel_loop3A_1017 = arith.constant 0 : i32
          %parallel_loop3A_1018 = vector.broadcast %parallel_loop3A_1017 : i32 to vector<16xi32>
          %parallel_loop3A_1019 = arith.muli %iota3A, %parallel_loop3A_1018 : vector<16xi32>
          %parallel_loop3A_1020 = vector.broadcast %parallel_loop3A_1016 : i32 to vector<16xi32>
          %parallel_loop3A_1021 = arith.addi %parallel_loop3A_1019, %parallel_loop3A_1020 : vector<16xi32>
          %parallel_loop3A_1022 = arith.index_cast %parallel_loop3A_1016 : i32 to index
          %parallel_loop3A_1023 = arith.constant 0 : index
          %parallel_loop3A_1024 = tpu.vector_load %arg7[%parallel_loop3A_1022, %parallel_loop3A_1023] {strides = array<i32>} : memref<128x64xf32, #tpu.memory_space<vmem>>, vector<16xf32>,
          tpu.vector_store_idx %arg11[%add3A_5, %parallel_loop3A_1021], %parallel_loop3A_1024 : memref<64x129xf32, #tpu.memory_space<vmem>>[vector<16xi32>, vector<16xi32>], vector<16xf32>,
          %parallel_loop3A_1025 = arith.index_cast %parallel_loop3A_1016 : i32 to index
          %parallel_loop3A_1026 = arith.constant 16 : index
          %parallel_loop3A_1027 = tpu.vector_load %arg7[%parallel_loop3A_1025, %parallel_loop3A_1026] {strides = array<i32>} : memref<128x64xf32, #tpu.memory_space<vmem>>, vector<16xf32>,
          tpu.vector_store_idx %arg11[%add3A_8, %parallel_loop3A_1021], %parallel_loop3A_1027 : memref<64x129xf32, #tpu.memory_space<vmem>>[vector<16xi32>, vector<16xi32>], vector<16xf32>,
          %parallel_loop3A_1028 = arith.index_cast %parallel_loop3A_1016 : i32 to index
          %parallel_loop3A_1029 = arith.constant 32 : index
          %parallel_loop3A_1030 = tpu.vector_load %arg7[%parallel_loop3A_1028, %parallel_loop3A_1029] {strides = array<i32>} : memref<128x64xf32, #tpu.memory_space<vmem>>, vector<16xf32>,
          tpu.vector_store_idx %arg11[%add3A_11, %parallel_loop3A_1021], %parallel_loop3A_1030 : memref<64x129xf32, #tpu.memory_space<vmem>>[vector<16xi32>, vector<16xi32>], vector<16xf32>,
          %parallel_loop3A_1031 = arith.index_cast %parallel_loop3A_1016 : i32 to index
          %parallel_loop3A_1032 = arith.constant 48 : index
          %parallel_loop3A_1033 = tpu.vector_load %arg7[%parallel_loop3A_1031, %parallel_loop3A_1032] {strides = array<i32>} : memref<128x64xf32, #tpu.memory_space<vmem>>, vector<16xf32>,
          tpu.vector_store_idx %arg11[%add3A_14, %parallel_loop3A_1021], %parallel_loop3A_1033 : memref<64x129xf32, #tpu.memory_space<vmem>>[vector<16xi32>, vector<16xi32>], vector<16xf32>,
        } {sc.loop_unroll_factor = 8 : i64, sc.parallel_access}
      } else {
      }
      %ge3A_905 = arith.constant 0 : i32
      %ge3A_906 = arith.cmpi sge, %add3A_866, %ge3A_905 : i32
      %lt3A_907 = arith.constant 200 : i32
      %lt3A_908 = arith.cmpi slt, %add3A_866, %lt3A_907 : i32
      %and3A_909 = arith.andi %ge3A_906, %lt3A_908 : i1
      %convert_element_type3A_910 = arith.extui %and3A_909 : i1 to i32
      %cond3A_911 = arith.constant 0 : i32
      %cond3A_912 = arith.cmpi ne, %convert_element_type3A_910, %cond3A_911 : i32
      scf.if %cond3A_912 {
        %jit3A_1014 = arith.constant 0 : i32
        %jit3A_1015 = arith.constant 199 : i32
        %max3A_1016 = arith.maxsi %jit3A_1014, %add3A_866 : i32
        %min3A_1017 = arith.minsi %jit3A_1015, %max3A_1016 : i32
        %mul3A_1018 = arith.constant 8 : i32
        %mul3A_1019 = arith.muli %min3A_1017, %mul3A_1018 : i32
        %add3A_1020 = arith.constant 0 : i32
        %add3A_1021 = arith.addi %mul3A_1019, %add3A_1020 : i32
        %mul3A_1022 = arith.constant 256 : i32
        %mul3A_1023 = arith.muli %add3A_1021, %mul3A_1022 : i32
        %mul3A_1024 = arith.constant 8 : i32
        %mul3A_1025 = arith.muli %add3A, %mul3A_1024 : i32
        %add3A_1026 = arith.addi %mul3A_1023, %mul3A_1025 : i32
        %dma_start3A_1027 = arith.constant 0 : i32
        %dma_start3A_1028 = arith.constant 0 : i32
        %dma_start3A_1029 = tpu.memref_slice %arg11[%dma_start3A_1027, %dma_start3A_1028] : memref<64x129xf32, #tpu.memory_space<vmem>> -> memref<8x128xf32, #tpu.memory_space<vmem>>
        %dma_start3A_1030 = arith.constant 0 : i32
        %dma_start3A_1031 = tpu.memref_slice %arg4[%add3A_1026, %dma_start3A_1030] : memref<409600x128xf32, #tpu.memory_space<hbm>> -> memref<8x128xf32, #tpu.memory_space<hbm>>
        %dma_start3A_1032 = arith.constant 0 : i32
        %dma_start3A_1033 = tpu.memref_slice %arg4[%add3A_1026, %dma_start3A_1032] : memref<409600x128xf32, #tpu.memory_space<hbm>> -> memref<8x128xf32, #tpu.memory_space<hbm>>
        %dma_start3A_1034 = arith.constant 0 : i32
        %dma_start3A_1035 = arith.constant 0 : i32
        %dma_start3A_1036 = tpu.memref_slice %arg11[%dma_start3A_1034, %dma_start3A_1035] : memref<64x129xf32, #tpu.memory_space<vmem>> -> memref<8x128xf32, #tpu.memory_space<vmem>>
        tpu.enqueue_dma source(%dma_start3A_1036 : memref<8x128xf32, #tpu.memory_space<vmem>>) target(%dma_start3A_1033 : memref<8x128xf32, #tpu.memory_space<hbm>>) target_semaphore(%arg19 : memref<!tpu.dma_semaphore, #tpu.memory_space<semaphore_mem>>)
        %jit3A_1037 = arith.constant 0 : i32
        %jit3A_1038 = arith.constant 199 : i32
        %max3A_1039 = arith.maxsi %jit3A_1037, %add3A_866 : i32
        %min3A_1040 = arith.minsi %jit3A_1038, %max3A_1039 : i32
        %mul3A_1041 = arith.constant 8 : i32
        %mul3A_1042 = arith.muli %min3A_1040, %mul3A_1041 : i32
        %add3A_1043 = arith.constant 1 : i32
        %add3A_1044 = arith.addi %mul3A_1042, %add3A_1043 : i32
        %mul3A_1045 = arith.constant 256 : i32
        %mul3A_1046 = arith.muli %add3A_1044, %mul3A_1045 : i32
        %mul3A_1047 = arith.constant 8 : i32
        %mul3A_1048 = arith.muli %add3A, %mul3A_1047 : i32
        %add3A_1049 = arith.addi %mul3A_1046, %mul3A_1048 : i32
        %dma_start3A_1050 = arith.constant 8 : i32
        %dma_start3A_1051 = arith.constant 0 : i32
        %dma_start3A_1052 = tpu.memref_slice %arg11[%dma_start3A_1050, %dma_start3A_1051] : memref<64x129xf32, #tpu.memory_space<vmem>> -> memref<8x128xf32, #tpu.memory_space<vmem>>
        %dma_start3A_1053 = arith.constant 0 : i32
        %dma_start3A_1054 = tpu.memref_slice %arg4[%add3A_1049, %dma_start3A_1053] : memref<409600x128xf32, #tpu.memory_space<hbm>> -> memref<8x128xf32, #tpu.memory_space<hbm>>
        %dma_start3A_1055 = arith.constant 0 : i32
        %dma_start3A_1056 = tpu.memref_slice %arg4[%add3A_1049, %dma_start3A_1055] : memref<409600x128xf32, #tpu.memory_space<hbm>> -> memref<8x128xf32, #tpu.memory_space<hbm>>
        %dma_start3A_1057 = arith.constant 8 : i32
        %dma_start3A_1058 = arith.constant 0 : i32
        %dma_start3A_1059 = tpu.memref_slice %arg11[%dma_start3A_1057, %dma_start3A_1058] : memref<64x129xf32, #tpu.memory_space<vmem>> -> memref<8x128xf32, #tpu.memory_space<vmem>>
        tpu.enqueue_dma source(%dma_start3A_1059 : memref<8x128xf32, #tpu.memory_space<vmem>>) target(%dma_start3A_1056 : memref<8x128xf32, #tpu.memory_space<hbm>>) target_semaphore(%arg19 : memref<!tpu.dma_semaphore, #tpu.memory_space<semaphore_mem>>)
        %jit3A_1060 = arith.constant 0 : i32
        %jit3A_1061 = arith.constant 199 : i32
        %max3A_1062 = arith.maxsi %jit3A_1060, %add3A_866 : i32
        %min3A_1063 = arith.minsi %jit3A_1061, %max3A_1062 : i32
        %mul3A_1064 = arith.constant 8 : i32
        %mul3A_1065 = arith.muli %min3A_1063, %mul3A_1064 : i32
        %add3A_1066 = arith.constant 2 : i32
        %add3A_1067 = arith.addi %mul3A_1065, %add3A_1066 : i32
        %mul3A_1068 = arith.constant 256 : i32
        %mul3A_1069 = arith.muli %add3A_1067, %mul3A_1068 : i32
        %mul3A_1070 = arith.constant 8 : i32
        %mul3A_1071 = arith.muli %add3A, %mul3A_1070 : i32
        %add3A_1072 = arith.addi %mul3A_1069, %mul3A_1071 : i32
        %dma_start3A_1073 = arith.constant 16 : i32
        %dma_start3A_1074 = arith.constant 0 : i32
        %dma_start3A_1075 = tpu.memref_slice %arg11[%dma_start3A_1073, %dma_start3A_1074] : memref<64x129xf32, #tpu.memory_space<vmem>> -> memref<8x128xf32, #tpu.memory_space<vmem>>
        %dma_start3A_1076 = arith.constant 0 : i32
        %dma_start3A_1077 = tpu.memref_slice %arg4[%add3A_1072, %dma_start3A_1076] : memref<409600x128xf32, #tpu.memory_space<hbm>> -> memref<8x128xf32, #tpu.memory_space<hbm>>
        %dma_start3A_1078 = arith.constant 0 : i32
        %dma_start3A_1079 = tpu.memref_slice %arg4[%add3A_1072, %dma_start3A_1078] : memref<409600x128xf32, #tpu.memory_space<hbm>> -> memref<8x128xf32, #tpu.memory_space<hbm>>
        %dma_start3A_1080 = arith.constant 16 : i32
        %dma_start3A_1081 = arith.constant 0 : i32
        %dma_start3A_1082 = tpu.memref_slice %arg11[%dma_start3A_1080, %dma_start3A_1081] : memref<64x129xf32, #tpu.memory_space<vmem>> -> memref<8x128xf32, #tpu.memory_space<vmem>>
        tpu.enqueue_dma source(%dma_start3A_1082 : memref<8x128xf32, #tpu.memory_space<vmem>>) target(%dma_start3A_1079 : memref<8x128xf32, #tpu.memory_space<hbm>>) target_semaphore(%arg19 : memref<!tpu.dma_semaphore, #tpu.memory_space<semaphore_mem>>)
        %jit3A_1083 = arith.constant 0 : i32
        %jit3A_1084 = arith.constant 199 : i32
        %max3A_1085 = arith.maxsi %jit3A_1083, %add3A_866 : i32
        %min3A_1086 = arith.minsi %jit3A_1084, %max3A_1085 : i32
        %mul3A_1087 = arith.constant 8 : i32
        %mul3A_1088 = arith.muli %min3A_1086, %mul3A_1087 : i32
        %add3A_1089 = arith.constant 3 : i32
        %add3A_1090 = arith.addi %mul3A_1088, %add3A_1089 : i32
        %mul3A_1091 = arith.constant 256 : i32
        %mul3A_1092 = arith.muli %add3A_1090, %mul3A_1091 : i32
        %mul3A_1093 = arith.constant 8 : i32
        %mul3A_1094 = arith.muli %add3A, %mul3A_1093 : i32
        %add3A_1095 = arith.addi %mul3A_1092, %mul3A_1094 : i32
        %dma_start3A_1096 = arith.constant 24 : i32
        %dma_start3A_1097 = arith.constant 0 : i32
        %dma_start3A_1098 = tpu.memref_slice %arg11[%dma_start3A_1096, %dma_start3A_1097] : memref<64x129xf32, #tpu.memory_space<vmem>> -> memref<8x128xf32, #tpu.memory_space<vmem>>
        %dma_start3A_1099 = arith.constant 0 : i32
        %dma_start3A_1100 = tpu.memref_slice %arg4[%add3A_1095, %dma_start3A_1099] : memref<409600x128xf32, #tpu.memory_space<hbm>> -> memref<8x128xf32, #tpu.memory_space<hbm>>
        %dma_start3A_1101 = arith.constant 0 : i32
        %dma_start3A_1102 = tpu.memref_slice %arg4[%add3A_1095, %dma_start3A_1101] : memref<409600x128xf32, #tpu.memory_space<hbm>> -> memref<8x128xf32, #tpu.memory_space<hbm>>
        %dma_start3A_1103 = arith.constant 24 : i32
        %dma_start3A_1104 = arith.constant 0 : i32
        %dma_start3A_1105 = tpu.memref_slice %arg11[%dma_start3A_1103, %dma_start3A_1104] : memref<64x129xf32, #tpu.memory_space<vmem>> -> memref<8x128xf32, #tpu.memory_space<vmem>>
        tpu.enqueue_dma source(%dma_start3A_1105 : memref<8x128xf32, #tpu.memory_space<vmem>>) target(%dma_start3A_1102 : memref<8x128xf32, #tpu.memory_space<hbm>>) target_semaphore(%arg19 : memref<!tpu.dma_semaphore, #tpu.memory_space<semaphore_mem>>)
        %jit3A_1106 = arith.constant 0 : i32
        %jit3A_1107 = arith.constant 199 : i32
        %max3A_1108 = arith.maxsi %jit3A_1106, %add3A_866 : i32
        %min3A_1109 = arith.minsi %jit3A_1107, %max3A_1108 : i32
        %mul3A_1110 = arith.constant 8 : i32
        %mul3A_1111 = arith.muli %min3A_1109, %mul3A_1110 : i32
        %add3A_1112 = arith.constant 4 : i32
        %add3A_1113 = arith.addi %mul3A_1111, %add3A_1112 : i32
        %mul3A_1114 = arith.constant 256 : i32
        %mul3A_1115 = arith.muli %add3A_1113, %mul3A_1114 : i32
        %mul3A_1116 = arith.constant 8 : i32
        %mul3A_1117 = arith.muli %add3A, %mul3A_1116 : i32
        %add3A_1118 = arith.addi %mul3A_1115, %mul3A_1117 : i32
        %dma_start3A_1119 = arith.constant 32 : i32
        %dma_start3A_1120 = arith.constant 0 : i32
        %dma_start3A_1121 = tpu.memref_slice %arg11[%dma_start3A_1119, %dma_start3A_1120] : memref<64x129xf32, #tpu.memory_space<vmem>> -> memref<8x128xf32, #tpu.memory_space<vmem>>
        %dma_start3A_1122 = arith.constant 0 : i32
        %dma_start3A_1123 = tpu.memref_slice %arg4[%add3A_1118, %dma_start3A_1122] : memref<409600x128xf32, #tpu.memory_space<hbm>> -> memref<8x128xf32, #tpu.memory_space<hbm>>
        %dma_start3A_1124 = arith.constant 0 : i32
        %dma_start3A_1125 = tpu.memref_slice %arg4[%add3A_1118, %dma_start3A_1124] : memref<409600x128xf32, #tpu.memory_space<hbm>> -> memref<8x128xf32, #tpu.memory_space<hbm>>
        %dma_start3A_1126 = arith.constant 32 : i32
        %dma_start3A_1127 = arith.constant 0 : i32
        %dma_start3A_1128 = tpu.memref_slice %arg11[%dma_start3A_1126, %dma_start3A_1127] : memref<64x129xf32, #tpu.memory_space<vmem>> -> memref<8x128xf32, #tpu.memory_space<vmem>>
        tpu.enqueue_dma source(%dma_start3A_1128 : memref<8x128xf32, #tpu.memory_space<vmem>>) target(%dma_start3A_1125 : memref<8x128xf32, #tpu.memory_space<hbm>>) target_semaphore(%arg19 : memref<!tpu.dma_semaphore, #tpu.memory_space<semaphore_mem>>)
        %jit3A_1129 = arith.constant 0 : i32
        %jit3A_1130 = arith.constant 199 : i32
        %max3A_1131 = arith.maxsi %jit3A_1129, %add3A_866 : i32
        %min3A_1132 = arith.minsi %jit3A_1130, %max3A_1131 : i32
        %mul3A_1133 = arith.constant 8 : i32
        %mul3A_1134 = arith.muli %min3A_1132, %mul3A_1133 : i32
        %add3A_1135 = arith.constant 5 : i32
        %add3A_1136 = arith.addi %mul3A_1134, %add3A_1135 : i32
        %mul3A_1137 = arith.constant 256 : i32
        %mul3A_1138 = arith.muli %add3A_1136, %mul3A_1137 : i32
        %mul3A_1139 = arith.constant 8 : i32
        %mul3A_1140 = arith.muli %add3A, %mul3A_1139 : i32
        %add3A_1141 = arith.addi %mul3A_1138, %mul3A_1140 : i32
        %dma_start3A_1142 = arith.constant 40 : i32
        %dma_start3A_1143 = arith.constant 0 : i32
        %dma_start3A_1144 = tpu.memref_slice %arg11[%dma_start3A_1142, %dma_start3A_1143] : memref<64x129xf32, #tpu.memory_space<vmem>> -> memref<8x128xf32, #tpu.memory_space<vmem>>
        %dma_start3A_1145 = arith.constant 0 : i32
        %dma_start3A_1146 = tpu.memref_slice %arg4[%add3A_1141, %dma_start3A_1145] : memref<409600x128xf32, #tpu.memory_space<hbm>> -> memref<8x128xf32, #tpu.memory_space<hbm>>
        %dma_start3A_1147 = arith.constant 0 : i32
        %dma_start3A_1148 = tpu.memref_slice %arg4[%add3A_1141, %dma_start3A_1147] : memref<409600x128xf32, #tpu.memory_space<hbm>> -> memref<8x128xf32, #tpu.memory_space<hbm>>
        %dma_start3A_1149 = arith.constant 40 : i32
        %dma_start3A_1150 = arith.constant 0 : i32
        %dma_start3A_1151 = tpu.memref_slice %arg11[%dma_start3A_1149, %dma_start3A_1150] : memref<64x129xf32, #tpu.memory_space<vmem>> -> memref<8x128xf32, #tpu.memory_space<vmem>>
        tpu.enqueue_dma source(%dma_start3A_1151 : memref<8x128xf32, #tpu.memory_space<vmem>>) target(%dma_start3A_1148 : memref<8x128xf32, #tpu.memory_space<hbm>>) target_semaphore(%arg19 : memref<!tpu.dma_semaphore, #tpu.memory_space<semaphore_mem>>)
        %jit3A_1152 = arith.constant 0 : i32
        %jit3A_1153 = arith.constant 199 : i32
        %max3A_1154 = arith.maxsi %jit3A_1152, %add3A_866 : i32
        %min3A_1155 = arith.minsi %jit3A_1153, %max3A_1154 : i32
        %mul3A_1156 = arith.constant 8 : i32
        %mul3A_1157 = arith.muli %min3A_1155, %mul3A_1156 : i32
        %add3A_1158 = arith.constant 6 : i32
        %add3A_1159 = arith.addi %mul3A_1157, %add3A_1158 : i32
        %mul3A_1160 = arith.constant 256 : i32
        %mul3A_1161 = arith.muli %add3A_1159, %mul3A_1160 : i32
        %mul3A_1162 = arith.constant 8 : i32
        %mul3A_1163 = arith.muli %add3A, %mul3A_1162 : i32
        %add3A_1164 = arith.addi %mul3A_1161, %mul3A_1163 : i32
        %dma_start3A_1165 = arith.constant 48 : i32
        %dma_start3A_1166 = arith.constant 0 : i32
        %dma_start3A_1167 = tpu.memref_slice %arg11[%dma_start3A_1165, %dma_start3A_1166] : memref<64x129xf32, #tpu.memory_space<vmem>> -> memref<8x128xf32, #tpu.memory_space<vmem>>
        %dma_start3A_1168 = arith.constant 0 : i32
        %dma_start3A_1169 = tpu.memref_slice %arg4[%add3A_1164, %dma_start3A_1168] : memref<409600x128xf32, #tpu.memory_space<hbm>> -> memref<8x128xf32, #tpu.memory_space<hbm>>
        %dma_start3A_1170 = arith.constant 0 : i32
        %dma_start3A_1171 = tpu.memref_slice %arg4[%add3A_1164, %dma_start3A_1170] : memref<409600x128xf32, #tpu.memory_space<hbm>> -> memref<8x128xf32, #tpu.memory_space<hbm>>
        %dma_start3A_1172 = arith.constant 48 : i32
        %dma_start3A_1173 = arith.constant 0 : i32
        %dma_start3A_1174 = tpu.memref_slice %arg11[%dma_start3A_1172, %dma_start3A_1173] : memref<64x129xf32, #tpu.memory_space<vmem>> -> memref<8x128xf32, #tpu.memory_space<vmem>>
        tpu.enqueue_dma source(%dma_start3A_1174 : memref<8x128xf32, #tpu.memory_space<vmem>>) target(%dma_start3A_1171 : memref<8x128xf32, #tpu.memory_space<hbm>>) target_semaphore(%arg19 : memref<!tpu.dma_semaphore, #tpu.memory_space<semaphore_mem>>)
        %jit3A_1175 = arith.constant 0 : i32
        %jit3A_1176 = arith.constant 199 : i32
        %max3A_1177 = arith.maxsi %jit3A_1175, %add3A_866 : i32
        %min3A_1178 = arith.minsi %jit3A_1176, %max3A_1177 : i32
        %mul3A_1179 = arith.constant 8 : i32
        %mul3A_1180 = arith.muli %min3A_1178, %mul3A_1179 : i32
        %add3A_1181 = arith.constant 7 : i32
        %add3A_1182 = arith.addi %mul3A_1180, %add3A_1181 : i32
        %mul3A_1183 = arith.constant 256 : i32
        %mul3A_1184 = arith.muli %add3A_1182, %mul3A_1183 : i32
        %mul3A_1185 = arith.constant 8 : i32
        %mul3A_1186 = arith.muli %add3A, %mul3A_1185 : i32
        %add3A_1187 = arith.addi %mul3A_1184, %mul3A_1186 : i32
        %dma_start3A_1188 = arith.constant 56 : i32
        %dma_start3A_1189 = arith.constant 0 : i32
        %dma_start3A_1190 = tpu.memref_slice %arg11[%dma_start3A_1188, %dma_start3A_1189] : memref<64x129xf32, #tpu.memory_space<vmem>> -> memref<8x128xf32, #tpu.memory_space<vmem>>
        %dma_start3A_1191 = arith.constant 0 : i32
        %dma_start3A_1192 = tpu.memref_slice %arg4[%add3A_1187, %dma_start3A_1191] : memref<409600x128xf32, #tpu.memory_space<hbm>> -> memref<8x128xf32, #tpu.memory_space<hbm>>
        %dma_start3A_1193 = arith.constant 0 : i32
        %dma_start3A_1194 = tpu.memref_slice %arg4[%add3A_1187, %dma_start3A_1193] : memref<409600x128xf32, #tpu.memory_space<hbm>> -> memref<8x128xf32, #tpu.memory_space<hbm>>
        %dma_start3A_1195 = arith.constant 56 : i32
        %dma_start3A_1196 = arith.constant 0 : i32
        %dma_start3A_1197 = tpu.memref_slice %arg11[%dma_start3A_1195, %dma_start3A_1196] : memref<64x129xf32, #tpu.memory_space<vmem>> -> memref<8x128xf32, #tpu.memory_space<vmem>>
        tpu.enqueue_dma source(%dma_start3A_1197 : memref<8x128xf32, #tpu.memory_space<vmem>>) target(%dma_start3A_1194 : memref<8x128xf32, #tpu.memory_space<hbm>>) target_semaphore(%arg19 : memref<!tpu.dma_semaphore, #tpu.memory_space<semaphore_mem>>)
      } else {
      }
      %mul3A_913 = arith.constant 4 : i32
      %mul3A_914 = arith.muli %mul3A_913, %scan3A_817 : i32
      %add3A_915 = arith.constant 2 : i32
      %add3A_916 = arith.addi %mul3A_914, %add3A_915 : i32
      %ge3A_917 = arith.constant 0 : i32
      %ge3A_918 = arith.cmpi sge, %add3A_916, %ge3A_917 : i32
      %lt3A_919 = arith.constant 200 : i32
      %lt3A_920 = arith.cmpi slt, %add3A_916, %lt3A_919 : i32
      %and3A_921 = arith.andi %ge3A_918, %lt3A_920 : i1
      %convert_element_type3A_922 = arith.extui %and3A_921 : i1 to i32
      %cond3A_923 = arith.constant 0 : i32
      %cond3A_924 = arith.cmpi ne, %convert_element_type3A_922, %cond3A_923 : i32
      scf.if %cond3A_924 {
        %jit3A_1014 = arith.constant 0 : i32
        %jit3A_1015 = arith.constant 199 : i32
        %max3A_1016 = arith.maxsi %jit3A_1014, %add3A_916 : i32
        %min3A_1017 = arith.minsi %jit3A_1015, %max3A_1016 : i32
        %dma_wait3A_1018 = arith.constant 0 : i32
        %dma_wait3A_1019 = tpu.memref_slice %arg5[%min3A_1017, %dma_wait3A_1018] : memref<200x128xi32, #tpu.memory_space<vmem>> -> memref<1x128xi32, #tpu.memory_space<vmem>>
        %dma_wait3A_1020 = tpu.memref_squeeze %dma_wait3A_1019 : memref<1x128xi32, #tpu.memory_space<vmem>> -> memref<128xi32, #tpu.memory_space<vmem>>
        %dma_wait3A_1021 = arith.constant 0 : i32
        %dma_wait3A_1022 = arith.constant 0 : i32
        %dma_wait3A_1023 = tpu.memref_slice %arg3[%dma_wait3A_1021, %dma_wait3A_1022] : memref<1000000x64xf32, #tpu.memory_space<hbm>> -> memref<1000000x64xf32, #tpu.memory_space<hbm>>
        tpu.wait_indirect_dma semaphore(%arg16 : memref<!tpu.dma_semaphore, #tpu.memory_space<semaphore_mem>>) src(%dma_wait3A_1023 : memref<1000000x64xf32, #tpu.memory_space<hbm>>) dst(%arg8 : memref<128x64xf32, #tpu.memory_space<vmem>>)
      } else {
      }
      %add3A_925 = arith.constant 4 : i32
      %add3A_926 = arith.addi %add3A_916, %add3A_925 : i32
      %sub3A_927 = arith.constant 1 : i32
      %sub3A_928 = arith.subi %add3A_926, %sub3A_927 : i32
      %ge3A_929 = arith.constant 0 : i32
      %ge3A_930 = arith.cmpi sge, %sub3A_928, %ge3A_929 : i32
      %lt3A_931 = arith.constant 200 : i32
      %lt3A_932 = arith.cmpi slt, %sub3A_928, %lt3A_931 : i32
      %and3A_933 = arith.andi %ge3A_930, %lt3A_932 : i1
      %convert_element_type3A_934 = arith.extui %and3A_933 : i1 to i32
      %cond3A_935 = arith.constant 0 : i32
      %cond3A_936 = arith.cmpi ne, %convert_element_type3A_934, %cond3A_935 : i32
      scf.if %cond3A_936 {
        %jit3A_1014 = arith.constant 0 : i32
        %jit3A_1015 = arith.constant 199 : i32
        %max3A_1016 = arith.maxsi %jit3A_1014, %sub3A_928 : i32
        %min3A_1017 = arith.minsi %jit3A_1015, %max3A_1016 : i32
        %dma_start3A_1018 = arith.constant 0 : i32
        %dma_start3A_1019 = tpu.memref_slice %arg5[%min3A_1017, %dma_start3A_1018] : memref<200x128xi32, #tpu.memory_space<vmem>> -> memref<1x128xi32, #tpu.memory_space<vmem>>
        %dma_start3A_1020 = tpu.memref_squeeze %dma_start3A_1019 : memref<1x128xi32, #tpu.memory_space<vmem>> -> memref<128xi32, #tpu.memory_space<vmem>>
        %dma_start3A_1021 = arith.constant 0 : i32
        %dma_start3A_1022 = arith.constant 0 : i32
        %dma_start3A_1023 = tpu.memref_slice %arg3[%dma_start3A_1021, %dma_start3A_1022] : memref<1000000x64xf32, #tpu.memory_space<hbm>> -> memref<1000000x64xf32, #tpu.memory_space<hbm>>
        tpu.enqueue_indirect_dma source(%dma_start3A_1023 : memref<1000000x64xf32, #tpu.memory_space<hbm>>) target(%arg7 : memref<128x64xf32, #tpu.memory_space<vmem>>) offsets(%dma_start3A_1020 : memref<128xi32, #tpu.memory_space<vmem>>) semaphore(%arg15 : memref<!tpu.dma_semaphore, #tpu.memory_space<semaphore_mem>>)
      } else {
      }
      %sub3A_937 = arith.constant 4 : i32
      %sub3A_938 = arith.subi %add3A_916, %sub3A_937 : i32
      %ge3A_939 = arith.constant 0 : i32
      %ge3A_940 = arith.cmpi sge, %sub3A_938, %ge3A_939 : i32
      %lt3A_941 = arith.constant 200 : i32
      %lt3A_942 = arith.cmpi slt, %sub3A_938, %lt3A_941 : i32
      %and3A_943 = arith.andi %ge3A_940, %lt3A_942 : i1
      %convert_element_type3A_944 = arith.extui %and3A_943 : i1 to i32
      %cond3A_945 = arith.constant 0 : i32
      %cond3A_946 = arith.cmpi ne, %convert_element_type3A_944, %cond3A_945 : i32
      scf.if %cond3A_946 {
        %jit3A_1014 = arith.constant 0 : i32
        %jit3A_1015 = arith.constant 199 : i32
        %max3A_1016 = arith.maxsi %jit3A_1014, %sub3A_938 : i32
        %min3A_1017 = arith.minsi %jit3A_1015, %max3A_1016 : i32
        %mul3A_1018 = arith.constant 8 : i32
        %mul3A_1019 = arith.muli %min3A_1017, %mul3A_1018 : i32
        %add3A_1020 = arith.constant 0 : i32
        %add3A_1021 = arith.addi %mul3A_1019, %add3A_1020 : i32
        %mul3A_1022 = arith.constant 256 : i32
        %mul3A_1023 = arith.muli %add3A_1021, %mul3A_1022 : i32
        %mul3A_1024 = arith.constant 8 : i32
        %mul3A_1025 = arith.muli %add3A, %mul3A_1024 : i32
        %add3A_1026 = arith.addi %mul3A_1023, %mul3A_1025 : i32
        %dma_wait3A_1027 = arith.constant 0 : i32
        %dma_wait3A_1028 = arith.constant 0 : i32
        %dma_wait3A_1029 = tpu.memref_slice %arg12[%dma_wait3A_1027, %dma_wait3A_1028] : memref<64x129xf32, #tpu.memory_space<vmem>> -> memref<8x128xf32, #tpu.memory_space<vmem>>
        %dma_wait3A_1030 = arith.constant 0 : i32
        %dma_wait3A_1031 = tpu.memref_slice %arg4[%add3A_1026, %dma_wait3A_1030] : memref<409600x128xf32, #tpu.memory_space<hbm>> -> memref<8x128xf32, #tpu.memory_space<hbm>>
        %dma_wait3A_1032 = arith.constant 0 : i32
        %dma_wait3A_1033 = tpu.memref_slice %arg4[%add3A_1026, %dma_wait3A_1032] : memref<409600x128xf32, #tpu.memory_space<hbm>> -> memref<8x128xf32, #tpu.memory_space<hbm>>
        %dma_wait3A_1034 = arith.constant 0 : i32
        %dma_wait3A_1035 = arith.constant 0 : i32
        %dma_wait3A_1036 = tpu.memref_slice %arg12[%dma_wait3A_1034, %dma_wait3A_1035] : memref<64x129xf32, #tpu.memory_space<vmem>> -> memref<8x128xf32, #tpu.memory_space<vmem>>
        tpu.wait_dma2 semaphore(%arg20 : memref<!tpu.dma_semaphore, #tpu.memory_space<semaphore_mem>>) src(%dma_wait3A_1036 : memref<8x128xf32, #tpu.memory_space<vmem>>) dst(%dma_wait3A_1033 : memref<8x128xf32, #tpu.memory_space<hbm>>)
        %jit3A_1037 = arith.constant 0 : i32
        %jit3A_1038 = arith.constant 199 : i32
        %max3A_1039 = arith.maxsi %jit3A_1037, %sub3A_938 : i32
        %min3A_1040 = arith.minsi %jit3A_1038, %max3A_1039 : i32
        %mul3A_1041 = arith.constant 8 : i32
        %mul3A_1042 = arith.muli %min3A_1040, %mul3A_1041 : i32
        %add3A_1043 = arith.constant 1 : i32
        %add3A_1044 = arith.addi %mul3A_1042, %add3A_1043 : i32
        %mul3A_1045 = arith.constant 256 : i32
        %mul3A_1046 = arith.muli %add3A_1044, %mul3A_1045 : i32
        %mul3A_1047 = arith.constant 8 : i32
        %mul3A_1048 = arith.muli %add3A, %mul3A_1047 : i32
        %add3A_1049 = arith.addi %mul3A_1046, %mul3A_1048 : i32
        %dma_wait3A_1050 = arith.constant 8 : i32
        %dma_wait3A_1051 = arith.constant 0 : i32
        %dma_wait3A_1052 = tpu.memref_slice %arg12[%dma_wait3A_1050, %dma_wait3A_1051] : memref<64x129xf32, #tpu.memory_space<vmem>> -> memref<8x128xf32, #tpu.memory_space<vmem>>
        %dma_wait3A_1053 = arith.constant 0 : i32
        %dma_wait3A_1054 = tpu.memref_slice %arg4[%add3A_1049, %dma_wait3A_1053] : memref<409600x128xf32, #tpu.memory_space<hbm>> -> memref<8x128xf32, #tpu.memory_space<hbm>>
        %dma_wait3A_1055 = arith.constant 0 : i32
        %dma_wait3A_1056 = tpu.memref_slice %arg4[%add3A_1049, %dma_wait3A_1055] : memref<409600x128xf32, #tpu.memory_space<hbm>> -> memref<8x128xf32, #tpu.memory_space<hbm>>
        %dma_wait3A_1057 = arith.constant 8 : i32
        %dma_wait3A_1058 = arith.constant 0 : i32
        %dma_wait3A_1059 = tpu.memref_slice %arg12[%dma_wait3A_1057, %dma_wait3A_1058] : memref<64x129xf32, #tpu.memory_space<vmem>> -> memref<8x128xf32, #tpu.memory_space<vmem>>
        tpu.wait_dma2 semaphore(%arg20 : memref<!tpu.dma_semaphore, #tpu.memory_space<semaphore_mem>>) src(%dma_wait3A_1059 : memref<8x128xf32, #tpu.memory_space<vmem>>) dst(%dma_wait3A_1056 : memref<8x128xf32, #tpu.memory_space<hbm>>)
        %jit3A_1060 = arith.constant 0 : i32
        %jit3A_1061 = arith.constant 199 : i32
        %max3A_1062 = arith.maxsi %jit3A_1060, %sub3A_938 : i32
        %min3A_1063 = arith.minsi %jit3A_1061, %max3A_1062 : i32
        %mul3A_1064 = arith.constant 8 : i32
        %mul3A_1065 = arith.muli %min3A_1063, %mul3A_1064 : i32
        %add3A_1066 = arith.constant 2 : i32
        %add3A_1067 = arith.addi %mul3A_1065, %add3A_1066 : i32
        %mul3A_1068 = arith.constant 256 : i32
        %mul3A_1069 = arith.muli %add3A_1067, %mul3A_1068 : i32
        %mul3A_1070 = arith.constant 8 : i32
        %mul3A_1071 = arith.muli %add3A, %mul3A_1070 : i32
        %add3A_1072 = arith.addi %mul3A_1069, %mul3A_1071 : i32
        %dma_wait3A_1073 = arith.constant 16 : i32
        %dma_wait3A_1074 = arith.constant 0 : i32
        %dma_wait3A_1075 = tpu.memref_slice %arg12[%dma_wait3A_1073, %dma_wait3A_1074] : memref<64x129xf32, #tpu.memory_space<vmem>> -> memref<8x128xf32, #tpu.memory_space<vmem>>
        %dma_wait3A_1076 = arith.constant 0 : i32
        %dma_wait3A_1077 = tpu.memref_slice %arg4[%add3A_1072, %dma_wait3A_1076] : memref<409600x128xf32, #tpu.memory_space<hbm>> -> memref<8x128xf32, #tpu.memory_space<hbm>>
        %dma_wait3A_1078 = arith.constant 0 : i32
        %dma_wait3A_1079 = tpu.memref_slice %arg4[%add3A_1072, %dma_wait3A_1078] : memref<409600x128xf32, #tpu.memory_space<hbm>> -> memref<8x128xf32, #tpu.memory_space<hbm>>
        %dma_wait3A_1080 = arith.constant 16 : i32
        %dma_wait3A_1081 = arith.constant 0 : i32
        %dma_wait3A_1082 = tpu.memref_slice %arg12[%dma_wait3A_1080, %dma_wait3A_1081] : memref<64x129xf32, #tpu.memory_space<vmem>> -> memref<8x128xf32, #tpu.memory_space<vmem>>
        tpu.wait_dma2 semaphore(%arg20 : memref<!tpu.dma_semaphore, #tpu.memory_space<semaphore_mem>>) src(%dma_wait3A_1082 : memref<8x128xf32, #tpu.memory_space<vmem>>) dst(%dma_wait3A_1079 : memref<8x128xf32, #tpu.memory_space<hbm>>)
        %jit3A_1083 = arith.constant 0 : i32
        %jit3A_1084 = arith.constant 199 : i32
        %max3A_1085 = arith.maxsi %jit3A_1083, %sub3A_938 : i32
        %min3A_1086 = arith.minsi %jit3A_1084, %max3A_1085 : i32
        %mul3A_1087 = arith.constant 8 : i32
        %mul3A_1088 = arith.muli %min3A_1086, %mul3A_1087 : i32
        %add3A_1089 = arith.constant 3 : i32
        %add3A_1090 = arith.addi %mul3A_1088, %add3A_1089 : i32
        %mul3A_1091 = arith.constant 256 : i32
        %mul3A_1092 = arith.muli %add3A_1090, %mul3A_1091 : i32
        %mul3A_1093 = arith.constant 8 : i32
        %mul3A_1094 = arith.muli %add3A, %mul3A_1093 : i32
        %add3A_1095 = arith.addi %mul3A_1092, %mul3A_1094 : i32
        %dma_wait3A_1096 = arith.constant 24 : i32
        %dma_wait3A_1097 = arith.constant 0 : i32
        %dma_wait3A_1098 = tpu.memref_slice %arg12[%dma_wait3A_1096, %dma_wait3A_1097] : memref<64x129xf32, #tpu.memory_space<vmem>> -> memref<8x128xf32, #tpu.memory_space<vmem>>
        %dma_wait3A_1099 = arith.constant 0 : i32
        %dma_wait3A_1100 = tpu.memref_slice %arg4[%add3A_1095, %dma_wait3A_1099] : memref<409600x128xf32, #tpu.memory_space<hbm>> -> memref<8x128xf32, #tpu.memory_space<hbm>>
        %dma_wait3A_1101 = arith.constant 0 : i32
        %dma_wait3A_1102 = tpu.memref_slice %arg4[%add3A_1095, %dma_wait3A_1101] : memref<409600x128xf32, #tpu.memory_space<hbm>> -> memref<8x128xf32, #tpu.memory_space<hbm>>
        %dma_wait3A_1103 = arith.constant 24 : i32
        %dma_wait3A_1104 = arith.constant 0 : i32
        %dma_wait3A_1105 = tpu.memref_slice %arg12[%dma_wait3A_1103, %dma_wait3A_1104] : memref<64x129xf32, #tpu.memory_space<vmem>> -> memref<8x128xf32, #tpu.memory_space<vmem>>
        tpu.wait_dma2 semaphore(%arg20 : memref<!tpu.dma_semaphore, #tpu.memory_space<semaphore_mem>>) src(%dma_wait3A_1105 : memref<8x128xf32, #tpu.memory_space<vmem>>) dst(%dma_wait3A_1102 : memref<8x128xf32, #tpu.memory_space<hbm>>)
        %jit3A_1106 = arith.constant 0 : i32
        %jit3A_1107 = arith.constant 199 : i32
        %max3A_1108 = arith.maxsi %jit3A_1106, %sub3A_938 : i32
        %min3A_1109 = arith.minsi %jit3A_1107, %max3A_1108 : i32
        %mul3A_1110 = arith.constant 8 : i32
        %mul3A_1111 = arith.muli %min3A_1109, %mul3A_1110 : i32
        %add3A_1112 = arith.constant 4 : i32
        %add3A_1113 = arith.addi %mul3A_1111, %add3A_1112 : i32
        %mul3A_1114 = arith.constant 256 : i32
        %mul3A_1115 = arith.muli %add3A_1113, %mul3A_1114 : i32
        %mul3A_1116 = arith.constant 8 : i32
        %mul3A_1117 = arith.muli %add3A, %mul3A_1116 : i32
        %add3A_1118 = arith.addi %mul3A_1115, %mul3A_1117 : i32
        %dma_wait3A_1119 = arith.constant 32 : i32
        %dma_wait3A_1120 = arith.constant 0 : i32
        %dma_wait3A_1121 = tpu.memref_slice %arg12[%dma_wait3A_1119, %dma_wait3A_1120] : memref<64x129xf32, #tpu.memory_space<vmem>> -> memref<8x128xf32, #tpu.memory_space<vmem>>
        %dma_wait3A_1122 = arith.constant 0 : i32
        %dma_wait3A_1123 = tpu.memref_slice %arg4[%add3A_1118, %dma_wait3A_1122] : memref<409600x128xf32, #tpu.memory_space<hbm>> -> memref<8x128xf32, #tpu.memory_space<hbm>>
        %dma_wait3A_1124 = arith.constant 0 : i32
        %dma_wait3A_1125 = tpu.memref_slice %arg4[%add3A_1118, %dma_wait3A_1124] : memref<409600x128xf32, #tpu.memory_space<hbm>> -> memref<8x128xf32, #tpu.memory_space<hbm>>
        %dma_wait3A_1126 = arith.constant 32 : i32
        %dma_wait3A_1127 = arith.constant 0 : i32
        %dma_wait3A_1128 = tpu.memref_slice %arg12[%dma_wait3A_1126, %dma_wait3A_1127] : memref<64x129xf32, #tpu.memory_space<vmem>> -> memref<8x128xf32, #tpu.memory_space<vmem>>
        tpu.wait_dma2 semaphore(%arg20 : memref<!tpu.dma_semaphore, #tpu.memory_space<semaphore_mem>>) src(%dma_wait3A_1128 : memref<8x128xf32, #tpu.memory_space<vmem>>) dst(%dma_wait3A_1125 : memref<8x128xf32, #tpu.memory_space<hbm>>)
        %jit3A_1129 = arith.constant 0 : i32
        %jit3A_1130 = arith.constant 199 : i32
        %max3A_1131 = arith.maxsi %jit3A_1129, %sub3A_938 : i32
        %min3A_1132 = arith.minsi %jit3A_1130, %max3A_1131 : i32
        %mul3A_1133 = arith.constant 8 : i32
        %mul3A_1134 = arith.muli %min3A_1132, %mul3A_1133 : i32
        %add3A_1135 = arith.constant 5 : i32
        %add3A_1136 = arith.addi %mul3A_1134, %add3A_1135 : i32
        %mul3A_1137 = arith.constant 256 : i32
        %mul3A_1138 = arith.muli %add3A_1136, %mul3A_1137 : i32
        %mul3A_1139 = arith.constant 8 : i32
        %mul3A_1140 = arith.muli %add3A, %mul3A_1139 : i32
        %add3A_1141 = arith.addi %mul3A_1138, %mul3A_1140 : i32
        %dma_wait3A_1142 = arith.constant 40 : i32
        %dma_wait3A_1143 = arith.constant 0 : i32
        %dma_wait3A_1144 = tpu.memref_slice %arg12[%dma_wait3A_1142, %dma_wait3A_1143] : memref<64x129xf32, #tpu.memory_space<vmem>> -> memref<8x128xf32, #tpu.memory_space<vmem>>
        %dma_wait3A_1145 = arith.constant 0 : i32
        %dma_wait3A_1146 = tpu.memref_slice %arg4[%add3A_1141, %dma_wait3A_1145] : memref<409600x128xf32, #tpu.memory_space<hbm>> -> memref<8x128xf32, #tpu.memory_space<hbm>>
        %dma_wait3A_1147 = arith.constant 0 : i32
        %dma_wait3A_1148 = tpu.memref_slice %arg4[%add3A_1141, %dma_wait3A_1147] : memref<409600x128xf32, #tpu.memory_space<hbm>> -> memref<8x128xf32, #tpu.memory_space<hbm>>
        %dma_wait3A_1149 = arith.constant 40 : i32
        %dma_wait3A_1150 = arith.constant 0 : i32
        %dma_wait3A_1151 = tpu.memref_slice %arg12[%dma_wait3A_1149, %dma_wait3A_1150] : memref<64x129xf32, #tpu.memory_space<vmem>> -> memref<8x128xf32, #tpu.memory_space<vmem>>
        tpu.wait_dma2 semaphore(%arg20 : memref<!tpu.dma_semaphore, #tpu.memory_space<semaphore_mem>>) src(%dma_wait3A_1151 : memref<8x128xf32, #tpu.memory_space<vmem>>) dst(%dma_wait3A_1148 : memref<8x128xf32, #tpu.memory_space<hbm>>)
        %jit3A_1152 = arith.constant 0 : i32
        %jit3A_1153 = arith.constant 199 : i32
        %max3A_1154 = arith.maxsi %jit3A_1152, %sub3A_938 : i32
        %min3A_1155 = arith.minsi %jit3A_1153, %max3A_1154 : i32
        %mul3A_1156 = arith.constant 8 : i32
        %mul3A_1157 = arith.muli %min3A_1155, %mul3A_1156 : i32
        %add3A_1158 = arith.constant 6 : i32
        %add3A_1159 = arith.addi %mul3A_1157, %add3A_1158 : i32
        %mul3A_1160 = arith.constant 256 : i32
        %mul3A_1161 = arith.muli %add3A_1159, %mul3A_1160 : i32
        %mul3A_1162 = arith.constant 8 : i32
        %mul3A_1163 = arith.muli %add3A, %mul3A_1162 : i32
        %add3A_1164 = arith.addi %mul3A_1161, %mul3A_1163 : i32
        %dma_wait3A_1165 = arith.constant 48 : i32
        %dma_wait3A_1166 = arith.constant 0 : i32
        %dma_wait3A_1167 = tpu.memref_slice %arg12[%dma_wait3A_1165, %dma_wait3A_1166] : memref<64x129xf32, #tpu.memory_space<vmem>> -> memref<8x128xf32, #tpu.memory_space<vmem>>
        %dma_wait3A_1168 = arith.constant 0 : i32
        %dma_wait3A_1169 = tpu.memref_slice %arg4[%add3A_1164, %dma_wait3A_1168] : memref<409600x128xf32, #tpu.memory_space<hbm>> -> memref<8x128xf32, #tpu.memory_space<hbm>>
        %dma_wait3A_1170 = arith.constant 0 : i32
        %dma_wait3A_1171 = tpu.memref_slice %arg4[%add3A_1164, %dma_wait3A_1170] : memref<409600x128xf32, #tpu.memory_space<hbm>> -> memref<8x128xf32, #tpu.memory_space<hbm>>
        %dma_wait3A_1172 = arith.constant 48 : i32
        %dma_wait3A_1173 = arith.constant 0 : i32
        %dma_wait3A_1174 = tpu.memref_slice %arg12[%dma_wait3A_1172, %dma_wait3A_1173] : memref<64x129xf32, #tpu.memory_space<vmem>> -> memref<8x128xf32, #tpu.memory_space<vmem>>
        tpu.wait_dma2 semaphore(%arg20 : memref<!tpu.dma_semaphore, #tpu.memory_space<semaphore_mem>>) src(%dma_wait3A_1174 : memref<8x128xf32, #tpu.memory_space<vmem>>) dst(%dma_wait3A_1171 : memref<8x128xf32, #tpu.memory_space<hbm>>)
        %jit3A_1175 = arith.constant 0 : i32
        %jit3A_1176 = arith.constant 199 : i32
        %max3A_1177 = arith.maxsi %jit3A_1175, %sub3A_938 : i32
        %min3A_1178 = arith.minsi %jit3A_1176, %max3A_1177 : i32
        %mul3A_1179 = arith.constant 8 : i32
        %mul3A_1180 = arith.muli %min3A_1178, %mul3A_1179 : i32
        %add3A_1181 = arith.constant 7 : i32
        %add3A_1182 = arith.addi %mul3A_1180, %add3A_1181 : i32
        %mul3A_1183 = arith.constant 256 : i32
        %mul3A_1184 = arith.muli %add3A_1182, %mul3A_1183 : i32
        %mul3A_1185 = arith.constant 8 : i32
        %mul3A_1186 = arith.muli %add3A, %mul3A_1185 : i32
        %add3A_1187 = arith.addi %mul3A_1184, %mul3A_1186 : i32
        %dma_wait3A_1188 = arith.constant 56 : i32
        %dma_wait3A_1189 = arith.constant 0 : i32
        %dma_wait3A_1190 = tpu.memref_slice %arg12[%dma_wait3A_1188, %dma_wait3A_1189] : memref<64x129xf32, #tpu.memory_space<vmem>> -> memref<8x128xf32, #tpu.memory_space<vmem>>
        %dma_wait3A_1191 = arith.constant 0 : i32
        %dma_wait3A_1192 = tpu.memref_slice %arg4[%add3A_1187, %dma_wait3A_1191] : memref<409600x128xf32, #tpu.memory_space<hbm>> -> memref<8x128xf32, #tpu.memory_space<hbm>>
        %dma_wait3A_1193 = arith.constant 0 : i32
        %dma_wait3A_1194 = tpu.memref_slice %arg4[%add3A_1187, %dma_wait3A_1193] : memref<409600x128xf32, #tpu.memory_space<hbm>> -> memref<8x128xf32, #tpu.memory_space<hbm>>
        %dma_wait3A_1195 = arith.constant 56 : i32
        %dma_wait3A_1196 = arith.constant 0 : i32
        %dma_wait3A_1197 = tpu.memref_slice %arg12[%dma_wait3A_1195, %dma_wait3A_1196] : memref<64x129xf32, #tpu.memory_space<vmem>> -> memref<8x128xf32, #tpu.memory_space<vmem>>
        tpu.wait_dma2 semaphore(%arg20 : memref<!tpu.dma_semaphore, #tpu.memory_space<semaphore_mem>>) src(%dma_wait3A_1197 : memref<8x128xf32, #tpu.memory_space<vmem>>) dst(%dma_wait3A_1194 : memref<8x128xf32, #tpu.memory_space<hbm>>)
      } else {
      }
      %ge3A_947 = arith.constant 0 : i32
      %ge3A_948 = arith.cmpi sge, %add3A_916, %ge3A_947 : i32
      %lt3A_949 = arith.constant 200 : i32
      %lt3A_950 = arith.cmpi slt, %add3A_916, %lt3A_949 : i32
      %and3A_951 = arith.andi %ge3A_948, %lt3A_950 : i1
      %convert_element_type3A_952 = arith.extui %and3A_951 : i1 to i32
      %cond3A_953 = arith.constant 0 : i32
      %cond3A_954 = arith.cmpi ne, %convert_element_type3A_952, %cond3A_953 : i32
      scf.if %cond3A_954 {
        %parallel_loop3A = arith.constant 0 : i32
        %parallel_loop3A_1014 = arith.constant 128 : i32
        %parallel_loop3A_1015 = arith.constant 1 : i32
        scf.for %parallel_loop3A_1016 = %parallel_loop3A to %parallel_loop3A_1014 step %parallel_loop3A_1015  : i32 {
          %parallel_loop3A_1017 = arith.constant 0 : i32
          %parallel_loop3A_1018 = vector.broadcast %parallel_loop3A_1017 : i32 to vector<16xi32>
          %parallel_loop3A_1019 = arith.muli %iota3A, %parallel_loop3A_1018 : vector<16xi32>
          %parallel_loop3A_1020 = vector.broadcast %parallel_loop3A_1016 : i32 to vector<16xi32>
          %parallel_loop3A_1021 = arith.addi %parallel_loop3A_1019, %parallel_loop3A_1020 : vector<16xi32>
          %parallel_loop3A_1022 = arith.index_cast %parallel_loop3A_1016 : i32 to index
          %parallel_loop3A_1023 = arith.constant 0 : index
          %parallel_loop3A_1024 = tpu.vector_load %arg8[%parallel_loop3A_1022, %parallel_loop3A_1023] {strides = array<i32>} : memref<128x64xf32, #tpu.memory_space<vmem>>, vector<16xf32>,
          tpu.vector_store_idx %arg12[%add3A_5, %parallel_loop3A_1021], %parallel_loop3A_1024 : memref<64x129xf32, #tpu.memory_space<vmem>>[vector<16xi32>, vector<16xi32>], vector<16xf32>,
          %parallel_loop3A_1025 = arith.index_cast %parallel_loop3A_1016 : i32 to index
          %parallel_loop3A_1026 = arith.constant 16 : index
          %parallel_loop3A_1027 = tpu.vector_load %arg8[%parallel_loop3A_1025, %parallel_loop3A_1026] {strides = array<i32>} : memref<128x64xf32, #tpu.memory_space<vmem>>, vector<16xf32>,
          tpu.vector_store_idx %arg12[%add3A_8, %parallel_loop3A_1021], %parallel_loop3A_1027 : memref<64x129xf32, #tpu.memory_space<vmem>>[vector<16xi32>, vector<16xi32>], vector<16xf32>,
          %parallel_loop3A_1028 = arith.index_cast %parallel_loop3A_1016 : i32 to index
          %parallel_loop3A_1029 = arith.constant 32 : index
          %parallel_loop3A_1030 = tpu.vector_load %arg8[%parallel_loop3A_1028, %parallel_loop3A_1029] {strides = array<i32>} : memref<128x64xf32, #tpu.memory_space<vmem>>, vector<16xf32>,
          tpu.vector_store_idx %arg12[%add3A_11, %parallel_loop3A_1021], %parallel_loop3A_1030 : memref<64x129xf32, #tpu.memory_space<vmem>>[vector<16xi32>, vector<16xi32>], vector<16xf32>,
          %parallel_loop3A_1031 = arith.index_cast %parallel_loop3A_1016 : i32 to index
          %parallel_loop3A_1032 = arith.constant 48 : index
          %parallel_loop3A_1033 = tpu.vector_load %arg8[%parallel_loop3A_1031, %parallel_loop3A_1032] {strides = array<i32>} : memref<128x64xf32, #tpu.memory_space<vmem>>, vector<16xf32>,
          tpu.vector_store_idx %arg12[%add3A_14, %parallel_loop3A_1021], %parallel_loop3A_1033 : memref<64x129xf32, #tpu.memory_space<vmem>>[vector<16xi32>, vector<16xi32>], vector<16xf32>,
        } {sc.loop_unroll_factor = 8 : i64, sc.parallel_access}
      } else {
      }
      %ge3A_955 = arith.constant 0 : i32
      %ge3A_956 = arith.cmpi sge, %add3A_916, %ge3A_955 : i32
      %lt3A_957 = arith.constant 200 : i32
      %lt3A_958 = arith.cmpi slt, %add3A_916, %lt3A_957 : i32
      %and3A_959 = arith.andi %ge3A_956, %lt3A_958 : i1
      %convert_element_type3A_960 = arith.extui %and3A_959 : i1 to i32
      %cond3A_961 = arith.constant 0 : i32
      %cond3A_962 = arith.cmpi ne, %convert_element_type3A_960, %cond3A_961 : i32
      scf.if %cond3A_962 {
        %jit3A_1014 = arith.constant 0 : i32
        %jit3A_1015 = arith.constant 199 : i32
        %max3A_1016 = arith.maxsi %jit3A_1014, %add3A_916 : i32
        %min3A_1017 = arith.minsi %jit3A_1015, %max3A_1016 : i32
        %mul3A_1018 = arith.constant 8 : i32
        %mul3A_1019 = arith.muli %min3A_1017, %mul3A_1018 : i32
        %add3A_1020 = arith.constant 0 : i32
        %add3A_1021 = arith.addi %mul3A_1019, %add3A_1020 : i32
        %mul3A_1022 = arith.constant 256 : i32
        %mul3A_1023 = arith.muli %add3A_1021, %mul3A_1022 : i32
        %mul3A_1024 = arith.constant 8 : i32
        %mul3A_1025 = arith.muli %add3A, %mul3A_1024 : i32
        %add3A_1026 = arith.addi %mul3A_1023, %mul3A_1025 : i32
        %dma_start3A_1027 = arith.constant 0 : i32
        %dma_start3A_1028 = arith.constant 0 : i32
        %dma_start3A_1029 = tpu.memref_slice %arg12[%dma_start3A_1027, %dma_start3A_1028] : memref<64x129xf32, #tpu.memory_space<vmem>> -> memref<8x128xf32, #tpu.memory_space<vmem>>
        %dma_start3A_1030 = arith.constant 0 : i32
        %dma_start3A_1031 = tpu.memref_slice %arg4[%add3A_1026, %dma_start3A_1030] : memref<409600x128xf32, #tpu.memory_space<hbm>> -> memref<8x128xf32, #tpu.memory_space<hbm>>
        %dma_start3A_1032 = arith.constant 0 : i32
        %dma_start3A_1033 = tpu.memref_slice %arg4[%add3A_1026, %dma_start3A_1032] : memref<409600x128xf32, #tpu.memory_space<hbm>> -> memref<8x128xf32, #tpu.memory_space<hbm>>
        %dma_start3A_1034 = arith.constant 0 : i32
        %dma_start3A_1035 = arith.constant 0 : i32
        %dma_start3A_1036 = tpu.memref_slice %arg12[%dma_start3A_1034, %dma_start3A_1035] : memref<64x129xf32, #tpu.memory_space<vmem>> -> memref<8x128xf32, #tpu.memory_space<vmem>>
        tpu.enqueue_dma source(%dma_start3A_1036 : memref<8x128xf32, #tpu.memory_space<vmem>>) target(%dma_start3A_1033 : memref<8x128xf32, #tpu.memory_space<hbm>>) target_semaphore(%arg20 : memref<!tpu.dma_semaphore, #tpu.memory_space<semaphore_mem>>)
        %jit3A_1037 = arith.constant 0 : i32
        %jit3A_1038 = arith.constant 199 : i32
        %max3A_1039 = arith.maxsi %jit3A_1037, %add3A_916 : i32
        %min3A_1040 = arith.minsi %jit3A_1038, %max3A_1039 : i32
        %mul3A_1041 = arith.constant 8 : i32
        %mul3A_1042 = arith.muli %min3A_1040, %mul3A_1041 : i32
        %add3A_1043 = arith.constant 1 : i32
        %add3A_1044 = arith.addi %mul3A_1042, %add3A_1043 : i32
        %mul3A_1045 = arith.constant 256 : i32
        %mul3A_1046 = arith.muli %add3A_1044, %mul3A_1045 : i32
        %mul3A_1047 = arith.constant 8 : i32
        %mul3A_1048 = arith.muli %add3A, %mul3A_1047 : i32
        %add3A_1049 = arith.addi %mul3A_1046, %mul3A_1048 : i32
        %dma_start3A_1050 = arith.constant 8 : i32
        %dma_start3A_1051 = arith.constant 0 : i32
        %dma_start3A_1052 = tpu.memref_slice %arg12[%dma_start3A_1050, %dma_start3A_1051] : memref<64x129xf32, #tpu.memory_space<vmem>> -> memref<8x128xf32, #tpu.memory_space<vmem>>
        %dma_start3A_1053 = arith.constant 0 : i32
        %dma_start3A_1054 = tpu.memref_slice %arg4[%add3A_1049, %dma_start3A_1053] : memref<409600x128xf32, #tpu.memory_space<hbm>> -> memref<8x128xf32, #tpu.memory_space<hbm>>
        %dma_start3A_1055 = arith.constant 0 : i32
        %dma_start3A_1056 = tpu.memref_slice %arg4[%add3A_1049, %dma_start3A_1055] : memref<409600x128xf32, #tpu.memory_space<hbm>> -> memref<8x128xf32, #tpu.memory_space<hbm>>
        %dma_start3A_1057 = arith.constant 8 : i32
        %dma_start3A_1058 = arith.constant 0 : i32
        %dma_start3A_1059 = tpu.memref_slice %arg12[%dma_start3A_1057, %dma_start3A_1058] : memref<64x129xf32, #tpu.memory_space<vmem>> -> memref<8x128xf32, #tpu.memory_space<vmem>>
        tpu.enqueue_dma source(%dma_start3A_1059 : memref<8x128xf32, #tpu.memory_space<vmem>>) target(%dma_start3A_1056 : memref<8x128xf32, #tpu.memory_space<hbm>>) target_semaphore(%arg20 : memref<!tpu.dma_semaphore, #tpu.memory_space<semaphore_mem>>)
        %jit3A_1060 = arith.constant 0 : i32
        %jit3A_1061 = arith.constant 199 : i32
        %max3A_1062 = arith.maxsi %jit3A_1060, %add3A_916 : i32
        %min3A_1063 = arith.minsi %jit3A_1061, %max3A_1062 : i32
        %mul3A_1064 = arith.constant 8 : i32
        %mul3A_1065 = arith.muli %min3A_1063, %mul3A_1064 : i32
        %add3A_1066 = arith.constant 2 : i32
        %add3A_1067 = arith.addi %mul3A_1065, %add3A_1066 : i32
        %mul3A_1068 = arith.constant 256 : i32
        %mul3A_1069 = arith.muli %add3A_1067, %mul3A_1068 : i32
        %mul3A_1070 = arith.constant 8 : i32
        %mul3A_1071 = arith.muli %add3A, %mul3A_1070 : i32
        %add3A_1072 = arith.addi %mul3A_1069, %mul3A_1071 : i32
        %dma_start3A_1073 = arith.constant 16 : i32
        %dma_start3A_1074 = arith.constant 0 : i32
        %dma_start3A_1075 = tpu.memref_slice %arg12[%dma_start3A_1073, %dma_start3A_1074] : memref<64x129xf32, #tpu.memory_space<vmem>> -> memref<8x128xf32, #tpu.memory_space<vmem>>
        %dma_start3A_1076 = arith.constant 0 : i32
        %dma_start3A_1077 = tpu.memref_slice %arg4[%add3A_1072, %dma_start3A_1076] : memref<409600x128xf32, #tpu.memory_space<hbm>> -> memref<8x128xf32, #tpu.memory_space<hbm>>
        %dma_start3A_1078 = arith.constant 0 : i32
        %dma_start3A_1079 = tpu.memref_slice %arg4[%add3A_1072, %dma_start3A_1078] : memref<409600x128xf32, #tpu.memory_space<hbm>> -> memref<8x128xf32, #tpu.memory_space<hbm>>
        %dma_start3A_1080 = arith.constant 16 : i32
        %dma_start3A_1081 = arith.constant 0 : i32
        %dma_start3A_1082 = tpu.memref_slice %arg12[%dma_start3A_1080, %dma_start3A_1081] : memref<64x129xf32, #tpu.memory_space<vmem>> -> memref<8x128xf32, #tpu.memory_space<vmem>>
        tpu.enqueue_dma source(%dma_start3A_1082 : memref<8x128xf32, #tpu.memory_space<vmem>>) target(%dma_start3A_1079 : memref<8x128xf32, #tpu.memory_space<hbm>>) target_semaphore(%arg20 : memref<!tpu.dma_semaphore, #tpu.memory_space<semaphore_mem>>)
        %jit3A_1083 = arith.constant 0 : i32
        %jit3A_1084 = arith.constant 199 : i32
        %max3A_1085 = arith.maxsi %jit3A_1083, %add3A_916 : i32
        %min3A_1086 = arith.minsi %jit3A_1084, %max3A_1085 : i32
        %mul3A_1087 = arith.constant 8 : i32
        %mul3A_1088 = arith.muli %min3A_1086, %mul3A_1087 : i32
        %add3A_1089 = arith.constant 3 : i32
        %add3A_1090 = arith.addi %mul3A_1088, %add3A_1089 : i32
        %mul3A_1091 = arith.constant 256 : i32
        %mul3A_1092 = arith.muli %add3A_1090, %mul3A_1091 : i32
        %mul3A_1093 = arith.constant 8 : i32
        %mul3A_1094 = arith.muli %add3A, %mul3A_1093 : i32
        %add3A_1095 = arith.addi %mul3A_1092, %mul3A_1094 : i32
        %dma_start3A_1096 = arith.constant 24 : i32
        %dma_start3A_1097 = arith.constant 0 : i32
        %dma_start3A_1098 = tpu.memref_slice %arg12[%dma_start3A_1096, %dma_start3A_1097] : memref<64x129xf32, #tpu.memory_space<vmem>> -> memref<8x128xf32, #tpu.memory_space<vmem>>
        %dma_start3A_1099 = arith.constant 0 : i32
        %dma_start3A_1100 = tpu.memref_slice %arg4[%add3A_1095, %dma_start3A_1099] : memref<409600x128xf32, #tpu.memory_space<hbm>> -> memref<8x128xf32, #tpu.memory_space<hbm>>
        %dma_start3A_1101 = arith.constant 0 : i32
        %dma_start3A_1102 = tpu.memref_slice %arg4[%add3A_1095, %dma_start3A_1101] : memref<409600x128xf32, #tpu.memory_space<hbm>> -> memref<8x128xf32, #tpu.memory_space<hbm>>
        %dma_start3A_1103 = arith.constant 24 : i32
        %dma_start3A_1104 = arith.constant 0 : i32
        %dma_start3A_1105 = tpu.memref_slice %arg12[%dma_start3A_1103, %dma_start3A_1104] : memref<64x129xf32, #tpu.memory_space<vmem>> -> memref<8x128xf32, #tpu.memory_space<vmem>>
        tpu.enqueue_dma source(%dma_start3A_1105 : memref<8x128xf32, #tpu.memory_space<vmem>>) target(%dma_start3A_1102 : memref<8x128xf32, #tpu.memory_space<hbm>>) target_semaphore(%arg20 : memref<!tpu.dma_semaphore, #tpu.memory_space<semaphore_mem>>)
        %jit3A_1106 = arith.constant 0 : i32
        %jit3A_1107 = arith.constant 199 : i32
        %max3A_1108 = arith.maxsi %jit3A_1106, %add3A_916 : i32
        %min3A_1109 = arith.minsi %jit3A_1107, %max3A_1108 : i32
        %mul3A_1110 = arith.constant 8 : i32
        %mul3A_1111 = arith.muli %min3A_1109, %mul3A_1110 : i32
        %add3A_1112 = arith.constant 4 : i32
        %add3A_1113 = arith.addi %mul3A_1111, %add3A_1112 : i32
        %mul3A_1114 = arith.constant 256 : i32
        %mul3A_1115 = arith.muli %add3A_1113, %mul3A_1114 : i32
        %mul3A_1116 = arith.constant 8 : i32
        %mul3A_1117 = arith.muli %add3A, %mul3A_1116 : i32
        %add3A_1118 = arith.addi %mul3A_1115, %mul3A_1117 : i32
        %dma_start3A_1119 = arith.constant 32 : i32
        %dma_start3A_1120 = arith.constant 0 : i32
        %dma_start3A_1121 = tpu.memref_slice %arg12[%dma_start3A_1119, %dma_start3A_1120] : memref<64x129xf32, #tpu.memory_space<vmem>> -> memref<8x128xf32, #tpu.memory_space<vmem>>
        %dma_start3A_1122 = arith.constant 0 : i32
        %dma_start3A_1123 = tpu.memref_slice %arg4[%add3A_1118, %dma_start3A_1122] : memref<409600x128xf32, #tpu.memory_space<hbm>> -> memref<8x128xf32, #tpu.memory_space<hbm>>
        %dma_start3A_1124 = arith.constant 0 : i32
        %dma_start3A_1125 = tpu.memref_slice %arg4[%add3A_1118, %dma_start3A_1124] : memref<409600x128xf32, #tpu.memory_space<hbm>> -> memref<8x128xf32, #tpu.memory_space<hbm>>
        %dma_start3A_1126 = arith.constant 32 : i32
        %dma_start3A_1127 = arith.constant 0 : i32
        %dma_start3A_1128 = tpu.memref_slice %arg12[%dma_start3A_1126, %dma_start3A_1127] : memref<64x129xf32, #tpu.memory_space<vmem>> -> memref<8x128xf32, #tpu.memory_space<vmem>>
        tpu.enqueue_dma source(%dma_start3A_1128 : memref<8x128xf32, #tpu.memory_space<vmem>>) target(%dma_start3A_1125 : memref<8x128xf32, #tpu.memory_space<hbm>>) target_semaphore(%arg20 : memref<!tpu.dma_semaphore, #tpu.memory_space<semaphore_mem>>)
        %jit3A_1129 = arith.constant 0 : i32
        %jit3A_1130 = arith.constant 199 : i32
        %max3A_1131 = arith.maxsi %jit3A_1129, %add3A_916 : i32
        %min3A_1132 = arith.minsi %jit3A_1130, %max3A_1131 : i32
        %mul3A_1133 = arith.constant 8 : i32
        %mul3A_1134 = arith.muli %min3A_1132, %mul3A_1133 : i32
        %add3A_1135 = arith.constant 5 : i32
        %add3A_1136 = arith.addi %mul3A_1134, %add3A_1135 : i32
        %mul3A_1137 = arith.constant 256 : i32
        %mul3A_1138 = arith.muli %add3A_1136, %mul3A_1137 : i32
        %mul3A_1139 = arith.constant 8 : i32
        %mul3A_1140 = arith.muli %add3A, %mul3A_1139 : i32
        %add3A_1141 = arith.addi %mul3A_1138, %mul3A_1140 : i32
        %dma_start3A_1142 = arith.constant 40 : i32
        %dma_start3A_1143 = arith.constant 0 : i32
        %dma_start3A_1144 = tpu.memref_slice %arg12[%dma_start3A_1142, %dma_start3A_1143] : memref<64x129xf32, #tpu.memory_space<vmem>> -> memref<8x128xf32, #tpu.memory_space<vmem>>
        %dma_start3A_1145 = arith.constant 0 : i32
        %dma_start3A_1146 = tpu.memref_slice %arg4[%add3A_1141, %dma_start3A_1145] : memref<409600x128xf32, #tpu.memory_space<hbm>> -> memref<8x128xf32, #tpu.memory_space<hbm>>
        %dma_start3A_1147 = arith.constant 0 : i32
        %dma_start3A_1148 = tpu.memref_slice %arg4[%add3A_1141, %dma_start3A_1147] : memref<409600x128xf32, #tpu.memory_space<hbm>> -> memref<8x128xf32, #tpu.memory_space<hbm>>
        %dma_start3A_1149 = arith.constant 40 : i32
        %dma_start3A_1150 = arith.constant 0 : i32
        %dma_start3A_1151 = tpu.memref_slice %arg12[%dma_start3A_1149, %dma_start3A_1150] : memref<64x129xf32, #tpu.memory_space<vmem>> -> memref<8x128xf32, #tpu.memory_space<vmem>>
        tpu.enqueue_dma source(%dma_start3A_1151 : memref<8x128xf32, #tpu.memory_space<vmem>>) target(%dma_start3A_1148 : memref<8x128xf32, #tpu.memory_space<hbm>>) target_semaphore(%arg20 : memref<!tpu.dma_semaphore, #tpu.memory_space<semaphore_mem>>)
        %jit3A_1152 = arith.constant 0 : i32
        %jit3A_1153 = arith.constant 199 : i32
        %max3A_1154 = arith.maxsi %jit3A_1152, %add3A_916 : i32
        %min3A_1155 = arith.minsi %jit3A_1153, %max3A_1154 : i32
        %mul3A_1156 = arith.constant 8 : i32
        %mul3A_1157 = arith.muli %min3A_1155, %mul3A_1156 : i32
        %add3A_1158 = arith.constant 6 : i32
        %add3A_1159 = arith.addi %mul3A_1157, %add3A_1158 : i32
        %mul3A_1160 = arith.constant 256 : i32
        %mul3A_1161 = arith.muli %add3A_1159, %mul3A_1160 : i32
        %mul3A_1162 = arith.constant 8 : i32
        %mul3A_1163 = arith.muli %add3A, %mul3A_1162 : i32
        %add3A_1164 = arith.addi %mul3A_1161, %mul3A_1163 : i32
        %dma_start3A_1165 = arith.constant 48 : i32
        %dma_start3A_1166 = arith.constant 0 : i32
        %dma_start3A_1167 = tpu.memref_slice %arg12[%dma_start3A_1165, %dma_start3A_1166] : memref<64x129xf32, #tpu.memory_space<vmem>> -> memref<8x128xf32, #tpu.memory_space<vmem>>
        %dma_start3A_1168 = arith.constant 0 : i32
        %dma_start3A_1169 = tpu.memref_slice %arg4[%add3A_1164, %dma_start3A_1168] : memref<409600x128xf32, #tpu.memory_space<hbm>> -> memref<8x128xf32, #tpu.memory_space<hbm>>
        %dma_start3A_1170 = arith.constant 0 : i32
        %dma_start3A_1171 = tpu.memref_slice %arg4[%add3A_1164, %dma_start3A_1170] : memref<409600x128xf32, #tpu.memory_space<hbm>> -> memref<8x128xf32, #tpu.memory_space<hbm>>
        %dma_start3A_1172 = arith.constant 48 : i32
        %dma_start3A_1173 = arith.constant 0 : i32
        %dma_start3A_1174 = tpu.memref_slice %arg12[%dma_start3A_1172, %dma_start3A_1173] : memref<64x129xf32, #tpu.memory_space<vmem>> -> memref<8x128xf32, #tpu.memory_space<vmem>>
        tpu.enqueue_dma source(%dma_start3A_1174 : memref<8x128xf32, #tpu.memory_space<vmem>>) target(%dma_start3A_1171 : memref<8x128xf32, #tpu.memory_space<hbm>>) target_semaphore(%arg20 : memref<!tpu.dma_semaphore, #tpu.memory_space<semaphore_mem>>)
        %jit3A_1175 = arith.constant 0 : i32
        %jit3A_1176 = arith.constant 199 : i32
        %max3A_1177 = arith.maxsi %jit3A_1175, %add3A_916 : i32
        %min3A_1178 = arith.minsi %jit3A_1176, %max3A_1177 : i32
        %mul3A_1179 = arith.constant 8 : i32
        %mul3A_1180 = arith.muli %min3A_1178, %mul3A_1179 : i32
        %add3A_1181 = arith.constant 7 : i32
        %add3A_1182 = arith.addi %mul3A_1180, %add3A_1181 : i32
        %mul3A_1183 = arith.constant 256 : i32
        %mul3A_1184 = arith.muli %add3A_1182, %mul3A_1183 : i32
        %mul3A_1185 = arith.constant 8 : i32
        %mul3A_1186 = arith.muli %add3A, %mul3A_1185 : i32
        %add3A_1187 = arith.addi %mul3A_1184, %mul3A_1186 : i32
        %dma_start3A_1188 = arith.constant 56 : i32
        %dma_start3A_1189 = arith.constant 0 : i32
        %dma_start3A_1190 = tpu.memref_slice %arg12[%dma_start3A_1188, %dma_start3A_1189] : memref<64x129xf32, #tpu.memory_space<vmem>> -> memref<8x128xf32, #tpu.memory_space<vmem>>
        %dma_start3A_1191 = arith.constant 0 : i32
        %dma_start3A_1192 = tpu.memref_slice %arg4[%add3A_1187, %dma_start3A_1191] : memref<409600x128xf32, #tpu.memory_space<hbm>> -> memref<8x128xf32, #tpu.memory_space<hbm>>
        %dma_start3A_1193 = arith.constant 0 : i32
        %dma_start3A_1194 = tpu.memref_slice %arg4[%add3A_1187, %dma_start3A_1193] : memref<409600x128xf32, #tpu.memory_space<hbm>> -> memref<8x128xf32, #tpu.memory_space<hbm>>
        %dma_start3A_1195 = arith.constant 56 : i32
        %dma_start3A_1196 = arith.constant 0 : i32
        %dma_start3A_1197 = tpu.memref_slice %arg12[%dma_start3A_1195, %dma_start3A_1196] : memref<64x129xf32, #tpu.memory_space<vmem>> -> memref<8x128xf32, #tpu.memory_space<vmem>>
        tpu.enqueue_dma source(%dma_start3A_1197 : memref<8x128xf32, #tpu.memory_space<vmem>>) target(%dma_start3A_1194 : memref<8x128xf32, #tpu.memory_space<hbm>>) target_semaphore(%arg20 : memref<!tpu.dma_semaphore, #tpu.memory_space<semaphore_mem>>)
      } else {
      }
      %mul3A_963 = arith.constant 4 : i32
      %mul3A_964 = arith.muli %mul3A_963, %scan3A_817 : i32
      %add3A_965 = arith.constant 3 : i32
      %add3A_966 = arith.addi %mul3A_964, %add3A_965 : i32
      %ge3A_967 = arith.constant 0 : i32
      %ge3A_968 = arith.cmpi sge, %add3A_966, %ge3A_967 : i32
      %lt3A_969 = arith.constant 200 : i32
      %lt3A_970 = arith.cmpi slt, %add3A_966, %lt3A_969 : i32
      %and3A_971 = arith.andi %ge3A_968, %lt3A_970 : i1
      %convert_element_type3A_972 = arith.extui %and3A_971 : i1 to i32
      %cond3A_973 = arith.constant 0 : i32
      %cond3A_974 = arith.cmpi ne, %convert_element_type3A_972, %cond3A_973 : i32
      scf.if %cond3A_974 {
        %jit3A_1014 = arith.constant 0 : i32
        %jit3A_1015 = arith.constant 199 : i32
        %max3A_1016 = arith.maxsi %jit3A_1014, %add3A_966 : i32
        %min3A_1017 = arith.minsi %jit3A_1015, %max3A_1016 : i32
        %dma_wait3A_1018 = arith.constant 0 : i32
        %dma_wait3A_1019 = tpu.memref_slice %arg5[%min3A_1017, %dma_wait3A_1018] : memref<200x128xi32, #tpu.memory_space<vmem>> -> memref<1x128xi32, #tpu.memory_space<vmem>>
        %dma_wait3A_1020 = tpu.memref_squeeze %dma_wait3A_1019 : memref<1x128xi32, #tpu.memory_space<vmem>> -> memref<128xi32, #tpu.memory_space<vmem>>
        %dma_wait3A_1021 = arith.constant 0 : i32
        %dma_wait3A_1022 = arith.constant 0 : i32
        %dma_wait3A_1023 = tpu.memref_slice %arg3[%dma_wait3A_1021, %dma_wait3A_1022] : memref<1000000x64xf32, #tpu.memory_space<hbm>> -> memref<1000000x64xf32, #tpu.memory_space<hbm>>
        tpu.wait_indirect_dma semaphore(%arg17 : memref<!tpu.dma_semaphore, #tpu.memory_space<semaphore_mem>>) src(%dma_wait3A_1023 : memref<1000000x64xf32, #tpu.memory_space<hbm>>) dst(%arg9 : memref<128x64xf32, #tpu.memory_space<vmem>>)
      } else {
      }
      %add3A_975 = arith.constant 4 : i32
      %add3A_976 = arith.addi %add3A_966, %add3A_975 : i32
      %sub3A_977 = arith.constant 1 : i32
      %sub3A_978 = arith.subi %add3A_976, %sub3A_977 : i32
      %ge3A_979 = arith.constant 0 : i32
      %ge3A_980 = arith.cmpi sge, %sub3A_978, %ge3A_979 : i32
      %lt3A_981 = arith.constant 200 : i32
      %lt3A_982 = arith.cmpi slt, %sub3A_978, %lt3A_981 : i32
      %and3A_983 = arith.andi %ge3A_980, %lt3A_982 : i1
      %convert_element_type3A_984 = arith.extui %and3A_983 : i1 to i32
      %cond3A_985 = arith.constant 0 : i32
      %cond3A_986 = arith.cmpi ne, %convert_element_type3A_984, %cond3A_985 : i32
      scf.if %cond3A_986 {
        %jit3A_1014 = arith.constant 0 : i32
        %jit3A_1015 = arith.constant 199 : i32
        %max3A_1016 = arith.maxsi %jit3A_1014, %sub3A_978 : i32
        %min3A_1017 = arith.minsi %jit3A_1015, %max3A_1016 : i32
        %dma_start3A_1018 = arith.constant 0 : i32
        %dma_start3A_1019 = tpu.memref_slice %arg5[%min3A_1017, %dma_start3A_1018] : memref<200x128xi32, #tpu.memory_space<vmem>> -> memref<1x128xi32, #tpu.memory_space<vmem>>
        %dma_start3A_1020 = tpu.memref_squeeze %dma_start3A_1019 : memref<1x128xi32, #tpu.memory_space<vmem>> -> memref<128xi32, #tpu.memory_space<vmem>>
        %dma_start3A_1021 = arith.constant 0 : i32
        %dma_start3A_1022 = arith.constant 0 : i32
        %dma_start3A_1023 = tpu.memref_slice %arg3[%dma_start3A_1021, %dma_start3A_1022] : memref<1000000x64xf32, #tpu.memory_space<hbm>> -> memref<1000000x64xf32, #tpu.memory_space<hbm>>
        tpu.enqueue_indirect_dma source(%dma_start3A_1023 : memref<1000000x64xf32, #tpu.memory_space<hbm>>) target(%arg8 : memref<128x64xf32, #tpu.memory_space<vmem>>) offsets(%dma_start3A_1020 : memref<128xi32, #tpu.memory_space<vmem>>) semaphore(%arg16 : memref<!tpu.dma_semaphore, #tpu.memory_space<semaphore_mem>>)
      } else {
      }
      %sub3A_987 = arith.constant 4 : i32
      %sub3A_988 = arith.subi %add3A_966, %sub3A_987 : i32
      %ge3A_989 = arith.constant 0 : i32
      %ge3A_990 = arith.cmpi sge, %sub3A_988, %ge3A_989 : i32
      %lt3A_991 = arith.constant 200 : i32
      %lt3A_992 = arith.cmpi slt, %sub3A_988, %lt3A_991 : i32
      %and3A_993 = arith.andi %ge3A_990, %lt3A_992 : i1
      %convert_element_type3A_994 = arith.extui %and3A_993 : i1 to i32
      %cond3A_995 = arith.constant 0 : i32
      %cond3A_996 = arith.cmpi ne, %convert_element_type3A_994, %cond3A_995 : i32
      scf.if %cond3A_996 {
        %jit3A_1014 = arith.constant 0 : i32
        %jit3A_1015 = arith.constant 199 : i32
        %max3A_1016 = arith.maxsi %jit3A_1014, %sub3A_988 : i32
        %min3A_1017 = arith.minsi %jit3A_1015, %max3A_1016 : i32
        %mul3A_1018 = arith.constant 8 : i32
        %mul3A_1019 = arith.muli %min3A_1017, %mul3A_1018 : i32
        %add3A_1020 = arith.constant 0 : i32
        %add3A_1021 = arith.addi %mul3A_1019, %add3A_1020 : i32
        %mul3A_1022 = arith.constant 256 : i32
        %mul3A_1023 = arith.muli %add3A_1021, %mul3A_1022 : i32
        %mul3A_1024 = arith.constant 8 : i32
        %mul3A_1025 = arith.muli %add3A, %mul3A_1024 : i32
        %add3A_1026 = arith.addi %mul3A_1023, %mul3A_1025 : i32
        %dma_wait3A_1027 = arith.constant 0 : i32
        %dma_wait3A_1028 = arith.constant 0 : i32
        %dma_wait3A_1029 = tpu.memref_slice %arg13[%dma_wait3A_1027, %dma_wait3A_1028] : memref<64x129xf32, #tpu.memory_space<vmem>> -> memref<8x128xf32, #tpu.memory_space<vmem>>
        %dma_wait3A_1030 = arith.constant 0 : i32
        %dma_wait3A_1031 = tpu.memref_slice %arg4[%add3A_1026, %dma_wait3A_1030] : memref<409600x128xf32, #tpu.memory_space<hbm>> -> memref<8x128xf32, #tpu.memory_space<hbm>>
        %dma_wait3A_1032 = arith.constant 0 : i32
        %dma_wait3A_1033 = tpu.memref_slice %arg4[%add3A_1026, %dma_wait3A_1032] : memref<409600x128xf32, #tpu.memory_space<hbm>> -> memref<8x128xf32, #tpu.memory_space<hbm>>
        %dma_wait3A_1034 = arith.constant 0 : i32
        %dma_wait3A_1035 = arith.constant 0 : i32
        %dma_wait3A_1036 = tpu.memref_slice %arg13[%dma_wait3A_1034, %dma_wait3A_1035] : memref<64x129xf32, #tpu.memory_space<vmem>> -> memref<8x128xf32, #tpu.memory_space<vmem>>
        tpu.wait_dma2 semaphore(%arg21 : memref<!tpu.dma_semaphore, #tpu.memory_space<semaphore_mem>>) src(%dma_wait3A_1036 : memref<8x128xf32, #tpu.memory_space<vmem>>) dst(%dma_wait3A_1033 : memref<8x128xf32, #tpu.memory_space<hbm>>)
        %jit3A_1037 = arith.constant 0 : i32
        %jit3A_1038 = arith.constant 199 : i32
        %max3A_1039 = arith.maxsi %jit3A_1037, %sub3A_988 : i32
        %min3A_1040 = arith.minsi %jit3A_1038, %max3A_1039 : i32
        %mul3A_1041 = arith.constant 8 : i32
        %mul3A_1042 = arith.muli %min3A_1040, %mul3A_1041 : i32
        %add3A_1043 = arith.constant 1 : i32
        %add3A_1044 = arith.addi %mul3A_1042, %add3A_1043 : i32
        %mul3A_1045 = arith.constant 256 : i32
        %mul3A_1046 = arith.muli %add3A_1044, %mul3A_1045 : i32
        %mul3A_1047 = arith.constant 8 : i32
        %mul3A_1048 = arith.muli %add3A, %mul3A_1047 : i32
        %add3A_1049 = arith.addi %mul3A_1046, %mul3A_1048 : i32
        %dma_wait3A_1050 = arith.constant 8 : i32
        %dma_wait3A_1051 = arith.constant 0 : i32
        %dma_wait3A_1052 = tpu.memref_slice %arg13[%dma_wait3A_1050, %dma_wait3A_1051] : memref<64x129xf32, #tpu.memory_space<vmem>> -> memref<8x128xf32, #tpu.memory_space<vmem>>
        %dma_wait3A_1053 = arith.constant 0 : i32
        %dma_wait3A_1054 = tpu.memref_slice %arg4[%add3A_1049, %dma_wait3A_1053] : memref<409600x128xf32, #tpu.memory_space<hbm>> -> memref<8x128xf32, #tpu.memory_space<hbm>>
        %dma_wait3A_1055 = arith.constant 0 : i32
        %dma_wait3A_1056 = tpu.memref_slice %arg4[%add3A_1049, %dma_wait3A_1055] : memref<409600x128xf32, #tpu.memory_space<hbm>> -> memref<8x128xf32, #tpu.memory_space<hbm>>
        %dma_wait3A_1057 = arith.constant 8 : i32
        %dma_wait3A_1058 = arith.constant 0 : i32
        %dma_wait3A_1059 = tpu.memref_slice %arg13[%dma_wait3A_1057, %dma_wait3A_1058] : memref<64x129xf32, #tpu.memory_space<vmem>> -> memref<8x128xf32, #tpu.memory_space<vmem>>
        tpu.wait_dma2 semaphore(%arg21 : memref<!tpu.dma_semaphore, #tpu.memory_space<semaphore_mem>>) src(%dma_wait3A_1059 : memref<8x128xf32, #tpu.memory_space<vmem>>) dst(%dma_wait3A_1056 : memref<8x128xf32, #tpu.memory_space<hbm>>)
        %jit3A_1060 = arith.constant 0 : i32
        %jit3A_1061 = arith.constant 199 : i32
        %max3A_1062 = arith.maxsi %jit3A_1060, %sub3A_988 : i32
        %min3A_1063 = arith.minsi %jit3A_1061, %max3A_1062 : i32
        %mul3A_1064 = arith.constant 8 : i32
        %mul3A_1065 = arith.muli %min3A_1063, %mul3A_1064 : i32
        %add3A_1066 = arith.constant 2 : i32
        %add3A_1067 = arith.addi %mul3A_1065, %add3A_1066 : i32
        %mul3A_1068 = arith.constant 256 : i32
        %mul3A_1069 = arith.muli %add3A_1067, %mul3A_1068 : i32
        %mul3A_1070 = arith.constant 8 : i32
        %mul3A_1071 = arith.muli %add3A, %mul3A_1070 : i32
        %add3A_1072 = arith.addi %mul3A_1069, %mul3A_1071 : i32
        %dma_wait3A_1073 = arith.constant 16 : i32
        %dma_wait3A_1074 = arith.constant 0 : i32
        %dma_wait3A_1075 = tpu.memref_slice %arg13[%dma_wait3A_1073, %dma_wait3A_1074] : memref<64x129xf32, #tpu.memory_space<vmem>> -> memref<8x128xf32, #tpu.memory_space<vmem>>
        %dma_wait3A_1076 = arith.constant 0 : i32
        %dma_wait3A_1077 = tpu.memref_slice %arg4[%add3A_1072, %dma_wait3A_1076] : memref<409600x128xf32, #tpu.memory_space<hbm>> -> memref<8x128xf32, #tpu.memory_space<hbm>>
        %dma_wait3A_1078 = arith.constant 0 : i32
        %dma_wait3A_1079 = tpu.memref_slice %arg4[%add3A_1072, %dma_wait3A_1078] : memref<409600x128xf32, #tpu.memory_space<hbm>> -> memref<8x128xf32, #tpu.memory_space<hbm>>
        %dma_wait3A_1080 = arith.constant 16 : i32
        %dma_wait3A_1081 = arith.constant 0 : i32
        %dma_wait3A_1082 = tpu.memref_slice %arg13[%dma_wait3A_1080, %dma_wait3A_1081] : memref<64x129xf32, #tpu.memory_space<vmem>> -> memref<8x128xf32, #tpu.memory_space<vmem>>
        tpu.wait_dma2 semaphore(%arg21 : memref<!tpu.dma_semaphore, #tpu.memory_space<semaphore_mem>>) src(%dma_wait3A_1082 : memref<8x128xf32, #tpu.memory_space<vmem>>) dst(%dma_wait3A_1079 : memref<8x128xf32, #tpu.memory_space<hbm>>)
        %jit3A_1083 = arith.constant 0 : i32
        %jit3A_1084 = arith.constant 199 : i32
        %max3A_1085 = arith.maxsi %jit3A_1083, %sub3A_988 : i32
        %min3A_1086 = arith.minsi %jit3A_1084, %max3A_1085 : i32
        %mul3A_1087 = arith.constant 8 : i32
        %mul3A_1088 = arith.muli %min3A_1086, %mul3A_1087 : i32
        %add3A_1089 = arith.constant 3 : i32
        %add3A_1090 = arith.addi %mul3A_1088, %add3A_1089 : i32
        %mul3A_1091 = arith.constant 256 : i32
        %mul3A_1092 = arith.muli %add3A_1090, %mul3A_1091 : i32
        %mul3A_1093 = arith.constant 8 : i32
        %mul3A_1094 = arith.muli %add3A, %mul3A_1093 : i32
        %add3A_1095 = arith.addi %mul3A_1092, %mul3A_1094 : i32
        %dma_wait3A_1096 = arith.constant 24 : i32
        %dma_wait3A_1097 = arith.constant 0 : i32
        %dma_wait3A_1098 = tpu.memref_slice %arg13[%dma_wait3A_1096, %dma_wait3A_1097] : memref<64x129xf32, #tpu.memory_space<vmem>> -> memref<8x128xf32, #tpu.memory_space<vmem>>
        %dma_wait3A_1099 = arith.constant 0 : i32
        %dma_wait3A_1100 = tpu.memref_slice %arg4[%add3A_1095, %dma_wait3A_1099] : memref<409600x128xf32, #tpu.memory_space<hbm>> -> memref<8x128xf32, #tpu.memory_space<hbm>>
        %dma_wait3A_1101 = arith.constant 0 : i32
        %dma_wait3A_1102 = tpu.memref_slice %arg4[%add3A_1095, %dma_wait3A_1101] : memref<409600x128xf32, #tpu.memory_space<hbm>> -> memref<8x128xf32, #tpu.memory_space<hbm>>
        %dma_wait3A_1103 = arith.constant 24 : i32
        %dma_wait3A_1104 = arith.constant 0 : i32
        %dma_wait3A_1105 = tpu.memref_slice %arg13[%dma_wait3A_1103, %dma_wait3A_1104] : memref<64x129xf32, #tpu.memory_space<vmem>> -> memref<8x128xf32, #tpu.memory_space<vmem>>
        tpu.wait_dma2 semaphore(%arg21 : memref<!tpu.dma_semaphore, #tpu.memory_space<semaphore_mem>>) src(%dma_wait3A_1105 : memref<8x128xf32, #tpu.memory_space<vmem>>) dst(%dma_wait3A_1102 : memref<8x128xf32, #tpu.memory_space<hbm>>)
        %jit3A_1106 = arith.constant 0 : i32
        %jit3A_1107 = arith.constant 199 : i32
        %max3A_1108 = arith.maxsi %jit3A_1106, %sub3A_988 : i32
        %min3A_1109 = arith.minsi %jit3A_1107, %max3A_1108 : i32
        %mul3A_1110 = arith.constant 8 : i32
        %mul3A_1111 = arith.muli %min3A_1109, %mul3A_1110 : i32
        %add3A_1112 = arith.constant 4 : i32
        %add3A_1113 = arith.addi %mul3A_1111, %add3A_1112 : i32
        %mul3A_1114 = arith.constant 256 : i32
        %mul3A_1115 = arith.muli %add3A_1113, %mul3A_1114 : i32
        %mul3A_1116 = arith.constant 8 : i32
        %mul3A_1117 = arith.muli %add3A, %mul3A_1116 : i32
        %add3A_1118 = arith.addi %mul3A_1115, %mul3A_1117 : i32
        %dma_wait3A_1119 = arith.constant 32 : i32
        %dma_wait3A_1120 = arith.constant 0 : i32
        %dma_wait3A_1121 = tpu.memref_slice %arg13[%dma_wait3A_1119, %dma_wait3A_1120] : memref<64x129xf32, #tpu.memory_space<vmem>> -> memref<8x128xf32, #tpu.memory_space<vmem>>
        %dma_wait3A_1122 = arith.constant 0 : i32
        %dma_wait3A_1123 = tpu.memref_slice %arg4[%add3A_1118, %dma_wait3A_1122] : memref<409600x128xf32, #tpu.memory_space<hbm>> -> memref<8x128xf32, #tpu.memory_space<hbm>>
        %dma_wait3A_1124 = arith.constant 0 : i32
        %dma_wait3A_1125 = tpu.memref_slice %arg4[%add3A_1118, %dma_wait3A_1124] : memref<409600x128xf32, #tpu.memory_space<hbm>> -> memref<8x128xf32, #tpu.memory_space<hbm>>
        %dma_wait3A_1126 = arith.constant 32 : i32
        %dma_wait3A_1127 = arith.constant 0 : i32
        %dma_wait3A_1128 = tpu.memref_slice %arg13[%dma_wait3A_1126, %dma_wait3A_1127] : memref<64x129xf32, #tpu.memory_space<vmem>> -> memref<8x128xf32, #tpu.memory_space<vmem>>
        tpu.wait_dma2 semaphore(%arg21 : memref<!tpu.dma_semaphore, #tpu.memory_space<semaphore_mem>>) src(%dma_wait3A_1128 : memref<8x128xf32, #tpu.memory_space<vmem>>) dst(%dma_wait3A_1125 : memref<8x128xf32, #tpu.memory_space<hbm>>)
        %jit3A_1129 = arith.constant 0 : i32
        %jit3A_1130 = arith.constant 199 : i32
        %max3A_1131 = arith.maxsi %jit3A_1129, %sub3A_988 : i32
        %min3A_1132 = arith.minsi %jit3A_1130, %max3A_1131 : i32
        %mul3A_1133 = arith.constant 8 : i32
        %mul3A_1134 = arith.muli %min3A_1132, %mul3A_1133 : i32
        %add3A_1135 = arith.constant 5 : i32
        %add3A_1136 = arith.addi %mul3A_1134, %add3A_1135 : i32
        %mul3A_1137 = arith.constant 256 : i32
        %mul3A_1138 = arith.muli %add3A_1136, %mul3A_1137 : i32
        %mul3A_1139 = arith.constant 8 : i32
        %mul3A_1140 = arith.muli %add3A, %mul3A_1139 : i32
        %add3A_1141 = arith.addi %mul3A_1138, %mul3A_1140 : i32
        %dma_wait3A_1142 = arith.constant 40 : i32
        %dma_wait3A_1143 = arith.constant 0 : i32
        %dma_wait3A_1144 = tpu.memref_slice %arg13[%dma_wait3A_1142, %dma_wait3A_1143] : memref<64x129xf32, #tpu.memory_space<vmem>> -> memref<8x128xf32, #tpu.memory_space<vmem>>
        %dma_wait3A_1145 = arith.constant 0 : i32
        %dma_wait3A_1146 = tpu.memref_slice %arg4[%add3A_1141, %dma_wait3A_1145] : memref<409600x128xf32, #tpu.memory_space<hbm>> -> memref<8x128xf32, #tpu.memory_space<hbm>>
        %dma_wait3A_1147 = arith.constant 0 : i32
        %dma_wait3A_1148 = tpu.memref_slice %arg4[%add3A_1141, %dma_wait3A_1147] : memref<409600x128xf32, #tpu.memory_space<hbm>> -> memref<8x128xf32, #tpu.memory_space<hbm>>
        %dma_wait3A_1149 = arith.constant 40 : i32
        %dma_wait3A_1150 = arith.constant 0 : i32
        %dma_wait3A_1151 = tpu.memref_slice %arg13[%dma_wait3A_1149, %dma_wait3A_1150] : memref<64x129xf32, #tpu.memory_space<vmem>> -> memref<8x128xf32, #tpu.memory_space<vmem>>
        tpu.wait_dma2 semaphore(%arg21 : memref<!tpu.dma_semaphore, #tpu.memory_space<semaphore_mem>>) src(%dma_wait3A_1151 : memref<8x128xf32, #tpu.memory_space<vmem>>) dst(%dma_wait3A_1148 : memref<8x128xf32, #tpu.memory_space<hbm>>)
        %jit3A_1152 = arith.constant 0 : i32
        %jit3A_1153 = arith.constant 199 : i32
        %max3A_1154 = arith.maxsi %jit3A_1152, %sub3A_988 : i32
        %min3A_1155 = arith.minsi %jit3A_1153, %max3A_1154 : i32
        %mul3A_1156 = arith.constant 8 : i32
        %mul3A_1157 = arith.muli %min3A_1155, %mul3A_1156 : i32
        %add3A_1158 = arith.constant 6 : i32
        %add3A_1159 = arith.addi %mul3A_1157, %add3A_1158 : i32
        %mul3A_1160 = arith.constant 256 : i32
        %mul3A_1161 = arith.muli %add3A_1159, %mul3A_1160 : i32
        %mul3A_1162 = arith.constant 8 : i32
        %mul3A_1163 = arith.muli %add3A, %mul3A_1162 : i32
        %add3A_1164 = arith.addi %mul3A_1161, %mul3A_1163 : i32
        %dma_wait3A_1165 = arith.constant 48 : i32
        %dma_wait3A_1166 = arith.constant 0 : i32
        %dma_wait3A_1167 = tpu.memref_slice %arg13[%dma_wait3A_1165, %dma_wait3A_1166] : memref<64x129xf32, #tpu.memory_space<vmem>> -> memref<8x128xf32, #tpu.memory_space<vmem>>
        %dma_wait3A_1168 = arith.constant 0 : i32
        %dma_wait3A_1169 = tpu.memref_slice %arg4[%add3A_1164, %dma_wait3A_1168] : memref<409600x128xf32, #tpu.memory_space<hbm>> -> memref<8x128xf32, #tpu.memory_space<hbm>>
        %dma_wait3A_1170 = arith.constant 0 : i32
        %dma_wait3A_1171 = tpu.memref_slice %arg4[%add3A_1164, %dma_wait3A_1170] : memref<409600x128xf32, #tpu.memory_space<hbm>> -> memref<8x128xf32, #tpu.memory_space<hbm>>
        %dma_wait3A_1172 = arith.constant 48 : i32
        %dma_wait3A_1173 = arith.constant 0 : i32
        %dma_wait3A_1174 = tpu.memref_slice %arg13[%dma_wait3A_1172, %dma_wait3A_1173] : memref<64x129xf32, #tpu.memory_space<vmem>> -> memref<8x128xf32, #tpu.memory_space<vmem>>
        tpu.wait_dma2 semaphore(%arg21 : memref<!tpu.dma_semaphore, #tpu.memory_space<semaphore_mem>>) src(%dma_wait3A_1174 : memref<8x128xf32, #tpu.memory_space<vmem>>) dst(%dma_wait3A_1171 : memref<8x128xf32, #tpu.memory_space<hbm>>)
        %jit3A_1175 = arith.constant 0 : i32
        %jit3A_1176 = arith.constant 199 : i32
        %max3A_1177 = arith.maxsi %jit3A_1175, %sub3A_988 : i32
        %min3A_1178 = arith.minsi %jit3A_1176, %max3A_1177 : i32
        %mul3A_1179 = arith.constant 8 : i32
        %mul3A_1180 = arith.muli %min3A_1178, %mul3A_1179 : i32
        %add3A_1181 = arith.constant 7 : i32
        %add3A_1182 = arith.addi %mul3A_1180, %add3A_1181 : i32
        %mul3A_1183 = arith.constant 256 : i32
        %mul3A_1184 = arith.muli %add3A_1182, %mul3A_1183 : i32
        %mul3A_1185 = arith.constant 8 : i32
        %mul3A_1186 = arith.muli %add3A, %mul3A_1185 : i32
        %add3A_1187 = arith.addi %mul3A_1184, %mul3A_1186 : i32
        %dma_wait3A_1188 = arith.constant 56 : i32
        %dma_wait3A_1189 = arith.constant 0 : i32
        %dma_wait3A_1190 = tpu.memref_slice %arg13[%dma_wait3A_1188, %dma_wait3A_1189] : memref<64x129xf32, #tpu.memory_space<vmem>> -> memref<8x128xf32, #tpu.memory_space<vmem>>
        %dma_wait3A_1191 = arith.constant 0 : i32
        %dma_wait3A_1192 = tpu.memref_slice %arg4[%add3A_1187, %dma_wait3A_1191] : memref<409600x128xf32, #tpu.memory_space<hbm>> -> memref<8x128xf32, #tpu.memory_space<hbm>>
        %dma_wait3A_1193 = arith.constant 0 : i32
        %dma_wait3A_1194 = tpu.memref_slice %arg4[%add3A_1187, %dma_wait3A_1193] : memref<409600x128xf32, #tpu.memory_space<hbm>> -> memref<8x128xf32, #tpu.memory_space<hbm>>
        %dma_wait3A_1195 = arith.constant 56 : i32
        %dma_wait3A_1196 = arith.constant 0 : i32
        %dma_wait3A_1197 = tpu.memref_slice %arg13[%dma_wait3A_1195, %dma_wait3A_1196] : memref<64x129xf32, #tpu.memory_space<vmem>> -> memref<8x128xf32, #tpu.memory_space<vmem>>
        tpu.wait_dma2 semaphore(%arg21 : memref<!tpu.dma_semaphore, #tpu.memory_space<semaphore_mem>>) src(%dma_wait3A_1197 : memref<8x128xf32, #tpu.memory_space<vmem>>) dst(%dma_wait3A_1194 : memref<8x128xf32, #tpu.memory_space<hbm>>)
      } else {
      }
      %ge3A_997 = arith.constant 0 : i32
      %ge3A_998 = arith.cmpi sge, %add3A_966, %ge3A_997 : i32
      %lt3A_999 = arith.constant 200 : i32
      %lt3A_1000 = arith.cmpi slt, %add3A_966, %lt3A_999 : i32
      %and3A_1001 = arith.andi %ge3A_998, %lt3A_1000 : i1
      %convert_element_type3A_1002 = arith.extui %and3A_1001 : i1 to i32
      %cond3A_1003 = arith.constant 0 : i32
      %cond3A_1004 = arith.cmpi ne, %convert_element_type3A_1002, %cond3A_1003 : i32
      scf.if %cond3A_1004 {
        %parallel_loop3A = arith.constant 0 : i32
        %parallel_loop3A_1014 = arith.constant 128 : i32
        %parallel_loop3A_1015 = arith.constant 1 : i32
        scf.for %parallel_loop3A_1016 = %parallel_loop3A to %parallel_loop3A_1014 step %parallel_loop3A_1015  : i32 {
          %parallel_loop3A_1017 = arith.constant 0 : i32
          %parallel_loop3A_1018 = vector.broadcast %parallel_loop3A_1017 : i32 to vector<16xi32>
          %parallel_loop3A_1019 = arith.muli %iota3A, %parallel_loop3A_1018 : vector<16xi32>
          %parallel_loop3A_1020 = vector.broadcast %parallel_loop3A_1016 : i32 to vector<16xi32>
          %parallel_loop3A_1021 = arith.addi %parallel_loop3A_1019, %parallel_loop3A_1020 : vector<16xi32>
          %parallel_loop3A_1022 = arith.index_cast %parallel_loop3A_1016 : i32 to index
          %parallel_loop3A_1023 = arith.constant 0 : index
          %parallel_loop3A_1024 = tpu.vector_load %arg9[%parallel_loop3A_1022, %parallel_loop3A_1023] {strides = array<i32>} : memref<128x64xf32, #tpu.memory_space<vmem>>, vector<16xf32>,
          tpu.vector_store_idx %arg13[%add3A_5, %parallel_loop3A_1021], %parallel_loop3A_1024 : memref<64x129xf32, #tpu.memory_space<vmem>>[vector<16xi32>, vector<16xi32>], vector<16xf32>,
          %parallel_loop3A_1025 = arith.index_cast %parallel_loop3A_1016 : i32 to index
          %parallel_loop3A_1026 = arith.constant 16 : index
          %parallel_loop3A_1027 = tpu.vector_load %arg9[%parallel_loop3A_1025, %parallel_loop3A_1026] {strides = array<i32>} : memref<128x64xf32, #tpu.memory_space<vmem>>, vector<16xf32>,
          tpu.vector_store_idx %arg13[%add3A_8, %parallel_loop3A_1021], %parallel_loop3A_1027 : memref<64x129xf32, #tpu.memory_space<vmem>>[vector<16xi32>, vector<16xi32>], vector<16xf32>,
          %parallel_loop3A_1028 = arith.index_cast %parallel_loop3A_1016 : i32 to index
          %parallel_loop3A_1029 = arith.constant 32 : index
          %parallel_loop3A_1030 = tpu.vector_load %arg9[%parallel_loop3A_1028, %parallel_loop3A_1029] {strides = array<i32>} : memref<128x64xf32, #tpu.memory_space<vmem>>, vector<16xf32>,
          tpu.vector_store_idx %arg13[%add3A_11, %parallel_loop3A_1021], %parallel_loop3A_1030 : memref<64x129xf32, #tpu.memory_space<vmem>>[vector<16xi32>, vector<16xi32>], vector<16xf32>,
          %parallel_loop3A_1031 = arith.index_cast %parallel_loop3A_1016 : i32 to index
          %parallel_loop3A_1032 = arith.constant 48 : index
          %parallel_loop3A_1033 = tpu.vector_load %arg9[%parallel_loop3A_1031, %parallel_loop3A_1032] {strides = array<i32>} : memref<128x64xf32, #tpu.memory_space<vmem>>, vector<16xf32>,
          tpu.vector_store_idx %arg13[%add3A_14, %parallel_loop3A_1021], %parallel_loop3A_1033 : memref<64x129xf32, #tpu.memory_space<vmem>>[vector<16xi32>, vector<16xi32>], vector<16xf32>,
        } {sc.loop_unroll_factor = 8 : i64, sc.parallel_access}
      } else {
      }
      %ge3A_1005 = arith.constant 0 : i32
      %ge3A_1006 = arith.cmpi sge, %add3A_966, %ge3A_1005 : i32
      %lt3A_1007 = arith.constant 200 : i32
      %lt3A_1008 = arith.cmpi slt, %add3A_966, %lt3A_1007 : i32
      %and3A_1009 = arith.andi %ge3A_1006, %lt3A_1008 : i1
      %convert_element_type3A_1010 = arith.extui %and3A_1009 : i1 to i32
      %cond3A_1011 = arith.constant 0 : i32
      %cond3A_1012 = arith.cmpi ne, %convert_element_type3A_1010, %cond3A_1011 : i32
      scf.if %cond3A_1012 {
        %jit3A_1014 = arith.constant 0 : i32
        %jit3A_1015 = arith.constant 199 : i32
        %max3A_1016 = arith.maxsi %jit3A_1014, %add3A_966 : i32
        %min3A_1017 = arith.minsi %jit3A_1015, %max3A_1016 : i32
        %mul3A_1018 = arith.constant 8 : i32
        %mul3A_1019 = arith.muli %min3A_1017, %mul3A_1018 : i32
        %add3A_1020 = arith.constant 0 : i32
        %add3A_1021 = arith.addi %mul3A_1019, %add3A_1020 : i32
        %mul3A_1022 = arith.constant 256 : i32
        %mul3A_1023 = arith.muli %add3A_1021, %mul3A_1022 : i32
        %mul3A_1024 = arith.constant 8 : i32
        %mul3A_1025 = arith.muli %add3A, %mul3A_1024 : i32
        %add3A_1026 = arith.addi %mul3A_1023, %mul3A_1025 : i32
        %dma_start3A_1027 = arith.constant 0 : i32
        %dma_start3A_1028 = arith.constant 0 : i32
        %dma_start3A_1029 = tpu.memref_slice %arg13[%dma_start3A_1027, %dma_start3A_1028] : memref<64x129xf32, #tpu.memory_space<vmem>> -> memref<8x128xf32, #tpu.memory_space<vmem>>
        %dma_start3A_1030 = arith.constant 0 : i32
        %dma_start3A_1031 = tpu.memref_slice %arg4[%add3A_1026, %dma_start3A_1030] : memref<409600x128xf32, #tpu.memory_space<hbm>> -> memref<8x128xf32, #tpu.memory_space<hbm>>
        %dma_start3A_1032 = arith.constant 0 : i32
        %dma_start3A_1033 = tpu.memref_slice %arg4[%add3A_1026, %dma_start3A_1032] : memref<409600x128xf32, #tpu.memory_space<hbm>> -> memref<8x128xf32, #tpu.memory_space<hbm>>
        %dma_start3A_1034 = arith.constant 0 : i32
        %dma_start3A_1035 = arith.constant 0 : i32
        %dma_start3A_1036 = tpu.memref_slice %arg13[%dma_start3A_1034, %dma_start3A_1035] : memref<64x129xf32, #tpu.memory_space<vmem>> -> memref<8x128xf32, #tpu.memory_space<vmem>>
        tpu.enqueue_dma source(%dma_start3A_1036 : memref<8x128xf32, #tpu.memory_space<vmem>>) target(%dma_start3A_1033 : memref<8x128xf32, #tpu.memory_space<hbm>>) target_semaphore(%arg21 : memref<!tpu.dma_semaphore, #tpu.memory_space<semaphore_mem>>)
        %jit3A_1037 = arith.constant 0 : i32
        %jit3A_1038 = arith.constant 199 : i32
        %max3A_1039 = arith.maxsi %jit3A_1037, %add3A_966 : i32
        %min3A_1040 = arith.minsi %jit3A_1038, %max3A_1039 : i32
        %mul3A_1041 = arith.constant 8 : i32
        %mul3A_1042 = arith.muli %min3A_1040, %mul3A_1041 : i32
        %add3A_1043 = arith.constant 1 : i32
        %add3A_1044 = arith.addi %mul3A_1042, %add3A_1043 : i32
        %mul3A_1045 = arith.constant 256 : i32
        %mul3A_1046 = arith.muli %add3A_1044, %mul3A_1045 : i32
        %mul3A_1047 = arith.constant 8 : i32
        %mul3A_1048 = arith.muli %add3A, %mul3A_1047 : i32
        %add3A_1049 = arith.addi %mul3A_1046, %mul3A_1048 : i32
        %dma_start3A_1050 = arith.constant 8 : i32
        %dma_start3A_1051 = arith.constant 0 : i32
        %dma_start3A_1052 = tpu.memref_slice %arg13[%dma_start3A_1050, %dma_start3A_1051] : memref<64x129xf32, #tpu.memory_space<vmem>> -> memref<8x128xf32, #tpu.memory_space<vmem>>
        %dma_start3A_1053 = arith.constant 0 : i32
        %dma_start3A_1054 = tpu.memref_slice %arg4[%add3A_1049, %dma_start3A_1053] : memref<409600x128xf32, #tpu.memory_space<hbm>> -> memref<8x128xf32, #tpu.memory_space<hbm>>
        %dma_start3A_1055 = arith.constant 0 : i32
        %dma_start3A_1056 = tpu.memref_slice %arg4[%add3A_1049, %dma_start3A_1055] : memref<409600x128xf32, #tpu.memory_space<hbm>> -> memref<8x128xf32, #tpu.memory_space<hbm>>
        %dma_start3A_1057 = arith.constant 8 : i32
        %dma_start3A_1058 = arith.constant 0 : i32
        %dma_start3A_1059 = tpu.memref_slice %arg13[%dma_start3A_1057, %dma_start3A_1058] : memref<64x129xf32, #tpu.memory_space<vmem>> -> memref<8x128xf32, #tpu.memory_space<vmem>>
        tpu.enqueue_dma source(%dma_start3A_1059 : memref<8x128xf32, #tpu.memory_space<vmem>>) target(%dma_start3A_1056 : memref<8x128xf32, #tpu.memory_space<hbm>>) target_semaphore(%arg21 : memref<!tpu.dma_semaphore, #tpu.memory_space<semaphore_mem>>)
        %jit3A_1060 = arith.constant 0 : i32
        %jit3A_1061 = arith.constant 199 : i32
        %max3A_1062 = arith.maxsi %jit3A_1060, %add3A_966 : i32
        %min3A_1063 = arith.minsi %jit3A_1061, %max3A_1062 : i32
        %mul3A_1064 = arith.constant 8 : i32
        %mul3A_1065 = arith.muli %min3A_1063, %mul3A_1064 : i32
        %add3A_1066 = arith.constant 2 : i32
        %add3A_1067 = arith.addi %mul3A_1065, %add3A_1066 : i32
        %mul3A_1068 = arith.constant 256 : i32
        %mul3A_1069 = arith.muli %add3A_1067, %mul3A_1068 : i32
        %mul3A_1070 = arith.constant 8 : i32
        %mul3A_1071 = arith.muli %add3A, %mul3A_1070 : i32
        %add3A_1072 = arith.addi %mul3A_1069, %mul3A_1071 : i32
        %dma_start3A_1073 = arith.constant 16 : i32
        %dma_start3A_1074 = arith.constant 0 : i32
        %dma_start3A_1075 = tpu.memref_slice %arg13[%dma_start3A_1073, %dma_start3A_1074] : memref<64x129xf32, #tpu.memory_space<vmem>> -> memref<8x128xf32, #tpu.memory_space<vmem>>
        %dma_start3A_1076 = arith.constant 0 : i32
        %dma_start3A_1077 = tpu.memref_slice %arg4[%add3A_1072, %dma_start3A_1076] : memref<409600x128xf32, #tpu.memory_space<hbm>> -> memref<8x128xf32, #tpu.memory_space<hbm>>
        %dma_start3A_1078 = arith.constant 0 : i32
        %dma_start3A_1079 = tpu.memref_slice %arg4[%add3A_1072, %dma_start3A_1078] : memref<409600x128xf32, #tpu.memory_space<hbm>> -> memref<8x128xf32, #tpu.memory_space<hbm>>
        %dma_start3A_1080 = arith.constant 16 : i32
        %dma_start3A_1081 = arith.constant 0 : i32
        %dma_start3A_1082 = tpu.memref_slice %arg13[%dma_start3A_1080, %dma_start3A_1081] : memref<64x129xf32, #tpu.memory_space<vmem>> -> memref<8x128xf32, #tpu.memory_space<vmem>>
        tpu.enqueue_dma source(%dma_start3A_1082 : memref<8x128xf32, #tpu.memory_space<vmem>>) target(%dma_start3A_1079 : memref<8x128xf32, #tpu.memory_space<hbm>>) target_semaphore(%arg21 : memref<!tpu.dma_semaphore, #tpu.memory_space<semaphore_mem>>)
        %jit3A_1083 = arith.constant 0 : i32
        %jit3A_1084 = arith.constant 199 : i32
        %max3A_1085 = arith.maxsi %jit3A_1083, %add3A_966 : i32
        %min3A_1086 = arith.minsi %jit3A_1084, %max3A_1085 : i32
        %mul3A_1087 = arith.constant 8 : i32
        %mul3A_1088 = arith.muli %min3A_1086, %mul3A_1087 : i32
        %add3A_1089 = arith.constant 3 : i32
        %add3A_1090 = arith.addi %mul3A_1088, %add3A_1089 : i32
        %mul3A_1091 = arith.constant 256 : i32
        %mul3A_1092 = arith.muli %add3A_1090, %mul3A_1091 : i32
        %mul3A_1093 = arith.constant 8 : i32
        %mul3A_1094 = arith.muli %add3A, %mul3A_1093 : i32
        %add3A_1095 = arith.addi %mul3A_1092, %mul3A_1094 : i32
        %dma_start3A_1096 = arith.constant 24 : i32
        %dma_start3A_1097 = arith.constant 0 : i32
        %dma_start3A_1098 = tpu.memref_slice %arg13[%dma_start3A_1096, %dma_start3A_1097] : memref<64x129xf32, #tpu.memory_space<vmem>> -> memref<8x128xf32, #tpu.memory_space<vmem>>
        %dma_start3A_1099 = arith.constant 0 : i32
        %dma_start3A_1100 = tpu.memref_slice %arg4[%add3A_1095, %dma_start3A_1099] : memref<409600x128xf32, #tpu.memory_space<hbm>> -> memref<8x128xf32, #tpu.memory_space<hbm>>
        %dma_start3A_1101 = arith.constant 0 : i32
        %dma_start3A_1102 = tpu.memref_slice %arg4[%add3A_1095, %dma_start3A_1101] : memref<409600x128xf32, #tpu.memory_space<hbm>> -> memref<8x128xf32, #tpu.memory_space<hbm>>
        %dma_start3A_1103 = arith.constant 24 : i32
        %dma_start3A_1104 = arith.constant 0 : i32
        %dma_start3A_1105 = tpu.memref_slice %arg13[%dma_start3A_1103, %dma_start3A_1104] : memref<64x129xf32, #tpu.memory_space<vmem>> -> memref<8x128xf32, #tpu.memory_space<vmem>>
        tpu.enqueue_dma source(%dma_start3A_1105 : memref<8x128xf32, #tpu.memory_space<vmem>>) target(%dma_start3A_1102 : memref<8x128xf32, #tpu.memory_space<hbm>>) target_semaphore(%arg21 : memref<!tpu.dma_semaphore, #tpu.memory_space<semaphore_mem>>)
        %jit3A_1106 = arith.constant 0 : i32
        %jit3A_1107 = arith.constant 199 : i32
        %max3A_1108 = arith.maxsi %jit3A_1106, %add3A_966 : i32
        %min3A_1109 = arith.minsi %jit3A_1107, %max3A_1108 : i32
        %mul3A_1110 = arith.constant 8 : i32
        %mul3A_1111 = arith.muli %min3A_1109, %mul3A_1110 : i32
        %add3A_1112 = arith.constant 4 : i32
        %add3A_1113 = arith.addi %mul3A_1111, %add3A_1112 : i32
        %mul3A_1114 = arith.constant 256 : i32
        %mul3A_1115 = arith.muli %add3A_1113, %mul3A_1114 : i32
        %mul3A_1116 = arith.constant 8 : i32
        %mul3A_1117 = arith.muli %add3A, %mul3A_1116 : i32
        %add3A_1118 = arith.addi %mul3A_1115, %mul3A_1117 : i32
        %dma_start3A_1119 = arith.constant 32 : i32
        %dma_start3A_1120 = arith.constant 0 : i32
        %dma_start3A_1121 = tpu.memref_slice %arg13[%dma_start3A_1119, %dma_start3A_1120] : memref<64x129xf32, #tpu.memory_space<vmem>> -> memref<8x128xf32, #tpu.memory_space<vmem>>
        %dma_start3A_1122 = arith.constant 0 : i32
        %dma_start3A_1123 = tpu.memref_slice %arg4[%add3A_1118, %dma_start3A_1122] : memref<409600x128xf32, #tpu.memory_space<hbm>> -> memref<8x128xf32, #tpu.memory_space<hbm>>
        %dma_start3A_1124 = arith.constant 0 : i32
        %dma_start3A_1125 = tpu.memref_slice %arg4[%add3A_1118, %dma_start3A_1124] : memref<409600x128xf32, #tpu.memory_space<hbm>> -> memref<8x128xf32, #tpu.memory_space<hbm>>
        %dma_start3A_1126 = arith.constant 32 : i32
        %dma_start3A_1127 = arith.constant 0 : i32
        %dma_start3A_1128 = tpu.memref_slice %arg13[%dma_start3A_1126, %dma_start3A_1127] : memref<64x129xf32, #tpu.memory_space<vmem>> -> memref<8x128xf32, #tpu.memory_space<vmem>>
        tpu.enqueue_dma source(%dma_start3A_1128 : memref<8x128xf32, #tpu.memory_space<vmem>>) target(%dma_start3A_1125 : memref<8x128xf32, #tpu.memory_space<hbm>>) target_semaphore(%arg21 : memref<!tpu.dma_semaphore, #tpu.memory_space<semaphore_mem>>)
        %jit3A_1129 = arith.constant 0 : i32
        %jit3A_1130 = arith.constant 199 : i32
        %max3A_1131 = arith.maxsi %jit3A_1129, %add3A_966 : i32
        %min3A_1132 = arith.minsi %jit3A_1130, %max3A_1131 : i32
        %mul3A_1133 = arith.constant 8 : i32
        %mul3A_1134 = arith.muli %min3A_1132, %mul3A_1133 : i32
        %add3A_1135 = arith.constant 5 : i32
        %add3A_1136 = arith.addi %mul3A_1134, %add3A_1135 : i32
        %mul3A_1137 = arith.constant 256 : i32
        %mul3A_1138 = arith.muli %add3A_1136, %mul3A_1137 : i32
        %mul3A_1139 = arith.constant 8 : i32
        %mul3A_1140 = arith.muli %add3A, %mul3A_1139 : i32
        %add3A_1141 = arith.addi %mul3A_1138, %mul3A_1140 : i32
        %dma_start3A_1142 = arith.constant 40 : i32
        %dma_start3A_1143 = arith.constant 0 : i32
        %dma_start3A_1144 = tpu.memref_slice %arg13[%dma_start3A_1142, %dma_start3A_1143] : memref<64x129xf32, #tpu.memory_space<vmem>> -> memref<8x128xf32, #tpu.memory_space<vmem>>
        %dma_start3A_1145 = arith.constant 0 : i32
        %dma_start3A_1146 = tpu.memref_slice %arg4[%add3A_1141, %dma_start3A_1145] : memref<409600x128xf32, #tpu.memory_space<hbm>> -> memref<8x128xf32, #tpu.memory_space<hbm>>
        %dma_start3A_1147 = arith.constant 0 : i32
        %dma_start3A_1148 = tpu.memref_slice %arg4[%add3A_1141, %dma_start3A_1147] : memref<409600x128xf32, #tpu.memory_space<hbm>> -> memref<8x128xf32, #tpu.memory_space<hbm>>
        %dma_start3A_1149 = arith.constant 40 : i32
        %dma_start3A_1150 = arith.constant 0 : i32
        %dma_start3A_1151 = tpu.memref_slice %arg13[%dma_start3A_1149, %dma_start3A_1150] : memref<64x129xf32, #tpu.memory_space<vmem>> -> memref<8x128xf32, #tpu.memory_space<vmem>>
        tpu.enqueue_dma source(%dma_start3A_1151 : memref<8x128xf32, #tpu.memory_space<vmem>>) target(%dma_start3A_1148 : memref<8x128xf32, #tpu.memory_space<hbm>>) target_semaphore(%arg21 : memref<!tpu.dma_semaphore, #tpu.memory_space<semaphore_mem>>)
        %jit3A_1152 = arith.constant 0 : i32
        %jit3A_1153 = arith.constant 199 : i32
        %max3A_1154 = arith.maxsi %jit3A_1152, %add3A_966 : i32
        %min3A_1155 = arith.minsi %jit3A_1153, %max3A_1154 : i32
        %mul3A_1156 = arith.constant 8 : i32
        %mul3A_1157 = arith.muli %min3A_1155, %mul3A_1156 : i32
        %add3A_1158 = arith.constant 6 : i32
        %add3A_1159 = arith.addi %mul3A_1157, %add3A_1158 : i32
        %mul3A_1160 = arith.constant 256 : i32
        %mul3A_1161 = arith.muli %add3A_1159, %mul3A_1160 : i32
        %mul3A_1162 = arith.constant 8 : i32
        %mul3A_1163 = arith.muli %add3A, %mul3A_1162 : i32
        %add3A_1164 = arith.addi %mul3A_1161, %mul3A_1163 : i32
        %dma_start3A_1165 = arith.constant 48 : i32
        %dma_start3A_1166 = arith.constant 0 : i32
        %dma_start3A_1167 = tpu.memref_slice %arg13[%dma_start3A_1165, %dma_start3A_1166] : memref<64x129xf32, #tpu.memory_space<vmem>> -> memref<8x128xf32, #tpu.memory_space<vmem>>
        %dma_start3A_1168 = arith.constant 0 : i32
        %dma_start3A_1169 = tpu.memref_slice %arg4[%add3A_1164, %dma_start3A_1168] : memref<409600x128xf32, #tpu.memory_space<hbm>> -> memref<8x128xf32, #tpu.memory_space<hbm>>
        %dma_start3A_1170 = arith.constant 0 : i32
        %dma_start3A_1171 = tpu.memref_slice %arg4[%add3A_1164, %dma_start3A_1170] : memref<409600x128xf32, #tpu.memory_space<hbm>> -> memref<8x128xf32, #tpu.memory_space<hbm>>
        %dma_start3A_1172 = arith.constant 48 : i32
        %dma_start3A_1173 = arith.constant 0 : i32
        %dma_start3A_1174 = tpu.memref_slice %arg13[%dma_start3A_1172, %dma_start3A_1173] : memref<64x129xf32, #tpu.memory_space<vmem>> -> memref<8x128xf32, #tpu.memory_space<vmem>>
        tpu.enqueue_dma source(%dma_start3A_1174 : memref<8x128xf32, #tpu.memory_space<vmem>>) target(%dma_start3A_1171 : memref<8x128xf32, #tpu.memory_space<hbm>>) target_semaphore(%arg21 : memref<!tpu.dma_semaphore, #tpu.memory_space<semaphore_mem>>)
        %jit3A_1175 = arith.constant 0 : i32
        %jit3A_1176 = arith.constant 199 : i32
        %max3A_1177 = arith.maxsi %jit3A_1175, %add3A_966 : i32
        %min3A_1178 = arith.minsi %jit3A_1176, %max3A_1177 : i32
        %mul3A_1179 = arith.constant 8 : i32
        %mul3A_1180 = arith.muli %min3A_1178, %mul3A_1179 : i32
        %add3A_1181 = arith.constant 7 : i32
        %add3A_1182 = arith.addi %mul3A_1180, %add3A_1181 : i32
        %mul3A_1183 = arith.constant 256 : i32
        %mul3A_1184 = arith.muli %add3A_1182, %mul3A_1183 : i32
        %mul3A_1185 = arith.constant 8 : i32
        %mul3A_1186 = arith.muli %add3A, %mul3A_1185 : i32
        %add3A_1187 = arith.addi %mul3A_1184, %mul3A_1186 : i32
        %dma_start3A_1188 = arith.constant 56 : i32
        %dma_start3A_1189 = arith.constant 0 : i32
        %dma_start3A_1190 = tpu.memref_slice %arg13[%dma_start3A_1188, %dma_start3A_1189] : memref<64x129xf32, #tpu.memory_space<vmem>> -> memref<8x128xf32, #tpu.memory_space<vmem>>
        %dma_start3A_1191 = arith.constant 0 : i32
        %dma_start3A_1192 = tpu.memref_slice %arg4[%add3A_1187, %dma_start3A_1191] : memref<409600x128xf32, #tpu.memory_space<hbm>> -> memref<8x128xf32, #tpu.memory_space<hbm>>
        %dma_start3A_1193 = arith.constant 0 : i32
        %dma_start3A_1194 = tpu.memref_slice %arg4[%add3A_1187, %dma_start3A_1193] : memref<409600x128xf32, #tpu.memory_space<hbm>> -> memref<8x128xf32, #tpu.memory_space<hbm>>
        %dma_start3A_1195 = arith.constant 56 : i32
        %dma_start3A_1196 = arith.constant 0 : i32
        %dma_start3A_1197 = tpu.memref_slice %arg13[%dma_start3A_1195, %dma_start3A_1196] : memref<64x129xf32, #tpu.memory_space<vmem>> -> memref<8x128xf32, #tpu.memory_space<vmem>>
        tpu.enqueue_dma source(%dma_start3A_1197 : memref<8x128xf32, #tpu.memory_space<vmem>>) target(%dma_start3A_1194 : memref<8x128xf32, #tpu.memory_space<hbm>>) target_semaphore(%arg21 : memref<!tpu.dma_semaphore, #tpu.memory_space<semaphore_mem>>)
      } else {
      }
      %scan3A_1013 = arith.constant 0 : i32
      scf.yield %scan3A_1013 : i32
    }
    %scan3A_49 = arith.constant 50 : i32
    %jit3A_50 = arith.constant 196 : i32
    %jit3A_51 = arith.constant 0 : i32
    %jit3A_52 = arith.constant 199 : i32
    %max3A_53 = arith.maxsi %jit3A_51, %jit3A_50 : i32
    %min3A_54 = arith.minsi %jit3A_52, %max3A_53 : i32
    %mul3A_55 = arith.constant 8 : i32
    %mul3A_56 = arith.muli %min3A_54, %mul3A_55 : i32
    %add3A_57 = arith.constant 0 : i32
    %add3A_58 = arith.addi %mul3A_56, %add3A_57 : i32
    %mul3A_59 = arith.constant 256 : i32
    %mul3A_60 = arith.muli %add3A_58, %mul3A_59 : i32
    %mul3A_61 = arith.constant 8 : i32
    %mul3A_62 = arith.muli %add3A, %mul3A_61 : i32
    %add3A_63 = arith.addi %mul3A_60, %mul3A_62 : i32
    %dma_wait3A = arith.constant 0 : i32
    %dma_wait3A_64 = arith.constant 0 : i32
    %dma_wait3A_65 = tpu.memref_slice %arg10[%dma_wait3A, %dma_wait3A_64] : memref<64x129xf32, #tpu.memory_space<vmem>> -> memref<8x128xf32, #tpu.memory_space<vmem>>
    %dma_wait3A_66 = arith.constant 0 : i32
    %dma_wait3A_67 = tpu.memref_slice %arg4[%add3A_63, %dma_wait3A_66] : memref<409600x128xf32, #tpu.memory_space<hbm>> -> memref<8x128xf32, #tpu.memory_space<hbm>>
    %dma_wait3A_68 = arith.constant 0 : i32
    %dma_wait3A_69 = tpu.memref_slice %arg4[%add3A_63, %dma_wait3A_68] : memref<409600x128xf32, #tpu.memory_space<hbm>> -> memref<8x128xf32, #tpu.memory_space<hbm>>
    %dma_wait3A_70 = arith.constant 0 : i32
    %dma_wait3A_71 = arith.constant 0 : i32
    %dma_wait3A_72 = tpu.memref_slice %arg10[%dma_wait3A_70, %dma_wait3A_71] : memref<64x129xf32, #tpu.memory_space<vmem>> -> memref<8x128xf32, #tpu.memory_space<vmem>>
    tpu.wait_dma2 semaphore(%arg18 : memref<!tpu.dma_semaphore, #tpu.memory_space<semaphore_mem>>) src(%dma_wait3A_72 : memref<8x128xf32, #tpu.memory_space<vmem>>) dst(%dma_wait3A_69 : memref<8x128xf32, #tpu.memory_space<hbm>>)
    %jit3A_73 = arith.constant 196 : i32
    %jit3A_74 = arith.constant 0 : i32
    %jit3A_75 = arith.constant 199 : i32
    %max3A_76 = arith.maxsi %jit3A_74, %jit3A_73 : i32
    %min3A_77 = arith.minsi %jit3A_75, %max3A_76 : i32
    %mul3A_78 = arith.constant 8 : i32
    %mul3A_79 = arith.muli %min3A_77, %mul3A_78 : i32
    %add3A_80 = arith.constant 1 : i32
    %add3A_81 = arith.addi %mul3A_79, %add3A_80 : i32
    %mul3A_82 = arith.constant 256 : i32
    %mul3A_83 = arith.muli %add3A_81, %mul3A_82 : i32
    %mul3A_84 = arith.constant 8 : i32
    %mul3A_85 = arith.muli %add3A, %mul3A_84 : i32
    %add3A_86 = arith.addi %mul3A_83, %mul3A_85 : i32
    %dma_wait3A_87 = arith.constant 8 : i32
    %dma_wait3A_88 = arith.constant 0 : i32
    %dma_wait3A_89 = tpu.memref_slice %arg10[%dma_wait3A_87, %dma_wait3A_88] : memref<64x129xf32, #tpu.memory_space<vmem>> -> memref<8x128xf32, #tpu.memory_space<vmem>>
    %dma_wait3A_90 = arith.constant 0 : i32
    %dma_wait3A_91 = tpu.memref_slice %arg4[%add3A_86, %dma_wait3A_90] : memref<409600x128xf32, #tpu.memory_space<hbm>> -> memref<8x128xf32, #tpu.memory_space<hbm>>
    %dma_wait3A_92 = arith.constant 0 : i32
    %dma_wait3A_93 = tpu.memref_slice %arg4[%add3A_86, %dma_wait3A_92] : memref<409600x128xf32, #tpu.memory_space<hbm>> -> memref<8x128xf32, #tpu.memory_space<hbm>>
    %dma_wait3A_94 = arith.constant 8 : i32
    %dma_wait3A_95 = arith.constant 0 : i32
    %dma_wait3A_96 = tpu.memref_slice %arg10[%dma_wait3A_94, %dma_wait3A_95] : memref<64x129xf32, #tpu.memory_space<vmem>> -> memref<8x128xf32, #tpu.memory_space<vmem>>
    tpu.wait_dma2 semaphore(%arg18 : memref<!tpu.dma_semaphore, #tpu.memory_space<semaphore_mem>>) src(%dma_wait3A_96 : memref<8x128xf32, #tpu.memory_space<vmem>>) dst(%dma_wait3A_93 : memref<8x128xf32, #tpu.memory_space<hbm>>)
    %jit3A_97 = arith.constant 196 : i32
    %jit3A_98 = arith.constant 0 : i32
    %jit3A_99 = arith.constant 199 : i32
    %max3A_100 = arith.maxsi %jit3A_98, %jit3A_97 : i32
    %min3A_101 = arith.minsi %jit3A_99, %max3A_100 : i32
    %mul3A_102 = arith.constant 8 : i32
    %mul3A_103 = arith.muli %min3A_101, %mul3A_102 : i32
    %add3A_104 = arith.constant 2 : i32
    %add3A_105 = arith.addi %mul3A_103, %add3A_104 : i32
    %mul3A_106 = arith.constant 256 : i32
    %mul3A_107 = arith.muli %add3A_105, %mul3A_106 : i32
    %mul3A_108 = arith.constant 8 : i32
    %mul3A_109 = arith.muli %add3A, %mul3A_108 : i32
    %add3A_110 = arith.addi %mul3A_107, %mul3A_109 : i32
    %dma_wait3A_111 = arith.constant 16 : i32
    %dma_wait3A_112 = arith.constant 0 : i32
    %dma_wait3A_113 = tpu.memref_slice %arg10[%dma_wait3A_111, %dma_wait3A_112] : memref<64x129xf32, #tpu.memory_space<vmem>> -> memref<8x128xf32, #tpu.memory_space<vmem>>
    %dma_wait3A_114 = arith.constant 0 : i32
    %dma_wait3A_115 = tpu.memref_slice %arg4[%add3A_110, %dma_wait3A_114] : memref<409600x128xf32, #tpu.memory_space<hbm>> -> memref<8x128xf32, #tpu.memory_space<hbm>>
    %dma_wait3A_116 = arith.constant 0 : i32
    %dma_wait3A_117 = tpu.memref_slice %arg4[%add3A_110, %dma_wait3A_116] : memref<409600x128xf32, #tpu.memory_space<hbm>> -> memref<8x128xf32, #tpu.memory_space<hbm>>
    %dma_wait3A_118 = arith.constant 16 : i32
    %dma_wait3A_119 = arith.constant 0 : i32
    %dma_wait3A_120 = tpu.memref_slice %arg10[%dma_wait3A_118, %dma_wait3A_119] : memref<64x129xf32, #tpu.memory_space<vmem>> -> memref<8x128xf32, #tpu.memory_space<vmem>>
    tpu.wait_dma2 semaphore(%arg18 : memref<!tpu.dma_semaphore, #tpu.memory_space<semaphore_mem>>) src(%dma_wait3A_120 : memref<8x128xf32, #tpu.memory_space<vmem>>) dst(%dma_wait3A_117 : memref<8x128xf32, #tpu.memory_space<hbm>>)
    %jit3A_121 = arith.constant 196 : i32
    %jit3A_122 = arith.constant 0 : i32
    %jit3A_123 = arith.constant 199 : i32
    %max3A_124 = arith.maxsi %jit3A_122, %jit3A_121 : i32
    %min3A_125 = arith.minsi %jit3A_123, %max3A_124 : i32
    %mul3A_126 = arith.constant 8 : i32
    %mul3A_127 = arith.muli %min3A_125, %mul3A_126 : i32
    %add3A_128 = arith.constant 3 : i32
    %add3A_129 = arith.addi %mul3A_127, %add3A_128 : i32
    %mul3A_130 = arith.constant 256 : i32
    %mul3A_131 = arith.muli %add3A_129, %mul3A_130 : i32
    %mul3A_132 = arith.constant 8 : i32
    %mul3A_133 = arith.muli %add3A, %mul3A_132 : i32
    %add3A_134 = arith.addi %mul3A_131, %mul3A_133 : i32
    %dma_wait3A_135 = arith.constant 24 : i32
    %dma_wait3A_136 = arith.constant 0 : i32
    %dma_wait3A_137 = tpu.memref_slice %arg10[%dma_wait3A_135, %dma_wait3A_136] : memref<64x129xf32, #tpu.memory_space<vmem>> -> memref<8x128xf32, #tpu.memory_space<vmem>>
    %dma_wait3A_138 = arith.constant 0 : i32
    %dma_wait3A_139 = tpu.memref_slice %arg4[%add3A_134, %dma_wait3A_138] : memref<409600x128xf32, #tpu.memory_space<hbm>> -> memref<8x128xf32, #tpu.memory_space<hbm>>
    %dma_wait3A_140 = arith.constant 0 : i32
    %dma_wait3A_141 = tpu.memref_slice %arg4[%add3A_134, %dma_wait3A_140] : memref<409600x128xf32, #tpu.memory_space<hbm>> -> memref<8x128xf32, #tpu.memory_space<hbm>>
    %dma_wait3A_142 = arith.constant 24 : i32
    %dma_wait3A_143 = arith.constant 0 : i32
    %dma_wait3A_144 = tpu.memref_slice %arg10[%dma_wait3A_142, %dma_wait3A_143] : memref<64x129xf32, #tpu.memory_space<vmem>> -> memref<8x128xf32, #tpu.memory_space<vmem>>
    tpu.wait_dma2 semaphore(%arg18 : memref<!tpu.dma_semaphore, #tpu.memory_space<semaphore_mem>>) src(%dma_wait3A_144 : memref<8x128xf32, #tpu.memory_space<vmem>>) dst(%dma_wait3A_141 : memref<8x128xf32, #tpu.memory_space<hbm>>)
    %jit3A_145 = arith.constant 196 : i32
    %jit3A_146 = arith.constant 0 : i32
    %jit3A_147 = arith.constant 199 : i32
    %max3A_148 = arith.maxsi %jit3A_146, %jit3A_145 : i32
    %min3A_149 = arith.minsi %jit3A_147, %max3A_148 : i32
    %mul3A_150 = arith.constant 8 : i32
    %mul3A_151 = arith.muli %min3A_149, %mul3A_150 : i32
    %add3A_152 = arith.constant 4 : i32
    %add3A_153 = arith.addi %mul3A_151, %add3A_152 : i32
    %mul3A_154 = arith.constant 256 : i32
    %mul3A_155 = arith.muli %add3A_153, %mul3A_154 : i32
    %mul3A_156 = arith.constant 8 : i32
    %mul3A_157 = arith.muli %add3A, %mul3A_156 : i32
    %add3A_158 = arith.addi %mul3A_155, %mul3A_157 : i32
    %dma_wait3A_159 = arith.constant 32 : i32
    %dma_wait3A_160 = arith.constant 0 : i32
    %dma_wait3A_161 = tpu.memref_slice %arg10[%dma_wait3A_159, %dma_wait3A_160] : memref<64x129xf32, #tpu.memory_space<vmem>> -> memref<8x128xf32, #tpu.memory_space<vmem>>
    %dma_wait3A_162 = arith.constant 0 : i32
    %dma_wait3A_163 = tpu.memref_slice %arg4[%add3A_158, %dma_wait3A_162] : memref<409600x128xf32, #tpu.memory_space<hbm>> -> memref<8x128xf32, #tpu.memory_space<hbm>>
    %dma_wait3A_164 = arith.constant 0 : i32
    %dma_wait3A_165 = tpu.memref_slice %arg4[%add3A_158, %dma_wait3A_164] : memref<409600x128xf32, #tpu.memory_space<hbm>> -> memref<8x128xf32, #tpu.memory_space<hbm>>
    %dma_wait3A_166 = arith.constant 32 : i32
    %dma_wait3A_167 = arith.constant 0 : i32
    %dma_wait3A_168 = tpu.memref_slice %arg10[%dma_wait3A_166, %dma_wait3A_167] : memref<64x129xf32, #tpu.memory_space<vmem>> -> memref<8x128xf32, #tpu.memory_space<vmem>>
    tpu.wait_dma2 semaphore(%arg18 : memref<!tpu.dma_semaphore, #tpu.memory_space<semaphore_mem>>) src(%dma_wait3A_168 : memref<8x128xf32, #tpu.memory_space<vmem>>) dst(%dma_wait3A_165 : memref<8x128xf32, #tpu.memory_space<hbm>>)
    %jit3A_169 = arith.constant 196 : i32
    %jit3A_170 = arith.constant 0 : i32
    %jit3A_171 = arith.constant 199 : i32
    %max3A_172 = arith.maxsi %jit3A_170, %jit3A_169 : i32
    %min3A_173 = arith.minsi %jit3A_171, %max3A_172 : i32
    %mul3A_174 = arith.constant 8 : i32
    %mul3A_175 = arith.muli %min3A_173, %mul3A_174 : i32
    %add3A_176 = arith.constant 5 : i32
    %add3A_177 = arith.addi %mul3A_175, %add3A_176 : i32
    %mul3A_178 = arith.constant 256 : i32
    %mul3A_179 = arith.muli %add3A_177, %mul3A_178 : i32
    %mul3A_180 = arith.constant 8 : i32
    %mul3A_181 = arith.muli %add3A, %mul3A_180 : i32
    %add3A_182 = arith.addi %mul3A_179, %mul3A_181 : i32
    %dma_wait3A_183 = arith.constant 40 : i32
    %dma_wait3A_184 = arith.constant 0 : i32
    %dma_wait3A_185 = tpu.memref_slice %arg10[%dma_wait3A_183, %dma_wait3A_184] : memref<64x129xf32, #tpu.memory_space<vmem>> -> memref<8x128xf32, #tpu.memory_space<vmem>>
    %dma_wait3A_186 = arith.constant 0 : i32
    %dma_wait3A_187 = tpu.memref_slice %arg4[%add3A_182, %dma_wait3A_186] : memref<409600x128xf32, #tpu.memory_space<hbm>> -> memref<8x128xf32, #tpu.memory_space<hbm>>
    %dma_wait3A_188 = arith.constant 0 : i32
    %dma_wait3A_189 = tpu.memref_slice %arg4[%add3A_182, %dma_wait3A_188] : memref<409600x128xf32, #tpu.memory_space<hbm>> -> memref<8x128xf32, #tpu.memory_space<hbm>>
    %dma_wait3A_190 = arith.constant 40 : i32
    %dma_wait3A_191 = arith.constant 0 : i32
    %dma_wait3A_192 = tpu.memref_slice %arg10[%dma_wait3A_190, %dma_wait3A_191] : memref<64x129xf32, #tpu.memory_space<vmem>> -> memref<8x128xf32, #tpu.memory_space<vmem>>
    tpu.wait_dma2 semaphore(%arg18 : memref<!tpu.dma_semaphore, #tpu.memory_space<semaphore_mem>>) src(%dma_wait3A_192 : memref<8x128xf32, #tpu.memory_space<vmem>>) dst(%dma_wait3A_189 : memref<8x128xf32, #tpu.memory_space<hbm>>)
    %jit3A_193 = arith.constant 196 : i32
    %jit3A_194 = arith.constant 0 : i32
    %jit3A_195 = arith.constant 199 : i32
    %max3A_196 = arith.maxsi %jit3A_194, %jit3A_193 : i32
    %min3A_197 = arith.minsi %jit3A_195, %max3A_196 : i32
    %mul3A_198 = arith.constant 8 : i32
    %mul3A_199 = arith.muli %min3A_197, %mul3A_198 : i32
    %add3A_200 = arith.constant 6 : i32
    %add3A_201 = arith.addi %mul3A_199, %add3A_200 : i32
    %mul3A_202 = arith.constant 256 : i32
    %mul3A_203 = arith.muli %add3A_201, %mul3A_202 : i32
    %mul3A_204 = arith.constant 8 : i32
    %mul3A_205 = arith.muli %add3A, %mul3A_204 : i32
    %add3A_206 = arith.addi %mul3A_203, %mul3A_205 : i32
    %dma_wait3A_207 = arith.constant 48 : i32
    %dma_wait3A_208 = arith.constant 0 : i32
    %dma_wait3A_209 = tpu.memref_slice %arg10[%dma_wait3A_207, %dma_wait3A_208] : memref<64x129xf32, #tpu.memory_space<vmem>> -> memref<8x128xf32, #tpu.memory_space<vmem>>
    %dma_wait3A_210 = arith.constant 0 : i32
    %dma_wait3A_211 = tpu.memref_slice %arg4[%add3A_206, %dma_wait3A_210] : memref<409600x128xf32, #tpu.memory_space<hbm>> -> memref<8x128xf32, #tpu.memory_space<hbm>>
    %dma_wait3A_212 = arith.constant 0 : i32
    %dma_wait3A_213 = tpu.memref_slice %arg4[%add3A_206, %dma_wait3A_212] : memref<409600x128xf32, #tpu.memory_space<hbm>> -> memref<8x128xf32, #tpu.memory_space<hbm>>
    %dma_wait3A_214 = arith.constant 48 : i32
    %dma_wait3A_215 = arith.constant 0 : i32
    %dma_wait3A_216 = tpu.memref_slice %arg10[%dma_wait3A_214, %dma_wait3A_215] : memref<64x129xf32, #tpu.memory_space<vmem>> -> memref<8x128xf32, #tpu.memory_space<vmem>>
    tpu.wait_dma2 semaphore(%arg18 : memref<!tpu.dma_semaphore, #tpu.memory_space<semaphore_mem>>) src(%dma_wait3A_216 : memref<8x128xf32, #tpu.memory_space<vmem>>) dst(%dma_wait3A_213 : memref<8x128xf32, #tpu.memory_space<hbm>>)
    %jit3A_217 = arith.constant 196 : i32
    %jit3A_218 = arith.constant 0 : i32
    %jit3A_219 = arith.constant 199 : i32
    %max3A_220 = arith.maxsi %jit3A_218, %jit3A_217 : i32
    %min3A_221 = arith.minsi %jit3A_219, %max3A_220 : i32
    %mul3A_222 = arith.constant 8 : i32
    %mul3A_223 = arith.muli %min3A_221, %mul3A_222 : i32
    %add3A_224 = arith.constant 7 : i32
    %add3A_225 = arith.addi %mul3A_223, %add3A_224 : i32
    %mul3A_226 = arith.constant 256 : i32
    %mul3A_227 = arith.muli %add3A_225, %mul3A_226 : i32
    %mul3A_228 = arith.constant 8 : i32
    %mul3A_229 = arith.muli %add3A, %mul3A_228 : i32
    %add3A_230 = arith.addi %mul3A_227, %mul3A_229 : i32
    %dma_wait3A_231 = arith.constant 56 : i32
    %dma_wait3A_232 = arith.constant 0 : i32
    %dma_wait3A_233 = tpu.memref_slice %arg10[%dma_wait3A_231, %dma_wait3A_232] : memref<64x129xf32, #tpu.memory_space<vmem>> -> memref<8x128xf32, #tpu.memory_space<vmem>>
    %dma_wait3A_234 = arith.constant 0 : i32
    %dma_wait3A_235 = tpu.memref_slice %arg4[%add3A_230, %dma_wait3A_234] : memref<409600x128xf32, #tpu.memory_space<hbm>> -> memref<8x128xf32, #tpu.memory_space<hbm>>
    %dma_wait3A_236 = arith.constant 0 : i32
    %dma_wait3A_237 = tpu.memref_slice %arg4[%add3A_230, %dma_wait3A_236] : memref<409600x128xf32, #tpu.memory_space<hbm>> -> memref<8x128xf32, #tpu.memory_space<hbm>>
    %dma_wait3A_238 = arith.constant 56 : i32
    %dma_wait3A_239 = arith.constant 0 : i32
    %dma_wait3A_240 = tpu.memref_slice %arg10[%dma_wait3A_238, %dma_wait3A_239] : memref<64x129xf32, #tpu.memory_space<vmem>> -> memref<8x128xf32, #tpu.memory_space<vmem>>
    tpu.wait_dma2 semaphore(%arg18 : memref<!tpu.dma_semaphore, #tpu.memory_space<semaphore_mem>>) src(%dma_wait3A_240 : memref<8x128xf32, #tpu.memory_space<vmem>>) dst(%dma_wait3A_237 : memref<8x128xf32, #tpu.memory_space<hbm>>)
    %jit3A_241 = arith.constant 197 : i32
    %jit3A_242 = arith.constant 0 : i32
    %jit3A_243 = arith.constant 199 : i32
    %max3A_244 = arith.maxsi %jit3A_242, %jit3A_241 : i32
    %min3A_245 = arith.minsi %jit3A_243, %max3A_244 : i32
    %mul3A_246 = arith.constant 8 : i32
    %mul3A_247 = arith.muli %min3A_245, %mul3A_246 : i32
    %add3A_248 = arith.constant 0 : i32
    %add3A_249 = arith.addi %mul3A_247, %add3A_248 : i32
    %mul3A_250 = arith.constant 256 : i32
    %mul3A_251 = arith.muli %add3A_249, %mul3A_250 : i32
    %mul3A_252 = arith.constant 8 : i32
    %mul3A_253 = arith.muli %add3A, %mul3A_252 : i32
    %add3A_254 = arith.addi %mul3A_251, %mul3A_253 : i32
    %dma_wait3A_255 = arith.constant 0 : i32
    %dma_wait3A_256 = arith.constant 0 : i32
    %dma_wait3A_257 = tpu.memref_slice %arg11[%dma_wait3A_255, %dma_wait3A_256] : memref<64x129xf32, #tpu.memory_space<vmem>> -> memref<8x128xf32, #tpu.memory_space<vmem>>
    %dma_wait3A_258 = arith.constant 0 : i32
    %dma_wait3A_259 = tpu.memref_slice %arg4[%add3A_254, %dma_wait3A_258] : memref<409600x128xf32, #tpu.memory_space<hbm>> -> memref<8x128xf32, #tpu.memory_space<hbm>>
    %dma_wait3A_260 = arith.constant 0 : i32
    %dma_wait3A_261 = tpu.memref_slice %arg4[%add3A_254, %dma_wait3A_260] : memref<409600x128xf32, #tpu.memory_space<hbm>> -> memref<8x128xf32, #tpu.memory_space<hbm>>
    %dma_wait3A_262 = arith.constant 0 : i32
    %dma_wait3A_263 = arith.constant 0 : i32
    %dma_wait3A_264 = tpu.memref_slice %arg11[%dma_wait3A_262, %dma_wait3A_263] : memref<64x129xf32, #tpu.memory_space<vmem>> -> memref<8x128xf32, #tpu.memory_space<vmem>>
    tpu.wait_dma2 semaphore(%arg19 : memref<!tpu.dma_semaphore, #tpu.memory_space<semaphore_mem>>) src(%dma_wait3A_264 : memref<8x128xf32, #tpu.memory_space<vmem>>) dst(%dma_wait3A_261 : memref<8x128xf32, #tpu.memory_space<hbm>>)
    %jit3A_265 = arith.constant 197 : i32
    %jit3A_266 = arith.constant 0 : i32
    %jit3A_267 = arith.constant 199 : i32
    %max3A_268 = arith.maxsi %jit3A_266, %jit3A_265 : i32
    %min3A_269 = arith.minsi %jit3A_267, %max3A_268 : i32
    %mul3A_270 = arith.constant 8 : i32
    %mul3A_271 = arith.muli %min3A_269, %mul3A_270 : i32
    %add3A_272 = arith.constant 1 : i32
    %add3A_273 = arith.addi %mul3A_271, %add3A_272 : i32
    %mul3A_274 = arith.constant 256 : i32
    %mul3A_275 = arith.muli %add3A_273, %mul3A_274 : i32
    %mul3A_276 = arith.constant 8 : i32
    %mul3A_277 = arith.muli %add3A, %mul3A_276 : i32
    %add3A_278 = arith.addi %mul3A_275, %mul3A_277 : i32
    %dma_wait3A_279 = arith.constant 8 : i32
    %dma_wait3A_280 = arith.constant 0 : i32
    %dma_wait3A_281 = tpu.memref_slice %arg11[%dma_wait3A_279, %dma_wait3A_280] : memref<64x129xf32, #tpu.memory_space<vmem>> -> memref<8x128xf32, #tpu.memory_space<vmem>>
    %dma_wait3A_282 = arith.constant 0 : i32
    %dma_wait3A_283 = tpu.memref_slice %arg4[%add3A_278, %dma_wait3A_282] : memref<409600x128xf32, #tpu.memory_space<hbm>> -> memref<8x128xf32, #tpu.memory_space<hbm>>
    %dma_wait3A_284 = arith.constant 0 : i32
    %dma_wait3A_285 = tpu.memref_slice %arg4[%add3A_278, %dma_wait3A_284] : memref<409600x128xf32, #tpu.memory_space<hbm>> -> memref<8x128xf32, #tpu.memory_space<hbm>>
    %dma_wait3A_286 = arith.constant 8 : i32
    %dma_wait3A_287 = arith.constant 0 : i32
    %dma_wait3A_288 = tpu.memref_slice %arg11[%dma_wait3A_286, %dma_wait3A_287] : memref<64x129xf32, #tpu.memory_space<vmem>> -> memref<8x128xf32, #tpu.memory_space<vmem>>
    tpu.wait_dma2 semaphore(%arg19 : memref<!tpu.dma_semaphore, #tpu.memory_space<semaphore_mem>>) src(%dma_wait3A_288 : memref<8x128xf32, #tpu.memory_space<vmem>>) dst(%dma_wait3A_285 : memref<8x128xf32, #tpu.memory_space<hbm>>)
    %jit3A_289 = arith.constant 197 : i32
    %jit3A_290 = arith.constant 0 : i32
    %jit3A_291 = arith.constant 199 : i32
    %max3A_292 = arith.maxsi %jit3A_290, %jit3A_289 : i32
    %min3A_293 = arith.minsi %jit3A_291, %max3A_292 : i32
    %mul3A_294 = arith.constant 8 : i32
    %mul3A_295 = arith.muli %min3A_293, %mul3A_294 : i32
    %add3A_296 = arith.constant 2 : i32
    %add3A_297 = arith.addi %mul3A_295, %add3A_296 : i32
    %mul3A_298 = arith.constant 256 : i32
    %mul3A_299 = arith.muli %add3A_297, %mul3A_298 : i32
    %mul3A_300 = arith.constant 8 : i32
    %mul3A_301 = arith.muli %add3A, %mul3A_300 : i32
    %add3A_302 = arith.addi %mul3A_299, %mul3A_301 : i32
    %dma_wait3A_303 = arith.constant 16 : i32
    %dma_wait3A_304 = arith.constant 0 : i32
    %dma_wait3A_305 = tpu.memref_slice %arg11[%dma_wait3A_303, %dma_wait3A_304] : memref<64x129xf32, #tpu.memory_space<vmem>> -> memref<8x128xf32, #tpu.memory_space<vmem>>
    %dma_wait3A_306 = arith.constant 0 : i32
    %dma_wait3A_307 = tpu.memref_slice %arg4[%add3A_302, %dma_wait3A_306] : memref<409600x128xf32, #tpu.memory_space<hbm>> -> memref<8x128xf32, #tpu.memory_space<hbm>>
    %dma_wait3A_308 = arith.constant 0 : i32
    %dma_wait3A_309 = tpu.memref_slice %arg4[%add3A_302, %dma_wait3A_308] : memref<409600x128xf32, #tpu.memory_space<hbm>> -> memref<8x128xf32, #tpu.memory_space<hbm>>
    %dma_wait3A_310 = arith.constant 16 : i32
    %dma_wait3A_311 = arith.constant 0 : i32
    %dma_wait3A_312 = tpu.memref_slice %arg11[%dma_wait3A_310, %dma_wait3A_311] : memref<64x129xf32, #tpu.memory_space<vmem>> -> memref<8x128xf32, #tpu.memory_space<vmem>>
    tpu.wait_dma2 semaphore(%arg19 : memref<!tpu.dma_semaphore, #tpu.memory_space<semaphore_mem>>) src(%dma_wait3A_312 : memref<8x128xf32, #tpu.memory_space<vmem>>) dst(%dma_wait3A_309 : memref<8x128xf32, #tpu.memory_space<hbm>>)
    %jit3A_313 = arith.constant 197 : i32
    %jit3A_314 = arith.constant 0 : i32
    %jit3A_315 = arith.constant 199 : i32
    %max3A_316 = arith.maxsi %jit3A_314, %jit3A_313 : i32
    %min3A_317 = arith.minsi %jit3A_315, %max3A_316 : i32
    %mul3A_318 = arith.constant 8 : i32
    %mul3A_319 = arith.muli %min3A_317, %mul3A_318 : i32
    %add3A_320 = arith.constant 3 : i32
    %add3A_321 = arith.addi %mul3A_319, %add3A_320 : i32
    %mul3A_322 = arith.constant 256 : i32
    %mul3A_323 = arith.muli %add3A_321, %mul3A_322 : i32
    %mul3A_324 = arith.constant 8 : i32
    %mul3A_325 = arith.muli %add3A, %mul3A_324 : i32
    %add3A_326 = arith.addi %mul3A_323, %mul3A_325 : i32
    %dma_wait3A_327 = arith.constant 24 : i32
    %dma_wait3A_328 = arith.constant 0 : i32
    %dma_wait3A_329 = tpu.memref_slice %arg11[%dma_wait3A_327, %dma_wait3A_328] : memref<64x129xf32, #tpu.memory_space<vmem>> -> memref<8x128xf32, #tpu.memory_space<vmem>>
    %dma_wait3A_330 = arith.constant 0 : i32
    %dma_wait3A_331 = tpu.memref_slice %arg4[%add3A_326, %dma_wait3A_330] : memref<409600x128xf32, #tpu.memory_space<hbm>> -> memref<8x128xf32, #tpu.memory_space<hbm>>
    %dma_wait3A_332 = arith.constant 0 : i32
    %dma_wait3A_333 = tpu.memref_slice %arg4[%add3A_326, %dma_wait3A_332] : memref<409600x128xf32, #tpu.memory_space<hbm>> -> memref<8x128xf32, #tpu.memory_space<hbm>>
    %dma_wait3A_334 = arith.constant 24 : i32
    %dma_wait3A_335 = arith.constant 0 : i32
    %dma_wait3A_336 = tpu.memref_slice %arg11[%dma_wait3A_334, %dma_wait3A_335] : memref<64x129xf32, #tpu.memory_space<vmem>> -> memref<8x128xf32, #tpu.memory_space<vmem>>
    tpu.wait_dma2 semaphore(%arg19 : memref<!tpu.dma_semaphore, #tpu.memory_space<semaphore_mem>>) src(%dma_wait3A_336 : memref<8x128xf32, #tpu.memory_space<vmem>>) dst(%dma_wait3A_333 : memref<8x128xf32, #tpu.memory_space<hbm>>)
    %jit3A_337 = arith.constant 197 : i32
    %jit3A_338 = arith.constant 0 : i32
    %jit3A_339 = arith.constant 199 : i32
    %max3A_340 = arith.maxsi %jit3A_338, %jit3A_337 : i32
    %min3A_341 = arith.minsi %jit3A_339, %max3A_340 : i32
    %mul3A_342 = arith.constant 8 : i32
    %mul3A_343 = arith.muli %min3A_341, %mul3A_342 : i32
    %add3A_344 = arith.constant 4 : i32
    %add3A_345 = arith.addi %mul3A_343, %add3A_344 : i32
    %mul3A_346 = arith.constant 256 : i32
    %mul3A_347 = arith.muli %add3A_345, %mul3A_346 : i32
    %mul3A_348 = arith.constant 8 : i32
    %mul3A_349 = arith.muli %add3A, %mul3A_348 : i32
    %add3A_350 = arith.addi %mul3A_347, %mul3A_349 : i32
    %dma_wait3A_351 = arith.constant 32 : i32
    %dma_wait3A_352 = arith.constant 0 : i32
    %dma_wait3A_353 = tpu.memref_slice %arg11[%dma_wait3A_351, %dma_wait3A_352] : memref<64x129xf32, #tpu.memory_space<vmem>> -> memref<8x128xf32, #tpu.memory_space<vmem>>
    %dma_wait3A_354 = arith.constant 0 : i32
    %dma_wait3A_355 = tpu.memref_slice %arg4[%add3A_350, %dma_wait3A_354] : memref<409600x128xf32, #tpu.memory_space<hbm>> -> memref<8x128xf32, #tpu.memory_space<hbm>>
    %dma_wait3A_356 = arith.constant 0 : i32
    %dma_wait3A_357 = tpu.memref_slice %arg4[%add3A_350, %dma_wait3A_356] : memref<409600x128xf32, #tpu.memory_space<hbm>> -> memref<8x128xf32, #tpu.memory_space<hbm>>
    %dma_wait3A_358 = arith.constant 32 : i32
    %dma_wait3A_359 = arith.constant 0 : i32
    %dma_wait3A_360 = tpu.memref_slice %arg11[%dma_wait3A_358, %dma_wait3A_359] : memref<64x129xf32, #tpu.memory_space<vmem>> -> memref<8x128xf32, #tpu.memory_space<vmem>>
    tpu.wait_dma2 semaphore(%arg19 : memref<!tpu.dma_semaphore, #tpu.memory_space<semaphore_mem>>) src(%dma_wait3A_360 : memref<8x128xf32, #tpu.memory_space<vmem>>) dst(%dma_wait3A_357 : memref<8x128xf32, #tpu.memory_space<hbm>>)
    %jit3A_361 = arith.constant 197 : i32
    %jit3A_362 = arith.constant 0 : i32
    %jit3A_363 = arith.constant 199 : i32
    %max3A_364 = arith.maxsi %jit3A_362, %jit3A_361 : i32
    %min3A_365 = arith.minsi %jit3A_363, %max3A_364 : i32
    %mul3A_366 = arith.constant 8 : i32
    %mul3A_367 = arith.muli %min3A_365, %mul3A_366 : i32
    %add3A_368 = arith.constant 5 : i32
    %add3A_369 = arith.addi %mul3A_367, %add3A_368 : i32
    %mul3A_370 = arith.constant 256 : i32
    %mul3A_371 = arith.muli %add3A_369, %mul3A_370 : i32
    %mul3A_372 = arith.constant 8 : i32
    %mul3A_373 = arith.muli %add3A, %mul3A_372 : i32
    %add3A_374 = arith.addi %mul3A_371, %mul3A_373 : i32
    %dma_wait3A_375 = arith.constant 40 : i32
    %dma_wait3A_376 = arith.constant 0 : i32
    %dma_wait3A_377 = tpu.memref_slice %arg11[%dma_wait3A_375, %dma_wait3A_376] : memref<64x129xf32, #tpu.memory_space<vmem>> -> memref<8x128xf32, #tpu.memory_space<vmem>>
    %dma_wait3A_378 = arith.constant 0 : i32
    %dma_wait3A_379 = tpu.memref_slice %arg4[%add3A_374, %dma_wait3A_378] : memref<409600x128xf32, #tpu.memory_space<hbm>> -> memref<8x128xf32, #tpu.memory_space<hbm>>
    %dma_wait3A_380 = arith.constant 0 : i32
    %dma_wait3A_381 = tpu.memref_slice %arg4[%add3A_374, %dma_wait3A_380] : memref<409600x128xf32, #tpu.memory_space<hbm>> -> memref<8x128xf32, #tpu.memory_space<hbm>>
    %dma_wait3A_382 = arith.constant 40 : i32
    %dma_wait3A_383 = arith.constant 0 : i32
    %dma_wait3A_384 = tpu.memref_slice %arg11[%dma_wait3A_382, %dma_wait3A_383] : memref<64x129xf32, #tpu.memory_space<vmem>> -> memref<8x128xf32, #tpu.memory_space<vmem>>
    tpu.wait_dma2 semaphore(%arg19 : memref<!tpu.dma_semaphore, #tpu.memory_space<semaphore_mem>>) src(%dma_wait3A_384 : memref<8x128xf32, #tpu.memory_space<vmem>>) dst(%dma_wait3A_381 : memref<8x128xf32, #tpu.memory_space<hbm>>)
    %jit3A_385 = arith.constant 197 : i32
    %jit3A_386 = arith.constant 0 : i32
    %jit3A_387 = arith.constant 199 : i32
    %max3A_388 = arith.maxsi %jit3A_386, %jit3A_385 : i32
    %min3A_389 = arith.minsi %jit3A_387, %max3A_388 : i32
    %mul3A_390 = arith.constant 8 : i32
    %mul3A_391 = arith.muli %min3A_389, %mul3A_390 : i32
    %add3A_392 = arith.constant 6 : i32
    %add3A_393 = arith.addi %mul3A_391, %add3A_392 : i32
    %mul3A_394 = arith.constant 256 : i32
    %mul3A_395 = arith.muli %add3A_393, %mul3A_394 : i32
    %mul3A_396 = arith.constant 8 : i32
    %mul3A_397 = arith.muli %add3A, %mul3A_396 : i32
    %add3A_398 = arith.addi %mul3A_395, %mul3A_397 : i32
    %dma_wait3A_399 = arith.constant 48 : i32
    %dma_wait3A_400 = arith.constant 0 : i32
    %dma_wait3A_401 = tpu.memref_slice %arg11[%dma_wait3A_399, %dma_wait3A_400] : memref<64x129xf32, #tpu.memory_space<vmem>> -> memref<8x128xf32, #tpu.memory_space<vmem>>
    %dma_wait3A_402 = arith.constant 0 : i32
    %dma_wait3A_403 = tpu.memref_slice %arg4[%add3A_398, %dma_wait3A_402] : memref<409600x128xf32, #tpu.memory_space<hbm>> -> memref<8x128xf32, #tpu.memory_space<hbm>>
    %dma_wait3A_404 = arith.constant 0 : i32
    %dma_wait3A_405 = tpu.memref_slice %arg4[%add3A_398, %dma_wait3A_404] : memref<409600x128xf32, #tpu.memory_space<hbm>> -> memref<8x128xf32, #tpu.memory_space<hbm>>
    %dma_wait3A_406 = arith.constant 48 : i32
    %dma_wait3A_407 = arith.constant 0 : i32
    %dma_wait3A_408 = tpu.memref_slice %arg11[%dma_wait3A_406, %dma_wait3A_407] : memref<64x129xf32, #tpu.memory_space<vmem>> -> memref<8x128xf32, #tpu.memory_space<vmem>>
    tpu.wait_dma2 semaphore(%arg19 : memref<!tpu.dma_semaphore, #tpu.memory_space<semaphore_mem>>) src(%dma_wait3A_408 : memref<8x128xf32, #tpu.memory_space<vmem>>) dst(%dma_wait3A_405 : memref<8x128xf32, #tpu.memory_space<hbm>>)
    %jit3A_409 = arith.constant 197 : i32
    %jit3A_410 = arith.constant 0 : i32
    %jit3A_411 = arith.constant 199 : i32
    %max3A_412 = arith.maxsi %jit3A_410, %jit3A_409 : i32
    %min3A_413 = arith.minsi %jit3A_411, %max3A_412 : i32
    %mul3A_414 = arith.constant 8 : i32
    %mul3A_415 = arith.muli %min3A_413, %mul3A_414 : i32
    %add3A_416 = arith.constant 7 : i32
    %add3A_417 = arith.addi %mul3A_415, %add3A_416 : i32
    %mul3A_418 = arith.constant 256 : i32
    %mul3A_419 = arith.muli %add3A_417, %mul3A_418 : i32
    %mul3A_420 = arith.constant 8 : i32
    %mul3A_421 = arith.muli %add3A, %mul3A_420 : i32
    %add3A_422 = arith.addi %mul3A_419, %mul3A_421 : i32
    %dma_wait3A_423 = arith.constant 56 : i32
    %dma_wait3A_424 = arith.constant 0 : i32
    %dma_wait3A_425 = tpu.memref_slice %arg11[%dma_wait3A_423, %dma_wait3A_424] : memref<64x129xf32, #tpu.memory_space<vmem>> -> memref<8x128xf32, #tpu.memory_space<vmem>>
    %dma_wait3A_426 = arith.constant 0 : i32
    %dma_wait3A_427 = tpu.memref_slice %arg4[%add3A_422, %dma_wait3A_426] : memref<409600x128xf32, #tpu.memory_space<hbm>> -> memref<8x128xf32, #tpu.memory_space<hbm>>
    %dma_wait3A_428 = arith.constant 0 : i32
    %dma_wait3A_429 = tpu.memref_slice %arg4[%add3A_422, %dma_wait3A_428] : memref<409600x128xf32, #tpu.memory_space<hbm>> -> memref<8x128xf32, #tpu.memory_space<hbm>>
    %dma_wait3A_430 = arith.constant 56 : i32
    %dma_wait3A_431 = arith.constant 0 : i32
    %dma_wait3A_432 = tpu.memref_slice %arg11[%dma_wait3A_430, %dma_wait3A_431] : memref<64x129xf32, #tpu.memory_space<vmem>> -> memref<8x128xf32, #tpu.memory_space<vmem>>
    tpu.wait_dma2 semaphore(%arg19 : memref<!tpu.dma_semaphore, #tpu.memory_space<semaphore_mem>>) src(%dma_wait3A_432 : memref<8x128xf32, #tpu.memory_space<vmem>>) dst(%dma_wait3A_429 : memref<8x128xf32, #tpu.memory_space<hbm>>)
    %jit3A_433 = arith.constant 198 : i32
    %jit3A_434 = arith.constant 0 : i32
    %jit3A_435 = arith.constant 199 : i32
    %max3A_436 = arith.maxsi %jit3A_434, %jit3A_433 : i32
    %min3A_437 = arith.minsi %jit3A_435, %max3A_436 : i32
    %mul3A_438 = arith.constant 8 : i32
    %mul3A_439 = arith.muli %min3A_437, %mul3A_438 : i32
    %add3A_440 = arith.constant 0 : i32
    %add3A_441 = arith.addi %mul3A_439, %add3A_440 : i32
    %mul3A_442 = arith.constant 256 : i32
    %mul3A_443 = arith.muli %add3A_441, %mul3A_442 : i32
    %mul3A_444 = arith.constant 8 : i32
    %mul3A_445 = arith.muli %add3A, %mul3A_444 : i32
    %add3A_446 = arith.addi %mul3A_443, %mul3A_445 : i32
    %dma_wait3A_447 = arith.constant 0 : i32
    %dma_wait3A_448 = arith.constant 0 : i32
    %dma_wait3A_449 = tpu.memref_slice %arg12[%dma_wait3A_447, %dma_wait3A_448] : memref<64x129xf32, #tpu.memory_space<vmem>> -> memref<8x128xf32, #tpu.memory_space<vmem>>
    %dma_wait3A_450 = arith.constant 0 : i32
    %dma_wait3A_451 = tpu.memref_slice %arg4[%add3A_446, %dma_wait3A_450] : memref<409600x128xf32, #tpu.memory_space<hbm>> -> memref<8x128xf32, #tpu.memory_space<hbm>>
    %dma_wait3A_452 = arith.constant 0 : i32
    %dma_wait3A_453 = tpu.memref_slice %arg4[%add3A_446, %dma_wait3A_452] : memref<409600x128xf32, #tpu.memory_space<hbm>> -> memref<8x128xf32, #tpu.memory_space<hbm>>
    %dma_wait3A_454 = arith.constant 0 : i32
    %dma_wait3A_455 = arith.constant 0 : i32
    %dma_wait3A_456 = tpu.memref_slice %arg12[%dma_wait3A_454, %dma_wait3A_455] : memref<64x129xf32, #tpu.memory_space<vmem>> -> memref<8x128xf32, #tpu.memory_space<vmem>>
    tpu.wait_dma2 semaphore(%arg20 : memref<!tpu.dma_semaphore, #tpu.memory_space<semaphore_mem>>) src(%dma_wait3A_456 : memref<8x128xf32, #tpu.memory_space<vmem>>) dst(%dma_wait3A_453 : memref<8x128xf32, #tpu.memory_space<hbm>>)
    %jit3A_457 = arith.constant 198 : i32
    %jit3A_458 = arith.constant 0 : i32
    %jit3A_459 = arith.constant 199 : i32
    %max3A_460 = arith.maxsi %jit3A_458, %jit3A_457 : i32
    %min3A_461 = arith.minsi %jit3A_459, %max3A_460 : i32
    %mul3A_462 = arith.constant 8 : i32
    %mul3A_463 = arith.muli %min3A_461, %mul3A_462 : i32
    %add3A_464 = arith.constant 1 : i32
    %add3A_465 = arith.addi %mul3A_463, %add3A_464 : i32
    %mul3A_466 = arith.constant 256 : i32
    %mul3A_467 = arith.muli %add3A_465, %mul3A_466 : i32
    %mul3A_468 = arith.constant 8 : i32
    %mul3A_469 = arith.muli %add3A, %mul3A_468 : i32
    %add3A_470 = arith.addi %mul3A_467, %mul3A_469 : i32
    %dma_wait3A_471 = arith.constant 8 : i32
    %dma_wait3A_472 = arith.constant 0 : i32
    %dma_wait3A_473 = tpu.memref_slice %arg12[%dma_wait3A_471, %dma_wait3A_472] : memref<64x129xf32, #tpu.memory_space<vmem>> -> memref<8x128xf32, #tpu.memory_space<vmem>>
    %dma_wait3A_474 = arith.constant 0 : i32
    %dma_wait3A_475 = tpu.memref_slice %arg4[%add3A_470, %dma_wait3A_474] : memref<409600x128xf32, #tpu.memory_space<hbm>> -> memref<8x128xf32, #tpu.memory_space<hbm>>
    %dma_wait3A_476 = arith.constant 0 : i32
    %dma_wait3A_477 = tpu.memref_slice %arg4[%add3A_470, %dma_wait3A_476] : memref<409600x128xf32, #tpu.memory_space<hbm>> -> memref<8x128xf32, #tpu.memory_space<hbm>>
    %dma_wait3A_478 = arith.constant 8 : i32
    %dma_wait3A_479 = arith.constant 0 : i32
    %dma_wait3A_480 = tpu.memref_slice %arg12[%dma_wait3A_478, %dma_wait3A_479] : memref<64x129xf32, #tpu.memory_space<vmem>> -> memref<8x128xf32, #tpu.memory_space<vmem>>
    tpu.wait_dma2 semaphore(%arg20 : memref<!tpu.dma_semaphore, #tpu.memory_space<semaphore_mem>>) src(%dma_wait3A_480 : memref<8x128xf32, #tpu.memory_space<vmem>>) dst(%dma_wait3A_477 : memref<8x128xf32, #tpu.memory_space<hbm>>)
    %jit3A_481 = arith.constant 198 : i32
    %jit3A_482 = arith.constant 0 : i32
    %jit3A_483 = arith.constant 199 : i32
    %max3A_484 = arith.maxsi %jit3A_482, %jit3A_481 : i32
    %min3A_485 = arith.minsi %jit3A_483, %max3A_484 : i32
    %mul3A_486 = arith.constant 8 : i32
    %mul3A_487 = arith.muli %min3A_485, %mul3A_486 : i32
    %add3A_488 = arith.constant 2 : i32
    %add3A_489 = arith.addi %mul3A_487, %add3A_488 : i32
    %mul3A_490 = arith.constant 256 : i32
    %mul3A_491 = arith.muli %add3A_489, %mul3A_490 : i32
    %mul3A_492 = arith.constant 8 : i32
    %mul3A_493 = arith.muli %add3A, %mul3A_492 : i32
    %add3A_494 = arith.addi %mul3A_491, %mul3A_493 : i32
    %dma_wait3A_495 = arith.constant 16 : i32
    %dma_wait3A_496 = arith.constant 0 : i32
    %dma_wait3A_497 = tpu.memref_slice %arg12[%dma_wait3A_495, %dma_wait3A_496] : memref<64x129xf32, #tpu.memory_space<vmem>> -> memref<8x128xf32, #tpu.memory_space<vmem>>
    %dma_wait3A_498 = arith.constant 0 : i32
    %dma_wait3A_499 = tpu.memref_slice %arg4[%add3A_494, %dma_wait3A_498] : memref<409600x128xf32, #tpu.memory_space<hbm>> -> memref<8x128xf32, #tpu.memory_space<hbm>>
    %dma_wait3A_500 = arith.constant 0 : i32
    %dma_wait3A_501 = tpu.memref_slice %arg4[%add3A_494, %dma_wait3A_500] : memref<409600x128xf32, #tpu.memory_space<hbm>> -> memref<8x128xf32, #tpu.memory_space<hbm>>
    %dma_wait3A_502 = arith.constant 16 : i32
    %dma_wait3A_503 = arith.constant 0 : i32
    %dma_wait3A_504 = tpu.memref_slice %arg12[%dma_wait3A_502, %dma_wait3A_503] : memref<64x129xf32, #tpu.memory_space<vmem>> -> memref<8x128xf32, #tpu.memory_space<vmem>>
    tpu.wait_dma2 semaphore(%arg20 : memref<!tpu.dma_semaphore, #tpu.memory_space<semaphore_mem>>) src(%dma_wait3A_504 : memref<8x128xf32, #tpu.memory_space<vmem>>) dst(%dma_wait3A_501 : memref<8x128xf32, #tpu.memory_space<hbm>>)
    %jit3A_505 = arith.constant 198 : i32
    %jit3A_506 = arith.constant 0 : i32
    %jit3A_507 = arith.constant 199 : i32
    %max3A_508 = arith.maxsi %jit3A_506, %jit3A_505 : i32
    %min3A_509 = arith.minsi %jit3A_507, %max3A_508 : i32
    %mul3A_510 = arith.constant 8 : i32
    %mul3A_511 = arith.muli %min3A_509, %mul3A_510 : i32
    %add3A_512 = arith.constant 3 : i32
    %add3A_513 = arith.addi %mul3A_511, %add3A_512 : i32
    %mul3A_514 = arith.constant 256 : i32
    %mul3A_515 = arith.muli %add3A_513, %mul3A_514 : i32
    %mul3A_516 = arith.constant 8 : i32
    %mul3A_517 = arith.muli %add3A, %mul3A_516 : i32
    %add3A_518 = arith.addi %mul3A_515, %mul3A_517 : i32
    %dma_wait3A_519 = arith.constant 24 : i32
    %dma_wait3A_520 = arith.constant 0 : i32
    %dma_wait3A_521 = tpu.memref_slice %arg12[%dma_wait3A_519, %dma_wait3A_520] : memref<64x129xf32, #tpu.memory_space<vmem>> -> memref<8x128xf32, #tpu.memory_space<vmem>>
    %dma_wait3A_522 = arith.constant 0 : i32
    %dma_wait3A_523 = tpu.memref_slice %arg4[%add3A_518, %dma_wait3A_522] : memref<409600x128xf32, #tpu.memory_space<hbm>> -> memref<8x128xf32, #tpu.memory_space<hbm>>
    %dma_wait3A_524 = arith.constant 0 : i32
    %dma_wait3A_525 = tpu.memref_slice %arg4[%add3A_518, %dma_wait3A_524] : memref<409600x128xf32, #tpu.memory_space<hbm>> -> memref<8x128xf32, #tpu.memory_space<hbm>>
    %dma_wait3A_526 = arith.constant 24 : i32
    %dma_wait3A_527 = arith.constant 0 : i32
    %dma_wait3A_528 = tpu.memref_slice %arg12[%dma_wait3A_526, %dma_wait3A_527] : memref<64x129xf32, #tpu.memory_space<vmem>> -> memref<8x128xf32, #tpu.memory_space<vmem>>
    tpu.wait_dma2 semaphore(%arg20 : memref<!tpu.dma_semaphore, #tpu.memory_space<semaphore_mem>>) src(%dma_wait3A_528 : memref<8x128xf32, #tpu.memory_space<vmem>>) dst(%dma_wait3A_525 : memref<8x128xf32, #tpu.memory_space<hbm>>)
    %jit3A_529 = arith.constant 198 : i32
    %jit3A_530 = arith.constant 0 : i32
    %jit3A_531 = arith.constant 199 : i32
    %max3A_532 = arith.maxsi %jit3A_530, %jit3A_529 : i32
    %min3A_533 = arith.minsi %jit3A_531, %max3A_532 : i32
    %mul3A_534 = arith.constant 8 : i32
    %mul3A_535 = arith.muli %min3A_533, %mul3A_534 : i32
    %add3A_536 = arith.constant 4 : i32
    %add3A_537 = arith.addi %mul3A_535, %add3A_536 : i32
    %mul3A_538 = arith.constant 256 : i32
    %mul3A_539 = arith.muli %add3A_537, %mul3A_538 : i32
    %mul3A_540 = arith.constant 8 : i32
    %mul3A_541 = arith.muli %add3A, %mul3A_540 : i32
    %add3A_542 = arith.addi %mul3A_539, %mul3A_541 : i32
    %dma_wait3A_543 = arith.constant 32 : i32
    %dma_wait3A_544 = arith.constant 0 : i32
    %dma_wait3A_545 = tpu.memref_slice %arg12[%dma_wait3A_543, %dma_wait3A_544] : memref<64x129xf32, #tpu.memory_space<vmem>> -> memref<8x128xf32, #tpu.memory_space<vmem>>
    %dma_wait3A_546 = arith.constant 0 : i32
    %dma_wait3A_547 = tpu.memref_slice %arg4[%add3A_542, %dma_wait3A_546] : memref<409600x128xf32, #tpu.memory_space<hbm>> -> memref<8x128xf32, #tpu.memory_space<hbm>>
    %dma_wait3A_548 = arith.constant 0 : i32
    %dma_wait3A_549 = tpu.memref_slice %arg4[%add3A_542, %dma_wait3A_548] : memref<409600x128xf32, #tpu.memory_space<hbm>> -> memref<8x128xf32, #tpu.memory_space<hbm>>
    %dma_wait3A_550 = arith.constant 32 : i32
    %dma_wait3A_551 = arith.constant 0 : i32
    %dma_wait3A_552 = tpu.memref_slice %arg12[%dma_wait3A_550, %dma_wait3A_551] : memref<64x129xf32, #tpu.memory_space<vmem>> -> memref<8x128xf32, #tpu.memory_space<vmem>>
    tpu.wait_dma2 semaphore(%arg20 : memref<!tpu.dma_semaphore, #tpu.memory_space<semaphore_mem>>) src(%dma_wait3A_552 : memref<8x128xf32, #tpu.memory_space<vmem>>) dst(%dma_wait3A_549 : memref<8x128xf32, #tpu.memory_space<hbm>>)
    %jit3A_553 = arith.constant 198 : i32
    %jit3A_554 = arith.constant 0 : i32
    %jit3A_555 = arith.constant 199 : i32
    %max3A_556 = arith.maxsi %jit3A_554, %jit3A_553 : i32
    %min3A_557 = arith.minsi %jit3A_555, %max3A_556 : i32
    %mul3A_558 = arith.constant 8 : i32
    %mul3A_559 = arith.muli %min3A_557, %mul3A_558 : i32
    %add3A_560 = arith.constant 5 : i32
    %add3A_561 = arith.addi %mul3A_559, %add3A_560 : i32
    %mul3A_562 = arith.constant 256 : i32
    %mul3A_563 = arith.muli %add3A_561, %mul3A_562 : i32
    %mul3A_564 = arith.constant 8 : i32
    %mul3A_565 = arith.muli %add3A, %mul3A_564 : i32
    %add3A_566 = arith.addi %mul3A_563, %mul3A_565 : i32
    %dma_wait3A_567 = arith.constant 40 : i32
    %dma_wait3A_568 = arith.constant 0 : i32
    %dma_wait3A_569 = tpu.memref_slice %arg12[%dma_wait3A_567, %dma_wait3A_568] : memref<64x129xf32, #tpu.memory_space<vmem>> -> memref<8x128xf32, #tpu.memory_space<vmem>>
    %dma_wait3A_570 = arith.constant 0 : i32
    %dma_wait3A_571 = tpu.memref_slice %arg4[%add3A_566, %dma_wait3A_570] : memref<409600x128xf32, #tpu.memory_space<hbm>> -> memref<8x128xf32, #tpu.memory_space<hbm>>
    %dma_wait3A_572 = arith.constant 0 : i32
    %dma_wait3A_573 = tpu.memref_slice %arg4[%add3A_566, %dma_wait3A_572] : memref<409600x128xf32, #tpu.memory_space<hbm>> -> memref<8x128xf32, #tpu.memory_space<hbm>>
    %dma_wait3A_574 = arith.constant 40 : i32
    %dma_wait3A_575 = arith.constant 0 : i32
    %dma_wait3A_576 = tpu.memref_slice %arg12[%dma_wait3A_574, %dma_wait3A_575] : memref<64x129xf32, #tpu.memory_space<vmem>> -> memref<8x128xf32, #tpu.memory_space<vmem>>
    tpu.wait_dma2 semaphore(%arg20 : memref<!tpu.dma_semaphore, #tpu.memory_space<semaphore_mem>>) src(%dma_wait3A_576 : memref<8x128xf32, #tpu.memory_space<vmem>>) dst(%dma_wait3A_573 : memref<8x128xf32, #tpu.memory_space<hbm>>)
    %jit3A_577 = arith.constant 198 : i32
    %jit3A_578 = arith.constant 0 : i32
    %jit3A_579 = arith.constant 199 : i32
    %max3A_580 = arith.maxsi %jit3A_578, %jit3A_577 : i32
    %min3A_581 = arith.minsi %jit3A_579, %max3A_580 : i32
    %mul3A_582 = arith.constant 8 : i32
    %mul3A_583 = arith.muli %min3A_581, %mul3A_582 : i32
    %add3A_584 = arith.constant 6 : i32
    %add3A_585 = arith.addi %mul3A_583, %add3A_584 : i32
    %mul3A_586 = arith.constant 256 : i32
    %mul3A_587 = arith.muli %add3A_585, %mul3A_586 : i32
    %mul3A_588 = arith.constant 8 : i32
    %mul3A_589 = arith.muli %add3A, %mul3A_588 : i32
    %add3A_590 = arith.addi %mul3A_587, %mul3A_589 : i32
    %dma_wait3A_591 = arith.constant 48 : i32
    %dma_wait3A_592 = arith.constant 0 : i32
    %dma_wait3A_593 = tpu.memref_slice %arg12[%dma_wait3A_591, %dma_wait3A_592] : memref<64x129xf32, #tpu.memory_space<vmem>> -> memref<8x128xf32, #tpu.memory_space<vmem>>
    %dma_wait3A_594 = arith.constant 0 : i32
    %dma_wait3A_595 = tpu.memref_slice %arg4[%add3A_590, %dma_wait3A_594] : memref<409600x128xf32, #tpu.memory_space<hbm>> -> memref<8x128xf32, #tpu.memory_space<hbm>>
    %dma_wait3A_596 = arith.constant 0 : i32
    %dma_wait3A_597 = tpu.memref_slice %arg4[%add3A_590, %dma_wait3A_596] : memref<409600x128xf32, #tpu.memory_space<hbm>> -> memref<8x128xf32, #tpu.memory_space<hbm>>
    %dma_wait3A_598 = arith.constant 48 : i32
    %dma_wait3A_599 = arith.constant 0 : i32
    %dma_wait3A_600 = tpu.memref_slice %arg12[%dma_wait3A_598, %dma_wait3A_599] : memref<64x129xf32, #tpu.memory_space<vmem>> -> memref<8x128xf32, #tpu.memory_space<vmem>>
    tpu.wait_dma2 semaphore(%arg20 : memref<!tpu.dma_semaphore, #tpu.memory_space<semaphore_mem>>) src(%dma_wait3A_600 : memref<8x128xf32, #tpu.memory_space<vmem>>) dst(%dma_wait3A_597 : memref<8x128xf32, #tpu.memory_space<hbm>>)
    %jit3A_601 = arith.constant 198 : i32
    %jit3A_602 = arith.constant 0 : i32
    %jit3A_603 = arith.constant 199 : i32
    %max3A_604 = arith.maxsi %jit3A_602, %jit3A_601 : i32
    %min3A_605 = arith.minsi %jit3A_603, %max3A_604 : i32
    %mul3A_606 = arith.constant 8 : i32
    %mul3A_607 = arith.muli %min3A_605, %mul3A_606 : i32
    %add3A_608 = arith.constant 7 : i32
    %add3A_609 = arith.addi %mul3A_607, %add3A_608 : i32
    %mul3A_610 = arith.constant 256 : i32
    %mul3A_611 = arith.muli %add3A_609, %mul3A_610 : i32
    %mul3A_612 = arith.constant 8 : i32
    %mul3A_613 = arith.muli %add3A, %mul3A_612 : i32
    %add3A_614 = arith.addi %mul3A_611, %mul3A_613 : i32
    %dma_wait3A_615 = arith.constant 56 : i32
    %dma_wait3A_616 = arith.constant 0 : i32
    %dma_wait3A_617 = tpu.memref_slice %arg12[%dma_wait3A_615, %dma_wait3A_616] : memref<64x129xf32, #tpu.memory_space<vmem>> -> memref<8x128xf32, #tpu.memory_space<vmem>>
    %dma_wait3A_618 = arith.constant 0 : i32
    %dma_wait3A_619 = tpu.memref_slice %arg4[%add3A_614, %dma_wait3A_618] : memref<409600x128xf32, #tpu.memory_space<hbm>> -> memref<8x128xf32, #tpu.memory_space<hbm>>
    %dma_wait3A_620 = arith.constant 0 : i32
    %dma_wait3A_621 = tpu.memref_slice %arg4[%add3A_614, %dma_wait3A_620] : memref<409600x128xf32, #tpu.memory_space<hbm>> -> memref<8x128xf32, #tpu.memory_space<hbm>>
    %dma_wait3A_622 = arith.constant 56 : i32
    %dma_wait3A_623 = arith.constant 0 : i32
    %dma_wait3A_624 = tpu.memref_slice %arg12[%dma_wait3A_622, %dma_wait3A_623] : memref<64x129xf32, #tpu.memory_space<vmem>> -> memref<8x128xf32, #tpu.memory_space<vmem>>
    tpu.wait_dma2 semaphore(%arg20 : memref<!tpu.dma_semaphore, #tpu.memory_space<semaphore_mem>>) src(%dma_wait3A_624 : memref<8x128xf32, #tpu.memory_space<vmem>>) dst(%dma_wait3A_621 : memref<8x128xf32, #tpu.memory_space<hbm>>)
    %jit3A_625 = arith.constant 199 : i32
    %jit3A_626 = arith.constant 0 : i32
    %jit3A_627 = arith.constant 199 : i32
    %max3A_628 = arith.maxsi %jit3A_626, %jit3A_625 : i32
    %min3A_629 = arith.minsi %jit3A_627, %max3A_628 : i32
    %mul3A_630 = arith.constant 8 : i32
    %mul3A_631 = arith.muli %min3A_629, %mul3A_630 : i32
    %add3A_632 = arith.constant 0 : i32
    %add3A_633 = arith.addi %mul3A_631, %add3A_632 : i32
    %mul3A_634 = arith.constant 256 : i32
    %mul3A_635 = arith.muli %add3A_633, %mul3A_634 : i32
    %mul3A_636 = arith.constant 8 : i32
    %mul3A_637 = arith.muli %add3A, %mul3A_636 : i32
    %add3A_638 = arith.addi %mul3A_635, %mul3A_637 : i32
    %dma_wait3A_639 = arith.constant 0 : i32
    %dma_wait3A_640 = arith.constant 0 : i32
    %dma_wait3A_641 = tpu.memref_slice %arg13[%dma_wait3A_639, %dma_wait3A_640] : memref<64x129xf32, #tpu.memory_space<vmem>> -> memref<8x128xf32, #tpu.memory_space<vmem>>
    %dma_wait3A_642 = arith.constant 0 : i32
    %dma_wait3A_643 = tpu.memref_slice %arg4[%add3A_638, %dma_wait3A_642] : memref<409600x128xf32, #tpu.memory_space<hbm>> -> memref<8x128xf32, #tpu.memory_space<hbm>>
    %dma_wait3A_644 = arith.constant 0 : i32
    %dma_wait3A_645 = tpu.memref_slice %arg4[%add3A_638, %dma_wait3A_644] : memref<409600x128xf32, #tpu.memory_space<hbm>> -> memref<8x128xf32, #tpu.memory_space<hbm>>
    %dma_wait3A_646 = arith.constant 0 : i32
    %dma_wait3A_647 = arith.constant 0 : i32
    %dma_wait3A_648 = tpu.memref_slice %arg13[%dma_wait3A_646, %dma_wait3A_647] : memref<64x129xf32, #tpu.memory_space<vmem>> -> memref<8x128xf32, #tpu.memory_space<vmem>>
    tpu.wait_dma2 semaphore(%arg21 : memref<!tpu.dma_semaphore, #tpu.memory_space<semaphore_mem>>) src(%dma_wait3A_648 : memref<8x128xf32, #tpu.memory_space<vmem>>) dst(%dma_wait3A_645 : memref<8x128xf32, #tpu.memory_space<hbm>>)
    %jit3A_649 = arith.constant 199 : i32
    %jit3A_650 = arith.constant 0 : i32
    %jit3A_651 = arith.constant 199 : i32
    %max3A_652 = arith.maxsi %jit3A_650, %jit3A_649 : i32
    %min3A_653 = arith.minsi %jit3A_651, %max3A_652 : i32
    %mul3A_654 = arith.constant 8 : i32
    %mul3A_655 = arith.muli %min3A_653, %mul3A_654 : i32
    %add3A_656 = arith.constant 1 : i32
    %add3A_657 = arith.addi %mul3A_655, %add3A_656 : i32
    %mul3A_658 = arith.constant 256 : i32
    %mul3A_659 = arith.muli %add3A_657, %mul3A_658 : i32
    %mul3A_660 = arith.constant 8 : i32
    %mul3A_661 = arith.muli %add3A, %mul3A_660 : i32
    %add3A_662 = arith.addi %mul3A_659, %mul3A_661 : i32
    %dma_wait3A_663 = arith.constant 8 : i32
    %dma_wait3A_664 = arith.constant 0 : i32
    %dma_wait3A_665 = tpu.memref_slice %arg13[%dma_wait3A_663, %dma_wait3A_664] : memref<64x129xf32, #tpu.memory_space<vmem>> -> memref<8x128xf32, #tpu.memory_space<vmem>>
    %dma_wait3A_666 = arith.constant 0 : i32
    %dma_wait3A_667 = tpu.memref_slice %arg4[%add3A_662, %dma_wait3A_666] : memref<409600x128xf32, #tpu.memory_space<hbm>> -> memref<8x128xf32, #tpu.memory_space<hbm>>
    %dma_wait3A_668 = arith.constant 0 : i32
    %dma_wait3A_669 = tpu.memref_slice %arg4[%add3A_662, %dma_wait3A_668] : memref<409600x128xf32, #tpu.memory_space<hbm>> -> memref<8x128xf32, #tpu.memory_space<hbm>>
    %dma_wait3A_670 = arith.constant 8 : i32
    %dma_wait3A_671 = arith.constant 0 : i32
    %dma_wait3A_672 = tpu.memref_slice %arg13[%dma_wait3A_670, %dma_wait3A_671] : memref<64x129xf32, #tpu.memory_space<vmem>> -> memref<8x128xf32, #tpu.memory_space<vmem>>
    tpu.wait_dma2 semaphore(%arg21 : memref<!tpu.dma_semaphore, #tpu.memory_space<semaphore_mem>>) src(%dma_wait3A_672 : memref<8x128xf32, #tpu.memory_space<vmem>>) dst(%dma_wait3A_669 : memref<8x128xf32, #tpu.memory_space<hbm>>)
    %jit3A_673 = arith.constant 199 : i32
    %jit3A_674 = arith.constant 0 : i32
    %jit3A_675 = arith.constant 199 : i32
    %max3A_676 = arith.maxsi %jit3A_674, %jit3A_673 : i32
    %min3A_677 = arith.minsi %jit3A_675, %max3A_676 : i32
    %mul3A_678 = arith.constant 8 : i32
    %mul3A_679 = arith.muli %min3A_677, %mul3A_678 : i32
    %add3A_680 = arith.constant 2 : i32
    %add3A_681 = arith.addi %mul3A_679, %add3A_680 : i32
    %mul3A_682 = arith.constant 256 : i32
    %mul3A_683 = arith.muli %add3A_681, %mul3A_682 : i32
    %mul3A_684 = arith.constant 8 : i32
    %mul3A_685 = arith.muli %add3A, %mul3A_684 : i32
    %add3A_686 = arith.addi %mul3A_683, %mul3A_685 : i32
    %dma_wait3A_687 = arith.constant 16 : i32
    %dma_wait3A_688 = arith.constant 0 : i32
    %dma_wait3A_689 = tpu.memref_slice %arg13[%dma_wait3A_687, %dma_wait3A_688] : memref<64x129xf32, #tpu.memory_space<vmem>> -> memref<8x128xf32, #tpu.memory_space<vmem>>
    %dma_wait3A_690 = arith.constant 0 : i32
    %dma_wait3A_691 = tpu.memref_slice %arg4[%add3A_686, %dma_wait3A_690] : memref<409600x128xf32, #tpu.memory_space<hbm>> -> memref<8x128xf32, #tpu.memory_space<hbm>>
    %dma_wait3A_692 = arith.constant 0 : i32
    %dma_wait3A_693 = tpu.memref_slice %arg4[%add3A_686, %dma_wait3A_692] : memref<409600x128xf32, #tpu.memory_space<hbm>> -> memref<8x128xf32, #tpu.memory_space<hbm>>
    %dma_wait3A_694 = arith.constant 16 : i32
    %dma_wait3A_695 = arith.constant 0 : i32
    %dma_wait3A_696 = tpu.memref_slice %arg13[%dma_wait3A_694, %dma_wait3A_695] : memref<64x129xf32, #tpu.memory_space<vmem>> -> memref<8x128xf32, #tpu.memory_space<vmem>>
    tpu.wait_dma2 semaphore(%arg21 : memref<!tpu.dma_semaphore, #tpu.memory_space<semaphore_mem>>) src(%dma_wait3A_696 : memref<8x128xf32, #tpu.memory_space<vmem>>) dst(%dma_wait3A_693 : memref<8x128xf32, #tpu.memory_space<hbm>>)
    %jit3A_697 = arith.constant 199 : i32
    %jit3A_698 = arith.constant 0 : i32
    %jit3A_699 = arith.constant 199 : i32
    %max3A_700 = arith.maxsi %jit3A_698, %jit3A_697 : i32
    %min3A_701 = arith.minsi %jit3A_699, %max3A_700 : i32
    %mul3A_702 = arith.constant 8 : i32
    %mul3A_703 = arith.muli %min3A_701, %mul3A_702 : i32
    %add3A_704 = arith.constant 3 : i32
    %add3A_705 = arith.addi %mul3A_703, %add3A_704 : i32
    %mul3A_706 = arith.constant 256 : i32
    %mul3A_707 = arith.muli %add3A_705, %mul3A_706 : i32
    %mul3A_708 = arith.constant 8 : i32
    %mul3A_709 = arith.muli %add3A, %mul3A_708 : i32
    %add3A_710 = arith.addi %mul3A_707, %mul3A_709 : i32
    %dma_wait3A_711 = arith.constant 24 : i32
    %dma_wait3A_712 = arith.constant 0 : i32
    %dma_wait3A_713 = tpu.memref_slice %arg13[%dma_wait3A_711, %dma_wait3A_712] : memref<64x129xf32, #tpu.memory_space<vmem>> -> memref<8x128xf32, #tpu.memory_space<vmem>>
    %dma_wait3A_714 = arith.constant 0 : i32
    %dma_wait3A_715 = tpu.memref_slice %arg4[%add3A_710, %dma_wait3A_714] : memref<409600x128xf32, #tpu.memory_space<hbm>> -> memref<8x128xf32, #tpu.memory_space<hbm>>
    %dma_wait3A_716 = arith.constant 0 : i32
    %dma_wait3A_717 = tpu.memref_slice %arg4[%add3A_710, %dma_wait3A_716] : memref<409600x128xf32, #tpu.memory_space<hbm>> -> memref<8x128xf32, #tpu.memory_space<hbm>>
    %dma_wait3A_718 = arith.constant 24 : i32
    %dma_wait3A_719 = arith.constant 0 : i32
    %dma_wait3A_720 = tpu.memref_slice %arg13[%dma_wait3A_718, %dma_wait3A_719] : memref<64x129xf32, #tpu.memory_space<vmem>> -> memref<8x128xf32, #tpu.memory_space<vmem>>
    tpu.wait_dma2 semaphore(%arg21 : memref<!tpu.dma_semaphore, #tpu.memory_space<semaphore_mem>>) src(%dma_wait3A_720 : memref<8x128xf32, #tpu.memory_space<vmem>>) dst(%dma_wait3A_717 : memref<8x128xf32, #tpu.memory_space<hbm>>)
    %jit3A_721 = arith.constant 199 : i32
    %jit3A_722 = arith.constant 0 : i32
    %jit3A_723 = arith.constant 199 : i32
    %max3A_724 = arith.maxsi %jit3A_722, %jit3A_721 : i32
    %min3A_725 = arith.minsi %jit3A_723, %max3A_724 : i32
    %mul3A_726 = arith.constant 8 : i32
    %mul3A_727 = arith.muli %min3A_725, %mul3A_726 : i32
    %add3A_728 = arith.constant 4 : i32
    %add3A_729 = arith.addi %mul3A_727, %add3A_728 : i32
    %mul3A_730 = arith.constant 256 : i32
    %mul3A_731 = arith.muli %add3A_729, %mul3A_730 : i32
    %mul3A_732 = arith.constant 8 : i32
    %mul3A_733 = arith.muli %add3A, %mul3A_732 : i32
    %add3A_734 = arith.addi %mul3A_731, %mul3A_733 : i32
    %dma_wait3A_735 = arith.constant 32 : i32
    %dma_wait3A_736 = arith.constant 0 : i32
    %dma_wait3A_737 = tpu.memref_slice %arg13[%dma_wait3A_735, %dma_wait3A_736] : memref<64x129xf32, #tpu.memory_space<vmem>> -> memref<8x128xf32, #tpu.memory_space<vmem>>
    %dma_wait3A_738 = arith.constant 0 : i32
    %dma_wait3A_739 = tpu.memref_slice %arg4[%add3A_734, %dma_wait3A_738] : memref<409600x128xf32, #tpu.memory_space<hbm>> -> memref<8x128xf32, #tpu.memory_space<hbm>>
    %dma_wait3A_740 = arith.constant 0 : i32
    %dma_wait3A_741 = tpu.memref_slice %arg4[%add3A_734, %dma_wait3A_740] : memref<409600x128xf32, #tpu.memory_space<hbm>> -> memref<8x128xf32, #tpu.memory_space<hbm>>
    %dma_wait3A_742 = arith.constant 32 : i32
    %dma_wait3A_743 = arith.constant 0 : i32
    %dma_wait3A_744 = tpu.memref_slice %arg13[%dma_wait3A_742, %dma_wait3A_743] : memref<64x129xf32, #tpu.memory_space<vmem>> -> memref<8x128xf32, #tpu.memory_space<vmem>>
    tpu.wait_dma2 semaphore(%arg21 : memref<!tpu.dma_semaphore, #tpu.memory_space<semaphore_mem>>) src(%dma_wait3A_744 : memref<8x128xf32, #tpu.memory_space<vmem>>) dst(%dma_wait3A_741 : memref<8x128xf32, #tpu.memory_space<hbm>>)
    %jit3A_745 = arith.constant 199 : i32
    %jit3A_746 = arith.constant 0 : i32
    %jit3A_747 = arith.constant 199 : i32
    %max3A_748 = arith.maxsi %jit3A_746, %jit3A_745 : i32
    %min3A_749 = arith.minsi %jit3A_747, %max3A_748 : i32
    %mul3A_750 = arith.constant 8 : i32
    %mul3A_751 = arith.muli %min3A_749, %mul3A_750 : i32
    %add3A_752 = arith.constant 5 : i32
    %add3A_753 = arith.addi %mul3A_751, %add3A_752 : i32
    %mul3A_754 = arith.constant 256 : i32
    %mul3A_755 = arith.muli %add3A_753, %mul3A_754 : i32
    %mul3A_756 = arith.constant 8 : i32
    %mul3A_757 = arith.muli %add3A, %mul3A_756 : i32
    %add3A_758 = arith.addi %mul3A_755, %mul3A_757 : i32
    %dma_wait3A_759 = arith.constant 40 : i32
    %dma_wait3A_760 = arith.constant 0 : i32
    %dma_wait3A_761 = tpu.memref_slice %arg13[%dma_wait3A_759, %dma_wait3A_760] : memref<64x129xf32, #tpu.memory_space<vmem>> -> memref<8x128xf32, #tpu.memory_space<vmem>>
    %dma_wait3A_762 = arith.constant 0 : i32
    %dma_wait3A_763 = tpu.memref_slice %arg4[%add3A_758, %dma_wait3A_762] : memref<409600x128xf32, #tpu.memory_space<hbm>> -> memref<8x128xf32, #tpu.memory_space<hbm>>
    %dma_wait3A_764 = arith.constant 0 : i32
    %dma_wait3A_765 = tpu.memref_slice %arg4[%add3A_758, %dma_wait3A_764] : memref<409600x128xf32, #tpu.memory_space<hbm>> -> memref<8x128xf32, #tpu.memory_space<hbm>>
    %dma_wait3A_766 = arith.constant 40 : i32
    %dma_wait3A_767 = arith.constant 0 : i32
    %dma_wait3A_768 = tpu.memref_slice %arg13[%dma_wait3A_766, %dma_wait3A_767] : memref<64x129xf32, #tpu.memory_space<vmem>> -> memref<8x128xf32, #tpu.memory_space<vmem>>
    tpu.wait_dma2 semaphore(%arg21 : memref<!tpu.dma_semaphore, #tpu.memory_space<semaphore_mem>>) src(%dma_wait3A_768 : memref<8x128xf32, #tpu.memory_space<vmem>>) dst(%dma_wait3A_765 : memref<8x128xf32, #tpu.memory_space<hbm>>)
    %jit3A_769 = arith.constant 199 : i32
    %jit3A_770 = arith.constant 0 : i32
    %jit3A_771 = arith.constant 199 : i32
    %max3A_772 = arith.maxsi %jit3A_770, %jit3A_769 : i32
    %min3A_773 = arith.minsi %jit3A_771, %max3A_772 : i32
    %mul3A_774 = arith.constant 8 : i32
    %mul3A_775 = arith.muli %min3A_773, %mul3A_774 : i32
    %add3A_776 = arith.constant 6 : i32
    %add3A_777 = arith.addi %mul3A_775, %add3A_776 : i32
    %mul3A_778 = arith.constant 256 : i32
    %mul3A_779 = arith.muli %add3A_777, %mul3A_778 : i32
    %mul3A_780 = arith.constant 8 : i32
    %mul3A_781 = arith.muli %add3A, %mul3A_780 : i32
    %add3A_782 = arith.addi %mul3A_779, %mul3A_781 : i32
    %dma_wait3A_783 = arith.constant 48 : i32
    %dma_wait3A_784 = arith.constant 0 : i32
    %dma_wait3A_785 = tpu.memref_slice %arg13[%dma_wait3A_783, %dma_wait3A_784] : memref<64x129xf32, #tpu.memory_space<vmem>> -> memref<8x128xf32, #tpu.memory_space<vmem>>
    %dma_wait3A_786 = arith.constant 0 : i32
    %dma_wait3A_787 = tpu.memref_slice %arg4[%add3A_782, %dma_wait3A_786] : memref<409600x128xf32, #tpu.memory_space<hbm>> -> memref<8x128xf32, #tpu.memory_space<hbm>>
    %dma_wait3A_788 = arith.constant 0 : i32
    %dma_wait3A_789 = tpu.memref_slice %arg4[%add3A_782, %dma_wait3A_788] : memref<409600x128xf32, #tpu.memory_space<hbm>> -> memref<8x128xf32, #tpu.memory_space<hbm>>
    %dma_wait3A_790 = arith.constant 48 : i32
    %dma_wait3A_791 = arith.constant 0 : i32
    %dma_wait3A_792 = tpu.memref_slice %arg13[%dma_wait3A_790, %dma_wait3A_791] : memref<64x129xf32, #tpu.memory_space<vmem>> -> memref<8x128xf32, #tpu.memory_space<vmem>>
    tpu.wait_dma2 semaphore(%arg21 : memref<!tpu.dma_semaphore, #tpu.memory_space<semaphore_mem>>) src(%dma_wait3A_792 : memref<8x128xf32, #tpu.memory_space<vmem>>) dst(%dma_wait3A_789 : memref<8x128xf32, #tpu.memory_space<hbm>>)
    %jit3A_793 = arith.constant 199 : i32
    %jit3A_794 = arith.constant 0 : i32
    %jit3A_795 = arith.constant 199 : i32
    %max3A_796 = arith.maxsi %jit3A_794, %jit3A_793 : i32
    %min3A_797 = arith.minsi %jit3A_795, %max3A_796 : i32
    %mul3A_798 = arith.constant 8 : i32
    %mul3A_799 = arith.muli %min3A_797, %mul3A_798 : i32
    %add3A_800 = arith.constant 7 : i32
    %add3A_801 = arith.addi %mul3A_799, %add3A_800 : i32
    %mul3A_802 = arith.constant 256 : i32
    %mul3A_803 = arith.muli %add3A_801, %mul3A_802 : i32
    %mul3A_804 = arith.constant 8 : i32
    %mul3A_805 = arith.muli %add3A, %mul3A_804 : i32
    %add3A_806 = arith.addi %mul3A_803, %mul3A_805 : i32
    %dma_wait3A_807 = arith.constant 56 : i32
    %dma_wait3A_808 = arith.constant 0 : i32
    %dma_wait3A_809 = tpu.memref_slice %arg13[%dma_wait3A_807, %dma_wait3A_808] : memref<64x129xf32, #tpu.memory_space<vmem>> -> memref<8x128xf32, #tpu.memory_space<vmem>>
    %dma_wait3A_810 = arith.constant 0 : i32
    %dma_wait3A_811 = tpu.memref_slice %arg4[%add3A_806, %dma_wait3A_810] : memref<409600x128xf32, #tpu.memory_space<hbm>> -> memref<8x128xf32, #tpu.memory_space<hbm>>
    %dma_wait3A_812 = arith.constant 0 : i32
    %dma_wait3A_813 = tpu.memref_slice %arg4[%add3A_806, %dma_wait3A_812] : memref<409600x128xf32, #tpu.memory_space<hbm>> -> memref<8x128xf32, #tpu.memory_space<hbm>>
    %dma_wait3A_814 = arith.constant 56 : i32
    %dma_wait3A_815 = arith.constant 0 : i32
    %dma_wait3A_816 = tpu.memref_slice %arg13[%dma_wait3A_814, %dma_wait3A_815] : memref<64x129xf32, #tpu.memory_space<vmem>> -> memref<8x128xf32, #tpu.memory_space<vmem>>
    tpu.wait_dma2 semaphore(%arg21 : memref<!tpu.dma_semaphore, #tpu.memory_space<semaphore_mem>>) src(%dma_wait3A_816 : memref<8x128xf32, #tpu.memory_space<vmem>>) dst(%dma_wait3A_813 : memref<8x128xf32, #tpu.memory_space<hbm>>)
    return
  }
}

</mosaic_0001>

<sc_bundles>
// kernel: kernel.3.cloned.1.call-start
scs
__scs_entry_jumppad:
0x0: {  	(pc) =	sbr.rel $0x88, $3  }
0x1: {  	(tag) =	ssettag $0x0;
	lr =	simm.s32 $0x1  }
0x2: {  	[smem:$0x3F9F] =	sst lr;
	_ =	strace $0xD0000000  }
0x3: {  	_ = 	snop  }
0x4: {  	_ = 	snop  }
0x5: {  	_ = 	snop  }
0x6: {  	_ = 	snop  }
0x7: {  	_ = 	snop  }
__scs_overlays_trampoline_lowered:
0x8: {  	[smem:$0x3FAE] =	sst s0  }
0x9: {  	[smem:$0x3FAF] =	sst s1  }
0xa: {  	[smem:$0x3FB0] =	sst s2  }
0xb: {  	[smem:$0x3FB1] =	sst s3  }
0xc: {  	[smem:$0x3FB2] =	sst s4  }
0xd: {  	[smem:$0x3FB3] =	sst s5  }
0xe: {  	[smem:$0x3FB4] =	sst s6  }
0xf: {  	[smem:$0x3FB5] =	sst s7  }
0x10: {  	[smem:$0x3FB6] =	sst s8  }
0x11: {  	[smem:$0x3FB7] =	sst s9;
	s0 =	simm.s32 @!p0 $0x0  }
0x12: {  	s1 =	sld [smem:$0x3F9D];
	s0 =	simm.s32 @p0 $0x1  }
0x13: {  	[smem:$0x3FB8] =	sst s0;
	s0 =	simm.s32 @!p1 $0x0  }
0x14: {  	s2 =	sld [smem:$0x3F9C];
	s0 =	simm.s32 @p1 $0x1  }
0x15: {  	[smem:$0x3FB9] =	sst s0;
	s0 =	simm.s32 @!p2 $0x0  }
0x16: {  	s3 =	sld [smem:$0x3FDB];
	s0 =	simm.s32 @p2 $0x1  }
0x17: {  	s4 =	simm.s32 $0x1BF5;
	[smem:$0x3FBB] =	sst s0  }
0x18: {  	s0 =	sld [smem:$0x3F9E];
	_ =	swait.ge [sflag:s4], $0x0  }
0x19: {  	s7 =	sld [smem:$0x3F9F]  }
0x1a: {  	s8 =	sadd.s32 $0xFFFFE003, lr  }
0x1b: {  	s9 =	sadd.s32 $0xFFFFFEF7, lr;
	s5 =	simm.s32 $0xFFFFFFFF;
	p2 =	slt.u32 s8, $0xFFFFF086  }
0x1c: {  	p1 =	slt.u32 s9, $0xF7A;
	s5 =	simm.s32 @!p2 $0x0  }
0x1d: {  	s5 =	simm.s32 @p1 $0x1;
	p0 =	seq.s32 s7, s2  }
0x1e: {  	s7 =	smul.u32 @!p0 $0xF7A, s2;
	p2 =	seq.s32 @!p0 s5, $0x0  }
0x1f: {  	s9 =	smul.u32 $0xF7A, s1;
	s8 =	simm.s32 @!p0 $0x1BF5;
	p2 =	por !p2, p0  }
0x20: {  	[sflag:s8] =	ssyncset.s32 @!p0 $0xFFFFF086;
	s6 =	sadd.s32 @!p0 s3, s7;
	s7 =	simm.s32 @!p0 $0x108  }
0x21: {  	s3 =	sadd.s32 s3, s9;
	s6 =	sadd.s32 @!p0 $0x88, s6;
	s7 =	simm.s32 @p2 $0x1082  }
0x22: {  	[simem:s7], [sflag:s8] =	dma.local @!p0 [hbm:s6], $0xF7A  }
0x23: {  	s9 =	sor.u32 $0xD0000000, s2;
	s6 =	simm.s32 $0x108;
	_ =	swait.ge @!p0 [sflag:s8], $0x0  }
0x24: {  	s3 =	sadd.s32 $0x88, s3;
	s6 =	simm.s32 @!p1 $0x1082;
	[sflag:s4] =	ssyncset.s32 $0xFFFFF086  }
0x25: {  	[simem:s6], [sflag:s4] =	dma.local [hbm:s3], $0xF7A  }
0x26: {  	[smem:$0x3F9F] =	sst s1;
	(tag) =	ssettag s2;
	_ =	strace s9  }
0x27: {  	s1 =	sld [smem:$0x3FAF]  }
0x28: {  	s2 =	sld [smem:$0x3FB0]  }
0x29: {  	s4 =	sld [smem:$0x3FB2]  }
0x2a: {  	p0 =	seq.s32 s5, $0x0;
	s5 =	sld [smem:$0x3FB3]  }
0x2b: {  	s6 =	sld [smem:$0x3FB4]  }
0x2c: {  	s7 =	sld [smem:$0x3FB5]  }
0x2d: {  	s3 =	simm.s32 $0x108;
	s8 =	sld [smem:$0x3FB6]  }
0x2e: {  	s3 =	simm.s32 @!p0 $0x1082;
	s9 =	sld [smem:$0x3FB7]  }
0x2f: {  	lr =	sadd.s32 s0, s3;
	s0 =	sld [smem:$0x3FAE]  }
0x30: {  	s3 =	sld [smem:$0x3FB1]  }
0x31: {  	[smem:$0x3FBA] =	sst s10  }
0x32: {  	s10 =	sld [smem:$0x3FB8];
	_ =	sdelay $0x3  }
0x33: {  	p0 =	seq.s32 s10, $0x1;
	s10 =	sld [smem:$0x3FBA];
	_ =	sdelay $0x3  }
0x34: {  	[smem:$0x3FBA] =	sst s10  }
0x35: {  	s10 =	sld [smem:$0x3FB9];
	_ =	sdelay $0x3  }
0x36: {  	p1 =	seq.s32 s10, $0x1;
	s10 =	sld [smem:$0x3FBA];
	_ =	sdelay $0x3  }
0x37: {  	[smem:$0x3FBA] =	sst s10  }
0x38: {  	s10 =	sld [smem:$0x3FBB]  }
0x39: {  	_ = 	snop;
	(pc) =	sbr.ind lr, $3  }
0x3a: {  	_ = 	snop  }
0x3b: {  	_ = 	snop  }
0x3c: {  	p2 =	seq.s32 s10, $0x1;
	s10 =	sld [smem:$0x3FBA]  }
0x3d: {  	_ =	shalt  }
0x3e: {  	_ =	shalt  }
0x3f: {  	_ =	shalt  }
0x40: {  	_ =	shalt  }
0x41: {  	_ =	shalt  }
0x42: {  	_ =	shalt  }
0x43: {  	_ =	shalt  }
0x44: {  	_ =	shalt  }
0x45: {  	_ =	shalt  }
0x46: {  	_ =	shalt  }
0x47: {  	_ =	shalt  }
0x48: {  	_ =	shalt  }
0x49: {  	_ =	shalt  }
0x4a: {  	_ =	shalt  }
0x4b: {  	_ =	shalt  }
0x4c: {  	_ =	shalt  }
0x4d: {  	_ =	shalt  }
0x4e: {  	_ =	shalt  }
0x4f: {  	_ =	shalt  }
0x50: {  	_ =	shalt  }
0x51: {  	_ =	shalt  }
0x52: {  	_ =	shalt  }
0x53: {  	_ =	shalt  }
0x54: {  	_ =	shalt  }
0x55: {  	_ =	shalt  }
0x56: {  	_ =	shalt  }
0x57: {  	_ =	shalt  }
0x58: {  	_ =	shalt  }
0x59: {  	_ =	shalt  }
0x5a: {  	_ =	shalt  }
0x5b: {  	_ =	shalt  }
0x5c: {  	_ =	shalt  }
0x5d: {  	_ =	shalt  }
0x5e: {  	_ =	shalt  }
0x5f: {  	_ =	shalt  }
0x60: {  	_ =	shalt  }
0x61: {  	_ =	shalt  }
0x62: {  	_ =	shalt  }
0x63: {  	_ =	shalt  }
0x64: {  	_ =	shalt  }
0x65: {  	_ =	shalt  }
0x66: {  	_ =	shalt  }
0x67: {  	_ =	shalt  }
0x68: {  	_ =	shalt  }
0x69: {  	_ =	shalt  }
0x6a: {  	_ =	shalt  }
0x6b: {  	_ =	shalt  }
0x6c: {  	_ =	shalt  }
0x6d: {  	_ =	shalt  }
0x6e: {  	_ =	shalt  }
0x6f: {  	_ =	shalt  }
0x70: {  	_ =	shalt  }
0x71: {  	_ =	shalt  }
0x72: {  	_ =	shalt  }
0x73: {  	_ =	shalt  }
0x74: {  	_ =	shalt  }
0x75: {  	_ =	shalt  }
0x76: {  	_ =	shalt  }
0x77: {  	_ =	shalt  }
0x78: {  	_ =	shalt  }
0x79: {  	_ =	shalt  }
0x7a: {  	_ =	shalt  }
0x7b: {  	_ =	shalt  }
0x7c: {  	_ =	shalt  }
0x7d: {  	_ =	shalt  }
0x7e: {  	_ =	shalt  }
0x7f: {  	_ =	shalt  }
0x80: {  	_ =	shalt  }
0x81: {  	_ =	shalt  }
0x82: {  	_ =	shalt  }
0x83: {  	_ =	shalt  }
0x84: {  	_ =	shalt  }
0x85: {  	_ =	shalt  }
0x86: {  	_ =	shalt  }
0x87: {  	_ =	shalt  }
.Lfunc_end0:
.L_simem_size_0:
called_computation_lowered:
.L_overlay_start_0:
0x88: {  	s2 =	sld [smem:$0x3FD9]  }
0x89: {  	s3 =	sld [smem:$0x3FFE];
	_ =	sdelay $0x1  }
0x8a: {  	s1 =	srdreg.scid  }
0x8b: {  	s0 =	sand.u32 $0x1, s1  }
0x8c: {  	s17 =	sshll.u32 s0, $0xA;
	s2 =	sadd.s32 s3, s2  }
0x8d: {  	s2 =	sadd.s32 s2, s17  }
0x8e: {  	[smem:$0x3FC6] =	sst s2  }
0x8f: {  	_ = 	snop  }
0x90: {  	s2 =	sld [smem:$0x3FD0];
	(tm) =	ssettm $0x1  }
0x91: {  	s18 =	sld [smem:$0x3FFB];
	_ =	sdelay $0x3  }
0x92: {  	_ =	strace s18  }
0x93: {  	s3 =	sld [smem:$0x3FFC];
	_ =	sdelay $0x3  }
0x94: {  	_ =	strace s3  }
0x95: {  	s3 =	sld [smem:$0x3FFD];
	_ =	sdelay $0x3  }
0x96: {  	_ =	strace s3  }
0x97: {  	_ =	strace $0x8FFFFFFF  }
0x98: {  	s19 =	sld [smem:$0x3FDB];
	_ =	sdelay $0x1  }
0x99: {  	s4 =	simm.s32 $_scs_section_size  }
0x9a: {  	s5 =	simm.s32 $_size__tile_overlayer_lowered;
	s6 =	simm.s32 $_tile_overlayer_lowered  }
0x9b: {  	s22 =	simm.s32 $0x1BFF;
	s21 =	sshll.u32 s6, $0x1;
	s3 =	sadd.s32 s4, s19  }
0x9c: {  	s7 =	simm.s32 $0x0;
	s20 =	sshll.u32 s5, $0x1;
	s5 =	sadd.s32 s21, s3  }
0x9d: {  	[timem:s7], [sflag:s22] =	dma.local [hbm:s5], s20  }
0x9e: {  	_ =	swait.ge [sflag:s22], s20  }
0x9f: {  	s4 =	ssub.s32 $0x0, s20;
	[sflag:s22] =	ssyncset.done $0x0  }
0xa0: {  	[sflag:s22] =	ssyncadd.s32 s4;
	_ =	sdelay $0x1  }
0xa1: {  	s23 =	simm.s32 $0x1B8B  }
0xa2: {  	_ =	swait.ge [sflag:s23], $0x1  }
0xa3: {  	[sflag:s23] =	ssyncset.done $0x0  }
0xa4: {  	s25 =	simm.s32 $0x1B8E;
	s24 =	sld [smem:$0x3FFE];
	[sflag:s23] =	ssyncadd.s32 $0xFFFFFFFF  }
0xa5: {  	s26 =	simm.s32 $execute0_lowered;
	[smem:$0x3FD2] =	sst s25  }
0xa6: {  	s5 =	sshll.u32 s26, $0x1;
	_ =	strace $0x80000046;
	[dreg:$0x1] =	wrdreg $0xFFFFFFFF  }
0xa7: {  	s28 =	simm.s32 $_size_execute0_lowered;
	s3 =	sadd.s32 s3, s5;
	[dreg:$0x0] =	wrdreg $0x0  }
0xa8: {  	s5 =	sshll.u32 s28, $0x1;
	[dreg:$0x2] =	wrdreg s3  }
0xa9: {  	[dreg:$0x3] =	wrdreg s5  }
0xaa: {  	[dreg:$0x4] =	wrdreg $0xC0  }
0xab: {  	_ =	task [dreg:s7], $0x5FFFF  }
0xac: {  	[dreg:$0x1] =	wrdreg $0xFFFFFFFF  }
0xad: {  	[dreg:$0x0] =	wrdreg $0x60  }
0xae: {  	[dreg:$0x2] =	wrdreg s24  }
0xaf: {  	[dreg:$0x3] =	wrdreg s2  }
0xb0: {  	[dreg:$0x4] =	wrdreg $0x9  }
0xb1: {  	_ =	task.clear_ibuf [dreg:s7], $0x5FFFF;
	_ =	strace $0x90000046  }
0xb2: {  	s29 =	simm.s32 $0x9;
	_ =	strace $0x80000048  }
0xb3: {  	_ =	swait.ge [sflag:s29], $0x1  }
0xb4: {  	[sflag:s29] =	ssyncadd.s32 $0xFFFFFFFF  }
0xb5: {  	_ =	strace $0x90000048  }
0xb6: {  	_ =	sfence  }
0xb7: {  	s30 =	sld [smem:$0x0];
	_ =	sdelay $0x2  }
0xb8: {  	s31 =	sshll.u32 s1, $0xD;
	s1 =	sshrl.u32 s1, $0x2  }
0xb9: {  	s3 =	sand.u32 $0x4000, s31;
	s1 =	sadd.s32 s1, s30  }
0xba: {  	s0 =	sor.u32 s3, s0;
	s1 =	sshll.u32 s1, $0x11  }
0xbb: {  	s0 =	sor.u32 s1, s0  }
0xbc: {  	s0 =	sadd.s32 $0x8F2B, s0  }
0xbd: {  	[sflag:s0] =	ssyncadd.remote.s32 $0x1  }
0xbe: {  	_ =	sfence.sel $0xFFFF  }
0xbf: {  	[dreg:$0x0] =	wrdreg $0xFFFFFFFF;
	(pc) =	sbr.abs _section_cstart, $3  }
0xc0: {  	[dreg:$0x1] =	wrdreg $0xFFFFFFFF  }
0xc1: {  	_ =	task.clear_ibuf [dreg:s7], $0x2FFFF;
	_ =	strace $0x9FFFFFFF  }
0xc2: {  	(tm) =	ssettm $0x7FFFFFFF  }
0xc3: {  	_ =	shalt  }
tec
execute0_lowered:
.L_overlay_start_1:
0x0: {  	(tag) =	ssettag $0x1  }
0x1: {  	s0 =	rddreg [dreg:$0x0]  }
0x2: {  	s2 =	rddreg [dreg:$0x1];
	v0 =	vlaneseq.u32  }
0x3: {  	s1 =	srdreg.scid;
	s4 =	stileid.u32;
	s3 =	simm.s32 $0x0;
	v0 =	vmul.u32 $0x88, v0  }
0x4: {  	s17 =	simm.s32 $0x80;
	s24 =	simm.s32 $0x1;
	s31 =	simm.s32 $0x2;
	v1 =	vimm.s32 $0x0;
	vm0 =	vcmask $0x300  }
0x5: {  	s29 =	simm.s32 $0x3;
	s30 =	simm.s32 $0x12800;
	s19 =	simm.s32 $0x4;
	v1 =	vsel vm0, $0x3, v1;
	v2 =	vadd.s32 $0x880, v0  }
0x6: {  	s25 =	simm.s32 $0x14A00;
	s14 =	simm.s32 $0x15C98;
	s18 =	simm.s32 $0x0;
	v3 =	vadd.s32 $0x1100, v0;
	v4 =	vadd.s32 $0x1980, v0;
	v5 =	vor.u32 $0x1, v0  }
0x7: {  	s1 =	sand.u32 $0x1, s1;
	s4 =	sshll.u32 s4, $0x1;
	[smem:$0x7FF] =	sst s3;
	v6 =	vadd.s32 $0x881, v0;
	v7 =	vadd.s32 $0x1101, v0;
	v8 =	vadd.s32 $0x1981, v0  }
0x8: {  	s8 =	sadd.s32 $0x2000, s2;
	s9 =	sadd.s32 $0x3000, s2;
	s10 =	sadd.s32 $0x4000, s2;
	v9 =	vor.u32 $0x2, v0;
	v10 =	vadd.s32 $0x882, v0;
	v11 =	vadd.s32 $0x1102, v0  }
0x9: {  	s11 =	sadd.s32 $0x5000, s2;
	s12 =	sadd.s32 $0x6000, s2;
	s5 =	sor.u32 s1, s4;
	v12 =	vadd.s32 $0x1982, v0;
	v13 =	vor.u32 $0x3, v0;
	v14 =	vadd.s32 $0x883, v0  }
0xa: {  	s13 =	sadd.s32 $0x7000, s2;
	s1 =	ssub.s32 $0x2, s1;
	s4 =	sshll.u32 s5, $0x4;
	v15 =	vadd.s32 $0x1103, v0;
	v16 =	vadd.s32 $0x1983, v0;
	v17 =	vor.u32 $0x4, v0  }
0xb: {  	_ =	strace $0x80000047;
	s6 =	sshrl.u32 s1, $0x1;
	v18 =	vadd.s32 $0x884, v0;
	v19 =	vadd.s32 $0x1104, v0;
	v20 =	vadd.s32 $0x1984, v0;
	s7 =	sadd.s32 s4, s0  }
0xc: {  	v21 =	vor.u32 $0x5, v0;
	v22 =	vadd.s32 $0x885, v0;
	v23 =	vadd.s32 $0x1105, v0;
	s4 =	sadd.s32 $0xF42A00, s0;
	s26 =	ssub.s32 s1, s6;
	s6 =	sshll.u32 s5, $0x7  }
0xd: {  	v24 =	vadd.s32 $0x1985, v0;
	v25 =	vor.u32 $0x6, v0;
	v26 =	vadd.s32 $0x886, v0;
	s28 =	sadd.s32 $0x600, s7;
	s7 =	sadd.s32 $0x1000, s2;
	s0 =	smax.u32 s26, $0x1  }
0xe: {  	v27 =	vadd.s32 $0x1106, v0;
	v28 =	vadd.s32 $0x1986, v0;
	v29 =	vor.u32 $0x7, v0;
	s15 =	sor.u32 $0x8000, s6;
	s16 =	sor.u32 $0x10000, s6;
	[dreg:$0x3] =	wrdreg s28  }
0xf: {  	v30 =	vadd.s32 $0x887, v0;
	v31 =	vadd.s32 $0x1107, v0;
	v32 =	vadd.s32 $0x1987, v0;
	s26 =	simm.s32 $0xE400;
	[dreg:$0x4] =	wrdreg s0;
	s0 =	simm.s32 $0x10600  }
.LBB2_1:
0x10: {  	[dreg:$0x5] =	wrdreg s18  }
0x11: {  	s1 =	rddreg [dreg:$0x3];
	s5 =	simm.s32 $0x1000;
	s18 =	simm.s32 $0x9  }
0x12: {  	[tilespmem:s3], [sflag:$0x9] =	stream.strided.gather [hbm4b:s1+s17], $0x6400, s5, s17, $0x38;
	[tilespmem:$0x16C00] =	vst v63  }
0x13: {  	_ =	swait.ge [sflag:s18], $0x6400  }
0x14: {  	[sflag:s18] =	ssyncset.done $0x0  }
0x15: {  	s20 =	simm.s32 $0x6400;
	[sflag:s18] =	ssyncadd.s32 $0xFFFF9C00  }
0x16: {  	[tilespmem:s20], [sflag:$0x1] =	stream.indirect.gather [hbm4b:s4+s17], $0x40, s3, s17, $0xb8;
	[tilespmem:$0x16C00] =	vst v63  }
0x17: {  	s21 =	simm.s32 $0x8400  }
0x18: {  	[tilespmem:s21], [sflag:$0x2] =	stream.indirect.gather [hbm4b:s4+s17], $0x40, s17, s17, $0xb8;
	[tilespmem:$0x16C00] =	vst v63  }
0x19: {  	s22 =	simm.s32 $0x100;
	s23 =	simm.s32 $0xA400;
	s28 =	simm.s32 $0x0  }
0x1a: {  	[tilespmem:s23], [sflag:$0x3] =	stream.indirect.gather [hbm4b:s4+s17], $0x40, s22, s17, $0xb8;
	[tilespmem:$0x16C00] =	vst v63  }
.LBB2_2:
0x1b: {  	_ =	swait.ge [sflag:s24], $0x2000  }
0x1c: {  	s1 =	sshllo.u32 s28, $0x2;
	s20 =	sshll.u32 s28, $0x2;
	s5 =	simm.s32 $0xC400  }
0x1d: {  	[sflag:s24] =	ssyncset.done $0x0;
	s18 =	sshll.u32 s1, $0x7;
	s22 =	sadd.s32 $0xFFFFFFFC, s20  }
0x1e: {  	[sflag:s24] =	ssyncadd.s32 $0xFFFFE000;
	s18 =	sand.u32 $0x3FFFFF80, s18;
	p0 =	sgt.u32 s22, $0xC7  }
0x1f: {  	[tilespmem:s5], [sflag:$0x4] =	stream.indirect.gather [hbm4b:s4+s17], $0x40, s18, s17, $0xb8;
	[tilespmem:$0x16C00] =	vst v63  }
0x20: {  	s18 =	simm.s32 @!p0 $0x5  }
0x21: {  	_ =	swait.ge @!p0 [sflag:s18], $0x400  }
0x22: {  	[sflag:s18] =	ssyncset.done @!p0 $0x0  }
0x23: {  	[sflag:s18] =	ssyncadd.s32 @!p0 $0xFFFFFC00  }
0x24: {  	_ =	swait.ge @!p0 [sflag:s18], $0x400  }
0x25: {  	[sflag:s18] =	ssyncset.done @!p0 $0x0  }
0x26: {  	[sflag:s18] =	ssyncadd.s32 @!p0 $0xFFFFFC00  }
0x27: {  	_ =	swait.ge @!p0 [sflag:s18], $0x400  }
0x28: {  	[sflag:s18] =	ssyncset.done @!p0 $0x0  }
0x29: {  	[sflag:s18] =	ssyncadd.s32 @!p0 $0xFFFFFC00  }
0x2a: {  	_ =	swait.ge @!p0 [sflag:s18], $0x400  }
0x2b: {  	[sflag:s18] =	ssyncset.done @!p0 $0x0  }
0x2c: {  	[sflag:s18] =	ssyncadd.s32 @!p0 $0xFFFFFC00  }
0x2d: {  	_ =	swait.ge @!p0 [sflag:s18], $0x400  }
0x2e: {  	[sflag:s18] =	ssyncset.done @!p0 $0x0  }
0x2f: {  	[sflag:s18] =	ssyncadd.s32 @!p0 $0xFFFFFC00  }
0x30: {  	s23 =	simm.s32 $0x0;
	s21 =	simm.s32 $0x2;
	_ =	swait.ge @!p0 [sflag:s18], $0x400  }
0x31: {  	v33 =	vmov s23;
	v35 =	vmov s21;
	s21 =	simm.s32 $0x4;
	[sflag:s18] =	ssyncset.done @!p0 $0x0  }
0x32: {  	s23 =	simm.s32 $0x5;
	s22 =	simm.s32 $0x3;
	v33 =	vshrl.u32 v33, $0x3;
	[sflag:s18] =	ssyncadd.s32 @!p0 $0xFFFFFC00  }
0x33: {  	v37 =	vmov s21;
	v39 =	vmov s23;
	v36 =	vmov s22;
	s22 =	simm.s32 $0x7;
	_ =	swait.ge @!p0 [sflag:s18], $0x400  }
0x34: {  	v35 =	vshrl.u32 v35, $0x3;
	v33 =	vshll.u32 v33, v1;
	v38 =	vmov s22;
	[sflag:s18] =	ssyncset.done @!p0 $0x0  }
0x35: {  	s5 =	simm.s32 $0x1;
	v37 =	vshrl.u32 v37, $0x3;
	v52 =	vshll.u32 v35, v1;
	v38 =	vshrl.u32 v38, $0x3;
	[sflag:s18] =	ssyncadd.s32 @!p0 $0xFFFFFC00  }
0x36: {  	v55 =	vshrl.u32 v39, $0x3;
	v34 =	vmov s5;
	v38 =	vshll.u32 v38, v1;
	_ =	swait.ge @!p0 [sflag:s18], $0x400  }
0x37: {  	v36 =	vshrl.u32 v36, $0x3;
	v34 =	vshrl.u32 v34, $0x3;
	v38 =	vbroadcast v38, $0x0;
	[sflag:s18] =	ssyncset.done @!p0 $0x0  }
0x38: {  	v33 =	vbroadcast v33, $0x0;
	v52 =	vbroadcast v52, $0x0;
	v34 =	vshll.u32 v34, v1;
	[sflag:s18] =	ssyncadd.s32 @!p0 $0xFFFFFC00;
	s18 =	simm.s32 $0x6500  }
0x39: {  	s5 =	simm.s32 $0x6;
	v54 =	vshll.u32 v37, v1;
	v45 =	vbroadcast v34, $0x0;
	v42 =	vadd.s32 v29, v38;
	v41 =	vld [tilespmem:s18+$0xC0]  }
0x3a: {  	v40 =	vmov s5;
	v53 =	vshll.u32 v36, v1;
	v44 =	vadd.s32 v0, v33;
	v43 =	vld [tilespmem:s18+$0xFFFFFF00]  }
0x3b: {  	v36 =	vshll.u32 v55, v1;
	v35 =	vbroadcast v53, $0x0;
	v47 =	vadd.s32 v5, v45;
	v46 =	vld [tilespmem:s18+$0xFFFFFF40]  }
0x3c: {  	v49 =	vadd.s32 v9, v52;
	v40 =	vshrl.u32 v40, $0x3;
	v34 =	vbroadcast v54, $0x0;
	v48 =	vld [tilespmem:s18+$0xFFFFFF80]  }
0x3d: {  	v37 =	vbroadcast v36, $0x0;
	v56 =	vshll.u32 v40, v1;
	v50 =	vadd.s32 v13, v35;
	v39 =	vld [tilespmem:s18+$0xFFFFFFC0]  }
0x3e: {  	v36 =	vbroadcast v56, $0x0;
	v53 =	vadd.s32 v17, v34;
	v51 =	vld [tilespmem:s18+$0x0];
	[tilespmem:v42+s26+$0x0] =	vst.idx.msk $0xffff, v41  }
0x3f: {  	v60 =	vadd.s32 v21, v37;
	v59 =	vld [tilespmem:s18+$0x40];
	[tilespmem:v44+s26+$0x0] =	vst.idx.msk $0xffff, v43  }
0x40: {  	v62 =	vadd.s32 v25, v36;
	v61 =	vld [tilespmem:s18+$0x80];
	[tilespmem:v47+s26+$0x0] =	vst.idx.msk $0xffff, v46  }
0x41: {  	v58 =	vadd.s32 v30, v38;
	[tilespmem:v49+s26+$0x0] =	vst.idx.msk $0xffff, v48;
	v57 =	vld [tilespmem:s18+$0xD0]  }
0x42: {  	v63 =	vadd.s32 v6, v45;
	[tilespmem:v50+s26+$0x0] =	vst.idx.msk $0xffff, v39;
	v47 =	vld [tilespmem:s18+$0xFFFFFF50]  }
0x43: {  	v55 =	vadd.s32 v10, v52;
	[tilespmem:v53+s26+$0x0] =	vst.idx.msk $0xffff, v51;
	v54 =	vld [tilespmem:s18+$0xFFFFFF90]  }
0x44: {  	v56 =	vadd.s32 v14, v35;
	[tilespmem:v60+s26+$0x0] =	vst.idx.msk $0xffff, v59;
	v50 =	vld [tilespmem:s18+$0xFFFFFFD0]  }
0x45: {  	[tilespmem:v62+s26+$0x0] =	vst.idx.msk $0xffff, v61;
	v46 =	vadd.s32 v22, v37;
	v44 =	vld [tilespmem:s18+$0x50]  }
0x46: {  	v59 =	vadd.s32 v18, v34;
	[tilespmem:v58+s26+$0x0] =	vst.idx.msk $0xffff, v57;
	v58 =	vld [tilespmem:s18+$0x10]  }
0x47: {  	v57 =	vadd.s32 v31, v38;
	[tilespmem:v63+s26+$0x0] =	vst.idx.msk $0xffff, v47;
	v40 =	vld [tilespmem:s18+$0xE0]  }
0x48: {  	v62 =	vadd.s32 v2, v33;
	v61 =	vld [tilespmem:s18+$0xFFFFFF10];
	[tilespmem:v55+s26+$0x0] =	vst.idx.msk $0xffff, v54  }
0x49: {  	v60 =	vadd.s32 v26, v36;
	v63 =	vld [tilespmem:s18+$0x90];
	[tilespmem:v56+s26+$0x0] =	vst.idx.msk $0xffff, v50  }
0x4a: {  	v51 =	vadd.s32 v7, v45;
	[tilespmem:v46+s26+$0x0] =	vst.idx.msk $0xffff, v44;
	v50 =	vld [tilespmem:s18+$0xFFFFFF60]  }
0x4b: {  	v56 =	vadd.s32 v11, v52;
	v55 =	vld [tilespmem:s18+$0xFFFFFFA0];
	[tilespmem:v59+s26+$0x0] =	vst.idx.msk $0xffff, v58  }
0x4c: {  	v58 =	vadd.s32 v15, v35;
	[tilespmem:v57+s26+$0x0] =	vst.idx.msk $0xffff, v40;
	v57 =	vld [tilespmem:s18+$0xFFFFFFE0]  }
0x4d: {  	v38 =	vadd.s32 v32, v38;
	[tilespmem:v62+s26+$0x0] =	vst.idx.msk $0xffff, v61;
	v54 =	vld [tilespmem:s18+$0xF0]  }
0x4e: {  	s22 =	simm.s32 $0x9;
	[tilespmem:v60+s26+$0x0] =	vst.idx.msk $0xffff, v63;
	v60 =	vadd.s32 v19, v34;
	v59 =	vld [tilespmem:s18+$0x20]  }
0x4f: {  	s21 =	simm.s32 $0x8;
	v41 =	vadd.s32 v23, v37;
	v53 =	vmov s22;
	[tilespmem:v51+s26+$0x0] =	vst.idx.msk $0xffff, v50;
	v40 =	vld [tilespmem:s18+$0x60]  }
0x50: {  	s5 =	simm.s32 $0xB;
	v43 =	vadd.s32 v27, v36;
	v48 =	vadd.s32 v3, v33;
	v63 =	vmov s21;
	v42 =	vld [tilespmem:s18+$0xA0];
	[tilespmem:v56+s26+$0x0] =	vst.idx.msk $0xffff, v55  }
0x51: {  	s23 =	simm.s32 $0xA;
	v44 =	vmov s5;
	v52 =	vadd.s32 v12, v52;
	v46 =	vld [tilespmem:s18+$0xFFFFFF20];
	s21 =	simm.s32 $0xC;
	v39 =	vshrl.u32 v63, $0x3;
	[tilespmem:v58+s26+$0x0] =	vst.idx.msk $0xffff, v57  }
0x52: {  	s22 =	simm.s32 $0xD;
	v47 =	vmov s21;
	v51 =	vadd.s32 v8, v45;
	v49 =	vld [tilespmem:s18+$0xFFFFFF70];
	[tilespmem:v38+s26+$0x0] =	vst.idx.msk $0xffff, v54;
	v54 =	vmov s23;
	s23 =	simm.s32 $0xE  }
0x53: {  	s20 =	simm.s32 $0x10;
	s21 =	simm.s32 $0xF;
	v45 =	vshll.u32 v39, v1;
	v50 =	vld [tilespmem:s18+$0xFFFFFFB0];
	[tilespmem:v60+s26+$0x0] =	vst.idx.msk $0xffff, v59;
	v38 =	vmov s22;
	v39 =	vmov s23  }
.LBB2_3:
0x54: {  	p1 =	slt.u32 s20, $0x78;
	v53 =	vshrl.u32 v53, $0x3;
	v55 =	vmov s21;
	v56 =	vld [tilespmem:s18+$0xFFFFFFF0];
	v35 =	vadd.s32 v16, v35;
	[tilespmem:v41+s26+$0x0] =	vst.idx.msk $0xffff, v40  }
0x55: {  	v40 =	vshrl.u32 v54, $0x3;
	v34 =	vadd.s32 v20, v34;
	v41 =	vshrl.u32 v55, $0x3;
	v54 =	vld [tilespmem:s18+$0x30];
	[tilespmem:v43+s26+$0x0] =	vst.idx.msk $0xffff, v42  }
0x56: {  	v37 =	vadd.s32 v24, v37;
	v42 =	vshrl.u32 v44, $0x3;
	v41 =	vshll.u32 v41, v1;
	[tilespmem:v48+s26+$0x0] =	vst.idx.msk $0xffff, v46;
	v43 =	vld [tilespmem:s18+$0x70]  }
0x57: {  	v36 =	vadd.s32 v28, v36;
	v44 =	vshrl.u32 v47, $0x3;
	v41 =	vbroadcast v41, $0x0;
	[tilespmem:v51+s26+$0x0] =	vst.idx.msk $0xffff, v49;
	v46 =	vld [tilespmem:s18+$0xB0]  }
0x58: {  	v47 =	vshll.u32 v53, v1;
	v49 =	vadd.s32 v4, v33;
	v33 =	vbroadcast v45, $0x0;
	v48 =	vld [tilespmem:s18+$0xFFFFFF30];
	[tilespmem:v52+s26+$0x0] =	vst.idx.msk $0xffff, v50;
	s18 =	sadd.s32 $0x200, s18  }
0x59: {  	v40 =	vshll.u32 v40, v1;
	v45 =	vbroadcast v47, $0x0;
	v47 =	vld [tilespmem:s18+$0xC0];
	v50 =	vadd.s32 v29, v41;
	[tilespmem:v35+s26+$0x0] =	vst.idx.msk $0xffff, v56  }
0x5a: {  	v55 =	vbroadcast v40, $0x0;
	v52 =	vadd.s32 v0, v33;
	v35 =	vshll.u32 v42, v1;
	v51 =	vld [tilespmem:s18+$0xFFFFFF00];
	[tilespmem:v34+s26+$0x0] =	vst.idx.msk $0xffff, v54  }
0x5b: {  	v42 =	vadd.s32 v5, v45;
	v35 =	vbroadcast v35, $0x0;
	v34 =	vshll.u32 v44, v1;
	v40 =	vld [tilespmem:s18+$0xFFFFFF40];
	[tilespmem:v37+s26+$0x0] =	vst.idx.msk $0xffff, v43  }
0x5c: {  	v44 =	vadd.s32 v9, v55;
	v34 =	vbroadcast v34, $0x0;
	v37 =	vshrl.u32 v38, $0x3;
	v43 =	vld [tilespmem:s18+$0xFFFFFF80];
	[tilespmem:v36+s26+$0x0] =	vst.idx.msk $0xffff, v46  }
0x5d: {  	v39 =	vshrl.u32 v39, $0x3;
	v46 =	vadd.s32 v13, v35;
	v36 =	vshll.u32 v37, v1;
	v38 =	vld [tilespmem:s18+$0xFFFFFFC0];
	[tilespmem:v49+s26+$0x0] =	vst.idx.msk $0xffff, v48  }
0x5e: {  	v49 =	vadd.s32 v17, v34;
	v37 =	vbroadcast v36, $0x0;
	v36 =	vshll.u32 v39, v1;
	v48 =	vld [tilespmem:s18+$0x0];
	[tilespmem:v50+s26+$0x0] =	vst.idx.msk $0xffff, v47  }
0x5f: {  	v36 =	vbroadcast v36, $0x0;
	v47 =	vadd.s32 v30, v41;
	[tilespmem:v52+s26+$0x0] =	vst.idx.msk $0xffff, v51;
	v39 =	vld [tilespmem:s18+$0xD0]  }
0x60: {  	[tilespmem:v42+s26+$0x0] =	vst.idx.msk $0xffff, v40;
	v40 =	vld [tilespmem:s18+$0x40];
	v42 =	vadd.s32 v21, v37  }
0x61: {  	[tilespmem:v44+s26+$0x0] =	vst.idx.msk $0xffff, v43;
	v43 =	vld [tilespmem:s18+$0x80];
	v44 =	vadd.s32 v25, v36  }
0x62: {  	v51 =	vadd.s32 v6, v45;
	v50 =	vld [tilespmem:s18+$0xFFFFFF50];
	[tilespmem:v46+s26+$0x0] =	vst.idx.msk $0xffff, v38  }
0x63: {  	v46 =	vadd.s32 v10, v55;
	v38 =	vld [tilespmem:s18+$0xFFFFFF90];
	[tilespmem:v49+s26+$0x0] =	vst.idx.msk $0xffff, v48  }
0x64: {  	v49 =	vadd.s32 v14, v35;
	v48 =	vld [tilespmem:s18+$0xFFFFFFD0];
	[tilespmem:v47+s26+$0x0] =	vst.idx.msk $0xffff, v39  }
0x65: {  	[tilespmem:v42+s26+$0x0] =	vst.idx.msk $0xffff, v40;
	v39 =	vld [tilespmem:s18+$0xE0];
	v40 =	vadd.s32 v31, v41  }
0x66: {  	v47 =	vadd.s32 v18, v34;
	v42 =	vld [tilespmem:s18+$0x10];
	[tilespmem:v44+s26+$0x0] =	vst.idx.msk $0xffff, v43  }
0x67: {  	v44 =	vadd.s32 v22, v37;
	[tilespmem:v51+s26+$0x0] =	vst.idx.msk $0xffff, v50;
	v43 =	vld [tilespmem:s18+$0x50]  }
0x68: {  	[tilespmem:v46+s26+$0x0] =	vst.idx.msk $0xffff, v38;
	v38 =	vld [tilespmem:s18+$0x90];
	v46 =	vadd.s32 v26, v36  }
0x69: {  	v51 =	vadd.s32 v2, v33;
	v50 =	vld [tilespmem:s18+$0xFFFFFF10];
	[tilespmem:v49+s26+$0x0] =	vst.idx.msk $0xffff, v48  }
0x6a: {  	v49 =	vadd.s32 v7, v45;
	v48 =	vld [tilespmem:s18+$0xFFFFFF60];
	[tilespmem:v40+s26+$0x0] =	vst.idx.msk $0xffff, v39  }
0x6b: {  	[tilespmem:v47+s26+$0x0] =	vst.idx.msk $0xffff, v42;
	v39 =	vld [tilespmem:s18+$0xF0];
	v47 =	vadd.s32 v32, v41  }
0x6c: {  	v56 =	vadd.s32 v11, v55;
	v52 =	vld [tilespmem:s18+$0xFFFFFFA0];
	[tilespmem:v44+s26+$0x0] =	vst.idx.msk $0xffff, v43  }
0x6d: {  	v58 =	vadd.s32 v15, v35;
	v57 =	vld [tilespmem:s18+$0xFFFFFFE0];
	[tilespmem:v46+s26+$0x0] =	vst.idx.msk $0xffff, v38  }
0x6e: {  	v60 =	vadd.s32 v19, v34;
	[tilespmem:v51+s26+$0x0] =	vst.idx.msk $0xffff, v50;
	v59 =	vld [tilespmem:s18+$0x20]  }
.Ltmp0:
0x6f: {  	s21 =	sadd.s32 $0x1, s20;
	v41 =	vadd.s32 v23, v37;
	v38 =	vmov s20;
	[tilespmem:v49+s26+$0x0] =	vst.idx.msk $0xffff, v48;
	v40 =	vld [tilespmem:s18+$0x60];
	(pc) =	sbr.rel @p1 .LBB2_3-.Ltmp0, $4  }
0x70: {  	s22 =	sadd.s32 $0x3, s20;
	v53 =	vmov s21;
	s21 =	sadd.s32 $0x2, s20;
	v43 =	vadd.s32 v27, v36;
	v50 =	vshrl.u32 v38, $0x3;
	v42 =	vld [tilespmem:s18+$0xA0];
	[tilespmem:v47+s26+$0x0] =	vst.idx.msk $0xffff, v39  }
0x71: {  	v54 =	vmov s21;
	s21 =	sadd.s32 $0x4, s20;
	v44 =	vmov s22;
	s22 =	sadd.s32 $0x5, s20;
	v48 =	vadd.s32 v3, v33;
	v46 =	vld [tilespmem:s18+$0xFFFFFF20];
	[tilespmem:v56+s26+$0x0] =	vst.idx.msk $0xffff, v52  }
0x72: {  	v38 =	vmov s22;
	v51 =	vadd.s32 v8, v45;
	v47 =	vmov s21;
	s21 =	sadd.s32 $0x6, s20;
	v49 =	vld [tilespmem:s18+$0xFFFFFF70];
	[tilespmem:v58+s26+$0x0] =	vst.idx.msk $0xffff, v57  }
0x73: {  	v45 =	vshll.u32 v50, v1;
	v39 =	vmov s21;
	s21 =	sadd.s32 $0x7, s20;
	s20 =	sadd.s32 $0x8, s20;
	v52 =	vadd.s32 v12, v55;
	v50 =	vld [tilespmem:s18+$0xFFFFFFB0];
	[tilespmem:v60+s26+$0x0] =	vst.idx.msk $0xffff, v59  }
0x74: {  	_ =	sdelay $0x2  }
0x75: {  	v53 =	vshrl.u32 v53, $0x3  }
0x76: {  	v55 =	vmov s21;
	v56 =	vld [tilespmem:s18+$0xFFFFFFF0];
	v35 =	vadd.s32 v16, v35;
	[tilespmem:v41+s26+$0x0] =	vst.idx.msk $0xffff, v40;
	v34 =	vadd.s32 v20, v34  }
0x77: {  	v61 =	vshrl.u32 v54, $0x3;
	v63 =	vld [tilespmem:s18+$0x30];
	v37 =	vadd.s32 v24, v37;
	v36 =	vadd.s32 v28, v36;
	[tilespmem:v43+s26+$0x0] =	vst.idx.msk $0xffff, v42  }
0x78: {  	v45 =	vbroadcast v45, $0x0;
	v33 =	vadd.s32 v4, v33;
	v62 =	vshrl.u32 v55, $0x3;
	v43 =	vld [tilespmem:s18+$0x70];
	[tilespmem:v48+s26+$0x0] =	vst.idx.msk $0xffff, v46  }
0x79: {  	s23 =	sadd.s32 $0x200, s18;
	v38 =	vshrl.u32 v38, $0x3;
	v55 =	vshrl.u32 v44, $0x3;
	v41 =	vshll.u32 v62, v1;
	v46 =	vld [tilespmem:s18+$0xB0];
	[tilespmem:v51+s26+$0x0] =	vst.idx.msk $0xffff, v49  }
0x7a: {  	v40 =	vshll.u32 v61, v1;
	v60 =	vld [tilespmem:s23+$0xFFFFFF00];
	v61 =	vadd.s32 v0, v45;
	v41 =	vbroadcast v41, $0x0;
	[tilespmem:v52+s26+$0x0] =	vst.idx.msk $0xffff, v50  }
0x7b: {  	v44 =	vshrl.u32 v47, $0x3;
	v57 =	vshll.u32 v53, v1;
	v40 =	vbroadcast v40, $0x0;
	v48 =	vld [tilespmem:s18+$0xFFFFFF30];
	[tilespmem:v35+s26+$0x0] =	vst.idx.msk $0xffff, v56  }
0x7c: {  	v58 =	vld [tilespmem:s23+$0xC0];
	v47 =	vbroadcast v57, $0x0;
	v42 =	vshll.u32 v55, v1;
	v59 =	vadd.s32 v29, v41;
	[tilespmem:v34+s26+$0x0] =	vst.idx.msk $0xffff, v63  }
0x7d: {  	v54 =	vld [tilespmem:s23+$0xFFFFFF80];
	v44 =	vshll.u32 v44, v1;
	v42 =	vbroadcast v42, $0x0;
	v55 =	vadd.s32 v9, v40;
	[tilespmem:v37+s26+$0x0] =	vst.idx.msk $0xffff, v43  }
0x7e: {  	v38 =	vshll.u32 v38, v1;
	v62 =	vld [tilespmem:s23+$0xFFFFFF40];
	v44 =	vbroadcast v44, $0x0;
	v63 =	vadd.s32 v5, v47;
	[tilespmem:v36+s26+$0x0] =	vst.idx.msk $0xffff, v46  }
0x7f: {  	v39 =	vshrl.u32 v39, $0x3;
	v38 =	vbroadcast v38, $0x0;
	v36 =	vld [tilespmem:s23+$0xFFFFFFC0];
	v46 =	vadd.s32 v13, v42;
	[tilespmem:v61+s26+$0x0] =	vst.idx.msk $0xffff, v60  }
0x80: {  	v39 =	vshll.u32 v39, v1;
	[tilespmem:v33+s26+$0x0] =	vst.idx.msk $0xffff, v48;
	v33 =	vld [tilespmem:s23+$0x0];
	v48 =	vadd.s32 v17, v44  }
0x81: {  	v35 =	vbroadcast v39, $0x0;
	[tilespmem:v59+s26+$0x0] =	vst.idx.msk $0xffff, v58;
	v58 =	vld [tilespmem:s23+$0x40];
	v59 =	vadd.s32 v21, v38  }
0x82: {  	v57 =	vadd.s32 v30, v41;
	[tilespmem:v55+s26+$0x0] =	vst.idx.msk $0xffff, v54;
	v56 =	vld [tilespmem:s23+$0xD0]  }
0x83: {  	v60 =	vld [tilespmem:s23+$0x80];
	v61 =	vadd.s32 v25, v35;
	[tilespmem:v63+s26+$0x0] =	vst.idx.msk $0xffff, v62  }
0x84: {  	v55 =	vadd.s32 v10, v40;
	v54 =	vld [tilespmem:s23+$0xFFFFFF90];
	[tilespmem:v46+s26+$0x0] =	vst.idx.msk $0xffff, v36  }
0x85: {  	v63 =	vadd.s32 v6, v47;
	v62 =	vld [tilespmem:s23+$0xFFFFFF50];
	[tilespmem:v48+s26+$0x0] =	vst.idx.msk $0xffff, v33  }
0x86: {  	v33 =	vld [tilespmem:s23+$0xFFFFFFD0];
	v48 =	vadd.s32 v14, v42;
	[tilespmem:v59+s26+$0x0] =	vst.idx.msk $0xffff, v58  }
0x87: {  	[tilespmem:v57+s26+$0x0] =	vst.idx.msk $0xffff, v56;
	v56 =	vld [tilespmem:s23+$0x10];
	v57 =	vadd.s32 v18, v44  }
0x88: {  	[tilespmem:v61+s26+$0x0] =	vst.idx.msk $0xffff, v60;
	v59 =	vadd.s32 v22, v38;
	v58 =	vld [tilespmem:s23+$0x50]  }
0x89: {  	v39 =	vadd.s32 v31, v41;
	[tilespmem:v55+s26+$0x0] =	vst.idx.msk $0xffff, v54;
	v34 =	vld [tilespmem:s23+$0xE0]  }
0x8a: {  	v61 =	vadd.s32 v26, v35;
	v60 =	vld [tilespmem:s23+$0x90];
	[tilespmem:v63+s26+$0x0] =	vst.idx.msk $0xffff, v62  }
0x8b: {  	v62 =	vld [tilespmem:s23+$0xFFFFFF10];
	v63 =	vadd.s32 v2, v45;
	[tilespmem:v48+s26+$0x0] =	vst.idx.msk $0xffff, v33  }
0x8c: {  	v55 =	vadd.s32 v7, v47;
	v54 =	vld [tilespmem:s23+$0xFFFFFF60];
	[tilespmem:v57+s26+$0x0] =	vst.idx.msk $0xffff, v56  }
0x8d: {  	v56 =	vadd.s32 v32, v41;
	v41 =	vld [tilespmem:s23+$0xFFFFFFA0];
	v57 =	vadd.s32 v11, v40;
	[tilespmem:v59+s26+$0x0] =	vst.idx.msk $0xffff, v58  }
0x8e: {  	v37 =	vld [tilespmem:s23+$0xFFFFFFE0];
	v58 =	vadd.s32 v15, v42;
	[tilespmem:v39+s26+$0x0] =	vst.idx.msk $0xffff, v34  }
0x8f: {  	[tilespmem:v61+s26+$0x0] =	vst.idx.msk $0xffff, v60;
	v34 =	vld [tilespmem:s23+$0xF0]  }
0x90: {  	v60 =	vadd.s32 v19, v44;
	[tilespmem:v63+s26+$0x0] =	vst.idx.msk $0xffff, v62;
	v59 =	vld [tilespmem:s23+$0x20]  }
0x91: {  	v62 =	vadd.s32 v23, v38;
	[tilespmem:v55+s26+$0x0] =	vst.idx.msk $0xffff, v54;
	v61 =	vld [tilespmem:s23+$0x60]  }
0x92: {  	v63 =	vld [tilespmem:s23+$0xA0];
	v54 =	vadd.s32 v27, v35;
	[tilespmem:v57+s26+$0x0] =	vst.idx.msk $0xffff, v41  }
0x93: {  	v47 =	vadd.s32 v8, v47;
	v57 =	vld [tilespmem:s23+$0xFFFFFF70];
	[tilespmem:v58+s26+$0x0] =	vst.idx.msk $0xffff, v37  }
0x94: {  	v55 =	vld [tilespmem:s23+$0xFFFFFF20];
	[tilespmem:v56+s26+$0x0] =	vst.idx.msk $0xffff, v34;
	v56 =	vadd.s32 v3, v45  }
0x95: {  	v40 =	vadd.s32 v12, v40;
	v58 =	vld [tilespmem:s23+$0xFFFFFFB0];
	[tilespmem:v60+s26+$0x0] =	vst.idx.msk $0xffff, v59  }
0x96: {  	v42 =	vadd.s32 v16, v42;
	v59 =	vld [tilespmem:s23+$0xFFFFFFF0];
	[tilespmem:v62+s26+$0x0] =	vst.idx.msk $0xffff, v61  }
0x97: {  	v61 =	vadd.s32 v20, v44;
	[tilespmem:v54+s26+$0x0] =	vst.idx.msk $0xffff, v63;
	v60 =	vld [tilespmem:s23+$0x30]  }
0x98: {  	v38 =	vadd.s32 v24, v38;
	v62 =	vld [tilespmem:s23+$0x70];
	[tilespmem:v47+s26+$0x0] =	vst.idx.msk $0xffff, v57  }
0x99: {  	v35 =	vadd.s32 v28, v35;
	v63 =	vld [tilespmem:s23+$0xB0];
	[tilespmem:v56+s26+$0x0] =	vst.idx.msk $0xffff, v55  }
0x9a: {  	v49 =	vadd.s32 v4, v45;
	[tilespmem:v40+s26+$0x0] =	vst.idx.msk $0xffff, v58;
	v48 =	vld [tilespmem:s23+$0xFFFFFF30]  }
0x9b: {  	[tilespmem:v42+s26+$0x0] =	vst.idx.msk $0xffff, v59  }
0x9c: {  	[tilespmem:v61+s26+$0x0] =	vst.idx.msk $0xffff, v60  }
0x9d: {  	s18 =	sshll.u32 s28, $0x11;
	[tilespmem:v38+s26+$0x0] =	vst.idx.msk $0xffff, v62  }
0x9e: {  	s20 =	sor.u32 s6, s18;
	[tilespmem:v35+s26+$0x0] =	vst.idx.msk $0xffff, v63  }
0x9f: {  	s21 =	sadd.s32 s2, s20;
	[tilespmem:v49+s26+$0x0] =	vst.idx.msk $0xffff, v48  }
0xa0: {  	[hbm4b:s21+s3] =	stream.linear.scatter [tilespmem:s26], [sflag:$0x5], $0x80, $0x38;
	[tilespmem:$0x16C00] =	vst v63  }
0xa1: {  	s5 =	simm.s32 $0xE488;
	s22 =	sadd.s32 $0x10, s21  }
0xa2: {  	[hbm4b:s22+s3] =	stream.linear.scatter [tilespmem:s5], [sflag:$0x5], $0x80, $0x38;
	[tilespmem:$0x16C00] =	vst v63  }
0xa3: {  	s23 =	simm.s32 $0xE510;
	s5 =	sadd.s32 $0x20, s21  }
0xa4: {  	[hbm4b:s5+s3] =	stream.linear.scatter [tilespmem:s23], [sflag:$0x5], $0x80, $0x38;
	[tilespmem:$0x16C00] =	vst v63  }
0xa5: {  	s5 =	sadd.s32 $0x30, s21;
	s23 =	simm.s32 $0xE598  }
0xa6: {  	[hbm4b:s5+s3] =	stream.linear.scatter [tilespmem:s23], [sflag:$0x5], $0x80, $0x38;
	[tilespmem:$0x16C00] =	vst v63  }
0xa7: {  	s5 =	sadd.s32 $0x40, s21;
	s23 =	simm.s32 $0xE620  }
0xa8: {  	[hbm4b:s5+s3] =	stream.linear.scatter [tilespmem:s23], [sflag:$0x5], $0x80, $0x38;
	[tilespmem:$0x16C00] =	vst v63  }
0xa9: {  	s5 =	sadd.s32 $0x50, s21;
	s23 =	simm.s32 $0xE6A8  }
0xaa: {  	[hbm4b:s5+s3] =	stream.linear.scatter [tilespmem:s23], [sflag:$0x5], $0x80, $0x38;
	[tilespmem:$0x16C00] =	vst v63  }
0xab: {  	s5 =	sadd.s32 $0x60, s21;
	s23 =	simm.s32 $0xE730  }
0xac: {  	[hbm4b:s5+s3] =	stream.linear.scatter [tilespmem:s23], [sflag:$0x5], $0x80, $0x38;
	[tilespmem:$0x16C00] =	vst v63  }
0xad: {  	s22 =	simm.s32 $0xE7B8;
	s21 =	sadd.s32 $0x70, s21  }
0xae: {  	[hbm4b:s21+s3] =	stream.linear.scatter [tilespmem:s22], [sflag:$0x5], $0x80, $0x38;
	[tilespmem:$0x16C00] =	vst v63  }
0xaf: {  	s23 =	simm.s32 $0xE840;
	s21 =	sadd.s32 s20, s7  }
0xb0: {  	[hbm4b:s21+s3] =	stream.linear.scatter [tilespmem:s23], [sflag:$0x5], $0x80, $0x38;
	[tilespmem:$0x16C00] =	vst v63  }
0xb1: {  	s5 =	sadd.s32 $0x10, s21;
	s23 =	simm.s32 $0xE8C8  }
0xb2: {  	[hbm4b:s5+s3] =	stream.linear.scatter [tilespmem:s23], [sflag:$0x5], $0x80, $0x38;
	[tilespmem:$0x16C00] =	vst v63  }
0xb3: {  	s5 =	sadd.s32 $0x20, s21;
	s23 =	simm.s32 $0xE950  }
0xb4: {  	[hbm4b:s5+s3] =	stream.linear.scatter [tilespmem:s23], [sflag:$0x5], $0x80, $0x38;
	[tilespmem:$0x16C00] =	vst v63  }
0xb5: {  	s5 =	sadd.s32 $0x30, s21;
	s23 =	simm.s32 $0xE9D8  }
0xb6: {  	[hbm4b:s5+s3] =	stream.linear.scatter [tilespmem:s23], [sflag:$0x5], $0x80, $0x38;
	[tilespmem:$0x16C00] =	vst v63  }
0xb7: {  	s5 =	sadd.s32 $0x40, s21;
	s23 =	simm.s32 $0xEA60  }
0xb8: {  	[hbm4b:s5+s3] =	stream.linear.scatter [tilespmem:s23], [sflag:$0x5], $0x80, $0x38;
	[tilespmem:$0x16C00] =	vst v63  }
0xb9: {  	s5 =	sadd.s32 $0x50, s21;
	s23 =	simm.s32 $0xEAE8  }
0xba: {  	[hbm4b:s5+s3] =	stream.linear.scatter [tilespmem:s23], [sflag:$0x5], $0x80, $0x38;
	[tilespmem:$0x16C00] =	vst v63  }
0xbb: {  	s5 =	sadd.s32 $0x60, s21;
	s23 =	simm.s32 $0xEB70  }
0xbc: {  	[hbm4b:s5+s3] =	stream.linear.scatter [tilespmem:s23], [sflag:$0x5], $0x80, $0x38;
	[tilespmem:$0x16C00] =	vst v63  }
0xbd: {  	s22 =	simm.s32 $0xEBF8;
	s21 =	sadd.s32 $0x70, s21  }
0xbe: {  	[hbm4b:s21+s3] =	stream.linear.scatter [tilespmem:s22], [sflag:$0x5], $0x80, $0x38;
	[tilespmem:$0x16C00] =	vst v63  }
0xbf: {  	s23 =	simm.s32 $0xEC80;
	s21 =	sadd.s32 s20, s8  }
0xc0: {  	[hbm4b:s21+s3] =	stream.linear.scatter [tilespmem:s23], [sflag:$0x5], $0x80, $0x38;
	[tilespmem:$0x16C00] =	vst v63  }
0xc1: {  	s5 =	sadd.s32 $0x10, s21;
	s23 =	simm.s32 $0xED08  }
0xc2: {  	[hbm4b:s5+s3] =	stream.linear.scatter [tilespmem:s23], [sflag:$0x5], $0x80, $0x38;
	[tilespmem:$0x16C00] =	vst v63  }
0xc3: {  	s5 =	sadd.s32 $0x20, s21;
	s23 =	simm.s32 $0xED90  }
0xc4: {  	[hbm4b:s5+s3] =	stream.linear.scatter [tilespmem:s23], [sflag:$0x5], $0x80, $0x38;
	[tilespmem:$0x16C00] =	vst v63  }
0xc5: {  	s5 =	sadd.s32 $0x30, s21;
	s23 =	simm.s32 $0xEE18  }
0xc6: {  	[hbm4b:s5+s3] =	stream.linear.scatter [tilespmem:s23], [sflag:$0x5], $0x80, $0x38;
	[tilespmem:$0x16C00] =	vst v63  }
0xc7: {  	s5 =	sadd.s32 $0x40, s21;
	s23 =	simm.s32 $0xEEA0  }
0xc8: {  	[hbm4b:s5+s3] =	stream.linear.scatter [tilespmem:s23], [sflag:$0x5], $0x80, $0x38;
	[tilespmem:$0x16C00] =	vst v63  }
0xc9: {  	s5 =	sadd.s32 $0x50, s21;
	s23 =	simm.s32 $0xEF28  }
0xca: {  	[hbm4b:s5+s3] =	stream.linear.scatter [tilespmem:s23], [sflag:$0x5], $0x80, $0x38;
	[tilespmem:$0x16C00] =	vst v63  }
0xcb: {  	s5 =	sadd.s32 $0x60, s21;
	s23 =	simm.s32 $0xEFB0  }
0xcc: {  	[hbm4b:s5+s3] =	stream.linear.scatter [tilespmem:s23], [sflag:$0x5], $0x80, $0x38;
	[tilespmem:$0x16C00] =	vst v63  }
0xcd: {  	s22 =	simm.s32 $0xF038;
	s21 =	sadd.s32 $0x70, s21  }
0xce: {  	[hbm4b:s21+s3] =	stream.linear.scatter [tilespmem:s22], [sflag:$0x5], $0x80, $0x38;
	[tilespmem:$0x16C00] =	vst v63  }
0xcf: {  	s23 =	simm.s32 $0xF0C0;
	s21 =	sadd.s32 s20, s9  }
0xd0: {  	[hbm4b:s21+s3] =	stream.linear.scatter [tilespmem:s23], [sflag:$0x5], $0x80, $0x38;
	[tilespmem:$0x16C00] =	vst v63  }
0xd1: {  	s5 =	sadd.s32 $0x10, s21;
	s23 =	simm.s32 $0xF148  }
0xd2: {  	[hbm4b:s5+s3] =	stream.linear.scatter [tilespmem:s23], [sflag:$0x5], $0x80, $0x38;
	[tilespmem:$0x16C00] =	vst v63  }
0xd3: {  	s5 =	sadd.s32 $0x20, s21;
	s23 =	simm.s32 $0xF1D0  }
0xd4: {  	[hbm4b:s5+s3] =	stream.linear.scatter [tilespmem:s23], [sflag:$0x5], $0x80, $0x38;
	[tilespmem:$0x16C00] =	vst v63  }
0xd5: {  	s5 =	sadd.s32 $0x30, s21;
	s23 =	simm.s32 $0xF258  }
0xd6: {  	[hbm4b:s5+s3] =	stream.linear.scatter [tilespmem:s23], [sflag:$0x5], $0x80, $0x38;
	[tilespmem:$0x16C00] =	vst v63  }
0xd7: {  	s5 =	sadd.s32 $0x40, s21;
	s23 =	simm.s32 $0xF2E0  }
0xd8: {  	[hbm4b:s5+s3] =	stream.linear.scatter [tilespmem:s23], [sflag:$0x5], $0x80, $0x38;
	[tilespmem:$0x16C00] =	vst v63  }
0xd9: {  	s5 =	sadd.s32 $0x50, s21;
	s23 =	simm.s32 $0xF368  }
0xda: {  	[hbm4b:s5+s3] =	stream.linear.scatter [tilespmem:s23], [sflag:$0x5], $0x80, $0x38;
	[tilespmem:$0x16C00] =	vst v63  }
0xdb: {  	s5 =	sadd.s32 $0x60, s21;
	s23 =	simm.s32 $0xF3F0  }
0xdc: {  	[hbm4b:s5+s3] =	stream.linear.scatter [tilespmem:s23], [sflag:$0x5], $0x80, $0x38;
	[tilespmem:$0x16C00] =	vst v63  }
0xdd: {  	s22 =	simm.s32 $0xF478;
	s21 =	sadd.s32 $0x70, s21  }
0xde: {  	[hbm4b:s21+s3] =	stream.linear.scatter [tilespmem:s22], [sflag:$0x5], $0x80, $0x38;
	[tilespmem:$0x16C00] =	vst v63  }
0xdf: {  	s23 =	simm.s32 $0xF500;
	s21 =	sadd.s32 s20, s10  }
0xe0: {  	[hbm4b:s21+s3] =	stream.linear.scatter [tilespmem:s23], [sflag:$0x5], $0x80, $0x38;
	[tilespmem:$0x16C00] =	vst v63  }
0xe1: {  	s5 =	sadd.s32 $0x10, s21;
	s23 =	simm.s32 $0xF588  }
0xe2: {  	[hbm4b:s5+s3] =	stream.linear.scatter [tilespmem:s23], [sflag:$0x5], $0x80, $0x38;
	[tilespmem:$0x16C00] =	vst v63  }
0xe3: {  	s5 =	sadd.s32 $0x20, s21;
	s23 =	simm.s32 $0xF610  }
0xe4: {  	[hbm4b:s5+s3] =	stream.linear.scatter [tilespmem:s23], [sflag:$0x5], $0x80, $0x38;
	[tilespmem:$0x16C00] =	vst v63  }
0xe5: {  	s5 =	sadd.s32 $0x30, s21;
	s23 =	simm.s32 $0xF698  }
0xe6: {  	[hbm4b:s5+s3] =	stream.linear.scatter [tilespmem:s23], [sflag:$0x5], $0x80, $0x38;
	[tilespmem:$0x16C00] =	vst v63  }
0xe7: {  	s5 =	sadd.s32 $0x40, s21;
	s23 =	simm.s32 $0xF720  }
0xe8: {  	[hbm4b:s5+s3] =	stream.linear.scatter [tilespmem:s23], [sflag:$0x5], $0x80, $0x38;
	[tilespmem:$0x16C00] =	vst v63  }
0xe9: {  	s5 =	sadd.s32 $0x50, s21;
	s23 =	simm.s32 $0xF7A8  }
0xea: {  	[hbm4b:s5+s3] =	stream.linear.scatter [tilespmem:s23], [sflag:$0x5], $0x80, $0x38;
	[tilespmem:$0x16C00] =	vst v63  }
0xeb: {  	s5 =	sadd.s32 $0x60, s21;
	s23 =	simm.s32 $0xF830  }
0xec: {  	[hbm4b:s5+s3] =	stream.linear.scatter [tilespmem:s23], [sflag:$0x5], $0x80, $0x38;
	[tilespmem:$0x16C00] =	vst v63  }
0xed: {  	s22 =	simm.s32 $0xF8B8;
	s21 =	sadd.s32 $0x70, s21  }
0xee: {  	[hbm4b:s21+s3] =	stream.linear.scatter [tilespmem:s22], [sflag:$0x5], $0x80, $0x38;
	[tilespmem:$0x16C00] =	vst v63  }
0xef: {  	s23 =	simm.s32 $0xF940;
	s21 =	sadd.s32 s20, s11  }
0xf0: {  	[hbm4b:s21+s3] =	stream.linear.scatter [tilespmem:s23], [sflag:$0x5], $0x80, $0x38;
	[tilespmem:$0x16C00] =	vst v63  }
0xf1: {  	s5 =	sadd.s32 $0x10, s21;
	s23 =	simm.s32 $0xF9C8  }
0xf2: {  	[hbm4b:s5+s3] =	stream.linear.scatter [tilespmem:s23], [sflag:$0x5], $0x80, $0x38;
	[tilespmem:$0x16C00] =	vst v63  }
0xf3: {  	s5 =	sadd.s32 $0x20, s21;
	s23 =	simm.s32 $0xFA50  }
0xf4: {  	[hbm4b:s5+s3] =	stream.linear.scatter [tilespmem:s23], [sflag:$0x5], $0x80, $0x38;
	[tilespmem:$0x16C00] =	vst v63  }
0xf5: {  	s5 =	sadd.s32 $0x30, s21;
	s23 =	simm.s32 $0xFAD8  }
0xf6: {  	[hbm4b:s5+s3] =	stream.linear.scatter [tilespmem:s23], [sflag:$0x5], $0x80, $0x38;
	[tilespmem:$0x16C00] =	vst v63  }
0xf7: {  	s5 =	sadd.s32 $0x40, s21;
	s23 =	simm.s32 $0xFB60  }
0xf8: {  	[hbm4b:s5+s3] =	stream.linear.scatter [tilespmem:s23], [sflag:$0x5], $0x80, $0x38;
	[tilespmem:$0x16C00] =	vst v63  }
0xf9: {  	s5 =	sadd.s32 $0x50, s21;
	s23 =	simm.s32 $0xFBE8  }
0xfa: {  	[hbm4b:s5+s3] =	stream.linear.scatter [tilespmem:s23], [sflag:$0x5], $0x80, $0x38;
	[tilespmem:$0x16C00] =	vst v63  }
0xfb: {  	s5 =	sadd.s32 $0x60, s21;
	s23 =	simm.s32 $0xFC70  }
0xfc: {  	[hbm4b:s5+s3] =	stream.linear.scatter [tilespmem:s23], [sflag:$0x5], $0x80, $0x38;
	[tilespmem:$0x16C00] =	vst v63  }
0xfd: {  	s22 =	simm.s32 $0xFCF8;
	s21 =	sadd.s32 $0x70, s21  }
0xfe: {  	[hbm4b:s21+s3] =	stream.linear.scatter [tilespmem:s22], [sflag:$0x5], $0x80, $0x38;
	[tilespmem:$0x16C00] =	vst v63  }
0xff: {  	s23 =	simm.s32 $0xFD80;
	s21 =	sadd.s32 s20, s12  }
0x100: {  	[hbm4b:s21+s3] =	stream.linear.scatter [tilespmem:s23], [sflag:$0x5], $0x80, $0x38;
	[tilespmem:$0x16C00] =	vst v63  }
0x101: {  	s5 =	sadd.s32 $0x10, s21;
	s23 =	simm.s32 $0xFE08  }
0x102: {  	[hbm4b:s5+s3] =	stream.linear.scatter [tilespmem:s23], [sflag:$0x5], $0x80, $0x38;
	[tilespmem:$0x16C00] =	vst v63  }
0x103: {  	s5 =	sadd.s32 $0x20, s21;
	s23 =	simm.s32 $0xFE90  }
0x104: {  	[hbm4b:s5+s3] =	stream.linear.scatter [tilespmem:s23], [sflag:$0x5], $0x80, $0x38;
	[tilespmem:$0x16C00] =	vst v63  }
0x105: {  	s5 =	sadd.s32 $0x30, s21;
	s23 =	simm.s32 $0xFF18  }
0x106: {  	[hbm4b:s5+s3] =	stream.linear.scatter [tilespmem:s23], [sflag:$0x5], $0x80, $0x38;
	[tilespmem:$0x16C00] =	vst v63  }
0x107: {  	s5 =	sadd.s32 $0x40, s21;
	s23 =	simm.s32 $0xFFA0  }
0x108: {  	[hbm4b:s5+s3] =	stream.linear.scatter [tilespmem:s23], [sflag:$0x5], $0x80, $0x38;
	[tilespmem:$0x16C00] =	vst v63  }
0x109: {  	s5 =	sadd.s32 $0x50, s21;
	s23 =	simm.s32 $0x10028  }
0x10a: {  	[hbm4b:s5+s3] =	stream.linear.scatter [tilespmem:s23], [sflag:$0x5], $0x80, $0x38;
	[tilespmem:$0x16C00] =	vst v63  }
0x10b: {  	s5 =	sadd.s32 $0x60, s21;
	s23 =	simm.s32 $0x100B0  }
0x10c: {  	[hbm4b:s5+s3] =	stream.linear.scatter [tilespmem:s23], [sflag:$0x5], $0x80, $0x38;
	[tilespmem:$0x16C00] =	vst v63  }
0x10d: {  	s21 =	sadd.s32 $0x70, s21;
	s23 =	simm.s32 $0x10138  }
0x10e: {  	[hbm4b:s21+s3] =	stream.linear.scatter [tilespmem:s23], [sflag:$0x5], $0x80, $0x38;
	[tilespmem:$0x16C00] =	vst v63  }
0x10f: {  	s20 =	sadd.s32 s20, s13;
	s21 =	simm.s32 $0x101C0  }
0x110: {  	[hbm4b:s20+s3] =	stream.linear.scatter [tilespmem:s21], [sflag:$0x5], $0x80, $0x38;
	[tilespmem:$0x16C00] =	vst v63  }
0x111: {  	s22 =	sadd.s32 $0x10, s20;
	s23 =	simm.s32 $0x10248  }
0x112: {  	[hbm4b:s22+s3] =	stream.linear.scatter [tilespmem:s23], [sflag:$0x5], $0x80, $0x38;
	[tilespmem:$0x16C00] =	vst v63  }
0x113: {  	s22 =	sadd.s32 $0x20, s20;
	s23 =	simm.s32 $0x102D0  }
0x114: {  	[hbm4b:s22+s3] =	stream.linear.scatter [tilespmem:s23], [sflag:$0x5], $0x80, $0x38;
	[tilespmem:$0x16C00] =	vst v63  }
0x115: {  	s22 =	sadd.s32 $0x30, s20;
	s23 =	simm.s32 $0x10358  }
0x116: {  	[hbm4b:s22+s3] =	stream.linear.scatter [tilespmem:s23], [sflag:$0x5], $0x80, $0x38;
	[tilespmem:$0x16C00] =	vst v63  }
0x117: {  	s22 =	sadd.s32 $0x40, s20;
	s23 =	simm.s32 $0x103E0  }
0x118: {  	[hbm4b:s22+s3] =	stream.linear.scatter [tilespmem:s23], [sflag:$0x5], $0x80, $0x38;
	[tilespmem:$0x16C00] =	vst v63  }
0x119: {  	s22 =	sadd.s32 $0x50, s20;
	s23 =	simm.s32 $0x10468  }
0x11a: {  	[hbm4b:s22+s3] =	stream.linear.scatter [tilespmem:s23], [sflag:$0x5], $0x80, $0x38;
	[tilespmem:$0x16C00] =	vst v63  }
0x11b: {  	s5 =	sadd.s32 $0x60, s20;
	s22 =	simm.s32 $0x104F0  }
0x11c: {  	[hbm4b:s5+s3] =	stream.linear.scatter [tilespmem:s22], [sflag:$0x5], $0x80, $0x38;
	[tilespmem:$0x16C00] =	vst v63  }
0x11d: {  	p1 =	seq.s32 s28, $0x31;
	s20 =	sadd.s32 $0x70, s20;
	s23 =	simm.s32 $0x10578  }
0x11e: {  	[hbm4b:s20+s3] =	stream.linear.scatter [tilespmem:s23], [sflag:$0x5], $0x80, $0x38;
	[tilespmem:$0x16C00] =	vst v63  }
0x11f: {  	s20 =	sshll.u32 @!p1 s28, $0x9;
	_ =	swait.ge [sflag:s31], $0x2000  }
0x120: {  	s22 =	simm.s32 @!p1 $0x80;
	s20 =	sand.u32 @!p1 $0x3FFFFE00, s20;
	[sflag:s31] =	ssyncset.done $0x0  }
0x121: {  	s23 =	simm.s32 @!p1 $0x6400;
	s21 =	sadd.s32 @!p1 $0x200, s20;
	[sflag:s31] =	ssyncadd.s32 $0xFFFFE000  }
0x122: {  	[tilespmem:s23], [sflag:$0x1] =	stream.indirect.gather @!p1 [hbm4b:s4+s22], $0x40, s21, s22, $0xb8;
	[tilespmem:$0x16C00] =	vst v63  }
0x123: {  	s21 =	simm.s32 @!p0 $0x6  }
0x124: {  	_ =	swait.ge @!p0 [sflag:s21], $0x400  }
0x125: {  	[sflag:s21] =	ssyncset.done @!p0 $0x0  }
0x126: {  	[sflag:s21] =	ssyncadd.s32 @!p0 $0xFFFFFC00  }
0x127: {  	_ =	swait.ge @!p0 [sflag:s21], $0x400  }
0x128: {  	[sflag:s21] =	ssyncset.done @!p0 $0x0  }
0x129: {  	[sflag:s21] =	ssyncadd.s32 @!p0 $0xFFFFFC00  }
0x12a: {  	_ =	swait.ge @!p0 [sflag:s21], $0x400  }
0x12b: {  	[sflag:s21] =	ssyncset.done @!p0 $0x0  }
0x12c: {  	[sflag:s21] =	ssyncadd.s32 @!p0 $0xFFFFFC00  }
0x12d: {  	_ =	swait.ge @!p0 [sflag:s21], $0x400  }
0x12e: {  	[sflag:s21] =	ssyncset.done @!p0 $0x0  }
0x12f: {  	[sflag:s21] =	ssyncadd.s32 @!p0 $0xFFFFFC00  }
0x130: {  	_ =	swait.ge @!p0 [sflag:s21], $0x400  }
0x131: {  	[sflag:s21] =	ssyncset.done @!p0 $0x0  }
0x132: {  	s5 =	simm.s32 $0x0;
	[sflag:s21] =	ssyncadd.s32 @!p0 $0xFFFFFC00  }
0x133: {  	v50 =	vmov s5;
	_ =	swait.ge @!p0 [sflag:s21], $0x400  }
0x134: {  	s5 =	simm.s32 $0x3;
	v33 =	vshrl.u32 v50, $0x3;
	[sflag:s21] =	ssyncset.done @!p0 $0x0  }
0x135: {  	v53 =	vmov s5;
	v33 =	vshll.u32 v33, v1;
	s22 =	simm.s32 $0x1;
	[sflag:s21] =	ssyncadd.s32 @!p0 $0xFFFFFC00  }
0x136: {  	v36 =	vshrl.u32 v53, $0x3;
	v33 =	vbroadcast v33, $0x0;
	v51 =	vmov s22;
	s22 =	simm.s32 $0x7;
	_ =	swait.ge @!p0 [sflag:s21], $0x400  }
0x137: {  	v58 =	vshll.u32 v36, v1;
	s23 =	simm.s32 $0x2;
	v55 =	vmov s22;
	[sflag:s21] =	ssyncset.done @!p0 $0x0  }
0x138: {  	v57 =	vadd.s32 v0, v33;
	v52 =	vmov s23;
	s23 =	simm.s32 $0x4;
	v38 =	vshrl.u32 v55, $0x3;
	[sflag:s21] =	ssyncadd.s32 @!p0 $0xFFFFFC00  }
0x139: {  	v54 =	vmov s23;
	v34 =	vshrl.u32 v51, $0x3;
	v38 =	vshll.u32 v38, v1;
	_ =	swait.ge @!p0 [sflag:s21], $0x400  }
0x13a: {  	s23 =	simm.s32 $0x5;
	v35 =	vshrl.u32 v52, $0x3;
	v34 =	vshll.u32 v34, v1;
	v38 =	vbroadcast v38, $0x0;
	[sflag:s21] =	ssyncset.done @!p0 $0x0  }
0x13b: {  	v39 =	vmov s23;
	v56 =	vshll.u32 v35, v1;
	v45 =	vbroadcast v34, $0x0;
	[sflag:s21] =	ssyncadd.s32 @!p0 $0xFFFFFC00;
	s21 =	simm.s32 $0x8500  }
0x13c: {  	s23 =	simm.s32 $0x6;
	v37 =	vshrl.u32 v54, $0x3;
	v52 =	vbroadcast v56, $0x0;
	v42 =	vadd.s32 v29, v38;
	v41 =	vld [tilespmem:s21+$0xC0]  }
0x13d: {  	v35 =	vbroadcast v58, $0x0;
	v40 =	vmov s23;
	v60 =	vadd.s32 v5, v45;
	v59 =	vld [tilespmem:s21+$0xFFFFFF40]  }
0x13e: {  	v61 =	vshll.u32 v37, v1;
	v55 =	vshrl.u32 v39, $0x3;
	v63 =	vadd.s32 v9, v52;
	v62 =	vld [tilespmem:s21+$0xFFFFFF80]  }
0x13f: {  	v34 =	vbroadcast v61, $0x0;
	v36 =	vshll.u32 v55, v1;
	v40 =	vshrl.u32 v40, $0x3;
	v43 =	vld [tilespmem:s21+$0xFFFFFF00]  }
0x140: {  	v50 =	vadd.s32 v13, v35;
	v37 =	vbroadcast v36, $0x0;
	v56 =	vshll.u32 v40, v1;
	v39 =	vld [tilespmem:s21+$0xFFFFFFC0]  }
0x141: {  	v53 =	vadd.s32 v17, v34;
	v36 =	vbroadcast v56, $0x0;
	v51 =	vld [tilespmem:s21+$0x0];
	[tilespmem:v42+s0+$0x0] =	vst.idx.msk $0xffff, v41  }
0x142: {  	[tilespmem:v60+s0+$0x0] =	vst.idx.msk $0xffff, v59;
	v59 =	vld [tilespmem:s21+$0x40];
	v60 =	vadd.s32 v21, v37  }
0x143: {  	v61 =	vld [tilespmem:s21+$0x80];
	[tilespmem:v63+s0+$0x0] =	vst.idx.msk $0xffff, v62;
	v62 =	vadd.s32 v25, v36  }
0x144: {  	v58 =	vadd.s32 v30, v38;
	[tilespmem:v57+s0+$0x0] =	vst.idx.msk $0xffff, v43;
	v57 =	vld [tilespmem:s21+$0xD0]  }
0x145: {  	v63 =	vadd.s32 v6, v45;
	[tilespmem:v50+s0+$0x0] =	vst.idx.msk $0xffff, v39;
	v47 =	vld [tilespmem:s21+$0xFFFFFF50]  }
0x146: {  	v55 =	vadd.s32 v10, v52;
	[tilespmem:v53+s0+$0x0] =	vst.idx.msk $0xffff, v51;
	v54 =	vld [tilespmem:s21+$0xFFFFFF90]  }
0x147: {  	v56 =	vadd.s32 v14, v35;
	v50 =	vld [tilespmem:s21+$0xFFFFFFD0];
	[tilespmem:v60+s0+$0x0] =	vst.idx.msk $0xffff, v59  }
0x148: {  	[tilespmem:v62+s0+$0x0] =	vst.idx.msk $0xffff, v61;
	v61 =	vld [tilespmem:s21+$0xFFFFFF10];
	v62 =	vadd.s32 v2, v33  }
0x149: {  	v59 =	vadd.s32 v18, v34;
	[tilespmem:v58+s0+$0x0] =	vst.idx.msk $0xffff, v57;
	v58 =	vld [tilespmem:s21+$0x10]  }
0x14a: {  	v57 =	vadd.s32 v31, v38;
	[tilespmem:v63+s0+$0x0] =	vst.idx.msk $0xffff, v47;
	v40 =	vld [tilespmem:s21+$0xE0]  }
0x14b: {  	v46 =	vadd.s32 v22, v37;
	v44 =	vld [tilespmem:s21+$0x50];
	[tilespmem:v55+s0+$0x0] =	vst.idx.msk $0xffff, v54  }
0x14c: {  	v60 =	vadd.s32 v26, v36;
	v63 =	vld [tilespmem:s21+$0x90];
	[tilespmem:v56+s0+$0x0] =	vst.idx.msk $0xffff, v50  }
0x14d: {  	v51 =	vadd.s32 v7, v45;
	v50 =	vld [tilespmem:s21+$0xFFFFFF60];
	[tilespmem:v62+s0+$0x0] =	vst.idx.msk $0xffff, v61  }
0x14e: {  	v56 =	vadd.s32 v11, v52;
	v55 =	vld [tilespmem:s21+$0xFFFFFFA0];
	[tilespmem:v59+s0+$0x0] =	vst.idx.msk $0xffff, v58  }
0x14f: {  	v58 =	vadd.s32 v15, v35;
	[tilespmem:v57+s0+$0x0] =	vst.idx.msk $0xffff, v40;
	v57 =	vld [tilespmem:s21+$0xFFFFFFE0]  }
0x150: {  	v38 =	vadd.s32 v32, v38;
	[tilespmem:v46+s0+$0x0] =	vst.idx.msk $0xffff, v44;
	v54 =	vld [tilespmem:s21+$0xF0]  }
0x151: {  	[tilespmem:v60+s0+$0x0] =	vst.idx.msk $0xffff, v63;
	v60 =	vadd.s32 v19, v34;
	v59 =	vld [tilespmem:s21+$0x20]  }
0x152: {  	v48 =	vadd.s32 v3, v33;
	s22 =	simm.s32 $0x8;
	s23 =	simm.s32 $0x9;
	v41 =	vadd.s32 v23, v37;
	[tilespmem:v51+s0+$0x0] =	vst.idx.msk $0xffff, v50;
	v40 =	vld [tilespmem:s21+$0x60]  }
0x153: {  	v53 =	vmov s23;
	s23 =	simm.s32 $0xB;
	v43 =	vadd.s32 v27, v36;
	v63 =	vmov s22;
	v42 =	vld [tilespmem:s21+$0xA0];
	[tilespmem:v56+s0+$0x0] =	vst.idx.msk $0xffff, v55  }
0x154: {  	v52 =	vadd.s32 v12, v52;
	s22 =	simm.s32 $0xA;
	v44 =	vmov s23;
	s23 =	simm.s32 $0xD;
	v46 =	vld [tilespmem:s21+$0xFFFFFF20];
	v39 =	vshrl.u32 v63, $0x3;
	[tilespmem:v58+s0+$0x0] =	vst.idx.msk $0xffff, v57  }
0x155: {  	v51 =	vadd.s32 v8, v45;
	v49 =	vld [tilespmem:s21+$0xFFFFFF70];
	[tilespmem:v38+s0+$0x0] =	vst.idx.msk $0xffff, v54;
	v54 =	vmov s22;
	s22 =	simm.s32 $0xC;
	v38 =	vmov s23;
	s23 =	simm.s32 $0xE  }
0x156: {  	v45 =	vshll.u32 v39, v1;
	v50 =	vld [tilespmem:s21+$0xFFFFFFB0];
	[tilespmem:v60+s0+$0x0] =	vst.idx.msk $0xffff, v59;
	v47 =	vmov s22;
	v39 =	vmov s23;
	s23 =	simm.s32 $0xF;
	s22 =	simm.s32 $0x10  }
.LBB2_5:
0x157: {  	p2 =	slt.u32 s22, $0x78;
	v53 =	vshrl.u32 v53, $0x3;
	v55 =	vmov s23;
	v56 =	vld [tilespmem:s21+$0xFFFFFFF0];
	v35 =	vadd.s32 v16, v35;
	[tilespmem:v41+s0+$0x0] =	vst.idx.msk $0xffff, v40  }
0x158: {  	v40 =	vshrl.u32 v54, $0x3;
	v34 =	vadd.s32 v20, v34;
	v41 =	vshrl.u32 v55, $0x3;
	v54 =	vld [tilespmem:s21+$0x30];
	[tilespmem:v43+s0+$0x0] =	vst.idx.msk $0xffff, v42  }
0x159: {  	v37 =	vadd.s32 v24, v37;
	v42 =	vshrl.u32 v44, $0x3;
	v41 =	vshll.u32 v41, v1;
	[tilespmem:v48+s0+$0x0] =	vst.idx.msk $0xffff, v46;
	v43 =	vld [tilespmem:s21+$0x70]  }
0x15a: {  	v36 =	vadd.s32 v28, v36;
	v44 =	vshrl.u32 v47, $0x3;
	v41 =	vbroadcast v41, $0x0;
	[tilespmem:v51+s0+$0x0] =	vst.idx.msk $0xffff, v49;
	v46 =	vld [tilespmem:s21+$0xB0]  }
0x15b: {  	v47 =	vshll.u32 v53, v1;
	v49 =	vadd.s32 v4, v33;
	v33 =	vbroadcast v45, $0x0;
	v48 =	vld [tilespmem:s21+$0xFFFFFF30];
	[tilespmem:v52+s0+$0x0] =	vst.idx.msk $0xffff, v50;
	s21 =	sadd.s32 $0x200, s21  }
0x15c: {  	v40 =	vshll.u32 v40, v1;
	v45 =	vbroadcast v47, $0x0;
	v47 =	vld [tilespmem:s21+$0xC0];
	v50 =	vadd.s32 v29, v41;
	[tilespmem:v35+s0+$0x0] =	vst.idx.msk $0xffff, v56  }
0x15d: {  	v55 =	vbroadcast v40, $0x0;
	v52 =	vadd.s32 v0, v33;
	v35 =	vshll.u32 v42, v1;
	v51 =	vld [tilespmem:s21+$0xFFFFFF00];
	[tilespmem:v34+s0+$0x0] =	vst.idx.msk $0xffff, v54  }
0x15e: {  	v42 =	vadd.s32 v5, v45;
	v35 =	vbroadcast v35, $0x0;
	v34 =	vshll.u32 v44, v1;
	v40 =	vld [tilespmem:s21+$0xFFFFFF40];
	[tilespmem:v37+s0+$0x0] =	vst.idx.msk $0xffff, v43  }
0x15f: {  	v44 =	vadd.s32 v9, v55;
	v34 =	vbroadcast v34, $0x0;
	v37 =	vshrl.u32 v38, $0x3;
	v43 =	vld [tilespmem:s21+$0xFFFFFF80];
	[tilespmem:v36+s0+$0x0] =	vst.idx.msk $0xffff, v46  }
0x160: {  	v39 =	vshrl.u32 v39, $0x3;
	v46 =	vadd.s32 v13, v35;
	v36 =	vshll.u32 v37, v1;
	v38 =	vld [tilespmem:s21+$0xFFFFFFC0];
	[tilespmem:v49+s0+$0x0] =	vst.idx.msk $0xffff, v48  }
0x161: {  	v49 =	vadd.s32 v17, v34;
	v37 =	vbroadcast v36, $0x0;
	v36 =	vshll.u32 v39, v1;
	v48 =	vld [tilespmem:s21+$0x0];
	[tilespmem:v50+s0+$0x0] =	vst.idx.msk $0xffff, v47  }
0x162: {  	v36 =	vbroadcast v36, $0x0;
	v47 =	vadd.s32 v30, v41;
	[tilespmem:v52+s0+$0x0] =	vst.idx.msk $0xffff, v51;
	v39 =	vld [tilespmem:s21+$0xD0]  }
0x163: {  	[tilespmem:v42+s0+$0x0] =	vst.idx.msk $0xffff, v40;
	v40 =	vld [tilespmem:s21+$0x40];
	v42 =	vadd.s32 v21, v37  }
0x164: {  	[tilespmem:v44+s0+$0x0] =	vst.idx.msk $0xffff, v43;
	v43 =	vld [tilespmem:s21+$0x80];
	v44 =	vadd.s32 v25, v36  }
0x165: {  	v51 =	vadd.s32 v6, v45;
	v50 =	vld [tilespmem:s21+$0xFFFFFF50];
	[tilespmem:v46+s0+$0x0] =	vst.idx.msk $0xffff, v38  }
0x166: {  	v46 =	vadd.s32 v10, v55;
	v38 =	vld [tilespmem:s21+$0xFFFFFF90];
	[tilespmem:v49+s0+$0x0] =	vst.idx.msk $0xffff, v48  }
0x167: {  	v49 =	vadd.s32 v14, v35;
	v48 =	vld [tilespmem:s21+$0xFFFFFFD0];
	[tilespmem:v47+s0+$0x0] =	vst.idx.msk $0xffff, v39  }
0x168: {  	[tilespmem:v42+s0+$0x0] =	vst.idx.msk $0xffff, v40;
	v39 =	vld [tilespmem:s21+$0xE0];
	v40 =	vadd.s32 v31, v41  }
0x169: {  	v47 =	vadd.s32 v18, v34;
	v42 =	vld [tilespmem:s21+$0x10];
	[tilespmem:v44+s0+$0x0] =	vst.idx.msk $0xffff, v43  }
0x16a: {  	v44 =	vadd.s32 v22, v37;
	[tilespmem:v51+s0+$0x0] =	vst.idx.msk $0xffff, v50;
	v43 =	vld [tilespmem:s21+$0x50]  }
0x16b: {  	[tilespmem:v46+s0+$0x0] =	vst.idx.msk $0xffff, v38;
	v38 =	vld [tilespmem:s21+$0x90];
	v46 =	vadd.s32 v26, v36  }
0x16c: {  	v51 =	vadd.s32 v2, v33;
	v50 =	vld [tilespmem:s21+$0xFFFFFF10];
	[tilespmem:v49+s0+$0x0] =	vst.idx.msk $0xffff, v48  }
0x16d: {  	v49 =	vadd.s32 v7, v45;
	v48 =	vld [tilespmem:s21+$0xFFFFFF60];
	[tilespmem:v40+s0+$0x0] =	vst.idx.msk $0xffff, v39  }
0x16e: {  	[tilespmem:v47+s0+$0x0] =	vst.idx.msk $0xffff, v42;
	v39 =	vld [tilespmem:s21+$0xF0];
	v47 =	vadd.s32 v32, v41  }
0x16f: {  	v56 =	vadd.s32 v11, v55;
	v52 =	vld [tilespmem:s21+$0xFFFFFFA0];
	[tilespmem:v44+s0+$0x0] =	vst.idx.msk $0xffff, v43  }
0x170: {  	v58 =	vadd.s32 v15, v35;
	v57 =	vld [tilespmem:s21+$0xFFFFFFE0];
	[tilespmem:v46+s0+$0x0] =	vst.idx.msk $0xffff, v38  }
0x171: {  	v60 =	vadd.s32 v19, v34;
	[tilespmem:v51+s0+$0x0] =	vst.idx.msk $0xffff, v50;
	v59 =	vld [tilespmem:s21+$0x20]  }
.Ltmp1:
0x172: {  	s5 =	sadd.s32 $0x1, s22;
	v41 =	vadd.s32 v23, v37;
	v38 =	vmov s22;
	[tilespmem:v49+s0+$0x0] =	vst.idx.msk $0xffff, v48;
	v40 =	vld [tilespmem:s21+$0x60];
	(pc) =	sbr.rel @p2 .LBB2_5-.Ltmp1, $4  }
0x173: {  	s23 =	sadd.s32 $0x3, s22;
	v53 =	vmov s5;
	s5 =	sadd.s32 $0x2, s22;
	v43 =	vadd.s32 v27, v36;
	v50 =	vshrl.u32 v38, $0x3;
	v42 =	vld [tilespmem:s21+$0xA0];
	[tilespmem:v47+s0+$0x0] =	vst.idx.msk $0xffff, v39  }
0x174: {  	v54 =	vmov s5;
	s5 =	sadd.s32 $0x4, s22;
	v44 =	vmov s23;
	s23 =	sadd.s32 $0x5, s22;
	v48 =	vadd.s32 v3, v33;
	v46 =	vld [tilespmem:s21+$0xFFFFFF20];
	[tilespmem:v56+s0+$0x0] =	vst.idx.msk $0xffff, v52  }
0x175: {  	v38 =	vmov s23;
	v51 =	vadd.s32 v8, v45;
	v47 =	vmov s5;
	s5 =	sadd.s32 $0x6, s22;
	v49 =	vld [tilespmem:s21+$0xFFFFFF70];
	[tilespmem:v58+s0+$0x0] =	vst.idx.msk $0xffff, v57  }
0x176: {  	s23 =	sadd.s32 $0x7, s22;
	v45 =	vshll.u32 v50, v1;
	s22 =	sadd.s32 $0x8, s22;
	v39 =	vmov s5;
	v52 =	vadd.s32 v12, v55;
	v50 =	vld [tilespmem:s21+$0xFFFFFFB0];
	[tilespmem:v60+s0+$0x0] =	vst.idx.msk $0xffff, v59  }
0x177: {  	_ =	sdelay $0x2  }
0x178: {  	v53 =	vshrl.u32 v53, $0x3  }
0x179: {  	v55 =	vmov s23;
	v56 =	vld [tilespmem:s21+$0xFFFFFFF0];
	v35 =	vadd.s32 v16, v35;
	[tilespmem:v41+s0+$0x0] =	vst.idx.msk $0xffff, v40;
	v34 =	vadd.s32 v20, v34  }
0x17a: {  	v61 =	vshrl.u32 v54, $0x3;
	v63 =	vld [tilespmem:s21+$0x30];
	v37 =	vadd.s32 v24, v37;
	v36 =	vadd.s32 v28, v36;
	[tilespmem:v43+s0+$0x0] =	vst.idx.msk $0xffff, v42  }
0x17b: {  	v45 =	vbroadcast v45, $0x0;
	v33 =	vadd.s32 v4, v33;
	v62 =	vshrl.u32 v55, $0x3;
	v43 =	vld [tilespmem:s21+$0x70];
	[tilespmem:v48+s0+$0x0] =	vst.idx.msk $0xffff, v46  }
0x17c: {  	s22 =	sadd.s32 $0x200, s21;
	v38 =	vshrl.u32 v38, $0x3;
	v55 =	vshrl.u32 v44, $0x3;
	v41 =	vshll.u32 v62, v1;
	v46 =	vld [tilespmem:s21+$0xB0];
	[tilespmem:v51+s0+$0x0] =	vst.idx.msk $0xffff, v49  }
0x17d: {  	v40 =	vshll.u32 v61, v1;
	v60 =	vld [tilespmem:s22+$0xFFFFFF00];
	v61 =	vadd.s32 v0, v45;
	v41 =	vbroadcast v41, $0x0;
	[tilespmem:v52+s0+$0x0] =	vst.idx.msk $0xffff, v50  }
0x17e: {  	v44 =	vshrl.u32 v47, $0x3;
	v57 =	vshll.u32 v53, v1;
	v40 =	vbroadcast v40, $0x0;
	v48 =	vld [tilespmem:s21+$0xFFFFFF30];
	[tilespmem:v35+s0+$0x0] =	vst.idx.msk $0xffff, v56  }
0x17f: {  	v58 =	vld [tilespmem:s22+$0xC0];
	v47 =	vbroadcast v57, $0x0;
	v42 =	vshll.u32 v55, v1;
	v59 =	vadd.s32 v29, v41;
	[tilespmem:v34+s0+$0x0] =	vst.idx.msk $0xffff, v63  }
0x180: {  	v54 =	vld [tilespmem:s22+$0xFFFFFF80];
	v44 =	vshll.u32 v44, v1;
	v42 =	vbroadcast v42, $0x0;
	v55 =	vadd.s32 v9, v40;
	[tilespmem:v37+s0+$0x0] =	vst.idx.msk $0xffff, v43  }
0x181: {  	v38 =	vshll.u32 v38, v1;
	v62 =	vld [tilespmem:s22+$0xFFFFFF40];
	v44 =	vbroadcast v44, $0x0;
	v63 =	vadd.s32 v5, v47;
	[tilespmem:v36+s0+$0x0] =	vst.idx.msk $0xffff, v46  }
0x182: {  	v39 =	vshrl.u32 v39, $0x3;
	v38 =	vbroadcast v38, $0x0;
	v36 =	vld [tilespmem:s22+$0xFFFFFFC0];
	v46 =	vadd.s32 v13, v42;
	[tilespmem:v61+s0+$0x0] =	vst.idx.msk $0xffff, v60  }
0x183: {  	v39 =	vshll.u32 v39, v1;
	[tilespmem:v33+s0+$0x0] =	vst.idx.msk $0xffff, v48;
	v33 =	vld [tilespmem:s22+$0x0];
	v48 =	vadd.s32 v17, v44  }
0x184: {  	v35 =	vbroadcast v39, $0x0;
	[tilespmem:v59+s0+$0x0] =	vst.idx.msk $0xffff, v58;
	v58 =	vld [tilespmem:s22+$0x40];
	v59 =	vadd.s32 v21, v38  }
0x185: {  	v57 =	vadd.s32 v30, v41;
	[tilespmem:v55+s0+$0x0] =	vst.idx.msk $0xffff, v54;
	v56 =	vld [tilespmem:s22+$0xD0]  }
0x186: {  	v60 =	vld [tilespmem:s22+$0x80];
	v61 =	vadd.s32 v25, v35;
	[tilespmem:v63+s0+$0x0] =	vst.idx.msk $0xffff, v62  }
0x187: {  	v55 =	vadd.s32 v10, v40;
	v54 =	vld [tilespmem:s22+$0xFFFFFF90];
	[tilespmem:v46+s0+$0x0] =	vst.idx.msk $0xffff, v36  }
0x188: {  	v63 =	vadd.s32 v6, v47;
	v62 =	vld [tilespmem:s22+$0xFFFFFF50];
	[tilespmem:v48+s0+$0x0] =	vst.idx.msk $0xffff, v33  }
0x189: {  	v33 =	vld [tilespmem:s22+$0xFFFFFFD0];
	v48 =	vadd.s32 v14, v42;
	[tilespmem:v59+s0+$0x0] =	vst.idx.msk $0xffff, v58  }
0x18a: {  	[tilespmem:v57+s0+$0x0] =	vst.idx.msk $0xffff, v56;
	v56 =	vld [tilespmem:s22+$0x10];
	v57 =	vadd.s32 v18, v44  }
0x18b: {  	[tilespmem:v61+s0+$0x0] =	vst.idx.msk $0xffff, v60;
	v59 =	vadd.s32 v22, v38;
	v58 =	vld [tilespmem:s22+$0x50]  }
0x18c: {  	v39 =	vadd.s32 v31, v41;
	[tilespmem:v55+s0+$0x0] =	vst.idx.msk $0xffff, v54;
	v34 =	vld [tilespmem:s22+$0xE0]  }
0x18d: {  	v61 =	vadd.s32 v26, v35;
	v60 =	vld [tilespmem:s22+$0x90];
	[tilespmem:v63+s0+$0x0] =	vst.idx.msk $0xffff, v62  }
0x18e: {  	v62 =	vld [tilespmem:s22+$0xFFFFFF10];
	v63 =	vadd.s32 v2, v45;
	[tilespmem:v48+s0+$0x0] =	vst.idx.msk $0xffff, v33  }
0x18f: {  	v55 =	vadd.s32 v7, v47;
	v54 =	vld [tilespmem:s22+$0xFFFFFF60];
	[tilespmem:v57+s0+$0x0] =	vst.idx.msk $0xffff, v56  }
0x190: {  	v56 =	vadd.s32 v32, v41;
	v41 =	vld [tilespmem:s22+$0xFFFFFFA0];
	v57 =	vadd.s32 v11, v40;
	[tilespmem:v59+s0+$0x0] =	vst.idx.msk $0xffff, v58  }
0x191: {  	v37 =	vld [tilespmem:s22+$0xFFFFFFE0];
	v58 =	vadd.s32 v15, v42;
	[tilespmem:v39+s0+$0x0] =	vst.idx.msk $0xffff, v34  }
0x192: {  	[tilespmem:v61+s0+$0x0] =	vst.idx.msk $0xffff, v60;
	v34 =	vld [tilespmem:s22+$0xF0]  }
0x193: {  	v60 =	vadd.s32 v19, v44;
	[tilespmem:v63+s0+$0x0] =	vst.idx.msk $0xffff, v62;
	v59 =	vld [tilespmem:s22+$0x20]  }
0x194: {  	v62 =	vadd.s32 v23, v38;
	[tilespmem:v55+s0+$0x0] =	vst.idx.msk $0xffff, v54;
	v61 =	vld [tilespmem:s22+$0x60]  }
0x195: {  	v63 =	vld [tilespmem:s22+$0xA0];
	v54 =	vadd.s32 v27, v35;
	[tilespmem:v57+s0+$0x0] =	vst.idx.msk $0xffff, v41  }
0x196: {  	v47 =	vadd.s32 v8, v47;
	v57 =	vld [tilespmem:s22+$0xFFFFFF70];
	[tilespmem:v58+s0+$0x0] =	vst.idx.msk $0xffff, v37  }
0x197: {  	v55 =	vld [tilespmem:s22+$0xFFFFFF20];
	[tilespmem:v56+s0+$0x0] =	vst.idx.msk $0xffff, v34;
	v56 =	vadd.s32 v3, v45  }
0x198: {  	v40 =	vadd.s32 v12, v40;
	v58 =	vld [tilespmem:s22+$0xFFFFFFB0];
	[tilespmem:v60+s0+$0x0] =	vst.idx.msk $0xffff, v59  }
0x199: {  	v42 =	vadd.s32 v16, v42;
	v59 =	vld [tilespmem:s22+$0xFFFFFFF0];
	[tilespmem:v62+s0+$0x0] =	vst.idx.msk $0xffff, v61  }
0x19a: {  	v61 =	vadd.s32 v20, v44;
	[tilespmem:v54+s0+$0x0] =	vst.idx.msk $0xffff, v63;
	v60 =	vld [tilespmem:s22+$0x30]  }
0x19b: {  	v38 =	vadd.s32 v24, v38;
	v62 =	vld [tilespmem:s22+$0x70];
	[tilespmem:v47+s0+$0x0] =	vst.idx.msk $0xffff, v57  }
0x19c: {  	v35 =	vadd.s32 v28, v35;
	v63 =	vld [tilespmem:s22+$0xB0];
	[tilespmem:v56+s0+$0x0] =	vst.idx.msk $0xffff, v55  }
0x19d: {  	v49 =	vadd.s32 v4, v45;
	[tilespmem:v40+s0+$0x0] =	vst.idx.msk $0xffff, v58;
	v48 =	vld [tilespmem:s22+$0xFFFFFF30]  }
0x19e: {  	[tilespmem:v42+s0+$0x0] =	vst.idx.msk $0xffff, v59  }
0x19f: {  	[tilespmem:v61+s0+$0x0] =	vst.idx.msk $0xffff, v60  }
0x1a0: {  	[tilespmem:v38+s0+$0x0] =	vst.idx.msk $0xffff, v62  }
0x1a1: {  	s21 =	sor.u32 s15, s18;
	[tilespmem:v35+s0+$0x0] =	vst.idx.msk $0xffff, v63  }
0x1a2: {  	s5 =	sadd.s32 s2, s21;
	[tilespmem:v49+s0+$0x0] =	vst.idx.msk $0xffff, v48  }
0x1a3: {  	[hbm4b:s5+s3] =	stream.linear.scatter [tilespmem:s0], [sflag:$0x6], $0x80, $0x38;
	[tilespmem:$0x16C00] =	vst v63  }
0x1a4: {  	s23 =	simm.s32 $0x10688;
	s22 =	sadd.s32 $0x10, s5  }
0x1a5: {  	[hbm4b:s22+s3] =	stream.linear.scatter [tilespmem:s23], [sflag:$0x6], $0x80, $0x38;
	[tilespmem:$0x16C00] =	vst v63  }
0x1a6: {  	s22 =	sadd.s32 $0x20, s5;
	s23 =	simm.s32 $0x10710  }
0x1a7: {  	[hbm4b:s22+s3] =	stream.linear.scatter [tilespmem:s23], [sflag:$0x6], $0x80, $0x38;
	[tilespmem:$0x16C00] =	vst v63  }
0x1a8: {  	s22 =	sadd.s32 $0x30, s5;
	s23 =	simm.s32 $0x10798  }
0x1a9: {  	[hbm4b:s22+s3] =	stream.linear.scatter [tilespmem:s23], [sflag:$0x6], $0x80, $0x38;
	[tilespmem:$0x16C00] =	vst v63  }
0x1aa: {  	s22 =	sadd.s32 $0x40, s5;
	s23 =	simm.s32 $0x10820  }
0x1ab: {  	[hbm4b:s22+s3] =	stream.linear.scatter [tilespmem:s23], [sflag:$0x6], $0x80, $0x38;
	[tilespmem:$0x16C00] =	vst v63  }
0x1ac: {  	s22 =	sadd.s32 $0x50, s5;
	s23 =	simm.s32 $0x108A8  }
0x1ad: {  	[hbm4b:s22+s3] =	stream.linear.scatter [tilespmem:s23], [sflag:$0x6], $0x80, $0x38;
	[tilespmem:$0x16C00] =	vst v63  }
0x1ae: {  	s22 =	sadd.s32 $0x60, s5;
	s23 =	simm.s32 $0x10930  }
0x1af: {  	[hbm4b:s22+s3] =	stream.linear.scatter [tilespmem:s23], [sflag:$0x6], $0x80, $0x38;
	[tilespmem:$0x16C00] =	vst v63  }
0x1b0: {  	s5 =	sadd.s32 $0x70, s5;
	s23 =	simm.s32 $0x109B8  }
0x1b1: {  	[hbm4b:s5+s3] =	stream.linear.scatter [tilespmem:s23], [sflag:$0x6], $0x80, $0x38;
	[tilespmem:$0x16C00] =	vst v63  }
0x1b2: {  	s5 =	sadd.s32 s21, s7;
	s23 =	simm.s32 $0x10A40  }
0x1b3: {  	[hbm4b:s5+s3] =	stream.linear.scatter [tilespmem:s23], [sflag:$0x6], $0x80, $0x38;
	[tilespmem:$0x16C00] =	vst v63  }
0x1b4: {  	s22 =	sadd.s32 $0x10, s5;
	s23 =	simm.s32 $0x10AC8  }
0x1b5: {  	[hbm4b:s22+s3] =	stream.linear.scatter [tilespmem:s23], [sflag:$0x6], $0x80, $0x38;
	[tilespmem:$0x16C00] =	vst v63  }
0x1b6: {  	s22 =	sadd.s32 $0x20, s5;
	s23 =	simm.s32 $0x10B50  }
0x1b7: {  	[hbm4b:s22+s3] =	stream.linear.scatter [tilespmem:s23], [sflag:$0x6], $0x80, $0x38;
	[tilespmem:$0x16C00] =	vst v63  }
0x1b8: {  	s22 =	sadd.s32 $0x30, s5;
	s23 =	simm.s32 $0x10BD8  }
0x1b9: {  	[hbm4b:s22+s3] =	stream.linear.scatter [tilespmem:s23], [sflag:$0x6], $0x80, $0x38;
	[tilespmem:$0x16C00] =	vst v63  }
0x1ba: {  	s22 =	sadd.s32 $0x40, s5;
	s23 =	simm.s32 $0x10C60  }
0x1bb: {  	[hbm4b:s22+s3] =	stream.linear.scatter [tilespmem:s23], [sflag:$0x6], $0x80, $0x38;
	[tilespmem:$0x16C00] =	vst v63  }
0x1bc: {  	s22 =	sadd.s32 $0x50, s5;
	s23 =	simm.s32 $0x10CE8  }
0x1bd: {  	[hbm4b:s22+s3] =	stream.linear.scatter [tilespmem:s23], [sflag:$0x6], $0x80, $0x38;
	[tilespmem:$0x16C00] =	vst v63  }
0x1be: {  	s22 =	sadd.s32 $0x60, s5;
	s23 =	simm.s32 $0x10D70  }
0x1bf: {  	[hbm4b:s22+s3] =	stream.linear.scatter [tilespmem:s23], [sflag:$0x6], $0x80, $0x38;
	[tilespmem:$0x16C00] =	vst v63  }
0x1c0: {  	s5 =	sadd.s32 $0x70, s5;
	s23 =	simm.s32 $0x10DF8  }
0x1c1: {  	[hbm4b:s5+s3] =	stream.linear.scatter [tilespmem:s23], [sflag:$0x6], $0x80, $0x38;
	[tilespmem:$0x16C00] =	vst v63  }
0x1c2: {  	s5 =	sadd.s32 s21, s8;
	s23 =	simm.s32 $0x10E80  }
0x1c3: {  	[hbm4b:s5+s3] =	stream.linear.scatter [tilespmem:s23], [sflag:$0x6], $0x80, $0x38;
	[tilespmem:$0x16C00] =	vst v63  }
0x1c4: {  	s22 =	sadd.s32 $0x10, s5;
	s23 =	simm.s32 $0x10F08  }
0x1c5: {  	[hbm4b:s22+s3] =	stream.linear.scatter [tilespmem:s23], [sflag:$0x6], $0x80, $0x38;
	[tilespmem:$0x16C00] =	vst v63  }
0x1c6: {  	s22 =	sadd.s32 $0x20, s5;
	s23 =	simm.s32 $0x10F90  }
0x1c7: {  	[hbm4b:s22+s3] =	stream.linear.scatter [tilespmem:s23], [sflag:$0x6], $0x80, $0x38;
	[tilespmem:$0x16C00] =	vst v63  }
0x1c8: {  	s22 =	sadd.s32 $0x30, s5;
	s23 =	simm.s32 $0x11018  }
0x1c9: {  	[hbm4b:s22+s3] =	stream.linear.scatter [tilespmem:s23], [sflag:$0x6], $0x80, $0x38;
	[tilespmem:$0x16C00] =	vst v63  }
0x1ca: {  	s22 =	sadd.s32 $0x40, s5;
	s23 =	simm.s32 $0x110A0  }
0x1cb: {  	[hbm4b:s22+s3] =	stream.linear.scatter [tilespmem:s23], [sflag:$0x6], $0x80, $0x38;
	[tilespmem:$0x16C00] =	vst v63  }
0x1cc: {  	s22 =	sadd.s32 $0x50, s5;
	s23 =	simm.s32 $0x11128  }
0x1cd: {  	[hbm4b:s22+s3] =	stream.linear.scatter [tilespmem:s23], [sflag:$0x6], $0x80, $0x38;
	[tilespmem:$0x16C00] =	vst v63  }
0x1ce: {  	s22 =	sadd.s32 $0x60, s5;
	s23 =	simm.s32 $0x111B0  }
0x1cf: {  	[hbm4b:s22+s3] =	stream.linear.scatter [tilespmem:s23], [sflag:$0x6], $0x80, $0x38;
	[tilespmem:$0x16C00] =	vst v63  }
0x1d0: {  	s5 =	sadd.s32 $0x70, s5;
	s23 =	simm.s32 $0x11238  }
0x1d1: {  	[hbm4b:s5+s3] =	stream.linear.scatter [tilespmem:s23], [sflag:$0x6], $0x80, $0x38;
	[tilespmem:$0x16C00] =	vst v63  }
0x1d2: {  	s5 =	sadd.s32 s21, s9;
	s23 =	simm.s32 $0x112C0  }
0x1d3: {  	[hbm4b:s5+s3] =	stream.linear.scatter [tilespmem:s23], [sflag:$0x6], $0x80, $0x38;
	[tilespmem:$0x16C00] =	vst v63  }
0x1d4: {  	s22 =	sadd.s32 $0x10, s5;
	s23 =	simm.s32 $0x11348  }
0x1d5: {  	[hbm4b:s22+s3] =	stream.linear.scatter [tilespmem:s23], [sflag:$0x6], $0x80, $0x38;
	[tilespmem:$0x16C00] =	vst v63  }
0x1d6: {  	s22 =	sadd.s32 $0x20, s5;
	s23 =	simm.s32 $0x113D0  }
0x1d7: {  	[hbm4b:s22+s3] =	stream.linear.scatter [tilespmem:s23], [sflag:$0x6], $0x80, $0x38;
	[tilespmem:$0x16C00] =	vst v63  }
0x1d8: {  	s22 =	sadd.s32 $0x30, s5;
	s23 =	simm.s32 $0x11458  }
0x1d9: {  	[hbm4b:s22+s3] =	stream.linear.scatter [tilespmem:s23], [sflag:$0x6], $0x80, $0x38;
	[tilespmem:$0x16C00] =	vst v63  }
0x1da: {  	s22 =	sadd.s32 $0x40, s5;
	s23 =	simm.s32 $0x114E0  }
0x1db: {  	[hbm4b:s22+s3] =	stream.linear.scatter [tilespmem:s23], [sflag:$0x6], $0x80, $0x38;
	[tilespmem:$0x16C00] =	vst v63  }
0x1dc: {  	s22 =	sadd.s32 $0x50, s5;
	s23 =	simm.s32 $0x11568  }
0x1dd: {  	[hbm4b:s22+s3] =	stream.linear.scatter [tilespmem:s23], [sflag:$0x6], $0x80, $0x38;
	[tilespmem:$0x16C00] =	vst v63  }
0x1de: {  	s22 =	sadd.s32 $0x60, s5;
	s23 =	simm.s32 $0x115F0  }
0x1df: {  	[hbm4b:s22+s3] =	stream.linear.scatter [tilespmem:s23], [sflag:$0x6], $0x80, $0x38;
	[tilespmem:$0x16C00] =	vst v63  }
0x1e0: {  	s5 =	sadd.s32 $0x70, s5;
	s23 =	simm.s32 $0x11678  }
0x1e1: {  	[hbm4b:s5+s3] =	stream.linear.scatter [tilespmem:s23], [sflag:$0x6], $0x80, $0x38;
	[tilespmem:$0x16C00] =	vst v63  }
0x1e2: {  	s5 =	sadd.s32 s21, s10;
	s23 =	simm.s32 $0x11700  }
0x1e3: {  	[hbm4b:s5+s3] =	stream.linear.scatter [tilespmem:s23], [sflag:$0x6], $0x80, $0x38;
	[tilespmem:$0x16C00] =	vst v63  }
0x1e4: {  	s22 =	sadd.s32 $0x10, s5;
	s23 =	simm.s32 $0x11788  }
0x1e5: {  	[hbm4b:s22+s3] =	stream.linear.scatter [tilespmem:s23], [sflag:$0x6], $0x80, $0x38;
	[tilespmem:$0x16C00] =	vst v63  }
0x1e6: {  	s22 =	sadd.s32 $0x20, s5;
	s23 =	simm.s32 $0x11810  }
0x1e7: {  	[hbm4b:s22+s3] =	stream.linear.scatter [tilespmem:s23], [sflag:$0x6], $0x80, $0x38;
	[tilespmem:$0x16C00] =	vst v63  }
0x1e8: {  	s22 =	sadd.s32 $0x30, s5;
	s23 =	simm.s32 $0x11898  }
0x1e9: {  	[hbm4b:s22+s3] =	stream.linear.scatter [tilespmem:s23], [sflag:$0x6], $0x80, $0x38;
	[tilespmem:$0x16C00] =	vst v63  }
0x1ea: {  	s22 =	sadd.s32 $0x40, s5;
	s23 =	simm.s32 $0x11920  }
0x1eb: {  	[hbm4b:s22+s3] =	stream.linear.scatter [tilespmem:s23], [sflag:$0x6], $0x80, $0x38;
	[tilespmem:$0x16C00] =	vst v63  }
0x1ec: {  	s22 =	sadd.s32 $0x50, s5;
	s23 =	simm.s32 $0x119A8  }
0x1ed: {  	[hbm4b:s22+s3] =	stream.linear.scatter [tilespmem:s23], [sflag:$0x6], $0x80, $0x38;
	[tilespmem:$0x16C00] =	vst v63  }
0x1ee: {  	s22 =	sadd.s32 $0x60, s5;
	s23 =	simm.s32 $0x11A30  }
0x1ef: {  	[hbm4b:s22+s3] =	stream.linear.scatter [tilespmem:s23], [sflag:$0x6], $0x80, $0x38;
	[tilespmem:$0x16C00] =	vst v63  }
0x1f0: {  	s5 =	sadd.s32 $0x70, s5;
	s23 =	simm.s32 $0x11AB8  }
0x1f1: {  	[hbm4b:s5+s3] =	stream.linear.scatter [tilespmem:s23], [sflag:$0x6], $0x80, $0x38;
	[tilespmem:$0x16C00] =	vst v63  }
0x1f2: {  	s5 =	sadd.s32 s21, s11;
	s23 =	simm.s32 $0x11B40  }
0x1f3: {  	[hbm4b:s5+s3] =	stream.linear.scatter [tilespmem:s23], [sflag:$0x6], $0x80, $0x38;
	[tilespmem:$0x16C00] =	vst v63  }
0x1f4: {  	s22 =	sadd.s32 $0x10, s5;
	s23 =	simm.s32 $0x11BC8  }
0x1f5: {  	[hbm4b:s22+s3] =	stream.linear.scatter [tilespmem:s23], [sflag:$0x6], $0x80, $0x38;
	[tilespmem:$0x16C00] =	vst v63  }
0x1f6: {  	s22 =	sadd.s32 $0x20, s5;
	s23 =	simm.s32 $0x11C50  }
0x1f7: {  	[hbm4b:s22+s3] =	stream.linear.scatter [tilespmem:s23], [sflag:$0x6], $0x80, $0x38;
	[tilespmem:$0x16C00] =	vst v63  }
0x1f8: {  	s22 =	sadd.s32 $0x30, s5;
	s23 =	simm.s32 $0x11CD8  }
0x1f9: {  	[hbm4b:s22+s3] =	stream.linear.scatter [tilespmem:s23], [sflag:$0x6], $0x80, $0x38;
	[tilespmem:$0x16C00] =	vst v63  }
0x1fa: {  	s22 =	sadd.s32 $0x40, s5;
	s23 =	simm.s32 $0x11D60  }
0x1fb: {  	[hbm4b:s22+s3] =	stream.linear.scatter [tilespmem:s23], [sflag:$0x6], $0x80, $0x38;
	[tilespmem:$0x16C00] =	vst v63  }
0x1fc: {  	s22 =	sadd.s32 $0x50, s5;
	s23 =	simm.s32 $0x11DE8  }
0x1fd: {  	[hbm4b:s22+s3] =	stream.linear.scatter [tilespmem:s23], [sflag:$0x6], $0x80, $0x38;
	[tilespmem:$0x16C00] =	vst v63  }
0x1fe: {  	s22 =	sadd.s32 $0x60, s5;
	s23 =	simm.s32 $0x11E70  }
0x1ff: {  	[hbm4b:s22+s3] =	stream.linear.scatter [tilespmem:s23], [sflag:$0x6], $0x80, $0x38;
	[tilespmem:$0x16C00] =	vst v63  }
0x200: {  	s5 =	sadd.s32 $0x70, s5;
	s23 =	simm.s32 $0x11EF8  }
0x201: {  	[hbm4b:s5+s3] =	stream.linear.scatter [tilespmem:s23], [sflag:$0x6], $0x80, $0x38;
	[tilespmem:$0x16C00] =	vst v63  }
0x202: {  	s5 =	sadd.s32 s21, s12;
	s23 =	simm.s32 $0x11F80  }
0x203: {  	[hbm4b:s5+s3] =	stream.linear.scatter [tilespmem:s23], [sflag:$0x6], $0x80, $0x38;
	[tilespmem:$0x16C00] =	vst v63  }
0x204: {  	s22 =	sadd.s32 $0x10, s5;
	s23 =	simm.s32 $0x12008  }
0x205: {  	[hbm4b:s22+s3] =	stream.linear.scatter [tilespmem:s23], [sflag:$0x6], $0x80, $0x38;
	[tilespmem:$0x16C00] =	vst v63  }
0x206: {  	s22 =	sadd.s32 $0x20, s5;
	s23 =	simm.s32 $0x12090  }
0x207: {  	[hbm4b:s22+s3] =	stream.linear.scatter [tilespmem:s23], [sflag:$0x6], $0x80, $0x38;
	[tilespmem:$0x16C00] =	vst v63  }
0x208: {  	s22 =	sadd.s32 $0x30, s5;
	s23 =	simm.s32 $0x12118  }
0x209: {  	[hbm4b:s22+s3] =	stream.linear.scatter [tilespmem:s23], [sflag:$0x6], $0x80, $0x38;
	[tilespmem:$0x16C00] =	vst v63  }
0x20a: {  	s22 =	sadd.s32 $0x40, s5;
	s23 =	simm.s32 $0x121A0  }
0x20b: {  	[hbm4b:s22+s3] =	stream.linear.scatter [tilespmem:s23], [sflag:$0x6], $0x80, $0x38;
	[tilespmem:$0x16C00] =	vst v63  }
0x20c: {  	s22 =	sadd.s32 $0x50, s5;
	s23 =	simm.s32 $0x12228  }
0x20d: {  	[hbm4b:s22+s3] =	stream.linear.scatter [tilespmem:s23], [sflag:$0x6], $0x80, $0x38;
	[tilespmem:$0x16C00] =	vst v63  }
0x20e: {  	s22 =	sadd.s32 $0x60, s5;
	s23 =	simm.s32 $0x122B0  }
0x20f: {  	[hbm4b:s22+s3] =	stream.linear.scatter [tilespmem:s23], [sflag:$0x6], $0x80, $0x38;
	[tilespmem:$0x16C00] =	vst v63  }
0x210: {  	s5 =	sadd.s32 $0x70, s5;
	s23 =	simm.s32 $0x12338  }
0x211: {  	[hbm4b:s5+s3] =	stream.linear.scatter [tilespmem:s23], [sflag:$0x6], $0x80, $0x38;
	[tilespmem:$0x16C00] =	vst v63  }
0x212: {  	s5 =	sadd.s32 s21, s13;
	s23 =	simm.s32 $0x123C0  }
0x213: {  	[hbm4b:s5+s3] =	stream.linear.scatter [tilespmem:s23], [sflag:$0x6], $0x80, $0x38;
	[tilespmem:$0x16C00] =	vst v63  }
0x214: {  	s22 =	sadd.s32 $0x10, s5;
	s23 =	simm.s32 $0x12448  }
0x215: {  	[hbm4b:s22+s3] =	stream.linear.scatter [tilespmem:s23], [sflag:$0x6], $0x80, $0x38;
	[tilespmem:$0x16C00] =	vst v63  }
0x216: {  	s22 =	sadd.s32 $0x20, s5;
	s23 =	simm.s32 $0x124D0  }
0x217: {  	[hbm4b:s22+s3] =	stream.linear.scatter [tilespmem:s23], [sflag:$0x6], $0x80, $0x38;
	[tilespmem:$0x16C00] =	vst v63  }
0x218: {  	s22 =	sadd.s32 $0x30, s5;
	s23 =	simm.s32 $0x12558  }
0x219: {  	[hbm4b:s22+s3] =	stream.linear.scatter [tilespmem:s23], [sflag:$0x6], $0x80, $0x38;
	[tilespmem:$0x16C00] =	vst v63  }
0x21a: {  	s22 =	sadd.s32 $0x40, s5;
	s23 =	simm.s32 $0x125E0  }
0x21b: {  	[hbm4b:s22+s3] =	stream.linear.scatter [tilespmem:s23], [sflag:$0x6], $0x80, $0x38;
	[tilespmem:$0x16C00] =	vst v63  }
0x21c: {  	s22 =	sadd.s32 $0x50, s5;
	s23 =	simm.s32 $0x12668  }
0x21d: {  	[hbm4b:s22+s3] =	stream.linear.scatter [tilespmem:s23], [sflag:$0x6], $0x80, $0x38;
	[tilespmem:$0x16C00] =	vst v63  }
0x21e: {  	s22 =	sadd.s32 $0x60, s5;
	s23 =	simm.s32 $0x126F0  }
0x21f: {  	[hbm4b:s22+s3] =	stream.linear.scatter [tilespmem:s23], [sflag:$0x6], $0x80, $0x38;
	[tilespmem:$0x16C00] =	vst v63  }
0x220: {  	s5 =	sadd.s32 $0x70, s5;
	s23 =	simm.s32 $0x12778  }
0x221: {  	[hbm4b:s5+s3] =	stream.linear.scatter [tilespmem:s23], [sflag:$0x6], $0x80, $0x38;
	[tilespmem:$0x16C00] =	vst v63  }
0x222: {  	_ =	swait.ge [sflag:s29], $0x2000  }
0x223: {  	s21 =	simm.s32 @!p1 $0x80;
	[sflag:s29] =	ssyncset.done $0x0  }
0x224: {  	s22 =	simm.s32 @!p1 $0x8400;
	s5 =	sadd.s32 @!p1 $0x280, s20;
	[sflag:s29] =	ssyncadd.s32 $0xFFFFE000  }
0x225: {  	[tilespmem:s22], [sflag:$0x2] =	stream.indirect.gather @!p1 [hbm4b:s4+s21], $0x40, s5, s21, $0xb8;
	[tilespmem:$0x16C00] =	vst v63  }
0x226: {  	s5 =	simm.s32 @!p0 $0x7  }
0x227: {  	_ =	swait.ge @!p0 [sflag:s5], $0x400  }
0x228: {  	[sflag:s5] =	ssyncset.done @!p0 $0x0  }
0x229: {  	[sflag:s5] =	ssyncadd.s32 @!p0 $0xFFFFFC00  }
0x22a: {  	_ =	swait.ge @!p0 [sflag:s5], $0x400  }
0x22b: {  	[sflag:s5] =	ssyncset.done @!p0 $0x0  }
0x22c: {  	[sflag:s5] =	ssyncadd.s32 @!p0 $0xFFFFFC00  }
0x22d: {  	_ =	swait.ge @!p0 [sflag:s5], $0x400  }
0x22e: {  	[sflag:s5] =	ssyncset.done @!p0 $0x0  }
0x22f: {  	[sflag:s5] =	ssyncadd.s32 @!p0 $0xFFFFFC00  }
0x230: {  	_ =	swait.ge @!p0 [sflag:s5], $0x400  }
0x231: {  	[sflag:s5] =	ssyncset.done @!p0 $0x0  }
0x232: {  	[sflag:s5] =	ssyncadd.s32 @!p0 $0xFFFFFC00  }
0x233: {  	_ =	swait.ge @!p0 [sflag:s5], $0x400  }
0x234: {  	[sflag:s5] =	ssyncset.done @!p0 $0x0  }
0x235: {  	[sflag:s5] =	ssyncadd.s32 @!p0 $0xFFFFFC00  }
0x236: {  	s23 =	simm.s32 $0x3;
	_ =	swait.ge @!p0 [sflag:s5], $0x400  }
0x237: {  	v53 =	vmov s23;
	s23 =	simm.s32 $0x4;
	s22 =	simm.s32 $0x0;
	[sflag:s5] =	ssyncset.done @!p0 $0x0  }
0x238: {  	v54 =	vmov s23;
	s23 =	simm.s32 $0x5;
	v50 =	vmov s22;
	s22 =	simm.s32 $0x2;
	[sflag:s5] =	ssyncadd.s32 @!p0 $0xFFFFFC00  }
0x239: {  	v36 =	vshrl.u32 v53, $0x3;
	v39 =	vmov s23;
	v52 =	vmov s22;
	s22 =	simm.s32 $0x7;
	_ =	swait.ge @!p0 [sflag:s5], $0x400  }
0x23a: {  	s23 =	simm.s32 $0x6;
	v37 =	vshrl.u32 v54, $0x3;
	v58 =	vshll.u32 v36, v1;
	s21 =	simm.s32 $0x1;
	v55 =	vmov s22;
	[sflag:s5] =	ssyncset.done @!p0 $0x0  }
0x23b: {  	v40 =	vmov s23;
	v51 =	vmov s21;
	v38 =	vshrl.u32 v55, $0x3;
	[sflag:s5] =	ssyncadd.s32 @!p0 $0xFFFFFC00  }
0x23c: {  	v61 =	vshll.u32 v37, v1;
	v34 =	vshrl.u32 v51, $0x3;
	v38 =	vshll.u32 v38, v1;
	_ =	swait.ge @!p0 [sflag:s5], $0x400  }
0x23d: {  	v35 =	vshrl.u32 v52, $0x3;
	v34 =	vshll.u32 v34, v1;
	v38 =	vbroadcast v38, $0x0;
	[sflag:s5] =	ssyncset.done @!p0 $0x0  }
0x23e: {  	s21 =	simm.s32 $0xA500;
	v33 =	vshrl.u32 v50, $0x3;
	v45 =	vbroadcast v34, $0x0;
	v56 =	vshll.u32 v35, v1;
	[sflag:s5] =	ssyncadd.s32 @!p0 $0xFFFFFC00  }
0x23f: {  	v33 =	vshll.u32 v33, v1;
	v52 =	vbroadcast v56, $0x0;
	v42 =	vadd.s32 v29, v38;
	v41 =	vld [tilespmem:s21+$0xC0]  }
0x240: {  	v40 =	vshrl.u32 v40, $0x3;
	v33 =	vbroadcast v33, $0x0;
	v60 =	vadd.s32 v5, v45;
	v59 =	vld [tilespmem:s21+$0xFFFFFF40]  }
0x241: {  	v35 =	vbroadcast v58, $0x0;
	v55 =	vshrl.u32 v39, $0x3;
	v63 =	vadd.s32 v9, v52;
	v62 =	vld [tilespmem:s21+$0xFFFFFF80]  }
0x242: {  	v34 =	vbroadcast v61, $0x0;
	v36 =	vshll.u32 v55, v1;
	v57 =	vadd.s32 v0, v33;
	v43 =	vld [tilespmem:s21+$0xFFFFFF00]  }
0x243: {  	v56 =	vshll.u32 v40, v1;
	v50 =	vadd.s32 v13, v35;
	v37 =	vbroadcast v36, $0x0;
	v39 =	vld [tilespmem:s21+$0xFFFFFFC0]  }
0x244: {  	v53 =	vadd.s32 v17, v34;
	v36 =	vbroadcast v56, $0x0;
	v51 =	vld [tilespmem:s21+$0x0];
	[tilespmem:v42+s30+$0x0] =	vst.idx.msk $0xffff, v41  }
0x245: {  	[tilespmem:v60+s30+$0x0] =	vst.idx.msk $0xffff, v59;
	v59 =	vld [tilespmem:s21+$0x40];
	v60 =	vadd.s32 v21, v37  }
0x246: {  	v61 =	vld [tilespmem:s21+$0x80];
	[tilespmem:v63+s30+$0x0] =	vst.idx.msk $0xffff, v62;
	v62 =	vadd.s32 v25, v36  }
0x247: {  	v58 =	vadd.s32 v30, v38;
	[tilespmem:v57+s30+$0x0] =	vst.idx.msk $0xffff, v43;
	v57 =	vld [tilespmem:s21+$0xD0]  }
0x248: {  	v63 =	vadd.s32 v6, v45;
	[tilespmem:v50+s30+$0x0] =	vst.idx.msk $0xffff, v39;
	v47 =	vld [tilespmem:s21+$0xFFFFFF50]  }
0x249: {  	v55 =	vadd.s32 v10, v52;
	[tilespmem:v53+s30+$0x0] =	vst.idx.msk $0xffff, v51;
	v54 =	vld [tilespmem:s21+$0xFFFFFF90]  }
0x24a: {  	v56 =	vadd.s32 v14, v35;
	v50 =	vld [tilespmem:s21+$0xFFFFFFD0];
	[tilespmem:v60+s30+$0x0] =	vst.idx.msk $0xffff, v59  }
0x24b: {  	[tilespmem:v62+s30+$0x0] =	vst.idx.msk $0xffff, v61;
	v61 =	vld [tilespmem:s21+$0xFFFFFF10];
	v62 =	vadd.s32 v2, v33  }
0x24c: {  	v59 =	vadd.s32 v18, v34;
	[tilespmem:v58+s30+$0x0] =	vst.idx.msk $0xffff, v57;
	v58 =	vld [tilespmem:s21+$0x10]  }
0x24d: {  	v57 =	vadd.s32 v31, v38;
	[tilespmem:v63+s30+$0x0] =	vst.idx.msk $0xffff, v47;
	v40 =	vld [tilespmem:s21+$0xE0]  }
0x24e: {  	v46 =	vadd.s32 v22, v37;
	v44 =	vld [tilespmem:s21+$0x50];
	[tilespmem:v55+s30+$0x0] =	vst.idx.msk $0xffff, v54  }
0x24f: {  	v60 =	vadd.s32 v26, v36;
	v63 =	vld [tilespmem:s21+$0x90];
	[tilespmem:v56+s30+$0x0] =	vst.idx.msk $0xffff, v50  }
0x250: {  	v51 =	vadd.s32 v7, v45;
	v50 =	vld [tilespmem:s21+$0xFFFFFF60];
	[tilespmem:v62+s30+$0x0] =	vst.idx.msk $0xffff, v61  }
0x251: {  	v56 =	vadd.s32 v11, v52;
	v55 =	vld [tilespmem:s21+$0xFFFFFFA0];
	[tilespmem:v59+s30+$0x0] =	vst.idx.msk $0xffff, v58  }
0x252: {  	v58 =	vadd.s32 v15, v35;
	[tilespmem:v57+s30+$0x0] =	vst.idx.msk $0xffff, v40;
	v57 =	vld [tilespmem:s21+$0xFFFFFFE0]  }
0x253: {  	v38 =	vadd.s32 v32, v38;
	[tilespmem:v46+s30+$0x0] =	vst.idx.msk $0xffff, v44;
	v54 =	vld [tilespmem:s21+$0xF0]  }
0x254: {  	[tilespmem:v60+s30+$0x0] =	vst.idx.msk $0xffff, v63;
	v60 =	vadd.s32 v19, v34;
	v59 =	vld [tilespmem:s21+$0x20]  }
0x255: {  	s23 =	simm.s32 $0x9;
	s22 =	simm.s32 $0x8;
	v48 =	vadd.s32 v3, v33;
	v41 =	vadd.s32 v23, v37;
	[tilespmem:v51+s30+$0x0] =	vst.idx.msk $0xffff, v50;
	v40 =	vld [tilespmem:s21+$0x60]  }
0x256: {  	v53 =	vmov s23;
	s23 =	simm.s32 $0xB;
	v43 =	vadd.s32 v27, v36;
	v63 =	vmov s22;
	v42 =	vld [tilespmem:s21+$0xA0];
	[tilespmem:v56+s30+$0x0] =	vst.idx.msk $0xffff, v55  }
0x257: {  	v52 =	vadd.s32 v12, v52;
	s22 =	simm.s32 $0xA;
	v44 =	vmov s23;
	s23 =	simm.s32 $0xD;
	v46 =	vld [tilespmem:s21+$0xFFFFFF20];
	v39 =	vshrl.u32 v63, $0x3;
	[tilespmem:v58+s30+$0x0] =	vst.idx.msk $0xffff, v57  }
0x258: {  	v51 =	vadd.s32 v8, v45;
	v49 =	vld [tilespmem:s21+$0xFFFFFF70];
	[tilespmem:v38+s30+$0x0] =	vst.idx.msk $0xffff, v54;
	v54 =	vmov s22;
	s22 =	simm.s32 $0xC;
	v38 =	vmov s23;
	s23 =	simm.s32 $0xE  }
0x259: {  	v45 =	vshll.u32 v39, v1;
	v50 =	vld [tilespmem:s21+$0xFFFFFFB0];
	[tilespmem:v60+s30+$0x0] =	vst.idx.msk $0xffff, v59;
	v47 =	vmov s22;
	v39 =	vmov s23;
	s23 =	simm.s32 $0xF;
	s22 =	simm.s32 $0x10  }
.LBB2_7:
0x25a: {  	p2 =	slt.u32 s22, $0x78;
	v53 =	vshrl.u32 v53, $0x3;
	v55 =	vmov s23;
	v56 =	vld [tilespmem:s21+$0xFFFFFFF0];
	v35 =	vadd.s32 v16, v35;
	[tilespmem:v41+s30+$0x0] =	vst.idx.msk $0xffff, v40  }
0x25b: {  	v40 =	vshrl.u32 v54, $0x3;
	v34 =	vadd.s32 v20, v34;
	v41 =	vshrl.u32 v55, $0x3;
	v54 =	vld [tilespmem:s21+$0x30];
	[tilespmem:v43+s30+$0x0] =	vst.idx.msk $0xffff, v42  }
0x25c: {  	v37 =	vadd.s32 v24, v37;
	v42 =	vshrl.u32 v44, $0x3;
	v41 =	vshll.u32 v41, v1;
	[tilespmem:v48+s30+$0x0] =	vst.idx.msk $0xffff, v46;
	v43 =	vld [tilespmem:s21+$0x70]  }
0x25d: {  	v36 =	vadd.s32 v28, v36;
	v44 =	vshrl.u32 v47, $0x3;
	v41 =	vbroadcast v41, $0x0;
	[tilespmem:v51+s30+$0x0] =	vst.idx.msk $0xffff, v49;
	v46 =	vld [tilespmem:s21+$0xB0]  }
0x25e: {  	v47 =	vshll.u32 v53, v1;
	v49 =	vadd.s32 v4, v33;
	v33 =	vbroadcast v45, $0x0;
	v48 =	vld [tilespmem:s21+$0xFFFFFF30];
	[tilespmem:v52+s30+$0x0] =	vst.idx.msk $0xffff, v50;
	s21 =	sadd.s32 $0x200, s21  }
0x25f: {  	v40 =	vshll.u32 v40, v1;
	v45 =	vbroadcast v47, $0x0;
	v47 =	vld [tilespmem:s21+$0xC0];
	v50 =	vadd.s32 v29, v41;
	[tilespmem:v35+s30+$0x0] =	vst.idx.msk $0xffff, v56  }
0x260: {  	v55 =	vbroadcast v40, $0x0;
	v52 =	vadd.s32 v0, v33;
	v35 =	vshll.u32 v42, v1;
	v51 =	vld [tilespmem:s21+$0xFFFFFF00];
	[tilespmem:v34+s30+$0x0] =	vst.idx.msk $0xffff, v54  }
0x261: {  	v42 =	vadd.s32 v5, v45;
	v35 =	vbroadcast v35, $0x0;
	v34 =	vshll.u32 v44, v1;
	v40 =	vld [tilespmem:s21+$0xFFFFFF40];
	[tilespmem:v37+s30+$0x0] =	vst.idx.msk $0xffff, v43  }
0x262: {  	v44 =	vadd.s32 v9, v55;
	v34 =	vbroadcast v34, $0x0;
	v37 =	vshrl.u32 v38, $0x3;
	v43 =	vld [tilespmem:s21+$0xFFFFFF80];
	[tilespmem:v36+s30+$0x0] =	vst.idx.msk $0xffff, v46  }
0x263: {  	v39 =	vshrl.u32 v39, $0x3;
	v46 =	vadd.s32 v13, v35;
	v36 =	vshll.u32 v37, v1;
	v38 =	vld [tilespmem:s21+$0xFFFFFFC0];
	[tilespmem:v49+s30+$0x0] =	vst.idx.msk $0xffff, v48  }
0x264: {  	v49 =	vadd.s32 v17, v34;
	v37 =	vbroadcast v36, $0x0;
	v36 =	vshll.u32 v39, v1;
	v48 =	vld [tilespmem:s21+$0x0];
	[tilespmem:v50+s30+$0x0] =	vst.idx.msk $0xffff, v47  }
0x265: {  	v36 =	vbroadcast v36, $0x0;
	v47 =	vadd.s32 v30, v41;
	[tilespmem:v52+s30+$0x0] =	vst.idx.msk $0xffff, v51;
	v39 =	vld [tilespmem:s21+$0xD0]  }
0x266: {  	[tilespmem:v42+s30+$0x0] =	vst.idx.msk $0xffff, v40;
	v40 =	vld [tilespmem:s21+$0x40];
	v42 =	vadd.s32 v21, v37  }
0x267: {  	[tilespmem:v44+s30+$0x0] =	vst.idx.msk $0xffff, v43;
	v43 =	vld [tilespmem:s21+$0x80];
	v44 =	vadd.s32 v25, v36  }
0x268: {  	v51 =	vadd.s32 v6, v45;
	v50 =	vld [tilespmem:s21+$0xFFFFFF50];
	[tilespmem:v46+s30+$0x0] =	vst.idx.msk $0xffff, v38  }
0x269: {  	v46 =	vadd.s32 v10, v55;
	v38 =	vld [tilespmem:s21+$0xFFFFFF90];
	[tilespmem:v49+s30+$0x0] =	vst.idx.msk $0xffff, v48  }
0x26a: {  	v49 =	vadd.s32 v14, v35;
	v48 =	vld [tilespmem:s21+$0xFFFFFFD0];
	[tilespmem:v47+s30+$0x0] =	vst.idx.msk $0xffff, v39  }
0x26b: {  	[tilespmem:v42+s30+$0x0] =	vst.idx.msk $0xffff, v40;
	v39 =	vld [tilespmem:s21+$0xE0];
	v40 =	vadd.s32 v31, v41  }
0x26c: {  	v47 =	vadd.s32 v18, v34;
	v42 =	vld [tilespmem:s21+$0x10];
	[tilespmem:v44+s30+$0x0] =	vst.idx.msk $0xffff, v43  }
0x26d: {  	v44 =	vadd.s32 v22, v37;
	[tilespmem:v51+s30+$0x0] =	vst.idx.msk $0xffff, v50;
	v43 =	vld [tilespmem:s21+$0x50]  }
0x26e: {  	[tilespmem:v46+s30+$0x0] =	vst.idx.msk $0xffff, v38;
	v38 =	vld [tilespmem:s21+$0x90];
	v46 =	vadd.s32 v26, v36  }
0x26f: {  	v51 =	vadd.s32 v2, v33;
	v50 =	vld [tilespmem:s21+$0xFFFFFF10];
	[tilespmem:v49+s30+$0x0] =	vst.idx.msk $0xffff, v48  }
0x270: {  	v49 =	vadd.s32 v7, v45;
	v48 =	vld [tilespmem:s21+$0xFFFFFF60];
	[tilespmem:v40+s30+$0x0] =	vst.idx.msk $0xffff, v39  }
0x271: {  	[tilespmem:v47+s30+$0x0] =	vst.idx.msk $0xffff, v42;
	v39 =	vld [tilespmem:s21+$0xF0];
	v47 =	vadd.s32 v32, v41  }
0x272: {  	v56 =	vadd.s32 v11, v55;
	v52 =	vld [tilespmem:s21+$0xFFFFFFA0];
	[tilespmem:v44+s30+$0x0] =	vst.idx.msk $0xffff, v43  }
0x273: {  	v58 =	vadd.s32 v15, v35;
	v57 =	vld [tilespmem:s21+$0xFFFFFFE0];
	[tilespmem:v46+s30+$0x0] =	vst.idx.msk $0xffff, v38  }
0x274: {  	v60 =	vadd.s32 v19, v34;
	[tilespmem:v51+s30+$0x0] =	vst.idx.msk $0xffff, v50;
	v59 =	vld [tilespmem:s21+$0x20]  }
.Ltmp2:
0x275: {  	s5 =	sadd.s32 $0x1, s22;
	v41 =	vadd.s32 v23, v37;
	v38 =	vmov s22;
	[tilespmem:v49+s30+$0x0] =	vst.idx.msk $0xffff, v48;
	v40 =	vld [tilespmem:s21+$0x60];
	(pc) =	sbr.rel @p2 .LBB2_7-.Ltmp2, $4  }
0x276: {  	s23 =	sadd.s32 $0x3, s22;
	v53 =	vmov s5;
	s5 =	sadd.s32 $0x2, s22;
	v43 =	vadd.s32 v27, v36;
	v50 =	vshrl.u32 v38, $0x3;
	v42 =	vld [tilespmem:s21+$0xA0];
	[tilespmem:v47+s30+$0x0] =	vst.idx.msk $0xffff, v39  }
0x277: {  	v54 =	vmov s5;
	s5 =	sadd.s32 $0x4, s22;
	v44 =	vmov s23;
	s23 =	sadd.s32 $0x5, s22;
	v48 =	vadd.s32 v3, v33;
	v46 =	vld [tilespmem:s21+$0xFFFFFF20];
	[tilespmem:v56+s30+$0x0] =	vst.idx.msk $0xffff, v52  }
0x278: {  	v38 =	vmov s23;
	v51 =	vadd.s32 v8, v45;
	v47 =	vmov s5;
	s5 =	sadd.s32 $0x6, s22;
	v49 =	vld [tilespmem:s21+$0xFFFFFF70];
	[tilespmem:v58+s30+$0x0] =	vst.idx.msk $0xffff, v57  }
0x279: {  	s23 =	sadd.s32 $0x7, s22;
	v45 =	vshll.u32 v50, v1;
	s22 =	sadd.s32 $0x8, s22;
	v39 =	vmov s5;
	v52 =	vadd.s32 v12, v55;
	v50 =	vld [tilespmem:s21+$0xFFFFFFB0];
	[tilespmem:v60+s30+$0x0] =	vst.idx.msk $0xffff, v59  }
0x27a: {  	_ =	sdelay $0x2  }
0x27b: {  	v53 =	vshrl.u32 v53, $0x3  }
0x27c: {  	v55 =	vmov s23;
	v56 =	vld [tilespmem:s21+$0xFFFFFFF0];
	v35 =	vadd.s32 v16, v35;
	[tilespmem:v41+s30+$0x0] =	vst.idx.msk $0xffff, v40;
	v34 =	vadd.s32 v20, v34  }
0x27d: {  	v61 =	vshrl.u32 v54, $0x3;
	v63 =	vld [tilespmem:s21+$0x30];
	v37 =	vadd.s32 v24, v37;
	v36 =	vadd.s32 v28, v36;
	[tilespmem:v43+s30+$0x0] =	vst.idx.msk $0xffff, v42  }
0x27e: {  	v45 =	vbroadcast v45, $0x0;
	v33 =	vadd.s32 v4, v33;
	v62 =	vshrl.u32 v55, $0x3;
	v43 =	vld [tilespmem:s21+$0x70];
	[tilespmem:v48+s30+$0x0] =	vst.idx.msk $0xffff, v46  }
0x27f: {  	s22 =	sadd.s32 $0x200, s21;
	v38 =	vshrl.u32 v38, $0x3;
	v55 =	vshrl.u32 v44, $0x3;
	v41 =	vshll.u32 v62, v1;
	v46 =	vld [tilespmem:s21+$0xB0];
	[tilespmem:v51+s30+$0x0] =	vst.idx.msk $0xffff, v49  }
0x280: {  	v40 =	vshll.u32 v61, v1;
	v60 =	vld [tilespmem:s22+$0xFFFFFF00];
	v61 =	vadd.s32 v0, v45;
	v41 =	vbroadcast v41, $0x0;
	[tilespmem:v52+s30+$0x0] =	vst.idx.msk $0xffff, v50  }
0x281: {  	v44 =	vshrl.u32 v47, $0x3;
	v57 =	vshll.u32 v53, v1;
	v40 =	vbroadcast v40, $0x0;
	v48 =	vld [tilespmem:s21+$0xFFFFFF30];
	[tilespmem:v35+s30+$0x0] =	vst.idx.msk $0xffff, v56  }
0x282: {  	v58 =	vld [tilespmem:s22+$0xC0];
	v47 =	vbroadcast v57, $0x0;
	v42 =	vshll.u32 v55, v1;
	v59 =	vadd.s32 v29, v41;
	[tilespmem:v34+s30+$0x0] =	vst.idx.msk $0xffff, v63  }
0x283: {  	v54 =	vld [tilespmem:s22+$0xFFFFFF80];
	v44 =	vshll.u32 v44, v1;
	v42 =	vbroadcast v42, $0x0;
	v55 =	vadd.s32 v9, v40;
	[tilespmem:v37+s30+$0x0] =	vst.idx.msk $0xffff, v43  }
0x284: {  	v38 =	vshll.u32 v38, v1;
	v62 =	vld [tilespmem:s22+$0xFFFFFF40];
	v44 =	vbroadcast v44, $0x0;
	v63 =	vadd.s32 v5, v47;
	[tilespmem:v36+s30+$0x0] =	vst.idx.msk $0xffff, v46  }
0x285: {  	v39 =	vshrl.u32 v39, $0x3;
	v38 =	vbroadcast v38, $0x0;
	v36 =	vld [tilespmem:s22+$0xFFFFFFC0];
	v46 =	vadd.s32 v13, v42;
	[tilespmem:v61+s30+$0x0] =	vst.idx.msk $0xffff, v60  }
0x286: {  	v39 =	vshll.u32 v39, v1;
	[tilespmem:v33+s30+$0x0] =	vst.idx.msk $0xffff, v48;
	v33 =	vld [tilespmem:s22+$0x0];
	v48 =	vadd.s32 v17, v44  }
0x287: {  	v35 =	vbroadcast v39, $0x0;
	[tilespmem:v59+s30+$0x0] =	vst.idx.msk $0xffff, v58;
	v58 =	vld [tilespmem:s22+$0x40];
	v59 =	vadd.s32 v21, v38  }
0x288: {  	v57 =	vadd.s32 v30, v41;
	[tilespmem:v55+s30+$0x0] =	vst.idx.msk $0xffff, v54;
	v56 =	vld [tilespmem:s22+$0xD0]  }
0x289: {  	v60 =	vld [tilespmem:s22+$0x80];
	v61 =	vadd.s32 v25, v35;
	[tilespmem:v63+s30+$0x0] =	vst.idx.msk $0xffff, v62  }
0x28a: {  	v55 =	vadd.s32 v10, v40;
	v54 =	vld [tilespmem:s22+$0xFFFFFF90];
	[tilespmem:v46+s30+$0x0] =	vst.idx.msk $0xffff, v36  }
0x28b: {  	v63 =	vadd.s32 v6, v47;
	v62 =	vld [tilespmem:s22+$0xFFFFFF50];
	[tilespmem:v48+s30+$0x0] =	vst.idx.msk $0xffff, v33  }
0x28c: {  	v33 =	vld [tilespmem:s22+$0xFFFFFFD0];
	v48 =	vadd.s32 v14, v42;
	[tilespmem:v59+s30+$0x0] =	vst.idx.msk $0xffff, v58  }
0x28d: {  	[tilespmem:v57+s30+$0x0] =	vst.idx.msk $0xffff, v56;
	v56 =	vld [tilespmem:s22+$0x10];
	v57 =	vadd.s32 v18, v44  }
0x28e: {  	[tilespmem:v61+s30+$0x0] =	vst.idx.msk $0xffff, v60;
	v59 =	vadd.s32 v22, v38;
	v58 =	vld [tilespmem:s22+$0x50]  }
0x28f: {  	v39 =	vadd.s32 v31, v41;
	[tilespmem:v55+s30+$0x0] =	vst.idx.msk $0xffff, v54;
	v34 =	vld [tilespmem:s22+$0xE0]  }
0x290: {  	v61 =	vadd.s32 v26, v35;
	v60 =	vld [tilespmem:s22+$0x90];
	[tilespmem:v63+s30+$0x0] =	vst.idx.msk $0xffff, v62  }
0x291: {  	v62 =	vld [tilespmem:s22+$0xFFFFFF10];
	v63 =	vadd.s32 v2, v45;
	[tilespmem:v48+s30+$0x0] =	vst.idx.msk $0xffff, v33  }
0x292: {  	v55 =	vadd.s32 v7, v47;
	v54 =	vld [tilespmem:s22+$0xFFFFFF60];
	[tilespmem:v57+s30+$0x0] =	vst.idx.msk $0xffff, v56  }
0x293: {  	v56 =	vadd.s32 v32, v41;
	v41 =	vld [tilespmem:s22+$0xFFFFFFA0];
	v57 =	vadd.s32 v11, v40;
	[tilespmem:v59+s30+$0x0] =	vst.idx.msk $0xffff, v58  }
0x294: {  	v37 =	vld [tilespmem:s22+$0xFFFFFFE0];
	v58 =	vadd.s32 v15, v42;
	[tilespmem:v39+s30+$0x0] =	vst.idx.msk $0xffff, v34  }
0x295: {  	[tilespmem:v61+s30+$0x0] =	vst.idx.msk $0xffff, v60;
	v34 =	vld [tilespmem:s22+$0xF0]  }
0x296: {  	v60 =	vadd.s32 v19, v44;
	[tilespmem:v63+s30+$0x0] =	vst.idx.msk $0xffff, v62;
	v59 =	vld [tilespmem:s22+$0x20]  }
0x297: {  	v62 =	vadd.s32 v23, v38;
	[tilespmem:v55+s30+$0x0] =	vst.idx.msk $0xffff, v54;
	v61 =	vld [tilespmem:s22+$0x60]  }
0x298: {  	v63 =	vld [tilespmem:s22+$0xA0];
	v54 =	vadd.s32 v27, v35;
	[tilespmem:v57+s30+$0x0] =	vst.idx.msk $0xffff, v41  }
0x299: {  	v47 =	vadd.s32 v8, v47;
	v57 =	vld [tilespmem:s22+$0xFFFFFF70];
	[tilespmem:v58+s30+$0x0] =	vst.idx.msk $0xffff, v37  }
0x29a: {  	v55 =	vld [tilespmem:s22+$0xFFFFFF20];
	[tilespmem:v56+s30+$0x0] =	vst.idx.msk $0xffff, v34;
	v56 =	vadd.s32 v3, v45  }
0x29b: {  	v40 =	vadd.s32 v12, v40;
	v58 =	vld [tilespmem:s22+$0xFFFFFFB0];
	[tilespmem:v60+s30+$0x0] =	vst.idx.msk $0xffff, v59  }
0x29c: {  	v42 =	vadd.s32 v16, v42;
	v59 =	vld [tilespmem:s22+$0xFFFFFFF0];
	[tilespmem:v62+s30+$0x0] =	vst.idx.msk $0xffff, v61  }
0x29d: {  	v61 =	vadd.s32 v20, v44;
	[tilespmem:v54+s30+$0x0] =	vst.idx.msk $0xffff, v63;
	v60 =	vld [tilespmem:s22+$0x30]  }
0x29e: {  	v38 =	vadd.s32 v24, v38;
	v62 =	vld [tilespmem:s22+$0x70];
	[tilespmem:v47+s30+$0x0] =	vst.idx.msk $0xffff, v57  }
0x29f: {  	v35 =	vadd.s32 v28, v35;
	v63 =	vld [tilespmem:s22+$0xB0];
	[tilespmem:v56+s30+$0x0] =	vst.idx.msk $0xffff, v55  }
0x2a0: {  	v49 =	vadd.s32 v4, v45;
	[tilespmem:v40+s30+$0x0] =	vst.idx.msk $0xffff, v58;
	v48 =	vld [tilespmem:s22+$0xFFFFFF30]  }
0x2a1: {  	[tilespmem:v42+s30+$0x0] =	vst.idx.msk $0xffff, v59  }
0x2a2: {  	[tilespmem:v61+s30+$0x0] =	vst.idx.msk $0xffff, v60  }
0x2a3: {  	[tilespmem:v38+s30+$0x0] =	vst.idx.msk $0xffff, v62  }
0x2a4: {  	s18 =	sor.u32 s16, s18;
	[tilespmem:v35+s30+$0x0] =	vst.idx.msk $0xffff, v63  }
0x2a5: {  	s5 =	sadd.s32 s2, s18;
	[tilespmem:v49+s30+$0x0] =	vst.idx.msk $0xffff, v48  }
0x2a6: {  	[hbm4b:s5+s3] =	stream.linear.scatter [tilespmem:s30], [sflag:$0x7], $0x80, $0x38;
	[tilespmem:$0x16C00] =	vst v63  }
0x2a7: {  	s23 =	sadd.s32 $0x10, s5;
	s22 =	simm.s32 $0x12888  }
0x2a8: {  	[hbm4b:s23+s3] =	stream.linear.scatter [tilespmem:s22], [sflag:$0x7], $0x80, $0x38;
	[tilespmem:$0x16C00] =	vst v63  }
0x2a9: {  	s22 =	sadd.s32 $0x20, s5;
	s23 =	simm.s32 $0x12910  }
0x2aa: {  	[hbm4b:s22+s3] =	stream.linear.scatter [tilespmem:s23], [sflag:$0x7], $0x80, $0x38;
	[tilespmem:$0x16C00] =	vst v63  }
0x2ab: {  	s22 =	sadd.s32 $0x30, s5;
	s23 =	simm.s32 $0x12998  }
0x2ac: {  	[hbm4b:s22+s3] =	stream.linear.scatter [tilespmem:s23], [sflag:$0x7], $0x80, $0x38;
	[tilespmem:$0x16C00] =	vst v63  }
0x2ad: {  	s22 =	sadd.s32 $0x40, s5;
	s23 =	simm.s32 $0x12A20  }
0x2ae: {  	[hbm4b:s22+s3] =	stream.linear.scatter [tilespmem:s23], [sflag:$0x7], $0x80, $0x38;
	[tilespmem:$0x16C00] =	vst v63  }
0x2af: {  	s22 =	sadd.s32 $0x50, s5;
	s23 =	simm.s32 $0x12AA8  }
0x2b0: {  	[hbm4b:s22+s3] =	stream.linear.scatter [tilespmem:s23], [sflag:$0x7], $0x80, $0x38;
	[tilespmem:$0x16C00] =	vst v63  }
0x2b1: {  	s22 =	sadd.s32 $0x60, s5;
	s23 =	simm.s32 $0x12B30  }
0x2b2: {  	[hbm4b:s22+s3] =	stream.linear.scatter [tilespmem:s23], [sflag:$0x7], $0x80, $0x38;
	[tilespmem:$0x16C00] =	vst v63  }
0x2b3: {  	s5 =	sadd.s32 $0x70, s5;
	s22 =	simm.s32 $0x12BB8  }
0x2b4: {  	[hbm4b:s5+s3] =	stream.linear.scatter [tilespmem:s22], [sflag:$0x7], $0x80, $0x38;
	[tilespmem:$0x16C00] =	vst v63  }
0x2b5: {  	s23 =	simm.s32 $0x12C40;
	s5 =	sadd.s32 s18, s7  }
0x2b6: {  	[hbm4b:s5+s3] =	stream.linear.scatter [tilespmem:s23], [sflag:$0x7], $0x80, $0x38;
	[tilespmem:$0x16C00] =	vst v63  }
0x2b7: {  	s22 =	sadd.s32 $0x10, s5;
	s23 =	simm.s32 $0x12CC8  }
0x2b8: {  	[hbm4b:s22+s3] =	stream.linear.scatter [tilespmem:s23], [sflag:$0x7], $0x80, $0x38;
	[tilespmem:$0x16C00] =	vst v63  }
0x2b9: {  	s22 =	sadd.s32 $0x20, s5;
	s23 =	simm.s32 $0x12D50  }
0x2ba: {  	[hbm4b:s22+s3] =	stream.linear.scatter [tilespmem:s23], [sflag:$0x7], $0x80, $0x38;
	[tilespmem:$0x16C00] =	vst v63  }
0x2bb: {  	s22 =	sadd.s32 $0x30, s5;
	s23 =	simm.s32 $0x12DD8  }
0x2bc: {  	[hbm4b:s22+s3] =	stream.linear.scatter [tilespmem:s23], [sflag:$0x7], $0x80, $0x38;
	[tilespmem:$0x16C00] =	vst v63  }
0x2bd: {  	s22 =	sadd.s32 $0x40, s5;
	s23 =	simm.s32 $0x12E60  }
0x2be: {  	[hbm4b:s22+s3] =	stream.linear.scatter [tilespmem:s23], [sflag:$0x7], $0x80, $0x38;
	[tilespmem:$0x16C00] =	vst v63  }
0x2bf: {  	s22 =	sadd.s32 $0x50, s5;
	s23 =	simm.s32 $0x12EE8  }
0x2c0: {  	[hbm4b:s22+s3] =	stream.linear.scatter [tilespmem:s23], [sflag:$0x7], $0x80, $0x38;
	[tilespmem:$0x16C00] =	vst v63  }
0x2c1: {  	s22 =	sadd.s32 $0x60, s5;
	s23 =	simm.s32 $0x12F70  }
0x2c2: {  	[hbm4b:s22+s3] =	stream.linear.scatter [tilespmem:s23], [sflag:$0x7], $0x80, $0x38;
	[tilespmem:$0x16C00] =	vst v63  }
0x2c3: {  	s5 =	sadd.s32 $0x70, s5;
	s22 =	simm.s32 $0x12FF8  }
0x2c4: {  	[hbm4b:s5+s3] =	stream.linear.scatter [tilespmem:s22], [sflag:$0x7], $0x80, $0x38;
	[tilespmem:$0x16C00] =	vst v63  }
0x2c5: {  	s23 =	simm.s32 $0x13080;
	s5 =	sadd.s32 s18, s8  }
0x2c6: {  	[hbm4b:s5+s3] =	stream.linear.scatter [tilespmem:s23], [sflag:$0x7], $0x80, $0x38;
	[tilespmem:$0x16C00] =	vst v63  }
0x2c7: {  	s22 =	sadd.s32 $0x10, s5;
	s23 =	simm.s32 $0x13108  }
0x2c8: {  	[hbm4b:s22+s3] =	stream.linear.scatter [tilespmem:s23], [sflag:$0x7], $0x80, $0x38;
	[tilespmem:$0x16C00] =	vst v63  }
0x2c9: {  	s22 =	sadd.s32 $0x20, s5;
	s23 =	simm.s32 $0x13190  }
0x2ca: {  	[hbm4b:s22+s3] =	stream.linear.scatter [tilespmem:s23], [sflag:$0x7], $0x80, $0x38;
	[tilespmem:$0x16C00] =	vst v63  }
0x2cb: {  	s22 =	sadd.s32 $0x30, s5;
	s23 =	simm.s32 $0x13218  }
0x2cc: {  	[hbm4b:s22+s3] =	stream.linear.scatter [tilespmem:s23], [sflag:$0x7], $0x80, $0x38;
	[tilespmem:$0x16C00] =	vst v63  }
0x2cd: {  	s22 =	sadd.s32 $0x40, s5;
	s23 =	simm.s32 $0x132A0  }
0x2ce: {  	[hbm4b:s22+s3] =	stream.linear.scatter [tilespmem:s23], [sflag:$0x7], $0x80, $0x38;
	[tilespmem:$0x16C00] =	vst v63  }
0x2cf: {  	s22 =	sadd.s32 $0x50, s5;
	s23 =	simm.s32 $0x13328  }
0x2d0: {  	[hbm4b:s22+s3] =	stream.linear.scatter [tilespmem:s23], [sflag:$0x7], $0x80, $0x38;
	[tilespmem:$0x16C00] =	vst v63  }
0x2d1: {  	s22 =	sadd.s32 $0x60, s5;
	s23 =	simm.s32 $0x133B0  }
0x2d2: {  	[hbm4b:s22+s3] =	stream.linear.scatter [tilespmem:s23], [sflag:$0x7], $0x80, $0x38;
	[tilespmem:$0x16C00] =	vst v63  }
0x2d3: {  	s5 =	sadd.s32 $0x70, s5;
	s22 =	simm.s32 $0x13438  }
0x2d4: {  	[hbm4b:s5+s3] =	stream.linear.scatter [tilespmem:s22], [sflag:$0x7], $0x80, $0x38;
	[tilespmem:$0x16C00] =	vst v63  }
0x2d5: {  	s23 =	simm.s32 $0x134C0;
	s5 =	sadd.s32 s18, s9  }
0x2d6: {  	[hbm4b:s5+s3] =	stream.linear.scatter [tilespmem:s23], [sflag:$0x7], $0x80, $0x38;
	[tilespmem:$0x16C00] =	vst v63  }
0x2d7: {  	s22 =	sadd.s32 $0x10, s5;
	s23 =	simm.s32 $0x13548  }
0x2d8: {  	[hbm4b:s22+s3] =	stream.linear.scatter [tilespmem:s23], [sflag:$0x7], $0x80, $0x38;
	[tilespmem:$0x16C00] =	vst v63  }
0x2d9: {  	s22 =	sadd.s32 $0x20, s5;
	s23 =	simm.s32 $0x135D0  }
0x2da: {  	[hbm4b:s22+s3] =	stream.linear.scatter [tilespmem:s23], [sflag:$0x7], $0x80, $0x38;
	[tilespmem:$0x16C00] =	vst v63  }
0x2db: {  	s22 =	sadd.s32 $0x30, s5;
	s23 =	simm.s32 $0x13658  }
0x2dc: {  	[hbm4b:s22+s3] =	stream.linear.scatter [tilespmem:s23], [sflag:$0x7], $0x80, $0x38;
	[tilespmem:$0x16C00] =	vst v63  }
0x2dd: {  	s22 =	sadd.s32 $0x40, s5;
	s23 =	simm.s32 $0x136E0  }
0x2de: {  	[hbm4b:s22+s3] =	stream.linear.scatter [tilespmem:s23], [sflag:$0x7], $0x80, $0x38;
	[tilespmem:$0x16C00] =	vst v63  }
0x2df: {  	s22 =	sadd.s32 $0x50, s5;
	s23 =	simm.s32 $0x13768  }
0x2e0: {  	[hbm4b:s22+s3] =	stream.linear.scatter [tilespmem:s23], [sflag:$0x7], $0x80, $0x38;
	[tilespmem:$0x16C00] =	vst v63  }
0x2e1: {  	s22 =	sadd.s32 $0x60, s5;
	s23 =	simm.s32 $0x137F0  }
0x2e2: {  	[hbm4b:s22+s3] =	stream.linear.scatter [tilespmem:s23], [sflag:$0x7], $0x80, $0x38;
	[tilespmem:$0x16C00] =	vst v63  }
0x2e3: {  	s5 =	sadd.s32 $0x70, s5;
	s22 =	simm.s32 $0x13878  }
0x2e4: {  	[hbm4b:s5+s3] =	stream.linear.scatter [tilespmem:s22], [sflag:$0x7], $0x80, $0x38;
	[tilespmem:$0x16C00] =	vst v63  }
0x2e5: {  	s23 =	simm.s32 $0x13900;
	s5 =	sadd.s32 s18, s10  }
0x2e6: {  	[hbm4b:s5+s3] =	stream.linear.scatter [tilespmem:s23], [sflag:$0x7], $0x80, $0x38;
	[tilespmem:$0x16C00] =	vst v63  }
0x2e7: {  	s22 =	sadd.s32 $0x10, s5;
	s23 =	simm.s32 $0x13988  }
0x2e8: {  	[hbm4b:s22+s3] =	stream.linear.scatter [tilespmem:s23], [sflag:$0x7], $0x80, $0x38;
	[tilespmem:$0x16C00] =	vst v63  }
0x2e9: {  	s22 =	sadd.s32 $0x20, s5;
	s23 =	simm.s32 $0x13A10  }
0x2ea: {  	[hbm4b:s22+s3] =	stream.linear.scatter [tilespmem:s23], [sflag:$0x7], $0x80, $0x38;
	[tilespmem:$0x16C00] =	vst v63  }
0x2eb: {  	s22 =	sadd.s32 $0x30, s5;
	s23 =	simm.s32 $0x13A98  }
0x2ec: {  	[hbm4b:s22+s3] =	stream.linear.scatter [tilespmem:s23], [sflag:$0x7], $0x80, $0x38;
	[tilespmem:$0x16C00] =	vst v63  }
0x2ed: {  	s22 =	sadd.s32 $0x40, s5;
	s23 =	simm.s32 $0x13B20  }
0x2ee: {  	[hbm4b:s22+s3] =	stream.linear.scatter [tilespmem:s23], [sflag:$0x7], $0x80, $0x38;
	[tilespmem:$0x16C00] =	vst v63  }
0x2ef: {  	s22 =	sadd.s32 $0x50, s5;
	s23 =	simm.s32 $0x13BA8  }
0x2f0: {  	[hbm4b:s22+s3] =	stream.linear.scatter [tilespmem:s23], [sflag:$0x7], $0x80, $0x38;
	[tilespmem:$0x16C00] =	vst v63  }
0x2f1: {  	s22 =	sadd.s32 $0x60, s5;
	s23 =	simm.s32 $0x13C30  }
0x2f2: {  	[hbm4b:s22+s3] =	stream.linear.scatter [tilespmem:s23], [sflag:$0x7], $0x80, $0x38;
	[tilespmem:$0x16C00] =	vst v63  }
0x2f3: {  	s5 =	sadd.s32 $0x70, s5;
	s22 =	simm.s32 $0x13CB8  }
0x2f4: {  	[hbm4b:s5+s3] =	stream.linear.scatter [tilespmem:s22], [sflag:$0x7], $0x80, $0x38;
	[tilespmem:$0x16C00] =	vst v63  }
0x2f5: {  	s23 =	simm.s32 $0x13D40;
	s5 =	sadd.s32 s18, s11  }
0x2f6: {  	[hbm4b:s5+s3] =	stream.linear.scatter [tilespmem:s23], [sflag:$0x7], $0x80, $0x38;
	[tilespmem:$0x16C00] =	vst v63  }
0x2f7: {  	s22 =	sadd.s32 $0x10, s5;
	s23 =	simm.s32 $0x13DC8  }
0x2f8: {  	[hbm4b:s22+s3] =	stream.linear.scatter [tilespmem:s23], [sflag:$0x7], $0x80, $0x38;
	[tilespmem:$0x16C00] =	vst v63  }
0x2f9: {  	s22 =	sadd.s32 $0x20, s5;
	s23 =	simm.s32 $0x13E50  }
0x2fa: {  	[hbm4b:s22+s3] =	stream.linear.scatter [tilespmem:s23], [sflag:$0x7], $0x80, $0x38;
	[tilespmem:$0x16C00] =	vst v63  }
0x2fb: {  	s22 =	sadd.s32 $0x30, s5;
	s23 =	simm.s32 $0x13ED8  }
0x2fc: {  	[hbm4b:s22+s3] =	stream.linear.scatter [tilespmem:s23], [sflag:$0x7], $0x80, $0x38;
	[tilespmem:$0x16C00] =	vst v63  }
0x2fd: {  	s22 =	sadd.s32 $0x40, s5;
	s23 =	simm.s32 $0x13F60  }
0x2fe: {  	[hbm4b:s22+s3] =	stream.linear.scatter [tilespmem:s23], [sflag:$0x7], $0x80, $0x38;
	[tilespmem:$0x16C00] =	vst v63  }
0x2ff: {  	s22 =	sadd.s32 $0x50, s5;
	s23 =	simm.s32 $0x13FE8  }
0x300: {  	[hbm4b:s22+s3] =	stream.linear.scatter [tilespmem:s23], [sflag:$0x7], $0x80, $0x38;
	[tilespmem:$0x16C00] =	vst v63  }
0x301: {  	s22 =	sadd.s32 $0x60, s5;
	s23 =	simm.s32 $0x14070  }
0x302: {  	[hbm4b:s22+s3] =	stream.linear.scatter [tilespmem:s23], [sflag:$0x7], $0x80, $0x38;
	[tilespmem:$0x16C00] =	vst v63  }
0x303: {  	s5 =	sadd.s32 $0x70, s5;
	s22 =	simm.s32 $0x140F8  }
0x304: {  	[hbm4b:s5+s3] =	stream.linear.scatter [tilespmem:s22], [sflag:$0x7], $0x80, $0x38;
	[tilespmem:$0x16C00] =	vst v63  }
0x305: {  	s23 =	simm.s32 $0x14180;
	s5 =	sadd.s32 s18, s12  }
0x306: {  	[hbm4b:s5+s3] =	stream.linear.scatter [tilespmem:s23], [sflag:$0x7], $0x80, $0x38;
	[tilespmem:$0x16C00] =	vst v63  }
0x307: {  	s22 =	sadd.s32 $0x10, s5;
	s23 =	simm.s32 $0x14208  }
0x308: {  	[hbm4b:s22+s3] =	stream.linear.scatter [tilespmem:s23], [sflag:$0x7], $0x80, $0x38;
	[tilespmem:$0x16C00] =	vst v63  }
0x309: {  	s22 =	sadd.s32 $0x20, s5;
	s23 =	simm.s32 $0x14290  }
0x30a: {  	[hbm4b:s22+s3] =	stream.linear.scatter [tilespmem:s23], [sflag:$0x7], $0x80, $0x38;
	[tilespmem:$0x16C00] =	vst v63  }
0x30b: {  	s22 =	sadd.s32 $0x30, s5;
	s23 =	simm.s32 $0x14318  }
0x30c: {  	[hbm4b:s22+s3] =	stream.linear.scatter [tilespmem:s23], [sflag:$0x7], $0x80, $0x38;
	[tilespmem:$0x16C00] =	vst v63  }
0x30d: {  	s22 =	sadd.s32 $0x40, s5;
	s23 =	simm.s32 $0x143A0  }
0x30e: {  	[hbm4b:s22+s3] =	stream.linear.scatter [tilespmem:s23], [sflag:$0x7], $0x80, $0x38;
	[tilespmem:$0x16C00] =	vst v63  }
0x30f: {  	s22 =	sadd.s32 $0x50, s5;
	s23 =	simm.s32 $0x14428  }
0x310: {  	[hbm4b:s22+s3] =	stream.linear.scatter [tilespmem:s23], [sflag:$0x7], $0x80, $0x38;
	[tilespmem:$0x16C00] =	vst v63  }
0x311: {  	s22 =	sadd.s32 $0x60, s5;
	s23 =	simm.s32 $0x144B0  }
0x312: {  	[hbm4b:s22+s3] =	stream.linear.scatter [tilespmem:s23], [sflag:$0x7], $0x80, $0x38;
	[tilespmem:$0x16C00] =	vst v63  }
0x313: {  	s5 =	sadd.s32 $0x70, s5;
	s23 =	simm.s32 $0x14538  }
0x314: {  	[hbm4b:s5+s3] =	stream.linear.scatter [tilespmem:s23], [sflag:$0x7], $0x80, $0x38;
	[tilespmem:$0x16C00] =	vst v63  }
0x315: {  	s21 =	simm.s32 $0x145C0;
	s5 =	sadd.s32 s18, s13  }
0x316: {  	[hbm4b:s5+s3] =	stream.linear.scatter [tilespmem:s21], [sflag:$0x7], $0x80, $0x38;
	[tilespmem:$0x16C00] =	vst v63  }
0x317: {  	s23 =	simm.s32 $0x14648;
	s22 =	sadd.s32 $0x10, s5  }
0x318: {  	[hbm4b:s22+s3] =	stream.linear.scatter [tilespmem:s23], [sflag:$0x7], $0x80, $0x38;
	[tilespmem:$0x16C00] =	vst v63  }
0x319: {  	s22 =	sadd.s32 $0x20, s5;
	s23 =	simm.s32 $0x146D0  }
0x31a: {  	[hbm4b:s22+s3] =	stream.linear.scatter [tilespmem:s23], [sflag:$0x7], $0x80, $0x38;
	[tilespmem:$0x16C00] =	vst v63  }
0x31b: {  	s22 =	sadd.s32 $0x30, s5;
	s23 =	simm.s32 $0x14758  }
0x31c: {  	[hbm4b:s22+s3] =	stream.linear.scatter [tilespmem:s23], [sflag:$0x7], $0x80, $0x38;
	[tilespmem:$0x16C00] =	vst v63  }
0x31d: {  	s22 =	sadd.s32 $0x40, s5;
	s23 =	simm.s32 $0x147E0  }
0x31e: {  	[hbm4b:s22+s3] =	stream.linear.scatter [tilespmem:s23], [sflag:$0x7], $0x80, $0x38;
	[tilespmem:$0x16C00] =	vst v63  }
0x31f: {  	s22 =	sadd.s32 $0x50, s5;
	s23 =	simm.s32 $0x14868  }
0x320: {  	[hbm4b:s22+s3] =	stream.linear.scatter [tilespmem:s23], [sflag:$0x7], $0x80, $0x38;
	[tilespmem:$0x16C00] =	vst v63  }
0x321: {  	s21 =	sadd.s32 $0x60, s5;
	s22 =	simm.s32 $0x148F0  }
0x322: {  	[hbm4b:s21+s3] =	stream.linear.scatter [tilespmem:s22], [sflag:$0x7], $0x80, $0x38;
	[tilespmem:$0x16C00] =	vst v63  }
0x323: {  	s5 =	sadd.s32 $0x70, s5;
	s23 =	simm.s32 $0x14978  }
0x324: {  	[hbm4b:s5+s3] =	stream.linear.scatter [tilespmem:s23], [sflag:$0x7], $0x80, $0x38;
	[tilespmem:$0x16C00] =	vst v63  }
0x325: {  	_ =	swait.ge [sflag:s19], $0x2000  }
0x326: {  	s18 =	simm.s32 @!p1 $0x80;
	[sflag:s19] =	ssyncset.done $0x0  }
0x327: {  	s5 =	sadd.s32 @!p1 $0x300, s20;
	s20 =	simm.s32 @!p1 $0xA400;
	[sflag:s19] =	ssyncadd.s32 $0xFFFFE000  }
0x328: {  	[tilespmem:s20], [sflag:$0x3] =	stream.indirect.gather @!p1 [hbm4b:s4+s18], $0x40, s5, s18, $0xb8;
	[tilespmem:$0x16C00] =	vst v63  }
0x329: {  	s5 =	simm.s32 @!p0 $0x8  }
0x32a: {  	_ =	swait.ge @!p0 [sflag:s5], $0x400  }
0x32b: {  	[sflag:s5] =	ssyncset.done @!p0 $0x0  }
0x32c: {  	[sflag:s5] =	ssyncadd.s32 @!p0 $0xFFFFFC00  }
0x32d: {  	_ =	swait.ge @!p0 [sflag:s5], $0x400  }
0x32e: {  	[sflag:s5] =	ssyncset.done @!p0 $0x0  }
0x32f: {  	[sflag:s5] =	ssyncadd.s32 @!p0 $0xFFFFFC00  }
0x330: {  	_ =	swait.ge @!p0 [sflag:s5], $0x400  }
0x331: {  	[sflag:s5] =	ssyncset.done @!p0 $0x0  }
0x332: {  	[sflag:s5] =	ssyncadd.s32 @!p0 $0xFFFFFC00  }
0x333: {  	_ =	swait.ge @!p0 [sflag:s5], $0x400  }
0x334: {  	[sflag:s5] =	ssyncset.done @!p0 $0x0  }
0x335: {  	[sflag:s5] =	ssyncadd.s32 @!p0 $0xFFFFFC00  }
0x336: {  	_ =	swait.ge @!p0 [sflag:s5], $0x400  }
0x337: {  	[sflag:s5] =	ssyncset.done @!p0 $0x0  }
0x338: {  	[sflag:s5] =	ssyncadd.s32 @!p0 $0xFFFFFC00  }
0x339: {  	s21 =	simm.s32 $0x1;
	_ =	swait.ge @!p0 [sflag:s5], $0x400  }
0x33a: {  	s22 =	simm.s32 $0x2;
	v51 =	vmov s21;
	s21 =	simm.s32 $0x7;
	[sflag:s5] =	ssyncset.done @!p0 $0x0  }
0x33b: {  	v52 =	vmov s22;
	s22 =	simm.s32 $0x5;
	v55 =	vmov s21;
	[sflag:s5] =	ssyncadd.s32 @!p0 $0xFFFFFC00  }
0x33c: {  	s23 =	simm.s32 $0x3;
	v39 =	vmov s22;
	v34 =	vshrl.u32 v51, $0x3;
	v35 =	vshrl.u32 v52, $0x3;
	_ =	swait.ge @!p0 [sflag:s5], $0x400  }
0x33d: {  	v53 =	vmov s23;
	s23 =	simm.s32 $0x6;
	v38 =	vshrl.u32 v55, $0x3;
	v34 =	vshll.u32 v34, v1;
	[sflag:s5] =	ssyncset.done @!p0 $0x0  }
0x33e: {  	v56 =	vshll.u32 v35, v1;
	v55 =	vshrl.u32 v39, $0x3;
	v40 =	vmov s23;
	[sflag:s5] =	ssyncadd.s32 @!p0 $0xFFFFFC00  }
0x33f: {  	v38 =	vshll.u32 v38, v1;
	v36 =	vshrl.u32 v53, $0x3;
	v45 =	vbroadcast v34, $0x0;
	s20 =	simm.s32 $0x0;
	_ =	swait.ge @!p0 [sflag:s5], $0x400  }
0x340: {  	v52 =	vbroadcast v56, $0x0;
	v38 =	vbroadcast v38, $0x0;
	v50 =	vmov s20;
	[sflag:s5] =	ssyncset.done @!p0 $0x0  }
0x341: {  	v58 =	vshll.u32 v36, v1;
	v36 =	vshll.u32 v55, v1;
	s18 =	simm.s32 $0xC500;
	s20 =	simm.s32 $0x4;
	v33 =	vshrl.u32 v50, $0x3;
	[sflag:s5] =	ssyncadd.s32 @!p0 $0xFFFFFC00  }
0x342: {  	v42 =	vadd.s32 v29, v38;
	v54 =	vmov s20;
	v33 =	vshll.u32 v33, v1;
	v41 =	vld [tilespmem:s18+$0xC0]  }
0x343: {  	v60 =	vadd.s32 v5, v45;
	v37 =	vshrl.u32 v54, $0x3;
	v33 =	vbroadcast v33, $0x0;
	v59 =	vld [tilespmem:s18+$0xFFFFFF40]  }
0x344: {  	v35 =	vbroadcast v58, $0x0;
	v63 =	vadd.s32 v9, v52;
	v61 =	vshll.u32 v37, v1;
	v62 =	vld [tilespmem:s18+$0xFFFFFF80]  }
0x345: {  	v40 =	vshrl.u32 v40, $0x3;
	v34 =	vbroadcast v61, $0x0;
	v57 =	vadd.s32 v0, v33;
	v43 =	vld [tilespmem:s18+$0xFFFFFF00]  }
0x346: {  	v56 =	vshll.u32 v40, v1;
	v50 =	vadd.s32 v13, v35;
	v37 =	vbroadcast v36, $0x0;
	v39 =	vld [tilespmem:s18+$0xFFFFFFC0]  }
0x347: {  	v36 =	vbroadcast v56, $0x0;
	v53 =	vadd.s32 v17, v34;
	v51 =	vld [tilespmem:s18+$0x0];
	[tilespmem:v42+s25+$0x0] =	vst.idx.msk $0xffff, v41  }
0x348: {  	[tilespmem:v60+s25+$0x0] =	vst.idx.msk $0xffff, v59;
	v59 =	vld [tilespmem:s18+$0x40];
	v60 =	vadd.s32 v21, v37  }
0x349: {  	v61 =	vld [tilespmem:s18+$0x80];
	[tilespmem:v63+s25+$0x0] =	vst.idx.msk $0xffff, v62;
	v62 =	vadd.s32 v25, v36  }
0x34a: {  	v58 =	vadd.s32 v30, v38;
	[tilespmem:v57+s25+$0x0] =	vst.idx.msk $0xffff, v43;
	v57 =	vld [tilespmem:s18+$0xD0]  }
0x34b: {  	v63 =	vadd.s32 v6, v45;
	[tilespmem:v50+s25+$0x0] =	vst.idx.msk $0xffff, v39;
	v47 =	vld [tilespmem:s18+$0xFFFFFF50]  }
0x34c: {  	v55 =	vadd.s32 v10, v52;
	[tilespmem:v53+s25+$0x0] =	vst.idx.msk $0xffff, v51;
	v54 =	vld [tilespmem:s18+$0xFFFFFF90]  }
0x34d: {  	v56 =	vadd.s32 v14, v35;
	v50 =	vld [tilespmem:s18+$0xFFFFFFD0];
	[tilespmem:v60+s25+$0x0] =	vst.idx.msk $0xffff, v59  }
0x34e: {  	[tilespmem:v62+s25+$0x0] =	vst.idx.msk $0xffff, v61;
	v61 =	vld [tilespmem:s18+$0xFFFFFF10];
	v62 =	vadd.s32 v2, v33  }
0x34f: {  	v59 =	vadd.s32 v18, v34;
	[tilespmem:v58+s25+$0x0] =	vst.idx.msk $0xffff, v57;
	v58 =	vld [tilespmem:s18+$0x10]  }
0x350: {  	v57 =	vadd.s32 v31, v38;
	[tilespmem:v63+s25+$0x0] =	vst.idx.msk $0xffff, v47;
	v40 =	vld [tilespmem:s18+$0xE0]  }
0x351: {  	v46 =	vadd.s32 v22, v37;
	v44 =	vld [tilespmem:s18+$0x50];
	[tilespmem:v55+s25+$0x0] =	vst.idx.msk $0xffff, v54  }
0x352: {  	v60 =	vadd.s32 v26, v36;
	v63 =	vld [tilespmem:s18+$0x90];
	[tilespmem:v56+s25+$0x0] =	vst.idx.msk $0xffff, v50  }
0x353: {  	v51 =	vadd.s32 v7, v45;
	v50 =	vld [tilespmem:s18+$0xFFFFFF60];
	[tilespmem:v62+s25+$0x0] =	vst.idx.msk $0xffff, v61  }
0x354: {  	v56 =	vadd.s32 v11, v52;
	v55 =	vld [tilespmem:s18+$0xFFFFFFA0];
	[tilespmem:v59+s25+$0x0] =	vst.idx.msk $0xffff, v58  }
0x355: {  	v58 =	vadd.s32 v15, v35;
	[tilespmem:v57+s25+$0x0] =	vst.idx.msk $0xffff, v40;
	v57 =	vld [tilespmem:s18+$0xFFFFFFE0]  }
0x356: {  	v38 =	vadd.s32 v32, v38;
	[tilespmem:v46+s25+$0x0] =	vst.idx.msk $0xffff, v44;
	v54 =	vld [tilespmem:s18+$0xF0]  }
0x357: {  	s21 =	simm.s32 $0x9;
	[tilespmem:v60+s25+$0x0] =	vst.idx.msk $0xffff, v63;
	v60 =	vadd.s32 v19, v34;
	v59 =	vld [tilespmem:s18+$0x20]  }
0x358: {  	v41 =	vadd.s32 v23, v37;
	v53 =	vmov s21;
	s21 =	simm.s32 $0xC;
	[tilespmem:v51+s25+$0x0] =	vst.idx.msk $0xffff, v50;
	v40 =	vld [tilespmem:s18+$0x60]  }
0x359: {  	s23 =	simm.s32 $0xB;
	s20 =	simm.s32 $0x8;
	v48 =	vadd.s32 v3, v33;
	v43 =	vadd.s32 v27, v36;
	v47 =	vmov s21;
	v42 =	vld [tilespmem:s18+$0xA0];
	[tilespmem:v56+s25+$0x0] =	vst.idx.msk $0xffff, v55  }
0x35a: {  	s22 =	simm.s32 $0xA;
	v52 =	vadd.s32 v12, v52;
	v63 =	vmov s20;
	v44 =	vmov s23;
	v46 =	vld [tilespmem:s18+$0xFFFFFF20];
	[tilespmem:v58+s25+$0x0] =	vst.idx.msk $0xffff, v57  }
0x35b: {  	s23 =	simm.s32 $0xE;
	v39 =	vshrl.u32 v63, $0x3;
	v51 =	vadd.s32 v8, v45;
	v49 =	vld [tilespmem:s18+$0xFFFFFF70];
	[tilespmem:v38+s25+$0x0] =	vst.idx.msk $0xffff, v54;
	v54 =	vmov s22;
	s22 =	simm.s32 $0xD  }
0x35c: {  	s21 =	simm.s32 $0xF;
	s20 =	simm.s32 $0x10;
	v45 =	vshll.u32 v39, v1;
	v39 =	vmov s23;
	v50 =	vld [tilespmem:s18+$0xFFFFFFB0];
	[tilespmem:v60+s25+$0x0] =	vst.idx.msk $0xffff, v59;
	v38 =	vmov s22  }
.LBB2_9:
0x35d: {  	p0 =	slt.u32 s20, $0x78;
	v53 =	vshrl.u32 v53, $0x3;
	v55 =	vmov s21;
	v56 =	vld [tilespmem:s18+$0xFFFFFFF0];
	v35 =	vadd.s32 v16, v35;
	[tilespmem:v41+s25+$0x0] =	vst.idx.msk $0xffff, v40  }
0x35e: {  	v40 =	vshrl.u32 v54, $0x3;
	v34 =	vadd.s32 v20, v34;
	v41 =	vshrl.u32 v55, $0x3;
	v54 =	vld [tilespmem:s18+$0x30];
	[tilespmem:v43+s25+$0x0] =	vst.idx.msk $0xffff, v42  }
0x35f: {  	v37 =	vadd.s32 v24, v37;
	v42 =	vshrl.u32 v44, $0x3;
	v41 =	vshll.u32 v41, v1;
	[tilespmem:v48+s25+$0x0] =	vst.idx.msk $0xffff, v46;
	v43 =	vld [tilespmem:s18+$0x70]  }
0x360: {  	v36 =	vadd.s32 v28, v36;
	v44 =	vshrl.u32 v47, $0x3;
	v41 =	vbroadcast v41, $0x0;
	[tilespmem:v51+s25+$0x0] =	vst.idx.msk $0xffff, v49;
	v46 =	vld [tilespmem:s18+$0xB0]  }
0x361: {  	v47 =	vshll.u32 v53, v1;
	v49 =	vadd.s32 v4, v33;
	v33 =	vbroadcast v45, $0x0;
	v48 =	vld [tilespmem:s18+$0xFFFFFF30];
	[tilespmem:v52+s25+$0x0] =	vst.idx.msk $0xffff, v50;
	s18 =	sadd.s32 $0x200, s18  }
0x362: {  	v40 =	vshll.u32 v40, v1;
	v45 =	vbroadcast v47, $0x0;
	v47 =	vld [tilespmem:s18+$0xC0];
	v50 =	vadd.s32 v29, v41;
	[tilespmem:v35+s25+$0x0] =	vst.idx.msk $0xffff, v56  }
0x363: {  	v55 =	vbroadcast v40, $0x0;
	v52 =	vadd.s32 v0, v33;
	v35 =	vshll.u32 v42, v1;
	v51 =	vld [tilespmem:s18+$0xFFFFFF00];
	[tilespmem:v34+s25+$0x0] =	vst.idx.msk $0xffff, v54  }
0x364: {  	v42 =	vadd.s32 v5, v45;
	v35 =	vbroadcast v35, $0x0;
	v34 =	vshll.u32 v44, v1;
	v40 =	vld [tilespmem:s18+$0xFFFFFF40];
	[tilespmem:v37+s25+$0x0] =	vst.idx.msk $0xffff, v43  }
0x365: {  	v44 =	vadd.s32 v9, v55;
	v34 =	vbroadcast v34, $0x0;
	v37 =	vshrl.u32 v38, $0x3;
	v43 =	vld [tilespmem:s18+$0xFFFFFF80];
	[tilespmem:v36+s25+$0x0] =	vst.idx.msk $0xffff, v46  }
0x366: {  	v39 =	vshrl.u32 v39, $0x3;
	v46 =	vadd.s32 v13, v35;
	v36 =	vshll.u32 v37, v1;
	v38 =	vld [tilespmem:s18+$0xFFFFFFC0];
	[tilespmem:v49+s25+$0x0] =	vst.idx.msk $0xffff, v48  }
0x367: {  	v49 =	vadd.s32 v17, v34;
	v37 =	vbroadcast v36, $0x0;
	v36 =	vshll.u32 v39, v1;
	v48 =	vld [tilespmem:s18+$0x0];
	[tilespmem:v50+s25+$0x0] =	vst.idx.msk $0xffff, v47  }
0x368: {  	v36 =	vbroadcast v36, $0x0;
	v47 =	vadd.s32 v30, v41;
	[tilespmem:v52+s25+$0x0] =	vst.idx.msk $0xffff, v51;
	v39 =	vld [tilespmem:s18+$0xD0]  }
0x369: {  	[tilespmem:v42+s25+$0x0] =	vst.idx.msk $0xffff, v40;
	v40 =	vld [tilespmem:s18+$0x40];
	v42 =	vadd.s32 v21, v37  }
0x36a: {  	[tilespmem:v44+s25+$0x0] =	vst.idx.msk $0xffff, v43;
	v43 =	vld [tilespmem:s18+$0x80];
	v44 =	vadd.s32 v25, v36  }
0x36b: {  	v51 =	vadd.s32 v6, v45;
	v50 =	vld [tilespmem:s18+$0xFFFFFF50];
	[tilespmem:v46+s25+$0x0] =	vst.idx.msk $0xffff, v38  }
0x36c: {  	v46 =	vadd.s32 v10, v55;
	v38 =	vld [tilespmem:s18+$0xFFFFFF90];
	[tilespmem:v49+s25+$0x0] =	vst.idx.msk $0xffff, v48  }
0x36d: {  	v49 =	vadd.s32 v14, v35;
	v48 =	vld [tilespmem:s18+$0xFFFFFFD0];
	[tilespmem:v47+s25+$0x0] =	vst.idx.msk $0xffff, v39  }
0x36e: {  	[tilespmem:v42+s25+$0x0] =	vst.idx.msk $0xffff, v40;
	v39 =	vld [tilespmem:s18+$0xE0];
	v40 =	vadd.s32 v31, v41  }
0x36f: {  	v47 =	vadd.s32 v18, v34;
	v42 =	vld [tilespmem:s18+$0x10];
	[tilespmem:v44+s25+$0x0] =	vst.idx.msk $0xffff, v43  }
0x370: {  	v44 =	vadd.s32 v22, v37;
	[tilespmem:v51+s25+$0x0] =	vst.idx.msk $0xffff, v50;
	v43 =	vld [tilespmem:s18+$0x50]  }
0x371: {  	[tilespmem:v46+s25+$0x0] =	vst.idx.msk $0xffff, v38;
	v38 =	vld [tilespmem:s18+$0x90];
	v46 =	vadd.s32 v26, v36  }
0x372: {  	v51 =	vadd.s32 v2, v33;
	v50 =	vld [tilespmem:s18+$0xFFFFFF10];
	[tilespmem:v49+s25+$0x0] =	vst.idx.msk $0xffff, v48  }
0x373: {  	v49 =	vadd.s32 v7, v45;
	v48 =	vld [tilespmem:s18+$0xFFFFFF60];
	[tilespmem:v40+s25+$0x0] =	vst.idx.msk $0xffff, v39  }
0x374: {  	[tilespmem:v47+s25+$0x0] =	vst.idx.msk $0xffff, v42;
	v39 =	vld [tilespmem:s18+$0xF0];
	v47 =	vadd.s32 v32, v41  }
0x375: {  	v56 =	vadd.s32 v11, v55;
	v52 =	vld [tilespmem:s18+$0xFFFFFFA0];
	[tilespmem:v44+s25+$0x0] =	vst.idx.msk $0xffff, v43  }
0x376: {  	v58 =	vadd.s32 v15, v35;
	v57 =	vld [tilespmem:s18+$0xFFFFFFE0];
	[tilespmem:v46+s25+$0x0] =	vst.idx.msk $0xffff, v38  }
0x377: {  	v60 =	vadd.s32 v19, v34;
	[tilespmem:v51+s25+$0x0] =	vst.idx.msk $0xffff, v50;
	v59 =	vld [tilespmem:s18+$0x20]  }
.Ltmp3:
0x378: {  	s5 =	sadd.s32 $0x1, s20;
	v41 =	vadd.s32 v23, v37;
	v38 =	vmov s20;
	[tilespmem:v49+s25+$0x0] =	vst.idx.msk $0xffff, v48;
	v40 =	vld [tilespmem:s18+$0x60];
	(pc) =	sbr.rel @p0 .LBB2_9-.Ltmp3, $4  }
0x379: {  	s21 =	sadd.s32 $0x3, s20;
	v53 =	vmov s5;
	s5 =	sadd.s32 $0x2, s20;
	v43 =	vadd.s32 v27, v36;
	v50 =	vshrl.u32 v38, $0x3;
	v42 =	vld [tilespmem:s18+$0xA0];
	[tilespmem:v47+s25+$0x0] =	vst.idx.msk $0xffff, v39  }
0x37a: {  	v54 =	vmov s5;
	s5 =	sadd.s32 $0x4, s20;
	v44 =	vmov s21;
	s21 =	sadd.s32 $0x5, s20;
	v48 =	vadd.s32 v3, v33;
	v46 =	vld [tilespmem:s18+$0xFFFFFF20];
	[tilespmem:v56+s25+$0x0] =	vst.idx.msk $0xffff, v52  }
0x37b: {  	v38 =	vmov s21;
	v51 =	vadd.s32 v8, v45;
	v47 =	vmov s5;
	s5 =	sadd.s32 $0x6, s20;
	v49 =	vld [tilespmem:s18+$0xFFFFFF70];
	[tilespmem:v58+s25+$0x0] =	vst.idx.msk $0xffff, v57  }
0x37c: {  	s21 =	sadd.s32 $0x7, s20;
	v45 =	vshll.u32 v50, v1;
	s20 =	sadd.s32 $0x8, s20;
	v39 =	vmov s5;
	v52 =	vadd.s32 v12, v55;
	v50 =	vld [tilespmem:s18+$0xFFFFFFB0];
	[tilespmem:v60+s25+$0x0] =	vst.idx.msk $0xffff, v59  }
0x37d: {  	_ =	sdelay $0x2  }
0x37e: {  	v53 =	vshrl.u32 v53, $0x3  }
0x37f: {  	v55 =	vmov s21;
	v56 =	vld [tilespmem:s18+$0xFFFFFFF0];
	v35 =	vadd.s32 v16, v35;
	[tilespmem:v41+s25+$0x0] =	vst.idx.msk $0xffff, v40;
	v57 =	vshrl.u32 v54, $0x3  }
0x380: {  	v59 =	vld [tilespmem:s18+$0x30];
	v34 =	vadd.s32 v20, v34;
	v60 =	vshrl.u32 v44, $0x3;
	v58 =	vshrl.u32 v55, $0x3;
	[tilespmem:v43+s25+$0x0] =	vst.idx.msk $0xffff, v42  }
0x381: {  	v37 =	vadd.s32 v24, v37;
	v62 =	vshrl.u32 v47, $0x3;
	v61 =	vld [tilespmem:s18+$0x70];
	v41 =	vshll.u32 v58, v1;
	[tilespmem:v48+s25+$0x0] =	vst.idx.msk $0xffff, v46  }
0x382: {  	v36 =	vadd.s32 v28, v36;
	v45 =	vbroadcast v45, $0x0;
	v63 =	vld [tilespmem:s18+$0xB0];
	v41 =	vbroadcast v41, $0x0;
	[tilespmem:v51+s25+$0x0] =	vst.idx.msk $0xffff, v49  }
0x383: {  	v33 =	vadd.s32 v4, v33;
	s22 =	sadd.s32 $0x200, s18;
	v38 =	vshrl.u32 v38, $0x3;
	v55 =	vshll.u32 v53, v1;
	v48 =	vld [tilespmem:s18+$0xFFFFFF30];
	[tilespmem:v52+s25+$0x0] =	vst.idx.msk $0xffff, v50  }
0x384: {  	v40 =	vshll.u32 v57, v1;
	v47 =	vbroadcast v55, $0x0;
	v49 =	vld [tilespmem:s22+$0xC0];
	v50 =	vadd.s32 v29, v41;
	[tilespmem:v35+s25+$0x0] =	vst.idx.msk $0xffff, v56  }
0x385: {  	v42 =	vshll.u32 v60, v1;
	v40 =	vbroadcast v40, $0x0;
	v35 =	vld [tilespmem:s22+$0xFFFFFF00];
	v56 =	vadd.s32 v0, v45;
	[tilespmem:v34+s25+$0x0] =	vst.idx.msk $0xffff, v59  }
0x386: {  	v57 =	vld [tilespmem:s22+$0xFFFFFF40];
	v44 =	vshll.u32 v62, v1;
	v42 =	vbroadcast v42, $0x0;
	v58 =	vadd.s32 v5, v47;
	[tilespmem:v37+s25+$0x0] =	vst.idx.msk $0xffff, v61  }
0x387: {  	v38 =	vshll.u32 v38, v1;
	v44 =	vbroadcast v44, $0x0;
	v60 =	vadd.s32 v9, v40;
	v59 =	vld [tilespmem:s22+$0xFFFFFF80];
	[tilespmem:v36+s25+$0x0] =	vst.idx.msk $0xffff, v63  }
0x388: {  	v38 =	vbroadcast v38, $0x0;
	v62 =	vadd.s32 v13, v42;
	v61 =	vld [tilespmem:s22+$0xFFFFFFC0];
	[tilespmem:v33+s25+$0x0] =	vst.idx.msk $0xffff, v48  }
0x389: {  	v39 =	vshrl.u32 v39, $0x3;
	v63 =	vadd.s32 v17, v44;
	v33 =	vld [tilespmem:s22+$0x0];
	[tilespmem:v50+s25+$0x0] =	vst.idx.msk $0xffff, v49  }
0x38a: {  	v39 =	vshll.u32 v39, v1;
	v34 =	vld [tilespmem:s22+$0x40];
	[tilespmem:v56+s25+$0x0] =	vst.idx.msk $0xffff, v35;
	v56 =	vadd.s32 v21, v38  }
0x38b: {  	[tilespmem:v58+s25+$0x0] =	vst.idx.msk $0xffff, v57;
	v35 =	vbroadcast v39, $0x0;
	v49 =	vadd.s32 v30, v41;
	v39 =	vld [tilespmem:s22+$0xD0]  }
0x38c: {  	[tilespmem:v60+s25+$0x0] =	vst.idx.msk $0xffff, v59;
	v59 =	vld [tilespmem:s22+$0xFFFFFF50];
	v60 =	vadd.s32 v6, v47  }
0x38d: {  	v57 =	vld [tilespmem:s22+$0x80];
	[tilespmem:v62+s25+$0x0] =	vst.idx.msk $0xffff, v61;
	v58 =	vadd.s32 v25, v35  }
0x38e: {  	v61 =	vld [tilespmem:s22+$0xFFFFFF90];
	v62 =	vadd.s32 v10, v40;
	[tilespmem:v63+s25+$0x0] =	vst.idx.msk $0xffff, v33  }
0x38f: {  	v33 =	vld [tilespmem:s22+$0xFFFFFFD0];
	v63 =	vadd.s32 v14, v42;
	[tilespmem:v56+s25+$0x0] =	vst.idx.msk $0xffff, v34  }
0x390: {  	v56 =	vadd.s32 v18, v44;
	[tilespmem:v49+s25+$0x0] =	vst.idx.msk $0xffff, v39;
	v49 =	vld [tilespmem:s22+$0x10]  }
0x391: {  	[tilespmem:v60+s25+$0x0] =	vst.idx.msk $0xffff, v59;
	v39 =	vadd.s32 v31, v41;
	v34 =	vld [tilespmem:s22+$0xE0]  }
0x392: {  	[tilespmem:v58+s25+$0x0] =	vst.idx.msk $0xffff, v57;
	v57 =	vld [tilespmem:s22+$0x50];
	v58 =	vadd.s32 v22, v38  }
0x393: {  	[tilespmem:v62+s25+$0x0] =	vst.idx.msk $0xffff, v61;
	v61 =	vld [tilespmem:s22+$0xFFFFFF10];
	v62 =	vadd.s32 v2, v45  }
0x394: {  	v60 =	vadd.s32 v26, v35;
	v59 =	vld [tilespmem:s22+$0x90];
	[tilespmem:v63+s25+$0x0] =	vst.idx.msk $0xffff, v33  }
0x395: {  	v55 =	vadd.s32 v11, v40;
	v54 =	vadd.s32 v32, v41;
	v41 =	vld [tilespmem:s22+$0xFFFFFFA0];
	[tilespmem:v56+s25+$0x0] =	vst.idx.msk $0xffff, v49  }
0x396: {  	v53 =	vadd.s32 v7, v47;
	v63 =	vld [tilespmem:s22+$0xFFFFFF60];
	[tilespmem:v39+s25+$0x0] =	vst.idx.msk $0xffff, v34  }
0x397: {  	v56 =	vld [tilespmem:s22+$0xFFFFFFE0];
	[tilespmem:v58+s25+$0x0] =	vst.idx.msk $0xffff, v57;
	v57 =	vadd.s32 v15, v42  }
0x398: {  	[tilespmem:v62+s25+$0x0] =	vst.idx.msk $0xffff, v61;
	v34 =	vld [tilespmem:s22+$0xF0]  }
0x399: {  	v58 =	vld [tilespmem:s22+$0x20];
	[tilespmem:v60+s25+$0x0] =	vst.idx.msk $0xffff, v59;
	v59 =	vadd.s32 v19, v44  }
0x39a: {  	v61 =	vadd.s32 v23, v38;
	[tilespmem:v55+s25+$0x0] =	vst.idx.msk $0xffff, v41;
	v60 =	vld [tilespmem:s22+$0x60]  }
0x39b: {  	[tilespmem:v53+s25+$0x0] =	vst.idx.msk $0xffff, v63;
	v63 =	vadd.s32 v27, v35;
	v62 =	vld [tilespmem:s22+$0xA0]  }
0x39c: {  	v47 =	vadd.s32 v8, v47;
	v55 =	vld [tilespmem:s22+$0xFFFFFF70];
	[tilespmem:v57+s25+$0x0] =	vst.idx.msk $0xffff, v56  }
0x39d: {  	v53 =	vld [tilespmem:s22+$0xFFFFFF20];
	[tilespmem:v54+s25+$0x0] =	vst.idx.msk $0xffff, v34;
	v54 =	vadd.s32 v3, v45  }
0x39e: {  	v40 =	vadd.s32 v12, v40;
	v56 =	vld [tilespmem:s22+$0xFFFFFFB0];
	[tilespmem:v59+s25+$0x0] =	vst.idx.msk $0xffff, v58  }
0x39f: {  	v42 =	vadd.s32 v16, v42;
	v57 =	vld [tilespmem:s22+$0xFFFFFFF0];
	[tilespmem:v61+s25+$0x0] =	vst.idx.msk $0xffff, v60  }
0x3a0: {  	v59 =	vadd.s32 v20, v44;
	v58 =	vld [tilespmem:s22+$0x30];
	[tilespmem:v63+s25+$0x0] =	vst.idx.msk $0xffff, v62  }
0x3a1: {  	v38 =	vadd.s32 v24, v38;
	v60 =	vld [tilespmem:s22+$0x70];
	[tilespmem:v47+s25+$0x0] =	vst.idx.msk $0xffff, v55  }
0x3a2: {  	v35 =	vadd.s32 v28, v35;
	v61 =	vld [tilespmem:s22+$0xB0];
	[tilespmem:v54+s25+$0x0] =	vst.idx.msk $0xffff, v53  }
0x3a3: {  	v63 =	vadd.s32 v4, v45;
	[tilespmem:v40+s25+$0x0] =	vst.idx.msk $0xffff, v56;
	v62 =	vld [tilespmem:s22+$0xFFFFFF30]  }
0x3a4: {  	[tilespmem:v42+s25+$0x0] =	vst.idx.msk $0xffff, v57  }
0x3a5: {  	[tilespmem:v59+s25+$0x0] =	vst.idx.msk $0xffff, v58  }
0x3a6: {  	s1 =	sshll.u32 s1, $0xF;
	[tilespmem:v38+s25+$0x0] =	vst.idx.msk $0xffff, v60  }
0x3a7: {  	s1 =	sor.u32 s6, s1;
	[tilespmem:v35+s25+$0x0] =	vst.idx.msk $0xffff, v61  }
0x3a8: {  	s5 =	sadd.s32 s2, s1;
	[tilespmem:v63+s25+$0x0] =	vst.idx.msk $0xffff, v62  }
0x3a9: {  	[hbm4b:s5+s3] =	stream.linear.scatter [tilespmem:s25], [sflag:$0x8], $0x80, $0x38;
	[tilespmem:$0x16C00] =	vst v63  }
0x3aa: {  	s20 =	simm.s32 $0x14A88;
	s23 =	sadd.s32 $0x10, s5  }
0x3ab: {  	[hbm4b:s23+s3] =	stream.linear.scatter [tilespmem:s20], [sflag:$0x8], $0x80, $0x38;
	[tilespmem:$0x16C00] =	vst v63  }
0x3ac: {  	s21 =	simm.s32 $0x14B10;
	s20 =	sadd.s32 $0x20, s5  }
0x3ad: {  	[hbm4b:s20+s3] =	stream.linear.scatter [tilespmem:s21], [sflag:$0x8], $0x80, $0x38;
	[tilespmem:$0x16C00] =	vst v63  }
0x3ae: {  	s22 =	sadd.s32 $0x30, s5;
	s23 =	simm.s32 $0x14B98  }
0x3af: {  	[hbm4b:s22+s3] =	stream.linear.scatter [tilespmem:s23], [sflag:$0x8], $0x80, $0x38;
	[tilespmem:$0x16C00] =	vst v63  }
0x3b0: {  	s20 =	sadd.s32 $0x40, s5;
	s21 =	simm.s32 $0x14C20  }
0x3b1: {  	[hbm4b:s20+s3] =	stream.linear.scatter [tilespmem:s21], [sflag:$0x8], $0x80, $0x38;
	[tilespmem:$0x16C00] =	vst v63  }
0x3b2: {  	s22 =	sadd.s32 $0x50, s5;
	s23 =	simm.s32 $0x14CA8  }
0x3b3: {  	[hbm4b:s22+s3] =	stream.linear.scatter [tilespmem:s23], [sflag:$0x8], $0x80, $0x38;
	[tilespmem:$0x16C00] =	vst v63  }
0x3b4: {  	s20 =	sadd.s32 $0x60, s5;
	s21 =	simm.s32 $0x14D30  }
0x3b5: {  	[hbm4b:s20+s3] =	stream.linear.scatter [tilespmem:s21], [sflag:$0x8], $0x80, $0x38;
	[tilespmem:$0x16C00] =	vst v63  }
0x3b6: {  	s5 =	sadd.s32 $0x70, s5;
	s22 =	simm.s32 $0x14DB8  }
0x3b7: {  	[hbm4b:s5+s3] =	stream.linear.scatter [tilespmem:s22], [sflag:$0x8], $0x80, $0x38;
	[tilespmem:$0x16C00] =	vst v63  }
0x3b8: {  	s23 =	simm.s32 $0x14E40;
	s5 =	sadd.s32 s1, s7  }
0x3b9: {  	[hbm4b:s5+s3] =	stream.linear.scatter [tilespmem:s23], [sflag:$0x8], $0x80, $0x38;
	[tilespmem:$0x16C00] =	vst v63  }
0x3ba: {  	s21 =	simm.s32 $0x14EC8;
	s20 =	sadd.s32 $0x10, s5  }
0x3bb: {  	[hbm4b:s20+s3] =	stream.linear.scatter [tilespmem:s21], [sflag:$0x8], $0x80, $0x38;
	[tilespmem:$0x16C00] =	vst v63  }
0x3bc: {  	s22 =	sadd.s32 $0x20, s5;
	s23 =	simm.s32 $0x14F50  }
0x3bd: {  	[hbm4b:s22+s3] =	stream.linear.scatter [tilespmem:s23], [sflag:$0x8], $0x80, $0x38;
	[tilespmem:$0x16C00] =	vst v63  }
0x3be: {  	s20 =	sadd.s32 $0x30, s5;
	s21 =	simm.s32 $0x14FD8  }
0x3bf: {  	[hbm4b:s20+s3] =	stream.linear.scatter [tilespmem:s21], [sflag:$0x8], $0x80, $0x38;
	[tilespmem:$0x16C00] =	vst v63  }
0x3c0: {  	s22 =	sadd.s32 $0x40, s5;
	s23 =	simm.s32 $0x15060  }
0x3c1: {  	[hbm4b:s22+s3] =	stream.linear.scatter [tilespmem:s23], [sflag:$0x8], $0x80, $0x38;
	[tilespmem:$0x16C00] =	vst v63  }
0x3c2: {  	s20 =	sadd.s32 $0x50, s5;
	s21 =	simm.s32 $0x150E8  }
0x3c3: {  	[hbm4b:s20+s3] =	stream.linear.scatter [tilespmem:s21], [sflag:$0x8], $0x80, $0x38;
	[tilespmem:$0x16C00] =	vst v63  }
0x3c4: {  	s22 =	sadd.s32 $0x60, s5;
	s23 =	simm.s32 $0x15170  }
0x3c5: {  	[hbm4b:s22+s3] =	stream.linear.scatter [tilespmem:s23], [sflag:$0x8], $0x80, $0x38;
	[tilespmem:$0x16C00] =	vst v63  }
0x3c6: {  	s5 =	sadd.s32 $0x70, s5;
	s20 =	simm.s32 $0x151F8  }
0x3c7: {  	[hbm4b:s5+s3] =	stream.linear.scatter [tilespmem:s20], [sflag:$0x8], $0x80, $0x38;
	[tilespmem:$0x16C00] =	vst v63  }
0x3c8: {  	s21 =	simm.s32 $0x15280;
	s5 =	sadd.s32 s1, s8  }
0x3c9: {  	[hbm4b:s5+s3] =	stream.linear.scatter [tilespmem:s21], [sflag:$0x8], $0x80, $0x38;
	[tilespmem:$0x16C00] =	vst v63  }
0x3ca: {  	s23 =	simm.s32 $0x15308;
	s22 =	sadd.s32 $0x10, s5  }
0x3cb: {  	[hbm4b:s22+s3] =	stream.linear.scatter [tilespmem:s23], [sflag:$0x8], $0x80, $0x38;
	[tilespmem:$0x16C00] =	vst v63  }
0x3cc: {  	s20 =	sadd.s32 $0x20, s5;
	s21 =	simm.s32 $0x15390  }
0x3cd: {  	[hbm4b:s20+s3] =	stream.linear.scatter [tilespmem:s21], [sflag:$0x8], $0x80, $0x38;
	[tilespmem:$0x16C00] =	vst v63  }
0x3ce: {  	s22 =	sadd.s32 $0x30, s5;
	s23 =	simm.s32 $0x15418  }
0x3cf: {  	[hbm4b:s22+s3] =	stream.linear.scatter [tilespmem:s23], [sflag:$0x8], $0x80, $0x38;
	[tilespmem:$0x16C00] =	vst v63  }
0x3d0: {  	s20 =	sadd.s32 $0x40, s5;
	s21 =	simm.s32 $0x154A0  }
0x3d1: {  	[hbm4b:s20+s3] =	stream.linear.scatter [tilespmem:s21], [sflag:$0x8], $0x80, $0x38;
	[tilespmem:$0x16C00] =	vst v63  }
0x3d2: {  	s22 =	sadd.s32 $0x50, s5;
	s23 =	simm.s32 $0x15528  }
0x3d3: {  	[hbm4b:s22+s3] =	stream.linear.scatter [tilespmem:s23], [sflag:$0x8], $0x80, $0x38;
	[tilespmem:$0x16C00] =	vst v63  }
0x3d4: {  	s20 =	sadd.s32 $0x60, s5;
	s21 =	simm.s32 $0x155B0  }
0x3d5: {  	[hbm4b:s20+s3] =	stream.linear.scatter [tilespmem:s21], [sflag:$0x8], $0x80, $0x38;
	[tilespmem:$0x16C00] =	vst v63  }
0x3d6: {  	s5 =	sadd.s32 $0x70, s5;
	s22 =	simm.s32 $0x15638  }
0x3d7: {  	[hbm4b:s5+s3] =	stream.linear.scatter [tilespmem:s22], [sflag:$0x8], $0x80, $0x38;
	[tilespmem:$0x16C00] =	vst v63  }
0x3d8: {  	s23 =	simm.s32 $0x156C0;
	s5 =	sadd.s32 s1, s9  }
0x3d9: {  	[hbm4b:s5+s3] =	stream.linear.scatter [tilespmem:s23], [sflag:$0x8], $0x80, $0x38;
	[tilespmem:$0x16C00] =	vst v63  }
0x3da: {  	s21 =	simm.s32 $0x15748;
	s20 =	sadd.s32 $0x10, s5  }
0x3db: {  	[hbm4b:s20+s3] =	stream.linear.scatter [tilespmem:s21], [sflag:$0x8], $0x80, $0x38;
	[tilespmem:$0x16C00] =	vst v63  }
0x3dc: {  	s22 =	sadd.s32 $0x20, s5;
	s23 =	simm.s32 $0x157D0  }
0x3dd: {  	[hbm4b:s22+s3] =	stream.linear.scatter [tilespmem:s23], [sflag:$0x8], $0x80, $0x38;
	[tilespmem:$0x16C00] =	vst v63  }
0x3de: {  	s20 =	sadd.s32 $0x30, s5;
	s21 =	simm.s32 $0x15858  }
0x3df: {  	[hbm4b:s20+s3] =	stream.linear.scatter [tilespmem:s21], [sflag:$0x8], $0x80, $0x38;
	[tilespmem:$0x16C00] =	vst v63  }
0x3e0: {  	s22 =	sadd.s32 $0x40, s5;
	s23 =	simm.s32 $0x158E0  }
0x3e1: {  	[hbm4b:s22+s3] =	stream.linear.scatter [tilespmem:s23], [sflag:$0x8], $0x80, $0x38;
	[tilespmem:$0x16C00] =	vst v63  }
0x3e2: {  	s20 =	sadd.s32 $0x50, s5;
	s21 =	simm.s32 $0x15968  }
0x3e3: {  	[hbm4b:s20+s3] =	stream.linear.scatter [tilespmem:s21], [sflag:$0x8], $0x80, $0x38;
	[tilespmem:$0x16C00] =	vst v63  }
0x3e4: {  	s22 =	sadd.s32 $0x60, s5;
	s23 =	simm.s32 $0x159F0  }
0x3e5: {  	[hbm4b:s22+s3] =	stream.linear.scatter [tilespmem:s23], [sflag:$0x8], $0x80, $0x38;
	[tilespmem:$0x16C00] =	vst v63  }
0x3e6: {  	s5 =	sadd.s32 $0x70, s5;
	s20 =	simm.s32 $0x15A78  }
0x3e7: {  	[hbm4b:s5+s3] =	stream.linear.scatter [tilespmem:s20], [sflag:$0x8], $0x80, $0x38;
	[tilespmem:$0x16C00] =	vst v63  }
0x3e8: {  	s21 =	simm.s32 $0x15B00;
	s5 =	sadd.s32 s1, s10  }
0x3e9: {  	[hbm4b:s5+s3] =	stream.linear.scatter [tilespmem:s21], [sflag:$0x8], $0x80, $0x38;
	[tilespmem:$0x16C00] =	vst v63  }
0x3ea: {  	s23 =	simm.s32 $0x15B88;
	s22 =	sadd.s32 $0x10, s5  }
0x3eb: {  	[hbm4b:s22+s3] =	stream.linear.scatter [tilespmem:s23], [sflag:$0x8], $0x80, $0x38;
	[tilespmem:$0x16C00] =	vst v63  }
0x3ec: {  	s21 =	sadd.s32 $0x20, s5;
	s22 =	simm.s32 $0x15C10  }
0x3ed: {  	[hbm4b:s21+s3] =	stream.linear.scatter [tilespmem:s22], [sflag:$0x8], $0x80, $0x38;
	[tilespmem:$0x16C00] =	vst v63  }
0x3ee: {  	s23 =	sadd.s32 $0x30, s5  }
0x3ef: {  	[hbm4b:s23+s3] =	stream.linear.scatter [tilespmem:s14], [sflag:$0x8], $0x80, $0x38;
	[tilespmem:$0x16C00] =	vst v63  }
0x3f0: {  	s20 =	sadd.s32 $0x40, s5;
	s21 =	simm.s32 $0x15D20  }
0x3f1: {  	[hbm4b:s20+s3] =	stream.linear.scatter [tilespmem:s21], [sflag:$0x8], $0x80, $0x38;
	[tilespmem:$0x16C00] =	vst v63  }
0x3f2: {  	s22 =	sadd.s32 $0x50, s5;
	s23 =	simm.s32 $0x15DA8  }
0x3f3: {  	[hbm4b:s22+s3] =	stream.linear.scatter [tilespmem:s23], [sflag:$0x8], $0x80, $0x38;
	[tilespmem:$0x16C00] =	vst v63  }
0x3f4: {  	s20 =	sadd.s32 $0x60, s5;
	s21 =	simm.s32 $0x15E30  }
0x3f5: {  	[hbm4b:s20+s3] =	stream.linear.scatter [tilespmem:s21], [sflag:$0x8], $0x80, $0x38;
	[tilespmem:$0x16C00] =	vst v63  }
0x3f6: {  	s5 =	sadd.s32 $0x70, s5;
	s22 =	simm.s32 $0x15EB8  }
0x3f7: {  	[hbm4b:s5+s3] =	stream.linear.scatter [tilespmem:s22], [sflag:$0x8], $0x80, $0x38;
	[tilespmem:$0x16C00] =	vst v63  }
0x3f8: {  	s23 =	simm.s32 $0x15F40;
	s5 =	sadd.s32 s1, s11  }
0x3f9: {  	[hbm4b:s5+s3] =	stream.linear.scatter [tilespmem:s23], [sflag:$0x8], $0x80, $0x38;
	[tilespmem:$0x16C00] =	vst v63  }
0x3fa: {  	s21 =	simm.s32 $0x15FC8;
	s20 =	sadd.s32 $0x10, s5  }
0x3fb: {  	[hbm4b:s20+s3] =	stream.linear.scatter [tilespmem:s21], [sflag:$0x8], $0x80, $0x38;
	[tilespmem:$0x16C00] =	vst v63  }
0x3fc: {  	s22 =	sadd.s32 $0x20, s5;
	s23 =	simm.s32 $0x16050  }
0x3fd: {  	[hbm4b:s22+s3] =	stream.linear.scatter [tilespmem:s23], [sflag:$0x8], $0x80, $0x38;
	[tilespmem:$0x16C00] =	vst v63  }
0x3fe: {  	s20 =	sadd.s32 $0x30, s5;
	s21 =	simm.s32 $0x160D8  }
0x3ff: {  	[hbm4b:s20+s3] =	stream.linear.scatter [tilespmem:s21], [sflag:$0x8], $0x80, $0x38;
	[tilespmem:$0x16C00] =	vst v63  }
0x400: {  	s22 =	sadd.s32 $0x40, s5;
	s23 =	simm.s32 $0x16160  }
0x401: {  	[hbm4b:s22+s3] =	stream.linear.scatter [tilespmem:s23], [sflag:$0x8], $0x80, $0x38;
	[tilespmem:$0x16C00] =	vst v63  }
0x402: {  	s20 =	sadd.s32 $0x50, s5;
	s21 =	simm.s32 $0x161E8  }
0x403: {  	[hbm4b:s20+s3] =	stream.linear.scatter [tilespmem:s21], [sflag:$0x8], $0x80, $0x38;
	[tilespmem:$0x16C00] =	vst v63  }
0x404: {  	s22 =	sadd.s32 $0x60, s5;
	s23 =	simm.s32 $0x16270  }
0x405: {  	[hbm4b:s22+s3] =	stream.linear.scatter [tilespmem:s23], [sflag:$0x8], $0x80, $0x38;
	[tilespmem:$0x16C00] =	vst v63  }
0x406: {  	s5 =	sadd.s32 $0x70, s5;
	s20 =	simm.s32 $0x162F8  }
0x407: {  	[hbm4b:s5+s3] =	stream.linear.scatter [tilespmem:s20], [sflag:$0x8], $0x80, $0x38;
	[tilespmem:$0x16C00] =	vst v63  }
0x408: {  	s21 =	simm.s32 $0x16380;
	s5 =	sadd.s32 s1, s12  }
0x409: {  	[hbm4b:s5+s3] =	stream.linear.scatter [tilespmem:s21], [sflag:$0x8], $0x80, $0x38;
	[tilespmem:$0x16C00] =	vst v63  }
0x40a: {  	s23 =	simm.s32 $0x16408;
	s22 =	sadd.s32 $0x10, s5  }
0x40b: {  	[hbm4b:s22+s3] =	stream.linear.scatter [tilespmem:s23], [sflag:$0x8], $0x80, $0x38;
	[tilespmem:$0x16C00] =	vst v63  }
0x40c: {  	s20 =	sadd.s32 $0x20, s5;
	s21 =	simm.s32 $0x16490  }
0x40d: {  	[hbm4b:s20+s3] =	stream.linear.scatter [tilespmem:s21], [sflag:$0x8], $0x80, $0x38;
	[tilespmem:$0x16C00] =	vst v63  }
0x40e: {  	s22 =	sadd.s32 $0x30, s5;
	s23 =	simm.s32 $0x16518  }
0x40f: {  	[hbm4b:s22+s3] =	stream.linear.scatter [tilespmem:s23], [sflag:$0x8], $0x80, $0x38;
	[tilespmem:$0x16C00] =	vst v63  }
0x410: {  	s20 =	sadd.s32 $0x40, s5;
	s21 =	simm.s32 $0x165A0  }
0x411: {  	[hbm4b:s20+s3] =	stream.linear.scatter [tilespmem:s21], [sflag:$0x8], $0x80, $0x38;
	[tilespmem:$0x16C00] =	vst v63  }
0x412: {  	s22 =	sadd.s32 $0x50, s5;
	s23 =	simm.s32 $0x16628  }
0x413: {  	[hbm4b:s22+s3] =	stream.linear.scatter [tilespmem:s23], [sflag:$0x8], $0x80, $0x38;
	[tilespmem:$0x16C00] =	vst v63  }
0x414: {  	s21 =	sadd.s32 $0x60, s5;
	s22 =	simm.s32 $0x166B0  }
0x415: {  	[hbm4b:s21+s3] =	stream.linear.scatter [tilespmem:s22], [sflag:$0x8], $0x80, $0x38;
	[tilespmem:$0x16C00] =	vst v63  }
0x416: {  	s5 =	sadd.s32 $0x70, s5;
	s23 =	simm.s32 $0x16738  }
0x417: {  	[hbm4b:s5+s3] =	stream.linear.scatter [tilespmem:s23], [sflag:$0x8], $0x80, $0x38;
	[tilespmem:$0x16C00] =	vst v63  }
0x418: {  	s18 =	simm.s32 $0x167C0;
	s1 =	sadd.s32 s1, s13  }
0x419: {  	[hbm4b:s1+s3] =	stream.linear.scatter [tilespmem:s18], [sflag:$0x8], $0x80, $0x38;
	[tilespmem:$0x16C00] =	vst v63  }
0x41a: {  	s20 =	sadd.s32 $0x10, s1;
	s21 =	simm.s32 $0x16848  }
0x41b: {  	[hbm4b:s20+s3] =	stream.linear.scatter [tilespmem:s21], [sflag:$0x8], $0x80, $0x38;
	[tilespmem:$0x16C00] =	vst v63  }
0x41c: {  	s22 =	sadd.s32 $0x20, s1;
	s23 =	simm.s32 $0x168D0  }
0x41d: {  	[hbm4b:s22+s3] =	stream.linear.scatter [tilespmem:s23], [sflag:$0x8], $0x80, $0x38;
	[tilespmem:$0x16C00] =	vst v63  }
0x41e: {  	s20 =	sadd.s32 $0x30, s1;
	s21 =	simm.s32 $0x16958  }
0x41f: {  	[hbm4b:s20+s3] =	stream.linear.scatter [tilespmem:s21], [sflag:$0x8], $0x80, $0x38;
	[tilespmem:$0x16C00] =	vst v63  }
0x420: {  	s28 =	sadd.s32 $0x1, s28;
	s22 =	sadd.s32 $0x40, s1;
	s23 =	simm.s32 $0x169E0  }
0x421: {  	[hbm4b:s22+s3] =	stream.linear.scatter [tilespmem:s23], [sflag:$0x8], $0x80, $0x38;
	[tilespmem:$0x16C00] =	vst v63  }
0x422: {  	p0 =	sne.s32 s28, $0x32;
	s18 =	sadd.s32 $0x50, s1;
	s20 =	simm.s32 $0x16A68  }
0x423: {  	[hbm4b:s18+s3] =	stream.linear.scatter [tilespmem:s20], [sflag:$0x8], $0x80, $0x38;
	[tilespmem:$0x16C00] =	vst v63  }
.Ltmp4:
0x424: {  	_ = 	snop;
	(pc) =	sbr.rel @p0 .LBB2_2-.Ltmp4, $4  }
0x425: {  	s21 =	sadd.s32 $0x60, s1;
	s22 =	simm.s32 $0x16AF0  }
0x426: {  	[hbm4b:s21+s3] =	stream.linear.scatter [tilespmem:s22], [sflag:$0x8], $0x80, $0x38;
	[tilespmem:$0x16C00] =	vst v63  }
0x427: {  	s1 =	sadd.s32 $0x70, s1;
	s23 =	simm.s32 $0x16B78  }
0x428: {  	[hbm4b:s1+s3] =	stream.linear.scatter [tilespmem:s23], [sflag:$0x8], $0x80, $0x38;
	[tilespmem:$0x16C00] =	vst v63  }
0x429: {  	s1 =	simm.s32 $0x5  }
0x42a: {  	_ =	swait.ge [sflag:s1], $0x400  }
0x42b: {  	[sflag:s1] =	ssyncset.done $0x0  }
0x42c: {  	[sflag:s1] =	ssyncadd.s32 $0xFFFFFC00  }
0x42d: {  	_ =	swait.ge [sflag:s1], $0x400  }
0x42e: {  	[sflag:s1] =	ssyncset.done $0x0  }
0x42f: {  	[sflag:s1] =	ssyncadd.s32 $0xFFFFFC00  }
0x430: {  	_ =	swait.ge [sflag:s1], $0x400  }
0x431: {  	[sflag:s1] =	ssyncset.done $0x0  }
0x432: {  	[sflag:s1] =	ssyncadd.s32 $0xFFFFFC00  }
0x433: {  	_ =	swait.ge [sflag:s1], $0x400  }
0x434: {  	[sflag:s1] =	ssyncset.done $0x0  }
0x435: {  	[sflag:s1] =	ssyncadd.s32 $0xFFFFFC00  }
0x436: {  	_ =	swait.ge [sflag:s1], $0x400  }
0x437: {  	[sflag:s1] =	ssyncset.done $0x0  }
0x438: {  	[sflag:s1] =	ssyncadd.s32 $0xFFFFFC00  }
0x439: {  	_ =	swait.ge [sflag:s1], $0x400  }
0x43a: {  	[sflag:s1] =	ssyncset.done $0x0  }
0x43b: {  	[sflag:s1] =	ssyncadd.s32 $0xFFFFFC00  }
0x43c: {  	_ =	swait.ge [sflag:s1], $0x400  }
0x43d: {  	[sflag:s1] =	ssyncset.done $0x0  }
0x43e: {  	[sflag:s1] =	ssyncadd.s32 $0xFFFFFC00  }
0x43f: {  	_ =	swait.ge [sflag:s1], $0x400  }
0x440: {  	[sflag:s1] =	ssyncset.done $0x0  }
0x441: {  	s22 =	simm.s32 $0x6;
	[sflag:s1] =	ssyncadd.s32 $0xFFFFFC00  }
0x442: {  	_ =	swait.ge [sflag:s22], $0x400  }
0x443: {  	[sflag:s22] =	ssyncset.done $0x0  }
0x444: {  	[sflag:s22] =	ssyncadd.s32 $0xFFFFFC00  }
0x445: {  	_ =	swait.ge [sflag:s22], $0x400  }
0x446: {  	[sflag:s22] =	ssyncset.done $0x0  }
0x447: {  	[sflag:s22] =	ssyncadd.s32 $0xFFFFFC00  }
0x448: {  	_ =	swait.ge [sflag:s22], $0x400  }
0x449: {  	[sflag:s22] =	ssyncset.done $0x0  }
0x44a: {  	[sflag:s22] =	ssyncadd.s32 $0xFFFFFC00  }
0x44b: {  	_ =	swait.ge [sflag:s22], $0x400  }
0x44c: {  	[sflag:s22] =	ssyncset.done $0x0  }
0x44d: {  	[sflag:s22] =	ssyncadd.s32 $0xFFFFFC00  }
0x44e: {  	_ =	swait.ge [sflag:s22], $0x400  }
0x44f: {  	[sflag:s22] =	ssyncset.done $0x0  }
0x450: {  	[sflag:s22] =	ssyncadd.s32 $0xFFFFFC00  }
0x451: {  	_ =	swait.ge [sflag:s22], $0x400  }
0x452: {  	[sflag:s22] =	ssyncset.done $0x0  }
0x453: {  	[sflag:s22] =	ssyncadd.s32 $0xFFFFFC00  }
0x454: {  	_ =	swait.ge [sflag:s22], $0x400  }
0x455: {  	[sflag:s22] =	ssyncset.done $0x0  }
0x456: {  	[sflag:s22] =	ssyncadd.s32 $0xFFFFFC00  }
0x457: {  	_ =	swait.ge [sflag:s22], $0x400  }
0x458: {  	[sflag:s22] =	ssyncset.done $0x0  }
0x459: {  	s23 =	simm.s32 $0x7;
	[sflag:s22] =	ssyncadd.s32 $0xFFFFFC00  }
0x45a: {  	_ =	swait.ge [sflag:s23], $0x400  }
0x45b: {  	[sflag:s23] =	ssyncset.done $0x0  }
0x45c: {  	[sflag:s23] =	ssyncadd.s32 $0xFFFFFC00  }
0x45d: {  	_ =	swait.ge [sflag:s23], $0x400  }
0x45e: {  	[sflag:s23] =	ssyncset.done $0x0  }
0x45f: {  	[sflag:s23] =	ssyncadd.s32 $0xFFFFFC00  }
0x460: {  	_ =	swait.ge [sflag:s23], $0x400  }
0x461: {  	[sflag:s23] =	ssyncset.done $0x0  }
0x462: {  	[sflag:s23] =	ssyncadd.s32 $0xFFFFFC00  }
0x463: {  	_ =	swait.ge [sflag:s23], $0x400  }
0x464: {  	[sflag:s23] =	ssyncset.done $0x0  }
0x465: {  	[sflag:s23] =	ssyncadd.s32 $0xFFFFFC00  }
0x466: {  	_ =	swait.ge [sflag:s23], $0x400  }
0x467: {  	[sflag:s23] =	ssyncset.done $0x0  }
0x468: {  	[sflag:s23] =	ssyncadd.s32 $0xFFFFFC00  }
0x469: {  	_ =	swait.ge [sflag:s23], $0x400  }
0x46a: {  	[sflag:s23] =	ssyncset.done $0x0  }
0x46b: {  	[sflag:s23] =	ssyncadd.s32 $0xFFFFFC00  }
0x46c: {  	_ =	swait.ge [sflag:s23], $0x400  }
0x46d: {  	[sflag:s23] =	ssyncset.done $0x0  }
0x46e: {  	[sflag:s23] =	ssyncadd.s32 $0xFFFFFC00  }
0x46f: {  	_ =	swait.ge [sflag:s23], $0x400  }
0x470: {  	[sflag:s23] =	ssyncset.done $0x0  }
0x471: {  	s5 =	simm.s32 $0x8;
	[sflag:s23] =	ssyncadd.s32 $0xFFFFFC00  }
0x472: {  	_ =	swait.ge [sflag:s5], $0x400  }
0x473: {  	[sflag:s5] =	ssyncset.done $0x0  }
0x474: {  	[sflag:s5] =	ssyncadd.s32 $0xFFFFFC00  }
0x475: {  	_ =	swait.ge [sflag:s5], $0x400  }
0x476: {  	[sflag:s5] =	ssyncset.done $0x0  }
0x477: {  	[sflag:s5] =	ssyncadd.s32 $0xFFFFFC00  }
0x478: {  	_ =	swait.ge [sflag:s5], $0x400  }
0x479: {  	[sflag:s5] =	ssyncset.done $0x0  }
0x47a: {  	[sflag:s5] =	ssyncadd.s32 $0xFFFFFC00  }
0x47b: {  	_ =	swait.ge [sflag:s5], $0x400  }
0x47c: {  	[sflag:s5] =	ssyncset.done $0x0  }
0x47d: {  	[sflag:s5] =	ssyncadd.s32 $0xFFFFFC00  }
0x47e: {  	_ =	swait.ge [sflag:s5], $0x400  }
0x47f: {  	[sflag:s5] =	ssyncset.done $0x0  }
0x480: {  	[sflag:s5] =	ssyncadd.s32 $0xFFFFFC00  }
0x481: {  	_ =	swait.ge [sflag:s5], $0x400  }
0x482: {  	[sflag:s5] =	ssyncset.done $0x0  }
0x483: {  	[sflag:s5] =	ssyncadd.s32 $0xFFFFFC00  }
0x484: {  	_ =	swait.ge [sflag:s5], $0x400  }
0x485: {  	[sflag:s5] =	ssyncset.done $0x0  }
0x486: {  	[sflag:s5] =	ssyncadd.s32 $0xFFFFFC00  }
0x487: {  	_ =	swait.ge [sflag:s5], $0x400  }
0x488: {  	s18 =	rddreg [dreg:$0x5]  }
0x489: {  	s28 =	rddreg [dreg:$0x4];
	s18 =	sadd.s32 $0x1, s18  }
0x48a: {  	p0 =	sne.s32 s18, s28  }
.Ltmp5:
0x48b: {  	_ = 	snop;
	(pc) =	sbr.rel @p0 .LBB2_1-.Ltmp5, $3  }
0x48c: {  	_ =	sdelay $0x1  }
0x48d: {  	[sflag:s5] =	ssyncset.done $0x0  }
0x48e: {  	[sflag:s5] =	ssyncadd.s32 $0xFFFFFC00  }
0x48f: {  	_ =	sfence.sel $0x180000  }
0x490: {  	[bflag:$0x0] =	sbarrier.arrive $0xFFFF  }
0x491: {  	_ =	strace $0x90000047  }
0x492: {  	s0 =	stileid.u32;
	[bflag:$0x2] =	sbarrier.arrive $0xFFFF  }
0x493: {  	p0 =	sne.s32 s0, $0x0;
	s0 =	rddreg [dreg:$0x2]  }
0x494: {  	s0 =	sadd.s32 @!p0 $0x100000, s0  }
0x495: {  	[sflag:s0] =	ssyncadd.tile.s32 @!p0 $0x1;
	_ =	shalt  }
.Lfunc_end2:
_tile_overlayer_lowered:
.L_overlay_start_2:
0x496: {  	(tag) =	ssettag $0x2  }
0x497: {  	s0 =	rddreg [dreg:$0x0];
	s2 =	stileid.u32  }
0x498: {  	s1 =	rddreg [dreg:$0x1];
	p0 =	sne.s32 s2, $0x0  }
0x499: {  	s3 =	rddreg [dreg:$0x2];
	[bflag:$0x3] =	sbarrier.arrive $0xFFFF;
	s2 =	simm.s32 @!p0 $0x1C09  }
0x49a: {  	[timem:s3], [sflag:s2] =	dma.local @!p0 [hbm:s0], s1  }
0x49b: {  	s0 =	simm.s32 @!p0 $0x9  }
0x49c: {  	_ =	swait.ge @!p0 [sflag:s0], s1  }
0x49d: {  	s1 =	ssub.s32 @!p0 $0x0, s1;
	[sflag:s0] =	ssyncset.done @!p0 $0x0  }
0x49e: {  	[sflag:s0] =	ssyncadd.s32 @!p0 s1  }
0x49f: {  	[bflag:$0x3] =	sbarrier.arrive $0xFFFF  }
0x4a0: {  	_ =	shalt  }

</sc_bundles>
